<compile_context>
chip_gen: v7x
topology: tpu7x:2x2x1
jax: 0.10.2.dev20260603
libtpu: 0.0.44.dev20260713+nightly
codegen_flags: <defaults>
</compile_context>

<pallas_src>
import jax
import jax.numpy as jnp
from jax import lax
from jax.experimental import pallas as pl
from jax.experimental.pallas import tpu as pltpu
from jax.experimental.pallas import tpu_sc as plsc

N = 10000
E = 320000
D = 128
H = 128
G = 64
T = 10

NC = 2
NS = 16
CW = 128
CH = 79
EP = NC * NS * CH * CW
N_PAD = 10112
RPT = N_PAD // NS
BLK = 1000


def _mesh():
    return plsc.VectorSubcoreMesh(
        core_axis_name="c", subcore_axis_name="s", num_cores=NC,
        num_subcores=NS)


def _fill(ref, value16):
    @pl.loop(0, CW)
    def _(r):
        for kk in range(H // 16):
            ref[r, pl.ds(kk * 16, 16)] = value16


def _zero_acc_slice(rows_v, acc, s):
    for t in range(4):
        pltpu.sync_copy(rows_v,
                        acc.at[pl.ds(s * RPT + t * CW, CW)])
    pltpu.sync_copy(rows_v.at[pl.ds(0, RPT - 4 * CW)],
                    acc.at[pl.ds(s * RPT + 4 * CW, RPT - 4 * CW)])


def _make_sc_agg():
    out_type = [jax.ShapeDtypeStruct((NC, N_PAD, H), jnp.float32)]
    scratch = [
        pltpu.VMEM((CH, CW), jnp.int32),
        pltpu.VMEM((2, CW), jnp.int32),
        pltpu.VMEM((2, CW), jnp.int32),
        pltpu.VMEM((2, CW, H), jnp.float32),
        pltpu.VMEM_SHARED((N_PAD, H), jnp.float32),
        pltpu.SemaphoreType.DMA,
    ]

    def body(z, pk, agg, pk_v, src_v, dst_v, rows_v, acc, sem):
        c = lax.axis_index("c")
        s = lax.axis_index("s")

        pltpu.sync_copy(pk.at[c, s], pk_v)

        def _issue_gather(j, b):
            for kk in range(CW // 16):
                p = pk_v[j, pl.ds(kk * 16, 16)]
                dst_v[b, pl.ds(kk * 16, 16)] = p >> 14
                src_v[b, pl.ds(kk * 16, 16)] = p & 16383
            pltpu.async_copy(z.at[src_v.at[b]], rows_v.at[b], sem)

        _fill(rows_v.at[0], jnp.zeros((16,), jnp.float32))
        _zero_acc_slice(rows_v.at[0], acc, s)
        plsc.subcore_barrier()

        _issue_gather(0, 0)

        @pl.loop(0, CH)
        def _(j):
            b = lax.rem(j, 2)
            pltpu.make_async_copy(z.at[src_v.at[b]], rows_v.at[b],
                                  sem).wait()

            @pl.when(j < CH - 1)
            def _():
                _issue_gather(j + 1, 1 - b)

            pltpu.sync_copy(rows_v.at[b], acc.at[dst_v.at[b]], add=True)

        plsc.subcore_barrier()
        pltpu.sync_copy(acc.at[pl.ds(s * RPT, RPT)],
                        agg.at[c, pl.ds(s * RPT, RPT)])

    return pl.kernel(body, out_type=out_type, mesh=_mesh(),
                     scratch_types=scratch)


def _make_sc_agg0():
    out_type = [jax.ShapeDtypeStruct((NC, N_PAD, H), jnp.float32),
                jax.ShapeDtypeStruct((NC, N_PAD, H), jnp.float32)]
    scratch = [
        pltpu.VMEM((CH, CW), jnp.int32),
        pltpu.VMEM((2, CW), jnp.int32),
        pltpu.VMEM((2, CW), jnp.int32),
        pltpu.VMEM((2, CW, H), jnp.float32),
        pltpu.VMEM_SHARED((N_PAD, H), jnp.float32),
        pltpu.SemaphoreType.DMA,
    ]

    def body(z, pk, agg, cnt, pk_v, src_v, dst_v, rows_v, acc, sem):
        c = lax.axis_index("c")
        s = lax.axis_index("s")
        zeros16 = jnp.zeros((16,), jnp.float32)
        ones16 = jnp.ones((16,), jnp.float32)

        pltpu.sync_copy(pk.at[c, s], pk_v)

        def _issue_gather(j, b):
            for kk in range(CW // 16):
                p = pk_v[j, pl.ds(kk * 16, 16)]
                dst_v[b, pl.ds(kk * 16, 16)] = p >> 14
                src_v[b, pl.ds(kk * 16, 16)] = p & 16383
            pltpu.async_copy(z.at[src_v.at[b]], rows_v.at[b], sem)

        _fill(rows_v.at[0], zeros16)
        _zero_acc_slice(rows_v.at[0], acc, s)
        plsc.subcore_barrier()

        _issue_gather(0, 0)

        @pl.loop(0, CH)
        def _(j):
            b = lax.rem(j, 2)
            pltpu.make_async_copy(z.at[src_v.at[b]], rows_v.at[b],
                                  sem).wait()

            @pl.when(j < CH - 1)
            def _():
                _issue_gather(j + 1, 1 - b)

            pltpu.sync_copy(rows_v.at[b], acc.at[dst_v.at[b]], add=True)

        plsc.subcore_barrier()
        pltpu.sync_copy(acc.at[pl.ds(s * RPT, RPT)],
                        agg.at[c, pl.ds(s * RPT, RPT)])
        plsc.subcore_barrier()

        _fill(rows_v.at[0], zeros16)
        _zero_acc_slice(rows_v.at[0], acc, s)
        plsc.subcore_barrier()
        _fill(rows_v.at[0], ones16)

        @pl.loop(0, CH)
        def _(j):
            for kk in range(CW // 16):
                dst_v[0, pl.ds(kk * 16, 16)] = (
                    pk_v[j, pl.ds(kk * 16, 16)] >> 14)
            pltpu.sync_copy(rows_v.at[0], acc.at[dst_v.at[0]], add=True)

        plsc.subcore_barrier()
        pltpu.sync_copy(acc.at[pl.ds(s * RPT, RPT)],
                        cnt.at[c, pl.ds(s * RPT, RPT)])

    return pl.kernel(body, out_type=out_type, mesh=_mesh(),
                     scratch_types=scratch)


_sc_agg0 = _make_sc_agg0()
_sc_agg = _make_sc_agg()


def _zkern(h, WlT):
    def body(h_ref, w_ref, o_ref):
        o_ref[...] = jnp.dot(h_ref[...], w_ref[...],
                             preferred_element_type=jnp.float32)

    return pl.pallas_call(
        body,
        grid=(N // BLK,),
        in_specs=[
            pl.BlockSpec((BLK, H), lambda i: (i, 0)),
            pl.BlockSpec((H, H), lambda i: (0, 0)),
        ],
        out_specs=pl.BlockSpec((BLK, H), lambda i: (i, 0)),
        out_shape=jax.ShapeDtypeStruct((N, H), jnp.float32),
    )(h, WlT)


def _prep_inv(cntp):
    def body(c0_ref, c1_ref, o_ref):
        cnt = c0_ref[0, :, :1] + c1_ref[0, :, :1]
        o_ref[...] = 1.0 / jnp.maximum(cnt, 1.0)

    return pl.pallas_call(
        body,
        grid=(N_PAD // 128,),
        in_specs=[
            pl.BlockSpec((1, 128, H), lambda i: (0, i, 0)),
            pl.BlockSpec((1, 128, H), lambda i: (1, i, 0)),
        ],
        out_specs=pl.BlockSpec((128, 1), lambda i: (i, 0)),
        out_shape=jax.ShapeDtypeStruct((N_PAD, 1), jnp.float32),
    )(cntp, cntp)


def _comb(agg, inv, h, WrT, bl):
    def body(a0_ref, a1_ref, inv_ref, h_ref, wr_ref, b_ref, o_ref):
        asum = a0_ref[0] + a1_ref[0]
        o_ref[...] = (inv_ref[...] * asum + b_ref[...]
                      + jnp.dot(h_ref[...], wr_ref[...],
                                preferred_element_type=jnp.float32))

    return pl.pallas_call(
        body,
        grid=(N // BLK,),
        in_specs=[
            pl.BlockSpec((1, BLK, H), lambda i: (0, i, 0)),
            pl.BlockSpec((1, BLK, H), lambda i: (1, i, 0)),
            pl.BlockSpec((BLK, 1), lambda i: (i, 0)),
            pl.BlockSpec((BLK, H), lambda i: (i, 0)),
            pl.BlockSpec((H, H), lambda i: (0, 0)),
            pl.BlockSpec((1, H), lambda i: (0, 0)),
        ],
        out_specs=pl.BlockSpec((BLK, H), lambda i: (i, 0)),
        out_shape=jax.ShapeDtypeStruct((N, H), jnp.float32),
    )(agg, agg, inv, h, WrT, bl.reshape(1, -1))


def _pool(batchr, h1, h2, h3):
    def body(b_ref, h1_ref, h2_ref, h3_ref, ps_ref, gc_ref):
        i = pl.program_id(0)

        @pl.when(i == 0)
        def _():
            ps_ref[...] = jnp.zeros_like(ps_ref)
            gc_ref[...] = jnp.zeros_like(gc_ref)

        b = b_ref[0]
        S = (lax.broadcasted_iota(jnp.int32, (G, BLK), 0) == b
             ).astype(jnp.float32)
        cat = jnp.concatenate([h1_ref[...], h2_ref[...], h3_ref[...]],
                              axis=1)
        ps_ref[...] += jnp.dot(S, cat, preferred_element_type=jnp.float32)
        gc_ref[...] += jnp.sum(S, axis=1, keepdims=True)

    return pl.pallas_call(
        body,
        grid=(N // BLK,),
        in_specs=[
            pl.BlockSpec((1, 1, BLK), lambda i: (i, 0, 0)),
            pl.BlockSpec((BLK, H), lambda i: (i, 0)),
            pl.BlockSpec((BLK, H), lambda i: (i, 0)),
            pl.BlockSpec((BLK, H), lambda i: (i, 0)),
        ],
        out_specs=[
            pl.BlockSpec((G, 3 * H), lambda i: (0, 0)),
            pl.BlockSpec((G, 1), lambda i: (0, 0)),
        ],
        out_shape=[
            jax.ShapeDtypeStruct((G, 3 * H), jnp.float32),
            jax.ShapeDtypeStruct((G, 1), jnp.float32),
        ],
    )(batchr, h1, h2, h3)


def _mlp(ps, gc, W1T, b1, W2T, b2):
    def body(ps_ref, gc_ref, w1_ref, b1_ref, w2_ref, b2_ref, o_ref):
        pooled = ps_ref[...] / jnp.maximum(gc_ref[...], 1.0)
        hh = jax.nn.relu(jnp.dot(pooled, w1_ref[...],
                                 preferred_element_type=jnp.float32)
                         + b1_ref[...])
        o_ref[...] = jax.nn.sigmoid(
            jnp.dot(hh, w2_ref[...], preferred_element_type=jnp.float32)
            + b2_ref[...])

    return pl.pallas_call(
        body,
        out_shape=jax.ShapeDtypeStruct((G, T), jnp.float32),
    )(ps, gc, W1T, b1.reshape(1, -1), W2T, b2.reshape(1, -1))


def kernel(x, edge_index, batch, Wl0, bl0, Wr0, Wl1, bl1, Wr1, Wl2, bl2, Wr2,
           Wfc1, bfc1, Wfc2, bfc2):
    src = edge_index[0]
    dst = edge_index[1]
    pad = EP - E
    srcp = jnp.concatenate([src, jnp.zeros((pad,), jnp.int32)])
    dstp = jnp.concatenate(
        [dst, N + jnp.arange(pad, dtype=jnp.int32) % (N_PAD - N)])
    pk = (dstp * 16384 + srcp).reshape(NC, NS, CH, CW)
    batchr = batch.reshape(N // BLK, 1, BLK)

    z = _zkern(x, Wl0.T)
    agg, cntp = _sc_agg0(z, pk)
    inv = _prep_inv(cntp)
    h1 = _comb(agg, inv, x, Wr0.T, bl0)

    z = _zkern(h1, Wl1.T)
    (agg,) = _sc_agg(z, pk)
    h2 = _comb(agg, inv, h1, Wr1.T, bl1)

    z = _zkern(h2, Wl2.T)
    (agg,) = _sc_agg(z, pk)
    h3 = _comb(agg, inv, h2, Wr2.T, bl2)

    ps, gc = _pool(batchr, h1, h2, h3)
    return _mlp(ps, gc, Wfc1.T, bfc1, Wfc2.T, bfc2)

# --- scband reference (transcript-rebuilt; emitter-appended) ---
"""Pipeline reference for scband-graph-sage-438086664229 (READ-ONLY COPY).

The authoritative reference and input builder live on the scoring server;
editing this copy changes nothing except your own understanding.
"""

import jax, jax.numpy as jnp
import numpy as np

N = 10000
E = 320000
D = 128
H = 128
G = 64
T = 10


def setup_inputs(seed: int = 0) -> dict:
    key = jax.random.key(seed)
    ks = jax.random.split(key, 20)
    inp = {}
    inp["x"] = jax.random.normal(ks[0], (N, D), dtype=jnp.float32)
    inp["edge_index"] = jax.random.randint(ks[1], (2, E), 0, N, dtype=jnp.int32)
    inp["batch"] = jnp.sort(jax.random.randint(ks[2], (N,), 0, G, dtype=jnp.int32))
    s = 0.05
    # SAGEConv layer 0: in=D, out=H; layers 1,2: in=H, out=H
    inp["Wl0"] = jax.random.normal(ks[3], (H, D), dtype=jnp.float32) * s
    inp["bl0"] = jnp.zeros((H,), dtype=jnp.float32)
    inp["Wr0"] = jax.random.normal(ks[4], (H, D), dtype=jnp.float32) * s
    inp["Wl1"] = jax.random.normal(ks[5], (H, H), dtype=jnp.float32) * s
    inp["bl1"] = jnp.zeros((H,), dtype=jnp.float32)
    inp["Wr1"] = jax.random.normal(ks[6], (H, H), dtype=jnp.float32) * s
    inp["Wl2"] = jax.random.normal(ks[7], (H, H), dtype=jnp.float32) * s
    inp["bl2"] = jnp.zeros((H,), dtype=jnp.float32)
    inp["Wr2"] = jax.random.normal(ks[8], (H, H), dtype=jnp.float32) * s
    # fc1: (3*H -> H), fc2: (H -> T)
    inp["Wfc1"] = jax.random.normal(ks[9], (H, 3 * H), dtype=jnp.float32) * s
    inp["bfc1"] = jnp.zeros((H,), dtype=jnp.float32)
    inp["Wfc2"] = jax.random.normal(ks[10], (T, H), dtype=jnp.float32) * s
    inp["bfc2"] = jnp.zeros((T,), dtype=jnp.float32)
    return inp


def _sage_conv(x, src, dst, Wl, bl, Wr):
    # PyG SAGEConv with mean aggregation: lin_l(mean_j x_j) + lin_r(x)
    msg = jnp.take(x, src, axis=0)
    agg = jax.ops.segment_sum(msg, dst, num_segments=N)
    cnt = jax.ops.segment_sum(jnp.ones((src.shape[0],), dtype=x.dtype), dst, num_segments=N)
    agg = agg / jnp.maximum(cnt, 1.0)[:, None]
    return agg @ Wl.T + bl + x @ Wr.T


def reference(x, edge_index, batch, Wl0, bl0, Wr0, Wl1, bl1, Wr1, Wl2, bl2, Wr2, Wfc1, bfc1, Wfc2, bfc2):
    src = edge_index[0]
    dst = edge_index[1]
    outs = []
    h = _sage_conv(x, src, dst, Wl0, bl0, Wr0)
    outs.append(h)
    h = _sage_conv(h, src, dst, Wl1, bl1, Wr1)
    outs.append(h)
    h = _sage_conv(h, src, dst, Wl2, bl2, Wr2)
    outs.append(h)
    cat = jnp.concatenate(outs, axis=1)
    pooled_sum = jax.ops.segment_sum(cat, batch, num_segments=G)
    gcnt = jax.ops.segment_sum(jnp.ones((N,), dtype=cat.dtype), batch, num_segments=G)
    pooled = pooled_sum / jnp.maximum(gcnt, 1.0)[:, None]
    h1 = jax.nn.relu(pooled @ Wfc1.T + bfc1)
    out = jax.nn.sigmoid(h1 @ Wfc2.T + bfc2)
    return out

if __name__ == "__main__":
    import jax
    _d = setup_inputs()
    print(jax.jit(kernel)(*tuple(_d.values())))

</pallas_src>

<mosaic_0001>
#map = affine_map<(d0, d1) -> (0, 0)>
#map1 = affine_map<(d0, d1) -> (0, 0, 0, 0)>
#map2 = affine_map<(d0, d1) -> (0, 0, 0)>
module attributes {stable_mosaic.version = 14 : i64} {
  func.func @body(%arg0: i32, %arg1: i32, %arg2: memref<10000x128xf32, #tpu.memory_space<hbm>>, %arg3: memref<2x16x79x128xi32, #tpu.memory_space<hbm>>, %arg4: memref<2x10112x128xf32, #tpu.memory_space<hbm>>, %arg5: memref<2x10112x128xf32, #tpu.memory_space<hbm>>, %arg6: memref<79x128xi32, #tpu.memory_space<vmem>>, %arg7: memref<2x128xi32, #tpu.memory_space<vmem>>, %arg8: memref<2x128xi32, #tpu.memory_space<vmem>>, %arg9: memref<2x128x128xf32, #tpu.memory_space<vmem>>, %arg10: memref<10112x128xf32, #tpu.memory_space<vmem_shared>>, %arg11: memref<!tpu.dma_semaphore, #tpu.memory_space<semaphore_mem>>) attributes {dimension_semantics = [#tpu.dimension_semantics<core_parallel>, #tpu.dimension_semantics<subcore_parallel>], iteration_bounds = array<i64: 2, 16>, scalar_prefetch = 0 : i64, scratch_operands = 6 : i64, tpu.core_type = #tpu.core_type<sc_vector_subcore>, window_params = [{transform_indices = #map}, {transform_indices = #map1}, {transform_indices = #map2}, {transform_indices = #map2}]} {
    %broadcast_in_dim3A = arith.constant 0.000000e+00 : f32
    %broadcast_in_dim3A_0 = vector.broadcast %broadcast_in_dim3A : f32 to vector<16xf32>
    %broadcast_in_dim3A_1 = arith.constant 1.000000e+00 : f32
    %broadcast_in_dim3A_2 = vector.broadcast %broadcast_in_dim3A_1 : f32 to vector<16xf32>
    "tpu.region"() ({
      %run_scoped3A_280 = tpu.sem_alloc : memref<!tpu.dma_semaphore, #tpu.memory_space<semaphore_mem>>
      %dma_start3A_281 = arith.constant 0 : i32
      %dma_start3A_282 = arith.constant 0 : i32
      %dma_start3A_283 = tpu.memref_slice %arg3[%arg0, %arg1, %dma_start3A_281, %dma_start3A_282] : memref<2x16x79x128xi32, #tpu.memory_space<hbm>> -> memref<1x1x79x128xi32, #tpu.memory_space<hbm>>
      %dma_start3A_284 = tpu.memref_squeeze %dma_start3A_283 : memref<1x1x79x128xi32, #tpu.memory_space<hbm>> -> memref<79x128xi32, #tpu.memory_space<hbm>>
      %dma_start3A_285 = arith.constant 0 : i32
      %dma_start3A_286 = arith.constant 0 : i32
      %dma_start3A_287 = tpu.memref_slice %arg3[%arg0, %arg1, %dma_start3A_285, %dma_start3A_286] : memref<2x16x79x128xi32, #tpu.memory_space<hbm>> -> memref<1x1x79x128xi32, #tpu.memory_space<hbm>>
      %dma_start3A_288 = tpu.memref_squeeze %dma_start3A_287 : memref<1x1x79x128xi32, #tpu.memory_space<hbm>> -> memref<79x128xi32, #tpu.memory_space<hbm>>
      tpu.enqueue_dma source(%dma_start3A_288 : memref<79x128xi32, #tpu.memory_space<hbm>>) target(%arg6 : memref<79x128xi32, #tpu.memory_space<vmem>>) target_semaphore(%run_scoped3A_280 : memref<!tpu.dma_semaphore, #tpu.memory_space<semaphore_mem>>)
      %dma_wait3A = arith.constant 0 : i32
      %dma_wait3A_289 = arith.constant 0 : i32
      %dma_wait3A_290 = tpu.memref_slice %arg3[%arg0, %arg1, %dma_wait3A, %dma_wait3A_289] : memref<2x16x79x128xi32, #tpu.memory_space<hbm>> -> memref<1x1x79x128xi32, #tpu.memory_space<hbm>>
      %dma_wait3A_291 = tpu.memref_squeeze %dma_wait3A_290 : memref<1x1x79x128xi32, #tpu.memory_space<hbm>> -> memref<79x128xi32, #tpu.memory_space<hbm>>
      %dma_wait3A_292 = arith.constant 0 : i32
      %dma_wait3A_293 = arith.constant 0 : i32
      %dma_wait3A_294 = tpu.memref_slice %arg3[%arg0, %arg1, %dma_wait3A_292, %dma_wait3A_293] : memref<2x16x79x128xi32, #tpu.memory_space<hbm>> -> memref<1x1x79x128xi32, #tpu.memory_space<hbm>>
      %dma_wait3A_295 = tpu.memref_squeeze %dma_wait3A_294 : memref<1x1x79x128xi32, #tpu.memory_space<hbm>> -> memref<79x128xi32, #tpu.memory_space<hbm>>
      tpu.wait_dma2 semaphore(%run_scoped3A_280 : memref<!tpu.dma_semaphore, #tpu.memory_space<semaphore_mem>>) src(%dma_wait3A_295 : memref<79x128xi32, #tpu.memory_space<hbm>>) dst(%arg6 : memref<79x128xi32, #tpu.memory_space<vmem>>)
      tpu.yield
    }) : () -> ()
    %scan3A = arith.constant 0 : i32
    %scan3A_3 = arith.constant 0 : i32
    %scan3A_4 = arith.constant 128 : i32
    %scan3A_5 = arith.addi %scan3A_3, %scan3A_4 : i32
    %scan3A_6 = arith.constant 1 : i32
    scf.for %scan3A_280 = %scan3A_3 to %scan3A_5 step %scan3A_6  : i32 {
      %mul3A_281 = arith.constant 1 : i32
      %mul3A_282 = arith.muli %scan3A_280, %mul3A_281 : i32
      %add3A_283 = arith.constant 0 : i32
      %add3A_284 = arith.addi %add3A_283, %mul3A_282 : i32
      %swap3A_285 = arith.constant 0 : i32
      %swap3A_286 = arith.constant 0 : i32
      %swap3A_287 = tpu.memref_slice %arg9[%scan3A, %swap3A_285, %swap3A_286] : memref<2x128x128xf32, #tpu.memory_space<vmem>> -> memref<1x128x128xf32, #tpu.memory_space<vmem>>
      %swap3A_288 = tpu.memref_squeeze %swap3A_287 : memref<1x128x128xf32, #tpu.memory_space<vmem>> -> memref<128x128xf32, #tpu.memory_space<vmem>>
      %swap3A_289 = arith.index_cast %add3A_284 : i32 to index
      %swap3A_290 = arith.constant 0 : index
      %swap3A_291 = tpu.vector_load %swap3A_288[%swap3A_289, %swap3A_290] {strides = array<i32>} : memref<128x128xf32, #tpu.memory_space<vmem>>, vector<1x16xf32>,
      %swap3A_292 = vector.shape_cast %swap3A_291 : vector<1x16xf32> to vector<16xf32>
      %swap3A_293 = vector.shape_cast %broadcast_in_dim3A_0 : vector<16xf32> to vector<1x16xf32>
      tpu.vector_store %swap3A_288[%swap3A_289, %swap3A_290], %swap3A_293 {strides = array<i32>} : memref<128x128xf32, #tpu.memory_space<vmem>>, vector<1x16xf32>,
      %swap3A_294 = arith.constant 0 : i32
      %swap3A_295 = arith.constant 0 : i32
      %swap3A_296 = tpu.memref_slice %arg9[%scan3A, %swap3A_294, %swap3A_295] : memref<2x128x128xf32, #tpu.memory_space<vmem>> -> memref<1x128x128xf32, #tpu.memory_space<vmem>>
      %swap3A_297 = tpu.memref_squeeze %swap3A_296 : memref<1x128x128xf32, #tpu.memory_space<vmem>> -> memref<128x128xf32, #tpu.memory_space<vmem>>
      %swap3A_298 = arith.index_cast %add3A_284 : i32 to index
      %swap3A_299 = arith.constant 16 : index
      %swap3A_300 = tpu.vector_load %swap3A_297[%swap3A_298, %swap3A_299] {strides = array<i32>} : memref<128x128xf32, #tpu.memory_space<vmem>>, vector<1x16xf32>,
      %swap3A_301 = vector.shape_cast %swap3A_300 : vector<1x16xf32> to vector<16xf32>
      %swap3A_302 = vector.shape_cast %broadcast_in_dim3A_0 : vector<16xf32> to vector<1x16xf32>
      tpu.vector_store %swap3A_297[%swap3A_298, %swap3A_299], %swap3A_302 {strides = array<i32>} : memref<128x128xf32, #tpu.memory_space<vmem>>, vector<1x16xf32>,
      %swap3A_303 = arith.constant 0 : i32
      %swap3A_304 = arith.constant 0 : i32
      %swap3A_305 = tpu.memref_slice %arg9[%scan3A, %swap3A_303, %swap3A_304] : memref<2x128x128xf32, #tpu.memory_space<vmem>> -> memref<1x128x128xf32, #tpu.memory_space<vmem>>
      %swap3A_306 = tpu.memref_squeeze %swap3A_305 : memref<1x128x128xf32, #tpu.memory_space<vmem>> -> memref<128x128xf32, #tpu.memory_space<vmem>>
      %swap3A_307 = arith.index_cast %add3A_284 : i32 to index
      %swap3A_308 = arith.constant 32 : index
      %swap3A_309 = tpu.vector_load %swap3A_306[%swap3A_307, %swap3A_308] {strides = array<i32>} : memref<128x128xf32, #tpu.memory_space<vmem>>, vector<1x16xf32>,
      %swap3A_310 = vector.shape_cast %swap3A_309 : vector<1x16xf32> to vector<16xf32>
      %swap3A_311 = vector.shape_cast %broadcast_in_dim3A_0 : vector<16xf32> to vector<1x16xf32>
      tpu.vector_store %swap3A_306[%swap3A_307, %swap3A_308], %swap3A_311 {strides = array<i32>} : memref<128x128xf32, #tpu.memory_space<vmem>>, vector<1x16xf32>,
      %swap3A_312 = arith.constant 0 : i32
      %swap3A_313 = arith.constant 0 : i32
      %swap3A_314 = tpu.memref_slice %arg9[%scan3A, %swap3A_312, %swap3A_313] : memref<2x128x128xf32, #tpu.memory_space<vmem>> -> memref<1x128x128xf32, #tpu.memory_space<vmem>>
      %swap3A_315 = tpu.memref_squeeze %swap3A_314 : memref<1x128x128xf32, #tpu.memory_space<vmem>> -> memref<128x128xf32, #tpu.memory_space<vmem>>
      %swap3A_316 = arith.index_cast %add3A_284 : i32 to index
      %swap3A_317 = arith.constant 48 : index
      %swap3A_318 = tpu.vector_load %swap3A_315[%swap3A_316, %swap3A_317] {strides = array<i32>} : memref<128x128xf32, #tpu.memory_space<vmem>>, vector<1x16xf32>,
      %swap3A_319 = vector.shape_cast %swap3A_318 : vector<1x16xf32> to vector<16xf32>
      %swap3A_320 = vector.shape_cast %broadcast_in_dim3A_0 : vector<16xf32> to vector<1x16xf32>
      tpu.vector_store %swap3A_315[%swap3A_316, %swap3A_317], %swap3A_320 {strides = array<i32>} : memref<128x128xf32, #tpu.memory_space<vmem>>, vector<1x16xf32>,
      %swap3A_321 = arith.constant 0 : i32
      %swap3A_322 = arith.constant 0 : i32
      %swap3A_323 = tpu.memref_slice %arg9[%scan3A, %swap3A_321, %swap3A_322] : memref<2x128x128xf32, #tpu.memory_space<vmem>> -> memref<1x128x128xf32, #tpu.memory_space<vmem>>
      %swap3A_324 = tpu.memref_squeeze %swap3A_323 : memref<1x128x128xf32, #tpu.memory_space<vmem>> -> memref<128x128xf32, #tpu.memory_space<vmem>>
      %swap3A_325 = arith.index_cast %add3A_284 : i32 to index
      %swap3A_326 = arith.constant 64 : index
      %swap3A_327 = tpu.vector_load %swap3A_324[%swap3A_325, %swap3A_326] {strides = array<i32>} : memref<128x128xf32, #tpu.memory_space<vmem>>, vector<1x16xf32>,
      %swap3A_328 = vector.shape_cast %swap3A_327 : vector<1x16xf32> to vector<16xf32>
      %swap3A_329 = vector.shape_cast %broadcast_in_dim3A_0 : vector<16xf32> to vector<1x16xf32>
      tpu.vector_store %swap3A_324[%swap3A_325, %swap3A_326], %swap3A_329 {strides = array<i32>} : memref<128x128xf32, #tpu.memory_space<vmem>>, vector<1x16xf32>,
      %swap3A_330 = arith.constant 0 : i32
      %swap3A_331 = arith.constant 0 : i32
      %swap3A_332 = tpu.memref_slice %arg9[%scan3A, %swap3A_330, %swap3A_331] : memref<2x128x128xf32, #tpu.memory_space<vmem>> -> memref<1x128x128xf32, #tpu.memory_space<vmem>>
      %swap3A_333 = tpu.memref_squeeze %swap3A_332 : memref<1x128x128xf32, #tpu.memory_space<vmem>> -> memref<128x128xf32, #tpu.memory_space<vmem>>
      %swap3A_334 = arith.index_cast %add3A_284 : i32 to index
      %swap3A_335 = arith.constant 80 : index
      %swap3A_336 = tpu.vector_load %swap3A_333[%swap3A_334, %swap3A_335] {strides = array<i32>} : memref<128x128xf32, #tpu.memory_space<vmem>>, vector<1x16xf32>,
      %swap3A_337 = vector.shape_cast %swap3A_336 : vector<1x16xf32> to vector<16xf32>
      %swap3A_338 = vector.shape_cast %broadcast_in_dim3A_0 : vector<16xf32> to vector<1x16xf32>
      tpu.vector_store %swap3A_333[%swap3A_334, %swap3A_335], %swap3A_338 {strides = array<i32>} : memref<128x128xf32, #tpu.memory_space<vmem>>, vector<1x16xf32>,
      %swap3A_339 = arith.constant 0 : i32
      %swap3A_340 = arith.constant 0 : i32
      %swap3A_341 = tpu.memref_slice %arg9[%scan3A, %swap3A_339, %swap3A_340] : memref<2x128x128xf32, #tpu.memory_space<vmem>> -> memref<1x128x128xf32, #tpu.memory_space<vmem>>
      %swap3A_342 = tpu.memref_squeeze %swap3A_341 : memref<1x128x128xf32, #tpu.memory_space<vmem>> -> memref<128x128xf32, #tpu.memory_space<vmem>>
      %swap3A_343 = arith.index_cast %add3A_284 : i32 to index
      %swap3A_344 = arith.constant 96 : index
      %swap3A_345 = tpu.vector_load %swap3A_342[%swap3A_343, %swap3A_344] {strides = array<i32>} : memref<128x128xf32, #tpu.memory_space<vmem>>, vector<1x16xf32>,
      %swap3A_346 = vector.shape_cast %swap3A_345 : vector<1x16xf32> to vector<16xf32>
      %swap3A_347 = vector.shape_cast %broadcast_in_dim3A_0 : vector<16xf32> to vector<1x16xf32>
      tpu.vector_store %swap3A_342[%swap3A_343, %swap3A_344], %swap3A_347 {strides = array<i32>} : memref<128x128xf32, #tpu.memory_space<vmem>>, vector<1x16xf32>,
      %swap3A_348 = arith.constant 0 : i32
      %swap3A_349 = arith.constant 0 : i32
      %swap3A_350 = tpu.memref_slice %arg9[%scan3A, %swap3A_348, %swap3A_349] : memref<2x128x128xf32, #tpu.memory_space<vmem>> -> memref<1x128x128xf32, #tpu.memory_space<vmem>>
      %swap3A_351 = tpu.memref_squeeze %swap3A_350 : memref<1x128x128xf32, #tpu.memory_space<vmem>> -> memref<128x128xf32, #tpu.memory_space<vmem>>
      %swap3A_352 = arith.index_cast %add3A_284 : i32 to index
      %swap3A_353 = arith.constant 112 : index
      %swap3A_354 = tpu.vector_load %swap3A_351[%swap3A_352, %swap3A_353] {strides = array<i32>} : memref<128x128xf32, #tpu.memory_space<vmem>>, vector<1x16xf32>,
      %swap3A_355 = vector.shape_cast %swap3A_354 : vector<1x16xf32> to vector<16xf32>
      %swap3A_356 = vector.shape_cast %broadcast_in_dim3A_0 : vector<16xf32> to vector<1x16xf32>
      tpu.vector_store %swap3A_351[%swap3A_352, %swap3A_353], %swap3A_356 {strides = array<i32>} : memref<128x128xf32, #tpu.memory_space<vmem>>, vector<1x16xf32>,
    }
    %scan3A_7 = arith.constant 128 : i32
    %mul3A = arith.constant 632 : i32
    %mul3A_8 = arith.muli %arg1, %mul3A : i32
    %add3A = arith.constant 0 : i32
    %add3A_9 = arith.addi %mul3A_8, %add3A : i32
    %run_scoped3A = arith.constant 0 : i32
    "tpu.region"() ({
      %run_scoped3A_280 = tpu.sem_alloc : memref<!tpu.dma_semaphore, #tpu.memory_space<semaphore_mem>>
      %dma_start3A_281 = arith.constant 0 : i32
      %dma_start3A_282 = arith.constant 0 : i32
      %dma_start3A_283 = tpu.memref_slice %arg9[%run_scoped3A, %dma_start3A_281, %dma_start3A_282] : memref<2x128x128xf32, #tpu.memory_space<vmem>> -> memref<1x128x128xf32, #tpu.memory_space<vmem>>
      %dma_start3A_284 = tpu.memref_squeeze %dma_start3A_283 : memref<1x128x128xf32, #tpu.memory_space<vmem>> -> memref<128x128xf32, #tpu.memory_space<vmem>>
      %dma_start3A_285 = arith.constant 0 : i32
      %dma_start3A_286 = tpu.memref_slice %arg10[%add3A_9, %dma_start3A_285] : memref<10112x128xf32, #tpu.memory_space<vmem_shared>> -> memref<128x128xf32, #tpu.memory_space<vmem_shared>>
      %dma_start3A_287 = arith.constant 0 : i32
      %dma_start3A_288 = tpu.memref_slice %arg10[%add3A_9, %dma_start3A_287] : memref<10112x128xf32, #tpu.memory_space<vmem_shared>> -> memref<128x128xf32, #tpu.memory_space<vmem_shared>>
      %dma_start3A_289 = arith.constant 0 : i32
      %dma_start3A_290 = arith.constant 0 : i32
      %dma_start3A_291 = tpu.memref_slice %arg9[%run_scoped3A, %dma_start3A_289, %dma_start3A_290] : memref<2x128x128xf32, #tpu.memory_space<vmem>> -> memref<1x128x128xf32, #tpu.memory_space<vmem>>
      %dma_start3A_292 = tpu.memref_squeeze %dma_start3A_291 : memref<1x128x128xf32, #tpu.memory_space<vmem>> -> memref<128x128xf32, #tpu.memory_space<vmem>>
      tpu.enqueue_dma source(%dma_start3A_292 : memref<128x128xf32, #tpu.memory_space<vmem>>) target(%dma_start3A_288 : memref<128x128xf32, #tpu.memory_space<vmem_shared>>) target_semaphore(%run_scoped3A_280 : memref<!tpu.dma_semaphore, #tpu.memory_space<semaphore_mem>>)
      %dma_wait3A = arith.constant 0 : i32
      %dma_wait3A_293 = arith.constant 0 : i32
      %dma_wait3A_294 = tpu.memref_slice %arg9[%run_scoped3A, %dma_wait3A, %dma_wait3A_293] : memref<2x128x128xf32, #tpu.memory_space<vmem>> -> memref<1x128x128xf32, #tpu.memory_space<vmem>>
      %dma_wait3A_295 = tpu.memref_squeeze %dma_wait3A_294 : memref<1x128x128xf32, #tpu.memory_space<vmem>> -> memref<128x128xf32, #tpu.memory_space<vmem>>
      %dma_wait3A_296 = arith.constant 0 : i32
      %dma_wait3A_297 = tpu.memref_slice %arg10[%add3A_9, %dma_wait3A_296] : memref<10112x128xf32, #tpu.memory_space<vmem_shared>> -> memref<128x128xf32, #tpu.memory_space<vmem_shared>>
      %dma_wait3A_298 = arith.constant 0 : i32
      %dma_wait3A_299 = tpu.memref_slice %arg10[%add3A_9, %dma_wait3A_298] : memref<10112x128xf32, #tpu.memory_space<vmem_shared>> -> memref<128x128xf32, #tpu.memory_space<vmem_shared>>
      %dma_wait3A_300 = arith.constant 0 : i32
      %dma_wait3A_301 = arith.constant 0 : i32
      %dma_wait3A_302 = tpu.memref_slice %arg9[%run_scoped3A, %dma_wait3A_300, %dma_wait3A_301] : memref<2x128x128xf32, #tpu.memory_space<vmem>> -> memref<1x128x128xf32, #tpu.memory_space<vmem>>
      %dma_wait3A_303 = tpu.memref_squeeze %dma_wait3A_302 : memref<1x128x128xf32, #tpu.memory_space<vmem>> -> memref<128x128xf32, #tpu.memory_space<vmem>>
      tpu.wait_dma2 semaphore(%run_scoped3A_280 : memref<!tpu.dma_semaphore, #tpu.memory_space<semaphore_mem>>) src(%dma_wait3A_303 : memref<128x128xf32, #tpu.memory_space<vmem>>) dst(%dma_wait3A_299 : memref<128x128xf32, #tpu.memory_space<vmem_shared>>)
      tpu.yield
    }) : () -> ()
    %mul3A_10 = arith.constant 632 : i32
    %mul3A_11 = arith.muli %arg1, %mul3A_10 : i32
    %add3A_12 = arith.constant 128 : i32
    %add3A_13 = arith.addi %mul3A_11, %add3A_12 : i32
    %run_scoped3A_14 = arith.constant 0 : i32
    "tpu.region"() ({
      %run_scoped3A_280 = tpu.sem_alloc : memref<!tpu.dma_semaphore, #tpu.memory_space<semaphore_mem>>
      %dma_start3A_281 = arith.constant 0 : i32
      %dma_start3A_282 = arith.constant 0 : i32
      %dma_start3A_283 = tpu.memref_slice %arg9[%run_scoped3A_14, %dma_start3A_281, %dma_start3A_282] : memref<2x128x128xf32, #tpu.memory_space<vmem>> -> memref<1x128x128xf32, #tpu.memory_space<vmem>>
      %dma_start3A_284 = tpu.memref_squeeze %dma_start3A_283 : memref<1x128x128xf32, #tpu.memory_space<vmem>> -> memref<128x128xf32, #tpu.memory_space<vmem>>
      %dma_start3A_285 = arith.constant 0 : i32
      %dma_start3A_286 = tpu.memref_slice %arg10[%add3A_13, %dma_start3A_285] : memref<10112x128xf32, #tpu.memory_space<vmem_shared>> -> memref<128x128xf32, #tpu.memory_space<vmem_shared>>
      %dma_start3A_287 = arith.constant 0 : i32
      %dma_start3A_288 = tpu.memref_slice %arg10[%add3A_13, %dma_start3A_287] : memref<10112x128xf32, #tpu.memory_space<vmem_shared>> -> memref<128x128xf32, #tpu.memory_space<vmem_shared>>
      %dma_start3A_289 = arith.constant 0 : i32
      %dma_start3A_290 = arith.constant 0 : i32
      %dma_start3A_291 = tpu.memref_slice %arg9[%run_scoped3A_14, %dma_start3A_289, %dma_start3A_290] : memref<2x128x128xf32, #tpu.memory_space<vmem>> -> memref<1x128x128xf32, #tpu.memory_space<vmem>>
      %dma_start3A_292 = tpu.memref_squeeze %dma_start3A_291 : memref<1x128x128xf32, #tpu.memory_space<vmem>> -> memref<128x128xf32, #tpu.memory_space<vmem>>
      tpu.enqueue_dma source(%dma_start3A_292 : memref<128x128xf32, #tpu.memory_space<vmem>>) target(%dma_start3A_288 : memref<128x128xf32, #tpu.memory_space<vmem_shared>>) target_semaphore(%run_scoped3A_280 : memref<!tpu.dma_semaphore, #tpu.memory_space<semaphore_mem>>)
      %dma_wait3A = arith.constant 0 : i32
      %dma_wait3A_293 = arith.constant 0 : i32
      %dma_wait3A_294 = tpu.memref_slice %arg9[%run_scoped3A_14, %dma_wait3A, %dma_wait3A_293] : memref<2x128x128xf32, #tpu.memory_space<vmem>> -> memref<1x128x128xf32, #tpu.memory_space<vmem>>
      %dma_wait3A_295 = tpu.memref_squeeze %dma_wait3A_294 : memref<1x128x128xf32, #tpu.memory_space<vmem>> -> memref<128x128xf32, #tpu.memory_space<vmem>>
      %dma_wait3A_296 = arith.constant 0 : i32
      %dma_wait3A_297 = tpu.memref_slice %arg10[%add3A_13, %dma_wait3A_296] : memref<10112x128xf32, #tpu.memory_space<vmem_shared>> -> memref<128x128xf32, #tpu.memory_space<vmem_shared>>
      %dma_wait3A_298 = arith.constant 0 : i32
      %dma_wait3A_299 = tpu.memref_slice %arg10[%add3A_13, %dma_wait3A_298] : memref<10112x128xf32, #tpu.memory_space<vmem_shared>> -> memref<128x128xf32, #tpu.memory_space<vmem_shared>>
      %dma_wait3A_300 = arith.constant 0 : i32
      %dma_wait3A_301 = arith.constant 0 : i32
      %dma_wait3A_302 = tpu.memref_slice %arg9[%run_scoped3A_14, %dma_wait3A_300, %dma_wait3A_301] : memref<2x128x128xf32, #tpu.memory_space<vmem>> -> memref<1x128x128xf32, #tpu.memory_space<vmem>>
      %dma_wait3A_303 = tpu.memref_squeeze %dma_wait3A_302 : memref<1x128x128xf32, #tpu.memory_space<vmem>> -> memref<128x128xf32, #tpu.memory_space<vmem>>
      tpu.wait_dma2 semaphore(%run_scoped3A_280 : memref<!tpu.dma_semaphore, #tpu.memory_space<semaphore_mem>>) src(%dma_wait3A_303 : memref<128x128xf32, #tpu.memory_space<vmem>>) dst(%dma_wait3A_299 : memref<128x128xf32, #tpu.memory_space<vmem_shared>>)
      tpu.yield
    }) : () -> ()
    %mul3A_15 = arith.constant 632 : i32
    %mul3A_16 = arith.muli %arg1, %mul3A_15 : i32
    %add3A_17 = arith.constant 256 : i32
    %add3A_18 = arith.addi %mul3A_16, %add3A_17 : i32
    %run_scoped3A_19 = arith.constant 0 : i32
    "tpu.region"() ({
      %run_scoped3A_280 = tpu.sem_alloc : memref<!tpu.dma_semaphore, #tpu.memory_space<semaphore_mem>>
      %dma_start3A_281 = arith.constant 0 : i32
      %dma_start3A_282 = arith.constant 0 : i32
      %dma_start3A_283 = tpu.memref_slice %arg9[%run_scoped3A_19, %dma_start3A_281, %dma_start3A_282] : memref<2x128x128xf32, #tpu.memory_space<vmem>> -> memref<1x128x128xf32, #tpu.memory_space<vmem>>
      %dma_start3A_284 = tpu.memref_squeeze %dma_start3A_283 : memref<1x128x128xf32, #tpu.memory_space<vmem>> -> memref<128x128xf32, #tpu.memory_space<vmem>>
      %dma_start3A_285 = arith.constant 0 : i32
      %dma_start3A_286 = tpu.memref_slice %arg10[%add3A_18, %dma_start3A_285] : memref<10112x128xf32, #tpu.memory_space<vmem_shared>> -> memref<128x128xf32, #tpu.memory_space<vmem_shared>>
      %dma_start3A_287 = arith.constant 0 : i32
      %dma_start3A_288 = tpu.memref_slice %arg10[%add3A_18, %dma_start3A_287] : memref<10112x128xf32, #tpu.memory_space<vmem_shared>> -> memref<128x128xf32, #tpu.memory_space<vmem_shared>>
      %dma_start3A_289 = arith.constant 0 : i32
      %dma_start3A_290 = arith.constant 0 : i32
      %dma_start3A_291 = tpu.memref_slice %arg9[%run_scoped3A_19, %dma_start3A_289, %dma_start3A_290] : memref<2x128x128xf32, #tpu.memory_space<vmem>> -> memref<1x128x128xf32, #tpu.memory_space<vmem>>
      %dma_start3A_292 = tpu.memref_squeeze %dma_start3A_291 : memref<1x128x128xf32, #tpu.memory_space<vmem>> -> memref<128x128xf32, #tpu.memory_space<vmem>>
      tpu.enqueue_dma source(%dma_start3A_292 : memref<128x128xf32, #tpu.memory_space<vmem>>) target(%dma_start3A_288 : memref<128x128xf32, #tpu.memory_space<vmem_shared>>) target_semaphore(%run_scoped3A_280 : memref<!tpu.dma_semaphore, #tpu.memory_space<semaphore_mem>>)
      %dma_wait3A = arith.constant 0 : i32
      %dma_wait3A_293 = arith.constant 0 : i32
      %dma_wait3A_294 = tpu.memref_slice %arg9[%run_scoped3A_19, %dma_wait3A, %dma_wait3A_293] : memref<2x128x128xf32, #tpu.memory_space<vmem>> -> memref<1x128x128xf32, #tpu.memory_space<vmem>>
      %dma_wait3A_295 = tpu.memref_squeeze %dma_wait3A_294 : memref<1x128x128xf32, #tpu.memory_space<vmem>> -> memref<128x128xf32, #tpu.memory_space<vmem>>
      %dma_wait3A_296 = arith.constant 0 : i32
      %dma_wait3A_297 = tpu.memref_slice %arg10[%add3A_18, %dma_wait3A_296] : memref<10112x128xf32, #tpu.memory_space<vmem_shared>> -> memref<128x128xf32, #tpu.memory_space<vmem_shared>>
      %dma_wait3A_298 = arith.constant 0 : i32
      %dma_wait3A_299 = tpu.memref_slice %arg10[%add3A_18, %dma_wait3A_298] : memref<10112x128xf32, #tpu.memory_space<vmem_shared>> -> memref<128x128xf32, #tpu.memory_space<vmem_shared>>
      %dma_wait3A_300 = arith.constant 0 : i32
      %dma_wait3A_301 = arith.constant 0 : i32
      %dma_wait3A_302 = tpu.memref_slice %arg9[%run_scoped3A_19, %dma_wait3A_300, %dma_wait3A_301] : memref<2x128x128xf32, #tpu.memory_space<vmem>> -> memref<1x128x128xf32, #tpu.memory_space<vmem>>
      %dma_wait3A_303 = tpu.memref_squeeze %dma_wait3A_302 : memref<1x128x128xf32, #tpu.memory_space<vmem>> -> memref<128x128xf32, #tpu.memory_space<vmem>>
      tpu.wait_dma2 semaphore(%run_scoped3A_280 : memref<!tpu.dma_semaphore, #tpu.memory_space<semaphore_mem>>) src(%dma_wait3A_303 : memref<128x128xf32, #tpu.memory_space<vmem>>) dst(%dma_wait3A_299 : memref<128x128xf32, #tpu.memory_space<vmem_shared>>)
      tpu.yield
    }) : () -> ()
    %mul3A_20 = arith.constant 632 : i32
    %mul3A_21 = arith.muli %arg1, %mul3A_20 : i32
    %add3A_22 = arith.constant 384 : i32
    %add3A_23 = arith.addi %mul3A_21, %add3A_22 : i32
    %run_scoped3A_24 = arith.constant 0 : i32
    "tpu.region"() ({
      %run_scoped3A_280 = tpu.sem_alloc : memref<!tpu.dma_semaphore, #tpu.memory_space<semaphore_mem>>
      %dma_start3A_281 = arith.constant 0 : i32
      %dma_start3A_282 = arith.constant 0 : i32
      %dma_start3A_283 = tpu.memref_slice %arg9[%run_scoped3A_24, %dma_start3A_281, %dma_start3A_282] : memref<2x128x128xf32, #tpu.memory_space<vmem>> -> memref<1x128x128xf32, #tpu.memory_space<vmem>>
      %dma_start3A_284 = tpu.memref_squeeze %dma_start3A_283 : memref<1x128x128xf32, #tpu.memory_space<vmem>> -> memref<128x128xf32, #tpu.memory_space<vmem>>
      %dma_start3A_285 = arith.constant 0 : i32
      %dma_start3A_286 = tpu.memref_slice %arg10[%add3A_23, %dma_start3A_285] : memref<10112x128xf32, #tpu.memory_space<vmem_shared>> -> memref<128x128xf32, #tpu.memory_space<vmem_shared>>
      %dma_start3A_287 = arith.constant 0 : i32
      %dma_start3A_288 = tpu.memref_slice %arg10[%add3A_23, %dma_start3A_287] : memref<10112x128xf32, #tpu.memory_space<vmem_shared>> -> memref<128x128xf32, #tpu.memory_space<vmem_shared>>
      %dma_start3A_289 = arith.constant 0 : i32
      %dma_start3A_290 = arith.constant 0 : i32
      %dma_start3A_291 = tpu.memref_slice %arg9[%run_scoped3A_24, %dma_start3A_289, %dma_start3A_290] : memref<2x128x128xf32, #tpu.memory_space<vmem>> -> memref<1x128x128xf32, #tpu.memory_space<vmem>>
      %dma_start3A_292 = tpu.memref_squeeze %dma_start3A_291 : memref<1x128x128xf32, #tpu.memory_space<vmem>> -> memref<128x128xf32, #tpu.memory_space<vmem>>
      tpu.enqueue_dma source(%dma_start3A_292 : memref<128x128xf32, #tpu.memory_space<vmem>>) target(%dma_start3A_288 : memref<128x128xf32, #tpu.memory_space<vmem_shared>>) target_semaphore(%run_scoped3A_280 : memref<!tpu.dma_semaphore, #tpu.memory_space<semaphore_mem>>)
      %dma_wait3A = arith.constant 0 : i32
      %dma_wait3A_293 = arith.constant 0 : i32
      %dma_wait3A_294 = tpu.memref_slice %arg9[%run_scoped3A_24, %dma_wait3A, %dma_wait3A_293] : memref<2x128x128xf32, #tpu.memory_space<vmem>> -> memref<1x128x128xf32, #tpu.memory_space<vmem>>
      %dma_wait3A_295 = tpu.memref_squeeze %dma_wait3A_294 : memref<1x128x128xf32, #tpu.memory_space<vmem>> -> memref<128x128xf32, #tpu.memory_space<vmem>>
      %dma_wait3A_296 = arith.constant 0 : i32
      %dma_wait3A_297 = tpu.memref_slice %arg10[%add3A_23, %dma_wait3A_296] : memref<10112x128xf32, #tpu.memory_space<vmem_shared>> -> memref<128x128xf32, #tpu.memory_space<vmem_shared>>
      %dma_wait3A_298 = arith.constant 0 : i32
      %dma_wait3A_299 = tpu.memref_slice %arg10[%add3A_23, %dma_wait3A_298] : memref<10112x128xf32, #tpu.memory_space<vmem_shared>> -> memref<128x128xf32, #tpu.memory_space<vmem_shared>>
      %dma_wait3A_300 = arith.constant 0 : i32
      %dma_wait3A_301 = arith.constant 0 : i32
      %dma_wait3A_302 = tpu.memref_slice %arg9[%run_scoped3A_24, %dma_wait3A_300, %dma_wait3A_301] : memref<2x128x128xf32, #tpu.memory_space<vmem>> -> memref<1x128x128xf32, #tpu.memory_space<vmem>>
      %dma_wait3A_303 = tpu.memref_squeeze %dma_wait3A_302 : memref<1x128x128xf32, #tpu.memory_space<vmem>> -> memref<128x128xf32, #tpu.memory_space<vmem>>
      tpu.wait_dma2 semaphore(%run_scoped3A_280 : memref<!tpu.dma_semaphore, #tpu.memory_space<semaphore_mem>>) src(%dma_wait3A_303 : memref<128x128xf32, #tpu.memory_space<vmem>>) dst(%dma_wait3A_299 : memref<128x128xf32, #tpu.memory_space<vmem_shared>>)
      tpu.yield
    }) : () -> ()
    %mul3A_25 = arith.constant 632 : i32
    %mul3A_26 = arith.muli %arg1, %mul3A_25 : i32
    %add3A_27 = arith.constant 512 : i32
    %add3A_28 = arith.addi %mul3A_26, %add3A_27 : i32
    %run_scoped3A_29 = arith.constant 0 : i32
    "tpu.region"() ({
      %run_scoped3A_280 = tpu.sem_alloc : memref<!tpu.dma_semaphore, #tpu.memory_space<semaphore_mem>>
      %dma_start3A_281 = arith.constant 0 : i32
      %dma_start3A_282 = arith.constant 0 : i32
      %dma_start3A_283 = tpu.memref_slice %arg9[%run_scoped3A_29, %dma_start3A_281, %dma_start3A_282] : memref<2x128x128xf32, #tpu.memory_space<vmem>> -> memref<1x128x128xf32, #tpu.memory_space<vmem>>
      %dma_start3A_284 = tpu.memref_squeeze %dma_start3A_283 : memref<1x128x128xf32, #tpu.memory_space<vmem>> -> memref<128x128xf32, #tpu.memory_space<vmem>>
      %dma_start3A_285 = arith.constant 0 : i32
      %dma_start3A_286 = arith.constant 0 : i32
      %dma_start3A_287 = tpu.memref_slice %dma_start3A_284[%dma_start3A_285, %dma_start3A_286] : memref<128x128xf32, #tpu.memory_space<vmem>> -> memref<120x128xf32, #tpu.memory_space<vmem>>
      %dma_start3A_288 = arith.constant 0 : i32
      %dma_start3A_289 = tpu.memref_slice %arg10[%add3A_28, %dma_start3A_288] : memref<10112x128xf32, #tpu.memory_space<vmem_shared>> -> memref<120x128xf32, #tpu.memory_space<vmem_shared>>
      %dma_start3A_290 = arith.constant 0 : i32
      %dma_start3A_291 = tpu.memref_slice %arg10[%add3A_28, %dma_start3A_290] : memref<10112x128xf32, #tpu.memory_space<vmem_shared>> -> memref<120x128xf32, #tpu.memory_space<vmem_shared>>
      %dma_start3A_292 = arith.constant 0 : i32
      %dma_start3A_293 = arith.constant 0 : i32
      %dma_start3A_294 = tpu.memref_slice %arg9[%run_scoped3A_29, %dma_start3A_292, %dma_start3A_293] : memref<2x128x128xf32, #tpu.memory_space<vmem>> -> memref<1x128x128xf32, #tpu.memory_space<vmem>>
      %dma_start3A_295 = tpu.memref_squeeze %dma_start3A_294 : memref<1x128x128xf32, #tpu.memory_space<vmem>> -> memref<128x128xf32, #tpu.memory_space<vmem>>
      %dma_start3A_296 = arith.constant 0 : i32
      %dma_start3A_297 = arith.constant 0 : i32
      %dma_start3A_298 = tpu.memref_slice %dma_start3A_295[%dma_start3A_296, %dma_start3A_297] : memref<128x128xf32, #tpu.memory_space<vmem>> -> memref<120x128xf32, #tpu.memory_space<vmem>>
      tpu.enqueue_dma source(%dma_start3A_298 : memref<120x128xf32, #tpu.memory_space<vmem>>) target(%dma_start3A_291 : memref<120x128xf32, #tpu.memory_space<vmem_shared>>) target_semaphore(%run_scoped3A_280 : memref<!tpu.dma_semaphore, #tpu.memory_space<semaphore_mem>>)
      %dma_wait3A = arith.constant 0 : i32
      %dma_wait3A_299 = arith.constant 0 : i32
      %dma_wait3A_300 = tpu.memref_slice %arg9[%run_scoped3A_29, %dma_wait3A, %dma_wait3A_299] : memref<2x128x128xf32, #tpu.memory_space<vmem>> -> memref<1x128x128xf32, #tpu.memory_space<vmem>>
      %dma_wait3A_301 = tpu.memref_squeeze %dma_wait3A_300 : memref<1x128x128xf32, #tpu.memory_space<vmem>> -> memref<128x128xf32, #tpu.memory_space<vmem>>
      %dma_wait3A_302 = arith.constant 0 : i32
      %dma_wait3A_303 = arith.constant 0 : i32
      %dma_wait3A_304 = tpu.memref_slice %dma_wait3A_301[%dma_wait3A_302, %dma_wait3A_303] : memref<128x128xf32, #tpu.memory_space<vmem>> -> memref<120x128xf32, #tpu.memory_space<vmem>>
      %dma_wait3A_305 = arith.constant 0 : i32
      %dma_wait3A_306 = tpu.memref_slice %arg10[%add3A_28, %dma_wait3A_305] : memref<10112x128xf32, #tpu.memory_space<vmem_shared>> -> memref<120x128xf32, #tpu.memory_space<vmem_shared>>
      %dma_wait3A_307 = arith.constant 0 : i32
      %dma_wait3A_308 = tpu.memref_slice %arg10[%add3A_28, %dma_wait3A_307] : memref<10112x128xf32, #tpu.memory_space<vmem_shared>> -> memref<120x128xf32, #tpu.memory_space<vmem_shared>>
      %dma_wait3A_309 = arith.constant 0 : i32
      %dma_wait3A_310 = arith.constant 0 : i32
      %dma_wait3A_311 = tpu.memref_slice %arg9[%run_scoped3A_29, %dma_wait3A_309, %dma_wait3A_310] : memref<2x128x128xf32, #tpu.memory_space<vmem>> -> memref<1x128x128xf32, #tpu.memory_space<vmem>>
      %dma_wait3A_312 = tpu.memref_squeeze %dma_wait3A_311 : memref<1x128x128xf32, #tpu.memory_space<vmem>> -> memref<128x128xf32, #tpu.memory_space<vmem>>
      %dma_wait3A_313 = arith.constant 0 : i32
      %dma_wait3A_314 = arith.constant 0 : i32
      %dma_wait3A_315 = tpu.memref_slice %dma_wait3A_312[%dma_wait3A_313, %dma_wait3A_314] : memref<128x128xf32, #tpu.memory_space<vmem>> -> memref<120x128xf32, #tpu.memory_space<vmem>>
      tpu.wait_dma2 semaphore(%run_scoped3A_280 : memref<!tpu.dma_semaphore, #tpu.memory_space<semaphore_mem>>) src(%dma_wait3A_315 : memref<120x128xf32, #tpu.memory_space<vmem>>) dst(%dma_wait3A_308 : memref<120x128xf32, #tpu.memory_space<vmem_shared>>)
      tpu.yield
    }) : () -> ()
    %barrier3A = arith.constant 0 : index
    tpu.barrier barrier_id(%barrier3A)
    %get3A = arith.constant 0 : i32
    %get3A_30 = arith.index_cast %get3A : i32 to index
    %get3A_31 = arith.constant 0 : index
    %get3A_32 = tpu.vector_load %arg6[%get3A_30, %get3A_31] {strides = array<i32>} : memref<79x128xi32, #tpu.memory_space<vmem>>, vector<1x16xi32>,
    %get3A_33 = vector.shape_cast %get3A_32 : vector<1x16xi32> to vector<16xi32>
    %shift_right_arithmetic3A = arith.constant 14 : i32
    %shift_right_arithmetic3A_34 = vector.broadcast %shift_right_arithmetic3A : i32 to vector<16xi32>
    %shift_right_arithmetic3A_35 = arith.shrsi %get3A_33, %shift_right_arithmetic3A_34 : vector<16xi32>
    %swap3A = arith.constant 0 : i32
    %swap3A_36 = arith.index_cast %swap3A : i32 to index
    %swap3A_37 = arith.constant 0 : index
    %swap3A_38 = tpu.vector_load %arg8[%swap3A_36, %swap3A_37] {strides = array<i32>} : memref<2x128xi32, #tpu.memory_space<vmem>>, vector<1x16xi32>,
    %swap3A_39 = vector.shape_cast %swap3A_38 : vector<1x16xi32> to vector<16xi32>
    %swap3A_40 = vector.shape_cast %shift_right_arithmetic3A_35 : vector<16xi32> to vector<1x16xi32>
    tpu.vector_store %arg8[%swap3A_36, %swap3A_37], %swap3A_40 {strides = array<i32>} : memref<2x128xi32, #tpu.memory_space<vmem>>, vector<1x16xi32>,
    %and3A = arith.constant 16383 : i32
    %and3A_41 = vector.broadcast %and3A : i32 to vector<16xi32>
    %and3A_42 = arith.andi %get3A_33, %and3A_41 : vector<16xi32>
    %swap3A_43 = arith.constant 0 : i32
    %swap3A_44 = arith.index_cast %swap3A_43 : i32 to index
    %swap3A_45 = arith.constant 0 : index
    %swap3A_46 = tpu.vector_load %arg7[%swap3A_44, %swap3A_45] {strides = array<i32>} : memref<2x128xi32, #tpu.memory_space<vmem>>, vector<1x16xi32>,
    %swap3A_47 = vector.shape_cast %swap3A_46 : vector<1x16xi32> to vector<16xi32>
    %swap3A_48 = vector.shape_cast %and3A_42 : vector<16xi32> to vector<1x16xi32>
    tpu.vector_store %arg7[%swap3A_44, %swap3A_45], %swap3A_48 {strides = array<i32>} : memref<2x128xi32, #tpu.memory_space<vmem>>, vector<1x16xi32>,
    %get3A_49 = arith.constant 0 : i32
    %get3A_50 = arith.index_cast %get3A_49 : i32 to index
    %get3A_51 = arith.constant 16 : index
    %get3A_52 = tpu.vector_load %arg6[%get3A_50, %get3A_51] {strides = array<i32>} : memref<79x128xi32, #tpu.memory_space<vmem>>, vector<1x16xi32>,
    %get3A_53 = vector.shape_cast %get3A_52 : vector<1x16xi32> to vector<16xi32>
    %shift_right_arithmetic3A_54 = arith.constant 14 : i32
    %shift_right_arithmetic3A_55 = vector.broadcast %shift_right_arithmetic3A_54 : i32 to vector<16xi32>
    %shift_right_arithmetic3A_56 = arith.shrsi %get3A_53, %shift_right_arithmetic3A_55 : vector<16xi32>
    %swap3A_57 = arith.constant 0 : i32
    %swap3A_58 = arith.index_cast %swap3A_57 : i32 to index
    %swap3A_59 = arith.constant 16 : index
    %swap3A_60 = tpu.vector_load %arg8[%swap3A_58, %swap3A_59] {strides = array<i32>} : memref<2x128xi32, #tpu.memory_space<vmem>>, vector<1x16xi32>,
    %swap3A_61 = vector.shape_cast %swap3A_60 : vector<1x16xi32> to vector<16xi32>
    %swap3A_62 = vector.shape_cast %shift_right_arithmetic3A_56 : vector<16xi32> to vector<1x16xi32>
    tpu.vector_store %arg8[%swap3A_58, %swap3A_59], %swap3A_62 {strides = array<i32>} : memref<2x128xi32, #tpu.memory_space<vmem>>, vector<1x16xi32>,
    %and3A_63 = arith.constant 16383 : i32
    %and3A_64 = vector.broadcast %and3A_63 : i32 to vector<16xi32>
    %and3A_65 = arith.andi %get3A_53, %and3A_64 : vector<16xi32>
    %swap3A_66 = arith.constant 0 : i32
    %swap3A_67 = arith.index_cast %swap3A_66 : i32 to index
    %swap3A_68 = arith.constant 16 : index
    %swap3A_69 = tpu.vector_load %arg7[%swap3A_67, %swap3A_68] {strides = array<i32>} : memref<2x128xi32, #tpu.memory_space<vmem>>, vector<1x16xi32>,
    %swap3A_70 = vector.shape_cast %swap3A_69 : vector<1x16xi32> to vector<16xi32>
    %swap3A_71 = vector.shape_cast %and3A_65 : vector<16xi32> to vector<1x16xi32>
    tpu.vector_store %arg7[%swap3A_67, %swap3A_68], %swap3A_71 {strides = array<i32>} : memref<2x128xi32, #tpu.memory_space<vmem>>, vector<1x16xi32>,
    %get3A_72 = arith.constant 0 : i32
    %get3A_73 = arith.index_cast %get3A_72 : i32 to index
    %get3A_74 = arith.constant 32 : index
    %get3A_75 = tpu.vector_load %arg6[%get3A_73, %get3A_74] {strides = array<i32>} : memref<79x128xi32, #tpu.memory_space<vmem>>, vector<1x16xi32>,
    %get3A_76 = vector.shape_cast %get3A_75 : vector<1x16xi32> to vector<16xi32>
    %shift_right_arithmetic3A_77 = arith.constant 14 : i32
    %shift_right_arithmetic3A_78 = vector.broadcast %shift_right_arithmetic3A_77 : i32 to vector<16xi32>
    %shift_right_arithmetic3A_79 = arith.shrsi %get3A_76, %shift_right_arithmetic3A_78 : vector<16xi32>
    %swap3A_80 = arith.constant 0 : i32
    %swap3A_81 = arith.index_cast %swap3A_80 : i32 to index
    %swap3A_82 = arith.constant 32 : index
    %swap3A_83 = tpu.vector_load %arg8[%swap3A_81, %swap3A_82] {strides = array<i32>} : memref<2x128xi32, #tpu.memory_space<vmem>>, vector<1x16xi32>,
    %swap3A_84 = vector.shape_cast %swap3A_83 : vector<1x16xi32> to vector<16xi32>
    %swap3A_85 = vector.shape_cast %shift_right_arithmetic3A_79 : vector<16xi32> to vector<1x16xi32>
    tpu.vector_store %arg8[%swap3A_81, %swap3A_82], %swap3A_85 {strides = array<i32>} : memref<2x128xi32, #tpu.memory_space<vmem>>, vector<1x16xi32>,
    %and3A_86 = arith.constant 16383 : i32
    %and3A_87 = vector.broadcast %and3A_86 : i32 to vector<16xi32>
    %and3A_88 = arith.andi %get3A_76, %and3A_87 : vector<16xi32>
    %swap3A_89 = arith.constant 0 : i32
    %swap3A_90 = arith.index_cast %swap3A_89 : i32 to index
    %swap3A_91 = arith.constant 32 : index
    %swap3A_92 = tpu.vector_load %arg7[%swap3A_90, %swap3A_91] {strides = array<i32>} : memref<2x128xi32, #tpu.memory_space<vmem>>, vector<1x16xi32>,
    %swap3A_93 = vector.shape_cast %swap3A_92 : vector<1x16xi32> to vector<16xi32>
    %swap3A_94 = vector.shape_cast %and3A_88 : vector<16xi32> to vector<1x16xi32>
    tpu.vector_store %arg7[%swap3A_90, %swap3A_91], %swap3A_94 {strides = array<i32>} : memref<2x128xi32, #tpu.memory_space<vmem>>, vector<1x16xi32>,
    %get3A_95 = arith.constant 0 : i32
    %get3A_96 = arith.index_cast %get3A_95 : i32 to index
    %get3A_97 = arith.constant 48 : index
    %get3A_98 = tpu.vector_load %arg6[%get3A_96, %get3A_97] {strides = array<i32>} : memref<79x128xi32, #tpu.memory_space<vmem>>, vector<1x16xi32>,
    %get3A_99 = vector.shape_cast %get3A_98 : vector<1x16xi32> to vector<16xi32>
    %shift_right_arithmetic3A_100 = arith.constant 14 : i32
    %shift_right_arithmetic3A_101 = vector.broadcast %shift_right_arithmetic3A_100 : i32 to vector<16xi32>
    %shift_right_arithmetic3A_102 = arith.shrsi %get3A_99, %shift_right_arithmetic3A_101 : vector<16xi32>
    %swap3A_103 = arith.constant 0 : i32
    %swap3A_104 = arith.index_cast %swap3A_103 : i32 to index
    %swap3A_105 = arith.constant 48 : index
    %swap3A_106 = tpu.vector_load %arg8[%swap3A_104, %swap3A_105] {strides = array<i32>} : memref<2x128xi32, #tpu.memory_space<vmem>>, vector<1x16xi32>,
    %swap3A_107 = vector.shape_cast %swap3A_106 : vector<1x16xi32> to vector<16xi32>
    %swap3A_108 = vector.shape_cast %shift_right_arithmetic3A_102 : vector<16xi32> to vector<1x16xi32>
    tpu.vector_store %arg8[%swap3A_104, %swap3A_105], %swap3A_108 {strides = array<i32>} : memref<2x128xi32, #tpu.memory_space<vmem>>, vector<1x16xi32>,
    %and3A_109 = arith.constant 16383 : i32
    %and3A_110 = vector.broadcast %and3A_109 : i32 to vector<16xi32>
    %and3A_111 = arith.andi %get3A_99, %and3A_110 : vector<16xi32>
    %swap3A_112 = arith.constant 0 : i32
    %swap3A_113 = arith.index_cast %swap3A_112 : i32 to index
    %swap3A_114 = arith.constant 48 : index
    %swap3A_115 = tpu.vector_load %arg7[%swap3A_113, %swap3A_114] {strides = array<i32>} : memref<2x128xi32, #tpu.memory_space<vmem>>, vector<1x16xi32>,
    %swap3A_116 = vector.shape_cast %swap3A_115 : vector<1x16xi32> to vector<16xi32>
    %swap3A_117 = vector.shape_cast %and3A_111 : vector<16xi32> to vector<1x16xi32>
    tpu.vector_store %arg7[%swap3A_113, %swap3A_114], %swap3A_117 {strides = array<i32>} : memref<2x128xi32, #tpu.memory_space<vmem>>, vector<1x16xi32>,
    %get3A_118 = arith.constant 0 : i32
    %get3A_119 = arith.index_cast %get3A_118 : i32 to index
    %get3A_120 = arith.constant 64 : index
    %get3A_121 = tpu.vector_load %arg6[%get3A_119, %get3A_120] {strides = array<i32>} : memref<79x128xi32, #tpu.memory_space<vmem>>, vector<1x16xi32>,
    %get3A_122 = vector.shape_cast %get3A_121 : vector<1x16xi32> to vector<16xi32>
    %shift_right_arithmetic3A_123 = arith.constant 14 : i32
    %shift_right_arithmetic3A_124 = vector.broadcast %shift_right_arithmetic3A_123 : i32 to vector<16xi32>
    %shift_right_arithmetic3A_125 = arith.shrsi %get3A_122, %shift_right_arithmetic3A_124 : vector<16xi32>
    %swap3A_126 = arith.constant 0 : i32
    %swap3A_127 = arith.index_cast %swap3A_126 : i32 to index
    %swap3A_128 = arith.constant 64 : index
    %swap3A_129 = tpu.vector_load %arg8[%swap3A_127, %swap3A_128] {strides = array<i32>} : memref<2x128xi32, #tpu.memory_space<vmem>>, vector<1x16xi32>,
    %swap3A_130 = vector.shape_cast %swap3A_129 : vector<1x16xi32> to vector<16xi32>
    %swap3A_131 = vector.shape_cast %shift_right_arithmetic3A_125 : vector<16xi32> to vector<1x16xi32>
    tpu.vector_store %arg8[%swap3A_127, %swap3A_128], %swap3A_131 {strides = array<i32>} : memref<2x128xi32, #tpu.memory_space<vmem>>, vector<1x16xi32>,
    %and3A_132 = arith.constant 16383 : i32
    %and3A_133 = vector.broadcast %and3A_132 : i32 to vector<16xi32>
    %and3A_134 = arith.andi %get3A_122, %and3A_133 : vector<16xi32>
    %swap3A_135 = arith.constant 0 : i32
    %swap3A_136 = arith.index_cast %swap3A_135 : i32 to index
    %swap3A_137 = arith.constant 64 : index
    %swap3A_138 = tpu.vector_load %arg7[%swap3A_136, %swap3A_137] {strides = array<i32>} : memref<2x128xi32, #tpu.memory_space<vmem>>, vector<1x16xi32>,
    %swap3A_139 = vector.shape_cast %swap3A_138 : vector<1x16xi32> to vector<16xi32>
    %swap3A_140 = vector.shape_cast %and3A_134 : vector<16xi32> to vector<1x16xi32>
    tpu.vector_store %arg7[%swap3A_136, %swap3A_137], %swap3A_140 {strides = array<i32>} : memref<2x128xi32, #tpu.memory_space<vmem>>, vector<1x16xi32>,
    %get3A_141 = arith.constant 0 : i32
    %get3A_142 = arith.index_cast %get3A_141 : i32 to index
    %get3A_143 = arith.constant 80 : index
    %get3A_144 = tpu.vector_load %arg6[%get3A_142, %get3A_143] {strides = array<i32>} : memref<79x128xi32, #tpu.memory_space<vmem>>, vector<1x16xi32>,
    %get3A_145 = vector.shape_cast %get3A_144 : vector<1x16xi32> to vector<16xi32>
    %shift_right_arithmetic3A_146 = arith.constant 14 : i32
    %shift_right_arithmetic3A_147 = vector.broadcast %shift_right_arithmetic3A_146 : i32 to vector<16xi32>
    %shift_right_arithmetic3A_148 = arith.shrsi %get3A_145, %shift_right_arithmetic3A_147 : vector<16xi32>
    %swap3A_149 = arith.constant 0 : i32
    %swap3A_150 = arith.index_cast %swap3A_149 : i32 to index
    %swap3A_151 = arith.constant 80 : index
    %swap3A_152 = tpu.vector_load %arg8[%swap3A_150, %swap3A_151] {strides = array<i32>} : memref<2x128xi32, #tpu.memory_space<vmem>>, vector<1x16xi32>,
    %swap3A_153 = vector.shape_cast %swap3A_152 : vector<1x16xi32> to vector<16xi32>
    %swap3A_154 = vector.shape_cast %shift_right_arithmetic3A_148 : vector<16xi32> to vector<1x16xi32>
    tpu.vector_store %arg8[%swap3A_150, %swap3A_151], %swap3A_154 {strides = array<i32>} : memref<2x128xi32, #tpu.memory_space<vmem>>, vector<1x16xi32>,
    %and3A_155 = arith.constant 16383 : i32
    %and3A_156 = vector.broadcast %and3A_155 : i32 to vector<16xi32>
    %and3A_157 = arith.andi %get3A_145, %and3A_156 : vector<16xi32>
    %swap3A_158 = arith.constant 0 : i32
    %swap3A_159 = arith.index_cast %swap3A_158 : i32 to index
    %swap3A_160 = arith.constant 80 : index
    %swap3A_161 = tpu.vector_load %arg7[%swap3A_159, %swap3A_160] {strides = array<i32>} : memref<2x128xi32, #tpu.memory_space<vmem>>, vector<1x16xi32>,
    %swap3A_162 = vector.shape_cast %swap3A_161 : vector<1x16xi32> to vector<16xi32>
    %swap3A_163 = vector.shape_cast %and3A_157 : vector<16xi32> to vector<1x16xi32>
    tpu.vector_store %arg7[%swap3A_159, %swap3A_160], %swap3A_163 {strides = array<i32>} : memref<2x128xi32, #tpu.memory_space<vmem>>, vector<1x16xi32>,
    %get3A_164 = arith.constant 0 : i32
    %get3A_165 = arith.index_cast %get3A_164 : i32 to index
    %get3A_166 = arith.constant 96 : index
    %get3A_167 = tpu.vector_load %arg6[%get3A_165, %get3A_166] {strides = array<i32>} : memref<79x128xi32, #tpu.memory_space<vmem>>, vector<1x16xi32>,
    %get3A_168 = vector.shape_cast %get3A_167 : vector<1x16xi32> to vector<16xi32>
    %shift_right_arithmetic3A_169 = arith.constant 14 : i32
    %shift_right_arithmetic3A_170 = vector.broadcast %shift_right_arithmetic3A_169 : i32 to vector<16xi32>
    %shift_right_arithmetic3A_171 = arith.shrsi %get3A_168, %shift_right_arithmetic3A_170 : vector<16xi32>
    %swap3A_172 = arith.constant 0 : i32
    %swap3A_173 = arith.index_cast %swap3A_172 : i32 to index
    %swap3A_174 = arith.constant 96 : index
    %swap3A_175 = tpu.vector_load %arg8[%swap3A_173, %swap3A_174] {strides = array<i32>} : memref<2x128xi32, #tpu.memory_space<vmem>>, vector<1x16xi32>,
    %swap3A_176 = vector.shape_cast %swap3A_175 : vector<1x16xi32> to vector<16xi32>
    %swap3A_177 = vector.shape_cast %shift_right_arithmetic3A_171 : vector<16xi32> to vector<1x16xi32>
    tpu.vector_store %arg8[%swap3A_173, %swap3A_174], %swap3A_177 {strides = array<i32>} : memref<2x128xi32, #tpu.memory_space<vmem>>, vector<1x16xi32>,
    %and3A_178 = arith.constant 16383 : i32
    %and3A_179 = vector.broadcast %and3A_178 : i32 to vector<16xi32>
    %and3A_180 = arith.andi %get3A_168, %and3A_179 : vector<16xi32>
    %swap3A_181 = arith.constant 0 : i32
    %swap3A_182 = arith.index_cast %swap3A_181 : i32 to index
    %swap3A_183 = arith.constant 96 : index
    %swap3A_184 = tpu.vector_load %arg7[%swap3A_182, %swap3A_183] {strides = array<i32>} : memref<2x128xi32, #tpu.memory_space<vmem>>, vector<1x16xi32>,
    %swap3A_185 = vector.shape_cast %swap3A_184 : vector<1x16xi32> to vector<16xi32>
    %swap3A_186 = vector.shape_cast %and3A_180 : vector<16xi32> to vector<1x16xi32>
    tpu.vector_store %arg7[%swap3A_182, %swap3A_183], %swap3A_186 {strides = array<i32>} : memref<2x128xi32, #tpu.memory_space<vmem>>, vector<1x16xi32>,
    %get3A_187 = arith.constant 0 : i32
    %get3A_188 = arith.index_cast %get3A_187 : i32 to index
    %get3A_189 = arith.constant 112 : index
    %get3A_190 = tpu.vector_load %arg6[%get3A_188, %get3A_189] {strides = array<i32>} : memref<79x128xi32, #tpu.memory_space<vmem>>, vector<1x16xi32>,
    %get3A_191 = vector.shape_cast %get3A_190 : vector<1x16xi32> to vector<16xi32>
    %shift_right_arithmetic3A_192 = arith.constant 14 : i32
    %shift_right_arithmetic3A_193 = vector.broadcast %shift_right_arithmetic3A_192 : i32 to vector<16xi32>
    %shift_right_arithmetic3A_194 = arith.shrsi %get3A_191, %shift_right_arithmetic3A_193 : vector<16xi32>
    %swap3A_195 = arith.constant 0 : i32
    %swap3A_196 = arith.index_cast %swap3A_195 : i32 to index
    %swap3A_197 = arith.constant 112 : index
    %swap3A_198 = tpu.vector_load %arg8[%swap3A_196, %swap3A_197] {strides = array<i32>} : memref<2x128xi32, #tpu.memory_space<vmem>>, vector<1x16xi32>,
    %swap3A_199 = vector.shape_cast %swap3A_198 : vector<1x16xi32> to vector<16xi32>
    %swap3A_200 = vector.shape_cast %shift_right_arithmetic3A_194 : vector<16xi32> to vector<1x16xi32>
    tpu.vector_store %arg8[%swap3A_196, %swap3A_197], %swap3A_200 {strides = array<i32>} : memref<2x128xi32, #tpu.memory_space<vmem>>, vector<1x16xi32>,
    %and3A_201 = arith.constant 16383 : i32
    %and3A_202 = vector.broadcast %and3A_201 : i32 to vector<16xi32>
    %and3A_203 = arith.andi %get3A_191, %and3A_202 : vector<16xi32>
    %swap3A_204 = arith.constant 0 : i32
    %swap3A_205 = arith.index_cast %swap3A_204 : i32 to index
    %swap3A_206 = arith.constant 112 : index
    %swap3A_207 = tpu.vector_load %arg7[%swap3A_205, %swap3A_206] {strides = array<i32>} : memref<2x128xi32, #tpu.memory_space<vmem>>, vector<1x16xi32>,
    %swap3A_208 = vector.shape_cast %swap3A_207 : vector<1x16xi32> to vector<16xi32>
    %swap3A_209 = vector.shape_cast %and3A_203 : vector<16xi32> to vector<1x16xi32>
    tpu.vector_store %arg7[%swap3A_205, %swap3A_206], %swap3A_209 {strides = array<i32>} : memref<2x128xi32, #tpu.memory_space<vmem>>, vector<1x16xi32>,
    %dma_start3A = arith.constant 0 : i32
    %dma_start3A_210 = arith.constant 0 : i32
    %dma_start3A_211 = arith.constant 0 : i32
    %dma_start3A_212 = arith.constant 0 : i32
    %dma_start3A_213 = tpu.memref_slice %arg9[%dma_start3A_210, %dma_start3A_211, %dma_start3A_212] : memref<2x128x128xf32, #tpu.memory_space<vmem>> -> memref<1x128x128xf32, #tpu.memory_space<vmem>>
    %dma_start3A_214 = tpu.memref_squeeze %dma_start3A_213 : memref<1x128x128xf32, #tpu.memory_space<vmem>> -> memref<128x128xf32, #tpu.memory_space<vmem>>
    %dma_start3A_215 = arith.constant 0 : i32
    %dma_start3A_216 = tpu.memref_slice %arg7[%dma_start3A, %dma_start3A_215] : memref<2x128xi32, #tpu.memory_space<vmem>> -> memref<1x128xi32, #tpu.memory_space<vmem>>
    %dma_start3A_217 = tpu.memref_squeeze %dma_start3A_216 : memref<1x128xi32, #tpu.memory_space<vmem>> -> memref<128xi32, #tpu.memory_space<vmem>>
    %dma_start3A_218 = arith.constant 0 : i32
    %dma_start3A_219 = arith.constant 0 : i32
    %dma_start3A_220 = tpu.memref_slice %arg2[%dma_start3A_218, %dma_start3A_219] : memref<10000x128xf32, #tpu.memory_space<hbm>> -> memref<10000x128xf32, #tpu.memory_space<hbm>>
    tpu.enqueue_indirect_dma source(%dma_start3A_220 : memref<10000x128xf32, #tpu.memory_space<hbm>>) target(%dma_start3A_214 : memref<128x128xf32, #tpu.memory_space<vmem>>) offsets(%dma_start3A_217 : memref<128xi32, #tpu.memory_space<vmem>>) semaphore(%arg11 : memref<!tpu.dma_semaphore, #tpu.memory_space<semaphore_mem>>)
    %scan3A_221 = arith.constant 0 : i32
    %scan3A_222 = arith.constant 79 : i32
    %scan3A_223 = arith.addi %scan3A_221, %scan3A_222 : i32
    %scan3A_224 = arith.constant 1 : i32
    scf.for %scan3A_280 = %scan3A_221 to %scan3A_223 step %scan3A_224  : i32 {
      %mul3A_281 = arith.constant 1 : i32
      %mul3A_282 = arith.muli %scan3A_280, %mul3A_281 : i32
      %add3A_283 = arith.constant 0 : i32
      %add3A_284 = arith.addi %add3A_283, %mul3A_282 : i32
      %rem3A = arith.constant 2 : i32
      %rem3A_285 = arith.remsi %add3A_284, %rem3A : i32
      %dma_wait3A = arith.constant 0 : i32
      %dma_wait3A_286 = arith.constant 0 : i32
      %dma_wait3A_287 = tpu.memref_slice %arg9[%rem3A_285, %dma_wait3A, %dma_wait3A_286] : memref<2x128x128xf32, #tpu.memory_space<vmem>> -> memref<1x128x128xf32, #tpu.memory_space<vmem>>
      %dma_wait3A_288 = tpu.memref_squeeze %dma_wait3A_287 : memref<1x128x128xf32, #tpu.memory_space<vmem>> -> memref<128x128xf32, #tpu.memory_space<vmem>>
      %dma_wait3A_289 = arith.constant 0 : i32
      %dma_wait3A_290 = tpu.memref_slice %arg7[%rem3A_285, %dma_wait3A_289] : memref<2x128xi32, #tpu.memory_space<vmem>> -> memref<1x128xi32, #tpu.memory_space<vmem>>
      %dma_wait3A_291 = tpu.memref_squeeze %dma_wait3A_290 : memref<1x128xi32, #tpu.memory_space<vmem>> -> memref<128xi32, #tpu.memory_space<vmem>>
      %dma_wait3A_292 = arith.constant 0 : i32
      %dma_wait3A_293 = arith.constant 0 : i32
      %dma_wait3A_294 = tpu.memref_slice %arg2[%dma_wait3A_292, %dma_wait3A_293] : memref<10000x128xf32, #tpu.memory_space<hbm>> -> memref<10000x128xf32, #tpu.memory_space<hbm>>
      tpu.wait_indirect_dma semaphore(%arg11 : memref<!tpu.dma_semaphore, #tpu.memory_space<semaphore_mem>>) src(%dma_wait3A_294 : memref<10000x128xf32, #tpu.memory_space<hbm>>) dst(%dma_wait3A_288 : memref<128x128xf32, #tpu.memory_space<vmem>>)
      %lt3A = arith.constant 78 : i32
      %lt3A_295 = arith.cmpi slt, %add3A_284, %lt3A : i32
      %convert_element_type3A = arith.extui %lt3A_295 : i1 to i32
      %cond3A = arith.constant 0 : i32
      %cond3A_296 = arith.cmpi ne, %convert_element_type3A, %cond3A : i32
      scf.if %cond3A_296 {
        %add3A_297 = arith.constant 1 : i32
        %add3A_298 = arith.addi %add3A_284, %add3A_297 : i32
        %sub3A = arith.constant 1 : i32
        %sub3A_299 = arith.subi %sub3A, %rem3A_285 : i32
        %get3A_300 = arith.index_cast %add3A_298 : i32 to index
        %get3A_301 = arith.constant 0 : index
        %get3A_302 = tpu.vector_load %arg6[%get3A_300, %get3A_301] {strides = array<i32>} : memref<79x128xi32, #tpu.memory_space<vmem>>, vector<1x16xi32>,
        %get3A_303 = vector.shape_cast %get3A_302 : vector<1x16xi32> to vector<16xi32>
        %shift_right_arithmetic3A_304 = arith.constant 14 : i32
        %shift_right_arithmetic3A_305 = vector.broadcast %shift_right_arithmetic3A_304 : i32 to vector<16xi32>
        %shift_right_arithmetic3A_306 = arith.shrsi %get3A_303, %shift_right_arithmetic3A_305 : vector<16xi32>
        %swap3A_307 = arith.index_cast %sub3A_299 : i32 to index
        %swap3A_308 = arith.constant 0 : index
        %swap3A_309 = tpu.vector_load %arg8[%swap3A_307, %swap3A_308] {strides = array<i32>} : memref<2x128xi32, #tpu.memory_space<vmem>>, vector<1x16xi32>,
        %swap3A_310 = vector.shape_cast %swap3A_309 : vector<1x16xi32> to vector<16xi32>
        %swap3A_311 = vector.shape_cast %shift_right_arithmetic3A_306 : vector<16xi32> to vector<1x16xi32>
        tpu.vector_store %arg8[%swap3A_307, %swap3A_308], %swap3A_311 {strides = array<i32>} : memref<2x128xi32, #tpu.memory_space<vmem>>, vector<1x16xi32>,
        %and3A_312 = arith.constant 16383 : i32
        %and3A_313 = vector.broadcast %and3A_312 : i32 to vector<16xi32>
        %and3A_314 = arith.andi %get3A_303, %and3A_313 : vector<16xi32>
        %swap3A_315 = arith.index_cast %sub3A_299 : i32 to index
        %swap3A_316 = arith.constant 0 : index
        %swap3A_317 = tpu.vector_load %arg7[%swap3A_315, %swap3A_316] {strides = array<i32>} : memref<2x128xi32, #tpu.memory_space<vmem>>, vector<1x16xi32>,
        %swap3A_318 = vector.shape_cast %swap3A_317 : vector<1x16xi32> to vector<16xi32>
        %swap3A_319 = vector.shape_cast %and3A_314 : vector<16xi32> to vector<1x16xi32>
        tpu.vector_store %arg7[%swap3A_315, %swap3A_316], %swap3A_319 {strides = array<i32>} : memref<2x128xi32, #tpu.memory_space<vmem>>, vector<1x16xi32>,
        %get3A_320 = arith.index_cast %add3A_298 : i32 to index
        %get3A_321 = arith.constant 16 : index
        %get3A_322 = tpu.vector_load %arg6[%get3A_320, %get3A_321] {strides = array<i32>} : memref<79x128xi32, #tpu.memory_space<vmem>>, vector<1x16xi32>,
        %get3A_323 = vector.shape_cast %get3A_322 : vector<1x16xi32> to vector<16xi32>
        %shift_right_arithmetic3A_324 = arith.constant 14 : i32
        %shift_right_arithmetic3A_325 = vector.broadcast %shift_right_arithmetic3A_324 : i32 to vector<16xi32>
        %shift_right_arithmetic3A_326 = arith.shrsi %get3A_323, %shift_right_arithmetic3A_325 : vector<16xi32>
        %swap3A_327 = arith.index_cast %sub3A_299 : i32 to index
        %swap3A_328 = arith.constant 16 : index
        %swap3A_329 = tpu.vector_load %arg8[%swap3A_327, %swap3A_328] {strides = array<i32>} : memref<2x128xi32, #tpu.memory_space<vmem>>, vector<1x16xi32>,
        %swap3A_330 = vector.shape_cast %swap3A_329 : vector<1x16xi32> to vector<16xi32>
        %swap3A_331 = vector.shape_cast %shift_right_arithmetic3A_326 : vector<16xi32> to vector<1x16xi32>
        tpu.vector_store %arg8[%swap3A_327, %swap3A_328], %swap3A_331 {strides = array<i32>} : memref<2x128xi32, #tpu.memory_space<vmem>>, vector<1x16xi32>,
        %and3A_332 = arith.constant 16383 : i32
        %and3A_333 = vector.broadcast %and3A_332 : i32 to vector<16xi32>
        %and3A_334 = arith.andi %get3A_323, %and3A_333 : vector<16xi32>
        %swap3A_335 = arith.index_cast %sub3A_299 : i32 to index
        %swap3A_336 = arith.constant 16 : index
        %swap3A_337 = tpu.vector_load %arg7[%swap3A_335, %swap3A_336] {strides = array<i32>} : memref<2x128xi32, #tpu.memory_space<vmem>>, vector<1x16xi32>,
        %swap3A_338 = vector.shape_cast %swap3A_337 : vector<1x16xi32> to vector<16xi32>
        %swap3A_339 = vector.shape_cast %and3A_334 : vector<16xi32> to vector<1x16xi32>
        tpu.vector_store %arg7[%swap3A_335, %swap3A_336], %swap3A_339 {strides = array<i32>} : memref<2x128xi32, #tpu.memory_space<vmem>>, vector<1x16xi32>,
        %get3A_340 = arith.index_cast %add3A_298 : i32 to index
        %get3A_341 = arith.constant 32 : index
        %get3A_342 = tpu.vector_load %arg6[%get3A_340, %get3A_341] {strides = array<i32>} : memref<79x128xi32, #tpu.memory_space<vmem>>, vector<1x16xi32>,
        %get3A_343 = vector.shape_cast %get3A_342 : vector<1x16xi32> to vector<16xi32>
        %shift_right_arithmetic3A_344 = arith.constant 14 : i32
        %shift_right_arithmetic3A_345 = vector.broadcast %shift_right_arithmetic3A_344 : i32 to vector<16xi32>
        %shift_right_arithmetic3A_346 = arith.shrsi %get3A_343, %shift_right_arithmetic3A_345 : vector<16xi32>
        %swap3A_347 = arith.index_cast %sub3A_299 : i32 to index
        %swap3A_348 = arith.constant 32 : index
        %swap3A_349 = tpu.vector_load %arg8[%swap3A_347, %swap3A_348] {strides = array<i32>} : memref<2x128xi32, #tpu.memory_space<vmem>>, vector<1x16xi32>,
        %swap3A_350 = vector.shape_cast %swap3A_349 : vector<1x16xi32> to vector<16xi32>
        %swap3A_351 = vector.shape_cast %shift_right_arithmetic3A_346 : vector<16xi32> to vector<1x16xi32>
        tpu.vector_store %arg8[%swap3A_347, %swap3A_348], %swap3A_351 {strides = array<i32>} : memref<2x128xi32, #tpu.memory_space<vmem>>, vector<1x16xi32>,
        %and3A_352 = arith.constant 16383 : i32
        %and3A_353 = vector.broadcast %and3A_352 : i32 to vector<16xi32>
        %and3A_354 = arith.andi %get3A_343, %and3A_353 : vector<16xi32>
        %swap3A_355 = arith.index_cast %sub3A_299 : i32 to index
        %swap3A_356 = arith.constant 32 : index
        %swap3A_357 = tpu.vector_load %arg7[%swap3A_355, %swap3A_356] {strides = array<i32>} : memref<2x128xi32, #tpu.memory_space<vmem>>, vector<1x16xi32>,
        %swap3A_358 = vector.shape_cast %swap3A_357 : vector<1x16xi32> to vector<16xi32>
        %swap3A_359 = vector.shape_cast %and3A_354 : vector<16xi32> to vector<1x16xi32>
        tpu.vector_store %arg7[%swap3A_355, %swap3A_356], %swap3A_359 {strides = array<i32>} : memref<2x128xi32, #tpu.memory_space<vmem>>, vector<1x16xi32>,
        %get3A_360 = arith.index_cast %add3A_298 : i32 to index
        %get3A_361 = arith.constant 48 : index
        %get3A_362 = tpu.vector_load %arg6[%get3A_360, %get3A_361] {strides = array<i32>} : memref<79x128xi32, #tpu.memory_space<vmem>>, vector<1x16xi32>,
        %get3A_363 = vector.shape_cast %get3A_362 : vector<1x16xi32> to vector<16xi32>
        %shift_right_arithmetic3A_364 = arith.constant 14 : i32
        %shift_right_arithmetic3A_365 = vector.broadcast %shift_right_arithmetic3A_364 : i32 to vector<16xi32>
        %shift_right_arithmetic3A_366 = arith.shrsi %get3A_363, %shift_right_arithmetic3A_365 : vector<16xi32>
        %swap3A_367 = arith.index_cast %sub3A_299 : i32 to index
        %swap3A_368 = arith.constant 48 : index
        %swap3A_369 = tpu.vector_load %arg8[%swap3A_367, %swap3A_368] {strides = array<i32>} : memref<2x128xi32, #tpu.memory_space<vmem>>, vector<1x16xi32>,
        %swap3A_370 = vector.shape_cast %swap3A_369 : vector<1x16xi32> to vector<16xi32>
        %swap3A_371 = vector.shape_cast %shift_right_arithmetic3A_366 : vector<16xi32> to vector<1x16xi32>
        tpu.vector_store %arg8[%swap3A_367, %swap3A_368], %swap3A_371 {strides = array<i32>} : memref<2x128xi32, #tpu.memory_space<vmem>>, vector<1x16xi32>,
        %and3A_372 = arith.constant 16383 : i32
        %and3A_373 = vector.broadcast %and3A_372 : i32 to vector<16xi32>
        %and3A_374 = arith.andi %get3A_363, %and3A_373 : vector<16xi32>
        %swap3A_375 = arith.index_cast %sub3A_299 : i32 to index
        %swap3A_376 = arith.constant 48 : index
        %swap3A_377 = tpu.vector_load %arg7[%swap3A_375, %swap3A_376] {strides = array<i32>} : memref<2x128xi32, #tpu.memory_space<vmem>>, vector<1x16xi32>,
        %swap3A_378 = vector.shape_cast %swap3A_377 : vector<1x16xi32> to vector<16xi32>
        %swap3A_379 = vector.shape_cast %and3A_374 : vector<16xi32> to vector<1x16xi32>
        tpu.vector_store %arg7[%swap3A_375, %swap3A_376], %swap3A_379 {strides = array<i32>} : memref<2x128xi32, #tpu.memory_space<vmem>>, vector<1x16xi32>,
        %get3A_380 = arith.index_cast %add3A_298 : i32 to index
        %get3A_381 = arith.constant 64 : index
        %get3A_382 = tpu.vector_load %arg6[%get3A_380, %get3A_381] {strides = array<i32>} : memref<79x128xi32, #tpu.memory_space<vmem>>, vector<1x16xi32>,
        %get3A_383 = vector.shape_cast %get3A_382 : vector<1x16xi32> to vector<16xi32>
        %shift_right_arithmetic3A_384 = arith.constant 14 : i32
        %shift_right_arithmetic3A_385 = vector.broadcast %shift_right_arithmetic3A_384 : i32 to vector<16xi32>
        %shift_right_arithmetic3A_386 = arith.shrsi %get3A_383, %shift_right_arithmetic3A_385 : vector<16xi32>
        %swap3A_387 = arith.index_cast %sub3A_299 : i32 to index
        %swap3A_388 = arith.constant 64 : index
        %swap3A_389 = tpu.vector_load %arg8[%swap3A_387, %swap3A_388] {strides = array<i32>} : memref<2x128xi32, #tpu.memory_space<vmem>>, vector<1x16xi32>,
        %swap3A_390 = vector.shape_cast %swap3A_389 : vector<1x16xi32> to vector<16xi32>
        %swap3A_391 = vector.shape_cast %shift_right_arithmetic3A_386 : vector<16xi32> to vector<1x16xi32>
        tpu.vector_store %arg8[%swap3A_387, %swap3A_388], %swap3A_391 {strides = array<i32>} : memref<2x128xi32, #tpu.memory_space<vmem>>, vector<1x16xi32>,
        %and3A_392 = arith.constant 16383 : i32
        %and3A_393 = vector.broadcast %and3A_392 : i32 to vector<16xi32>
        %and3A_394 = arith.andi %get3A_383, %and3A_393 : vector<16xi32>
        %swap3A_395 = arith.index_cast %sub3A_299 : i32 to index
        %swap3A_396 = arith.constant 64 : index
        %swap3A_397 = tpu.vector_load %arg7[%swap3A_395, %swap3A_396] {strides = array<i32>} : memref<2x128xi32, #tpu.memory_space<vmem>>, vector<1x16xi32>,
        %swap3A_398 = vector.shape_cast %swap3A_397 : vector<1x16xi32> to vector<16xi32>
        %swap3A_399 = vector.shape_cast %and3A_394 : vector<16xi32> to vector<1x16xi32>
        tpu.vector_store %arg7[%swap3A_395, %swap3A_396], %swap3A_399 {strides = array<i32>} : memref<2x128xi32, #tpu.memory_space<vmem>>, vector<1x16xi32>,
        %get3A_400 = arith.index_cast %add3A_298 : i32 to index
        %get3A_401 = arith.constant 80 : index
        %get3A_402 = tpu.vector_load %arg6[%get3A_400, %get3A_401] {strides = array<i32>} : memref<79x128xi32, #tpu.memory_space<vmem>>, vector<1x16xi32>,
        %get3A_403 = vector.shape_cast %get3A_402 : vector<1x16xi32> to vector<16xi32>
        %shift_right_arithmetic3A_404 = arith.constant 14 : i32
        %shift_right_arithmetic3A_405 = vector.broadcast %shift_right_arithmetic3A_404 : i32 to vector<16xi32>
        %shift_right_arithmetic3A_406 = arith.shrsi %get3A_403, %shift_right_arithmetic3A_405 : vector<16xi32>
        %swap3A_407 = arith.index_cast %sub3A_299 : i32 to index
        %swap3A_408 = arith.constant 80 : index
        %swap3A_409 = tpu.vector_load %arg8[%swap3A_407, %swap3A_408] {strides = array<i32>} : memref<2x128xi32, #tpu.memory_space<vmem>>, vector<1x16xi32>,
        %swap3A_410 = vector.shape_cast %swap3A_409 : vector<1x16xi32> to vector<16xi32>
        %swap3A_411 = vector.shape_cast %shift_right_arithmetic3A_406 : vector<16xi32> to vector<1x16xi32>
        tpu.vector_store %arg8[%swap3A_407, %swap3A_408], %swap3A_411 {strides = array<i32>} : memref<2x128xi32, #tpu.memory_space<vmem>>, vector<1x16xi32>,
        %and3A_412 = arith.constant 16383 : i32
        %and3A_413 = vector.broadcast %and3A_412 : i32 to vector<16xi32>
        %and3A_414 = arith.andi %get3A_403, %and3A_413 : vector<16xi32>
        %swap3A_415 = arith.index_cast %sub3A_299 : i32 to index
        %swap3A_416 = arith.constant 80 : index
        %swap3A_417 = tpu.vector_load %arg7[%swap3A_415, %swap3A_416] {strides = array<i32>} : memref<2x128xi32, #tpu.memory_space<vmem>>, vector<1x16xi32>,
        %swap3A_418 = vector.shape_cast %swap3A_417 : vector<1x16xi32> to vector<16xi32>
        %swap3A_419 = vector.shape_cast %and3A_414 : vector<16xi32> to vector<1x16xi32>
        tpu.vector_store %arg7[%swap3A_415, %swap3A_416], %swap3A_419 {strides = array<i32>} : memref<2x128xi32, #tpu.memory_space<vmem>>, vector<1x16xi32>,
        %get3A_420 = arith.index_cast %add3A_298 : i32 to index
        %get3A_421 = arith.constant 96 : index
        %get3A_422 = tpu.vector_load %arg6[%get3A_420, %get3A_421] {strides = array<i32>} : memref<79x128xi32, #tpu.memory_space<vmem>>, vector<1x16xi32>,
        %get3A_423 = vector.shape_cast %get3A_422 : vector<1x16xi32> to vector<16xi32>
        %shift_right_arithmetic3A_424 = arith.constant 14 : i32
        %shift_right_arithmetic3A_425 = vector.broadcast %shift_right_arithmetic3A_424 : i32 to vector<16xi32>
        %shift_right_arithmetic3A_426 = arith.shrsi %get3A_423, %shift_right_arithmetic3A_425 : vector<16xi32>
        %swap3A_427 = arith.index_cast %sub3A_299 : i32 to index
        %swap3A_428 = arith.constant 96 : index
        %swap3A_429 = tpu.vector_load %arg8[%swap3A_427, %swap3A_428] {strides = array<i32>} : memref<2x128xi32, #tpu.memory_space<vmem>>, vector<1x16xi32>,
        %swap3A_430 = vector.shape_cast %swap3A_429 : vector<1x16xi32> to vector<16xi32>
        %swap3A_431 = vector.shape_cast %shift_right_arithmetic3A_426 : vector<16xi32> to vector<1x16xi32>
        tpu.vector_store %arg8[%swap3A_427, %swap3A_428], %swap3A_431 {strides = array<i32>} : memref<2x128xi32, #tpu.memory_space<vmem>>, vector<1x16xi32>,
        %and3A_432 = arith.constant 16383 : i32
        %and3A_433 = vector.broadcast %and3A_432 : i32 to vector<16xi32>
        %and3A_434 = arith.andi %get3A_423, %and3A_433 : vector<16xi32>
        %swap3A_435 = arith.index_cast %sub3A_299 : i32 to index
        %swap3A_436 = arith.constant 96 : index
        %swap3A_437 = tpu.vector_load %arg7[%swap3A_435, %swap3A_436] {strides = array<i32>} : memref<2x128xi32, #tpu.memory_space<vmem>>, vector<1x16xi32>,
        %swap3A_438 = vector.shape_cast %swap3A_437 : vector<1x16xi32> to vector<16xi32>
        %swap3A_439 = vector.shape_cast %and3A_434 : vector<16xi32> to vector<1x16xi32>
        tpu.vector_store %arg7[%swap3A_435, %swap3A_436], %swap3A_439 {strides = array<i32>} : memref<2x128xi32, #tpu.memory_space<vmem>>, vector<1x16xi32>,
        %get3A_440 = arith.index_cast %add3A_298 : i32 to index
        %get3A_441 = arith.constant 112 : index
        %get3A_442 = tpu.vector_load %arg6[%get3A_440, %get3A_441] {strides = array<i32>} : memref<79x128xi32, #tpu.memory_space<vmem>>, vector<1x16xi32>,
        %get3A_443 = vector.shape_cast %get3A_442 : vector<1x16xi32> to vector<16xi32>
        %shift_right_arithmetic3A_444 = arith.constant 14 : i32
        %shift_right_arithmetic3A_445 = vector.broadcast %shift_right_arithmetic3A_444 : i32 to vector<16xi32>
        %shift_right_arithmetic3A_446 = arith.shrsi %get3A_443, %shift_right_arithmetic3A_445 : vector<16xi32>
        %swap3A_447 = arith.index_cast %sub3A_299 : i32 to index
        %swap3A_448 = arith.constant 112 : index
        %swap3A_449 = tpu.vector_load %arg8[%swap3A_447, %swap3A_448] {strides = array<i32>} : memref<2x128xi32, #tpu.memory_space<vmem>>, vector<1x16xi32>,
        %swap3A_450 = vector.shape_cast %swap3A_449 : vector<1x16xi32> to vector<16xi32>
        %swap3A_451 = vector.shape_cast %shift_right_arithmetic3A_446 : vector<16xi32> to vector<1x16xi32>
        tpu.vector_store %arg8[%swap3A_447, %swap3A_448], %swap3A_451 {strides = array<i32>} : memref<2x128xi32, #tpu.memory_space<vmem>>, vector<1x16xi32>,
        %and3A_452 = arith.constant 16383 : i32
        %and3A_453 = vector.broadcast %and3A_452 : i32 to vector<16xi32>
        %and3A_454 = arith.andi %get3A_443, %and3A_453 : vector<16xi32>
        %swap3A_455 = arith.index_cast %sub3A_299 : i32 to index
        %swap3A_456 = arith.constant 112 : index
        %swap3A_457 = tpu.vector_load %arg7[%swap3A_455, %swap3A_456] {strides = array<i32>} : memref<2x128xi32, #tpu.memory_space<vmem>>, vector<1x16xi32>,
        %swap3A_458 = vector.shape_cast %swap3A_457 : vector<1x16xi32> to vector<16xi32>
        %swap3A_459 = vector.shape_cast %and3A_454 : vector<16xi32> to vector<1x16xi32>
        tpu.vector_store %arg7[%swap3A_455, %swap3A_456], %swap3A_459 {strides = array<i32>} : memref<2x128xi32, #tpu.memory_space<vmem>>, vector<1x16xi32>,
        %dma_start3A_460 = arith.constant 0 : i32
        %dma_start3A_461 = arith.constant 0 : i32
        %dma_start3A_462 = tpu.memref_slice %arg9[%sub3A_299, %dma_start3A_460, %dma_start3A_461] : memref<2x128x128xf32, #tpu.memory_space<vmem>> -> memref<1x128x128xf32, #tpu.memory_space<vmem>>
        %dma_start3A_463 = tpu.memref_squeeze %dma_start3A_462 : memref<1x128x128xf32, #tpu.memory_space<vmem>> -> memref<128x128xf32, #tpu.memory_space<vmem>>
        %dma_start3A_464 = arith.constant 0 : i32
        %dma_start3A_465 = tpu.memref_slice %arg7[%sub3A_299, %dma_start3A_464] : memref<2x128xi32, #tpu.memory_space<vmem>> -> memref<1x128xi32, #tpu.memory_space<vmem>>
        %dma_start3A_466 = tpu.memref_squeeze %dma_start3A_465 : memref<1x128xi32, #tpu.memory_space<vmem>> -> memref<128xi32, #tpu.memory_space<vmem>>
        %dma_start3A_467 = arith.constant 0 : i32
        %dma_start3A_468 = arith.constant 0 : i32
        %dma_start3A_469 = tpu.memref_slice %arg2[%dma_start3A_467, %dma_start3A_468] : memref<10000x128xf32, #tpu.memory_space<hbm>> -> memref<10000x128xf32, #tpu.memory_space<hbm>>
        tpu.enqueue_indirect_dma source(%dma_start3A_469 : memref<10000x128xf32, #tpu.memory_space<hbm>>) target(%dma_start3A_463 : memref<128x128xf32, #tpu.memory_space<vmem>>) offsets(%dma_start3A_466 : memref<128xi32, #tpu.memory_space<vmem>>) semaphore(%arg11 : memref<!tpu.dma_semaphore, #tpu.memory_space<semaphore_mem>>)
      } else {
      }
      "tpu.region"() ({
        %run_scoped3A_297 = tpu.sem_alloc : memref<!tpu.dma_semaphore, #tpu.memory_space<semaphore_mem>>
        %dma_start3A_298 = arith.constant 0 : i32
        %dma_start3A_299 = arith.constant 0 : i32
        %dma_start3A_300 = tpu.memref_slice %arg9[%rem3A_285, %dma_start3A_298, %dma_start3A_299] : memref<2x128x128xf32, #tpu.memory_space<vmem>> -> memref<1x128x128xf32, #tpu.memory_space<vmem>>
        %dma_start3A_301 = tpu.memref_squeeze %dma_start3A_300 : memref<1x128x128xf32, #tpu.memory_space<vmem>> -> memref<128x128xf32, #tpu.memory_space<vmem>>
        %dma_start3A_302 = arith.constant 0 : i32
        %dma_start3A_303 = tpu.memref_slice %arg8[%rem3A_285, %dma_start3A_302] : memref<2x128xi32, #tpu.memory_space<vmem>> -> memref<1x128xi32, #tpu.memory_space<vmem>>
        %dma_start3A_304 = tpu.memref_squeeze %dma_start3A_303 : memref<1x128xi32, #tpu.memory_space<vmem>> -> memref<128xi32, #tpu.memory_space<vmem>>
        %dma_start3A_305 = arith.constant 0 : i32
        %dma_start3A_306 = arith.constant 0 : i32
        %dma_start3A_307 = tpu.memref_slice %arg10[%dma_start3A_305, %dma_start3A_306] : memref<10112x128xf32, #tpu.memory_space<vmem_shared>> -> memref<10112x128xf32, #tpu.memory_space<vmem_shared>>
        tpu.enqueue_indirect_dma source(%dma_start3A_301 : memref<128x128xf32, #tpu.memory_space<vmem>>) target(%dma_start3A_307 : memref<10112x128xf32, #tpu.memory_space<vmem_shared>>) offsets(%dma_start3A_304 : memref<128xi32, #tpu.memory_space<vmem>>) semaphore(%run_scoped3A_297 : memref<!tpu.dma_semaphore, #tpu.memory_space<semaphore_mem>>) {add = true}
        %dma_wait3A_308 = arith.constant 0 : i32
        %dma_wait3A_309 = arith.constant 0 : i32
        %dma_wait3A_310 = tpu.memref_slice %arg9[%rem3A_285, %dma_wait3A_308, %dma_wait3A_309] : memref<2x128x128xf32, #tpu.memory_space<vmem>> -> memref<1x128x128xf32, #tpu.memory_space<vmem>>
        %dma_wait3A_311 = tpu.memref_squeeze %dma_wait3A_310 : memref<1x128x128xf32, #tpu.memory_space<vmem>> -> memref<128x128xf32, #tpu.memory_space<vmem>>
        %dma_wait3A_312 = arith.constant 0 : i32
        %dma_wait3A_313 = tpu.memref_slice %arg8[%rem3A_285, %dma_wait3A_312] : memref<2x128xi32, #tpu.memory_space<vmem>> -> memref<1x128xi32, #tpu.memory_space<vmem>>
        %dma_wait3A_314 = tpu.memref_squeeze %dma_wait3A_313 : memref<1x128xi32, #tpu.memory_space<vmem>> -> memref<128xi32, #tpu.memory_space<vmem>>
        %dma_wait3A_315 = arith.constant 0 : i32
        %dma_wait3A_316 = arith.constant 0 : i32
        %dma_wait3A_317 = tpu.memref_slice %arg10[%dma_wait3A_315, %dma_wait3A_316] : memref<10112x128xf32, #tpu.memory_space<vmem_shared>> -> memref<10112x128xf32, #tpu.memory_space<vmem_shared>>
        tpu.wait_indirect_dma semaphore(%run_scoped3A_297 : memref<!tpu.dma_semaphore, #tpu.memory_space<semaphore_mem>>) src(%dma_wait3A_311 : memref<128x128xf32, #tpu.memory_space<vmem>>) dst(%dma_wait3A_317 : memref<10112x128xf32, #tpu.memory_space<vmem_shared>>)
        tpu.yield
      }) : () -> ()
    }
    %scan3A_225 = arith.constant 79 : i32
    %barrier3A_226 = arith.constant 0 : index
    tpu.barrier barrier_id(%barrier3A_226)
    %mul3A_227 = arith.constant 632 : i32
    %mul3A_228 = arith.muli %arg1, %mul3A_227 : i32
    %mul3A_229 = arith.constant 632 : i32
    %mul3A_230 = arith.muli %arg1, %mul3A_229 : i32
    "tpu.region"() ({
      %run_scoped3A_280 = tpu.sem_alloc : memref<!tpu.dma_semaphore, #tpu.memory_space<semaphore_mem>>
      %dma_start3A_281 = arith.constant 0 : i32
      %dma_start3A_282 = tpu.memref_slice %arg4[%arg0, %mul3A_230, %dma_start3A_281] : memref<2x10112x128xf32, #tpu.memory_space<hbm>> -> memref<1x632x128xf32, #tpu.memory_space<hbm>>
      %dma_start3A_283 = tpu.memref_squeeze %dma_start3A_282 : memref<1x632x128xf32, #tpu.memory_space<hbm>> -> memref<632x128xf32, #tpu.memory_space<hbm>>
      %dma_start3A_284 = arith.constant 0 : i32
      %dma_start3A_285 = tpu.memref_slice %arg10[%mul3A_228, %dma_start3A_284] : memref<10112x128xf32, #tpu.memory_space<vmem_shared>> -> memref<632x128xf32, #tpu.memory_space<vmem_shared>>
      tpu.enqueue_dma source(%dma_start3A_285 : memref<632x128xf32, #tpu.memory_space<vmem_shared>>) target(%dma_start3A_283 : memref<632x128xf32, #tpu.memory_space<hbm>>) target_semaphore(%run_scoped3A_280 : memref<!tpu.dma_semaphore, #tpu.memory_space<semaphore_mem>>)
      %dma_wait3A = arith.constant 0 : i32
      %dma_wait3A_286 = tpu.memref_slice %arg4[%arg0, %mul3A_230, %dma_wait3A] : memref<2x10112x128xf32, #tpu.memory_space<hbm>> -> memref<1x632x128xf32, #tpu.memory_space<hbm>>
      %dma_wait3A_287 = tpu.memref_squeeze %dma_wait3A_286 : memref<1x632x128xf32, #tpu.memory_space<hbm>> -> memref<632x128xf32, #tpu.memory_space<hbm>>
      %dma_wait3A_288 = arith.constant 0 : i32
      %dma_wait3A_289 = tpu.memref_slice %arg10[%mul3A_228, %dma_wait3A_288] : memref<10112x128xf32, #tpu.memory_space<vmem_shared>> -> memref<632x128xf32, #tpu.memory_space<vmem_shared>>
      tpu.wait_dma2 semaphore(%run_scoped3A_280 : memref<!tpu.dma_semaphore, #tpu.memory_space<semaphore_mem>>) src(%dma_wait3A_289 : memref<632x128xf32, #tpu.memory_space<vmem_shared>>) dst(%dma_wait3A_287 : memref<632x128xf32, #tpu.memory_space<hbm>>)
      tpu.yield
    }) : () -> ()
    %barrier3A_231 = arith.constant 0 : index
    tpu.barrier barrier_id(%barrier3A_231)
    %scan3A_232 = arith.constant 0 : i32
    %scan3A_233 = arith.constant 0 : i32
    %scan3A_234 = arith.constant 128 : i32
    %scan3A_235 = arith.addi %scan3A_233, %scan3A_234 : i32
    %scan3A_236 = arith.constant 1 : i32
    scf.for %scan3A_280 = %scan3A_233 to %scan3A_235 step %scan3A_236  : i32 {
      %mul3A_281 = arith.constant 1 : i32
      %mul3A_282 = arith.muli %scan3A_280, %mul3A_281 : i32
      %add3A_283 = arith.constant 0 : i32
      %add3A_284 = arith.addi %add3A_283, %mul3A_282 : i32
      %swap3A_285 = arith.constant 0 : i32
      %swap3A_286 = arith.constant 0 : i32
      %swap3A_287 = tpu.memref_slice %arg9[%scan3A_232, %swap3A_285, %swap3A_286] : memref<2x128x128xf32, #tpu.memory_space<vmem>> -> memref<1x128x128xf32, #tpu.memory_space<vmem>>
      %swap3A_288 = tpu.memref_squeeze %swap3A_287 : memref<1x128x128xf32, #tpu.memory_space<vmem>> -> memref<128x128xf32, #tpu.memory_space<vmem>>
      %swap3A_289 = arith.index_cast %add3A_284 : i32 to index
      %swap3A_290 = arith.constant 0 : index
      %swap3A_291 = tpu.vector_load %swap3A_288[%swap3A_289, %swap3A_290] {strides = array<i32>} : memref<128x128xf32, #tpu.memory_space<vmem>>, vector<1x16xf32>,
      %swap3A_292 = vector.shape_cast %swap3A_291 : vector<1x16xf32> to vector<16xf32>
      %swap3A_293 = vector.shape_cast %broadcast_in_dim3A_0 : vector<16xf32> to vector<1x16xf32>
      tpu.vector_store %swap3A_288[%swap3A_289, %swap3A_290], %swap3A_293 {strides = array<i32>} : memref<128x128xf32, #tpu.memory_space<vmem>>, vector<1x16xf32>,
      %swap3A_294 = arith.constant 0 : i32
      %swap3A_295 = arith.constant 0 : i32
      %swap3A_296 = tpu.memref_slice %arg9[%scan3A_232, %swap3A_294, %swap3A_295] : memref<2x128x128xf32, #tpu.memory_space<vmem>> -> memref<1x128x128xf32, #tpu.memory_space<vmem>>
      %swap3A_297 = tpu.memref_squeeze %swap3A_296 : memref<1x128x128xf32, #tpu.memory_space<vmem>> -> memref<128x128xf32, #tpu.memory_space<vmem>>
      %swap3A_298 = arith.index_cast %add3A_284 : i32 to index
      %swap3A_299 = arith.constant 16 : index
      %swap3A_300 = tpu.vector_load %swap3A_297[%swap3A_298, %swap3A_299] {strides = array<i32>} : memref<128x128xf32, #tpu.memory_space<vmem>>, vector<1x16xf32>,
      %swap3A_301 = vector.shape_cast %swap3A_300 : vector<1x16xf32> to vector<16xf32>
      %swap3A_302 = vector.shape_cast %broadcast_in_dim3A_0 : vector<16xf32> to vector<1x16xf32>
      tpu.vector_store %swap3A_297[%swap3A_298, %swap3A_299], %swap3A_302 {strides = array<i32>} : memref<128x128xf32, #tpu.memory_space<vmem>>, vector<1x16xf32>,
      %swap3A_303 = arith.constant 0 : i32
      %swap3A_304 = arith.constant 0 : i32
      %swap3A_305 = tpu.memref_slice %arg9[%scan3A_232, %swap3A_303, %swap3A_304] : memref<2x128x128xf32, #tpu.memory_space<vmem>> -> memref<1x128x128xf32, #tpu.memory_space<vmem>>
      %swap3A_306 = tpu.memref_squeeze %swap3A_305 : memref<1x128x128xf32, #tpu.memory_space<vmem>> -> memref<128x128xf32, #tpu.memory_space<vmem>>
      %swap3A_307 = arith.index_cast %add3A_284 : i32 to index
      %swap3A_308 = arith.constant 32 : index
      %swap3A_309 = tpu.vector_load %swap3A_306[%swap3A_307, %swap3A_308] {strides = array<i32>} : memref<128x128xf32, #tpu.memory_space<vmem>>, vector<1x16xf32>,
      %swap3A_310 = vector.shape_cast %swap3A_309 : vector<1x16xf32> to vector<16xf32>
      %swap3A_311 = vector.shape_cast %broadcast_in_dim3A_0 : vector<16xf32> to vector<1x16xf32>
      tpu.vector_store %swap3A_306[%swap3A_307, %swap3A_308], %swap3A_311 {strides = array<i32>} : memref<128x128xf32, #tpu.memory_space<vmem>>, vector<1x16xf32>,
      %swap3A_312 = arith.constant 0 : i32
      %swap3A_313 = arith.constant 0 : i32
      %swap3A_314 = tpu.memref_slice %arg9[%scan3A_232, %swap3A_312, %swap3A_313] : memref<2x128x128xf32, #tpu.memory_space<vmem>> -> memref<1x128x128xf32, #tpu.memory_space<vmem>>
      %swap3A_315 = tpu.memref_squeeze %swap3A_314 : memref<1x128x128xf32, #tpu.memory_space<vmem>> -> memref<128x128xf32, #tpu.memory_space<vmem>>
      %swap3A_316 = arith.index_cast %add3A_284 : i32 to index
      %swap3A_317 = arith.constant 48 : index
      %swap3A_318 = tpu.vector_load %swap3A_315[%swap3A_316, %swap3A_317] {strides = array<i32>} : memref<128x128xf32, #tpu.memory_space<vmem>>, vector<1x16xf32>,
      %swap3A_319 = vector.shape_cast %swap3A_318 : vector<1x16xf32> to vector<16xf32>
      %swap3A_320 = vector.shape_cast %broadcast_in_dim3A_0 : vector<16xf32> to vector<1x16xf32>
      tpu.vector_store %swap3A_315[%swap3A_316, %swap3A_317], %swap3A_320 {strides = array<i32>} : memref<128x128xf32, #tpu.memory_space<vmem>>, vector<1x16xf32>,
      %swap3A_321 = arith.constant 0 : i32
      %swap3A_322 = arith.constant 0 : i32
      %swap3A_323 = tpu.memref_slice %arg9[%scan3A_232, %swap3A_321, %swap3A_322] : memref<2x128x128xf32, #tpu.memory_space<vmem>> -> memref<1x128x128xf32, #tpu.memory_space<vmem>>
      %swap3A_324 = tpu.memref_squeeze %swap3A_323 : memref<1x128x128xf32, #tpu.memory_space<vmem>> -> memref<128x128xf32, #tpu.memory_space<vmem>>
      %swap3A_325 = arith.index_cast %add3A_284 : i32 to index
      %swap3A_326 = arith.constant 64 : index
      %swap3A_327 = tpu.vector_load %swap3A_324[%swap3A_325, %swap3A_326] {strides = array<i32>} : memref<128x128xf32, #tpu.memory_space<vmem>>, vector<1x16xf32>,
      %swap3A_328 = vector.shape_cast %swap3A_327 : vector<1x16xf32> to vector<16xf32>
      %swap3A_329 = vector.shape_cast %broadcast_in_dim3A_0 : vector<16xf32> to vector<1x16xf32>
      tpu.vector_store %swap3A_324[%swap3A_325, %swap3A_326], %swap3A_329 {strides = array<i32>} : memref<128x128xf32, #tpu.memory_space<vmem>>, vector<1x16xf32>,
      %swap3A_330 = arith.constant 0 : i32
      %swap3A_331 = arith.constant 0 : i32
      %swap3A_332 = tpu.memref_slice %arg9[%scan3A_232, %swap3A_330, %swap3A_331] : memref<2x128x128xf32, #tpu.memory_space<vmem>> -> memref<1x128x128xf32, #tpu.memory_space<vmem>>
      %swap3A_333 = tpu.memref_squeeze %swap3A_332 : memref<1x128x128xf32, #tpu.memory_space<vmem>> -> memref<128x128xf32, #tpu.memory_space<vmem>>
      %swap3A_334 = arith.index_cast %add3A_284 : i32 to index
      %swap3A_335 = arith.constant 80 : index
      %swap3A_336 = tpu.vector_load %swap3A_333[%swap3A_334, %swap3A_335] {strides = array<i32>} : memref<128x128xf32, #tpu.memory_space<vmem>>, vector<1x16xf32>,
      %swap3A_337 = vector.shape_cast %swap3A_336 : vector<1x16xf32> to vector<16xf32>
      %swap3A_338 = vector.shape_cast %broadcast_in_dim3A_0 : vector<16xf32> to vector<1x16xf32>
      tpu.vector_store %swap3A_333[%swap3A_334, %swap3A_335], %swap3A_338 {strides = array<i32>} : memref<128x128xf32, #tpu.memory_space<vmem>>, vector<1x16xf32>,
      %swap3A_339 = arith.constant 0 : i32
      %swap3A_340 = arith.constant 0 : i32
      %swap3A_341 = tpu.memref_slice %arg9[%scan3A_232, %swap3A_339, %swap3A_340] : memref<2x128x128xf32, #tpu.memory_space<vmem>> -> memref<1x128x128xf32, #tpu.memory_space<vmem>>
      %swap3A_342 = tpu.memref_squeeze %swap3A_341 : memref<1x128x128xf32, #tpu.memory_space<vmem>> -> memref<128x128xf32, #tpu.memory_space<vmem>>
      %swap3A_343 = arith.index_cast %add3A_284 : i32 to index
      %swap3A_344 = arith.constant 96 : index
      %swap3A_345 = tpu.vector_load %swap3A_342[%swap3A_343, %swap3A_344] {strides = array<i32>} : memref<128x128xf32, #tpu.memory_space<vmem>>, vector<1x16xf32>,
      %swap3A_346 = vector.shape_cast %swap3A_345 : vector<1x16xf32> to vector<16xf32>
      %swap3A_347 = vector.shape_cast %broadcast_in_dim3A_0 : vector<16xf32> to vector<1x16xf32>
      tpu.vector_store %swap3A_342[%swap3A_343, %swap3A_344], %swap3A_347 {strides = array<i32>} : memref<128x128xf32, #tpu.memory_space<vmem>>, vector<1x16xf32>,
      %swap3A_348 = arith.constant 0 : i32
      %swap3A_349 = arith.constant 0 : i32
      %swap3A_350 = tpu.memref_slice %arg9[%scan3A_232, %swap3A_348, %swap3A_349] : memref<2x128x128xf32, #tpu.memory_space<vmem>> -> memref<1x128x128xf32, #tpu.memory_space<vmem>>
      %swap3A_351 = tpu.memref_squeeze %swap3A_350 : memref<1x128x128xf32, #tpu.memory_space<vmem>> -> memref<128x128xf32, #tpu.memory_space<vmem>>
      %swap3A_352 = arith.index_cast %add3A_284 : i32 to index
      %swap3A_353 = arith.constant 112 : index
      %swap3A_354 = tpu.vector_load %swap3A_351[%swap3A_352, %swap3A_353] {strides = array<i32>} : memref<128x128xf32, #tpu.memory_space<vmem>>, vector<1x16xf32>,
      %swap3A_355 = vector.shape_cast %swap3A_354 : vector<1x16xf32> to vector<16xf32>
      %swap3A_356 = vector.shape_cast %broadcast_in_dim3A_0 : vector<16xf32> to vector<1x16xf32>
      tpu.vector_store %swap3A_351[%swap3A_352, %swap3A_353], %swap3A_356 {strides = array<i32>} : memref<128x128xf32, #tpu.memory_space<vmem>>, vector<1x16xf32>,
    }
    %scan3A_237 = arith.constant 128 : i32
    %mul3A_238 = arith.constant 632 : i32
    %mul3A_239 = arith.muli %arg1, %mul3A_238 : i32
    %add3A_240 = arith.constant 0 : i32
    %add3A_241 = arith.addi %mul3A_239, %add3A_240 : i32
    %run_scoped3A_242 = arith.constant 0 : i32
    "tpu.region"() ({
      %run_scoped3A_280 = tpu.sem_alloc : memref<!tpu.dma_semaphore, #tpu.memory_space<semaphore_mem>>
      %dma_start3A_281 = arith.constant 0 : i32
      %dma_start3A_282 = arith.constant 0 : i32
      %dma_start3A_283 = tpu.memref_slice %arg9[%run_scoped3A_242, %dma_start3A_281, %dma_start3A_282] : memref<2x128x128xf32, #tpu.memory_space<vmem>> -> memref<1x128x128xf32, #tpu.memory_space<vmem>>
      %dma_start3A_284 = tpu.memref_squeeze %dma_start3A_283 : memref<1x128x128xf32, #tpu.memory_space<vmem>> -> memref<128x128xf32, #tpu.memory_space<vmem>>
      %dma_start3A_285 = arith.constant 0 : i32
      %dma_start3A_286 = tpu.memref_slice %arg10[%add3A_241, %dma_start3A_285] : memref<10112x128xf32, #tpu.memory_space<vmem_shared>> -> memref<128x128xf32, #tpu.memory_space<vmem_shared>>
      %dma_start3A_287 = arith.constant 0 : i32
      %dma_start3A_288 = tpu.memref_slice %arg10[%add3A_241, %dma_start3A_287] : memref<10112x128xf32, #tpu.memory_space<vmem_shared>> -> memref<128x128xf32, #tpu.memory_space<vmem_shared>>
      %dma_start3A_289 = arith.constant 0 : i32
      %dma_start3A_290 = arith.constant 0 : i32
      %dma_start3A_291 = tpu.memref_slice %arg9[%run_scoped3A_242, %dma_start3A_289, %dma_start3A_290] : memref<2x128x128xf32, #tpu.memory_space<vmem>> -> memref<1x128x128xf32, #tpu.memory_space<vmem>>
      %dma_start3A_292 = tpu.memref_squeeze %dma_start3A_291 : memref<1x128x128xf32, #tpu.memory_space<vmem>> -> memref<128x128xf32, #tpu.memory_space<vmem>>
      tpu.enqueue_dma source(%dma_start3A_292 : memref<128x128xf32, #tpu.memory_space<vmem>>) target(%dma_start3A_288 : memref<128x128xf32, #tpu.memory_space<vmem_shared>>) target_semaphore(%run_scoped3A_280 : memref<!tpu.dma_semaphore, #tpu.memory_space<semaphore_mem>>)
      %dma_wait3A = arith.constant 0 : i32
      %dma_wait3A_293 = arith.constant 0 : i32
      %dma_wait3A_294 = tpu.memref_slice %arg9[%run_scoped3A_242, %dma_wait3A, %dma_wait3A_293] : memref<2x128x128xf32, #tpu.memory_space<vmem>> -> memref<1x128x128xf32, #tpu.memory_space<vmem>>
      %dma_wait3A_295 = tpu.memref_squeeze %dma_wait3A_294 : memref<1x128x128xf32, #tpu.memory_space<vmem>> -> memref<128x128xf32, #tpu.memory_space<vmem>>
      %dma_wait3A_296 = arith.constant 0 : i32
      %dma_wait3A_297 = tpu.memref_slice %arg10[%add3A_241, %dma_wait3A_296] : memref<10112x128xf32, #tpu.memory_space<vmem_shared>> -> memref<128x128xf32, #tpu.memory_space<vmem_shared>>
      %dma_wait3A_298 = arith.constant 0 : i32
      %dma_wait3A_299 = tpu.memref_slice %arg10[%add3A_241, %dma_wait3A_298] : memref<10112x128xf32, #tpu.memory_space<vmem_shared>> -> memref<128x128xf32, #tpu.memory_space<vmem_shared>>
      %dma_wait3A_300 = arith.constant 0 : i32
      %dma_wait3A_301 = arith.constant 0 : i32
      %dma_wait3A_302 = tpu.memref_slice %arg9[%run_scoped3A_242, %dma_wait3A_300, %dma_wait3A_301] : memref<2x128x128xf32, #tpu.memory_space<vmem>> -> memref<1x128x128xf32, #tpu.memory_space<vmem>>
      %dma_wait3A_303 = tpu.memref_squeeze %dma_wait3A_302 : memref<1x128x128xf32, #tpu.memory_space<vmem>> -> memref<128x128xf32, #tpu.memory_space<vmem>>
      tpu.wait_dma2 semaphore(%run_scoped3A_280 : memref<!tpu.dma_semaphore, #tpu.memory_space<semaphore_mem>>) src(%dma_wait3A_303 : memref<128x128xf32, #tpu.memory_space<vmem>>) dst(%dma_wait3A_299 : memref<128x128xf32, #tpu.memory_space<vmem_shared>>)
      tpu.yield
    }) : () -> ()
    %mul3A_243 = arith.constant 632 : i32
    %mul3A_244 = arith.muli %arg1, %mul3A_243 : i32
    %add3A_245 = arith.constant 128 : i32
    %add3A_246 = arith.addi %mul3A_244, %add3A_245 : i32
    %run_scoped3A_247 = arith.constant 0 : i32
    "tpu.region"() ({
      %run_scoped3A_280 = tpu.sem_alloc : memref<!tpu.dma_semaphore, #tpu.memory_space<semaphore_mem>>
      %dma_start3A_281 = arith.constant 0 : i32
      %dma_start3A_282 = arith.constant 0 : i32
      %dma_start3A_283 = tpu.memref_slice %arg9[%run_scoped3A_247, %dma_start3A_281, %dma_start3A_282] : memref<2x128x128xf32, #tpu.memory_space<vmem>> -> memref<1x128x128xf32, #tpu.memory_space<vmem>>
      %dma_start3A_284 = tpu.memref_squeeze %dma_start3A_283 : memref<1x128x128xf32, #tpu.memory_space<vmem>> -> memref<128x128xf32, #tpu.memory_space<vmem>>
      %dma_start3A_285 = arith.constant 0 : i32
      %dma_start3A_286 = tpu.memref_slice %arg10[%add3A_246, %dma_start3A_285] : memref<10112x128xf32, #tpu.memory_space<vmem_shared>> -> memref<128x128xf32, #tpu.memory_space<vmem_shared>>
      %dma_start3A_287 = arith.constant 0 : i32
      %dma_start3A_288 = tpu.memref_slice %arg10[%add3A_246, %dma_start3A_287] : memref<10112x128xf32, #tpu.memory_space<vmem_shared>> -> memref<128x128xf32, #tpu.memory_space<vmem_shared>>
      %dma_start3A_289 = arith.constant 0 : i32
      %dma_start3A_290 = arith.constant 0 : i32
      %dma_start3A_291 = tpu.memref_slice %arg9[%run_scoped3A_247, %dma_start3A_289, %dma_start3A_290] : memref<2x128x128xf32, #tpu.memory_space<vmem>> -> memref<1x128x128xf32, #tpu.memory_space<vmem>>
      %dma_start3A_292 = tpu.memref_squeeze %dma_start3A_291 : memref<1x128x128xf32, #tpu.memory_space<vmem>> -> memref<128x128xf32, #tpu.memory_space<vmem>>
      tpu.enqueue_dma source(%dma_start3A_292 : memref<128x128xf32, #tpu.memory_space<vmem>>) target(%dma_start3A_288 : memref<128x128xf32, #tpu.memory_space<vmem_shared>>) target_semaphore(%run_scoped3A_280 : memref<!tpu.dma_semaphore, #tpu.memory_space<semaphore_mem>>)
      %dma_wait3A = arith.constant 0 : i32
      %dma_wait3A_293 = arith.constant 0 : i32
      %dma_wait3A_294 = tpu.memref_slice %arg9[%run_scoped3A_247, %dma_wait3A, %dma_wait3A_293] : memref<2x128x128xf32, #tpu.memory_space<vmem>> -> memref<1x128x128xf32, #tpu.memory_space<vmem>>
      %dma_wait3A_295 = tpu.memref_squeeze %dma_wait3A_294 : memref<1x128x128xf32, #tpu.memory_space<vmem>> -> memref<128x128xf32, #tpu.memory_space<vmem>>
      %dma_wait3A_296 = arith.constant 0 : i32
      %dma_wait3A_297 = tpu.memref_slice %arg10[%add3A_246, %dma_wait3A_296] : memref<10112x128xf32, #tpu.memory_space<vmem_shared>> -> memref<128x128xf32, #tpu.memory_space<vmem_shared>>
      %dma_wait3A_298 = arith.constant 0 : i32
      %dma_wait3A_299 = tpu.memref_slice %arg10[%add3A_246, %dma_wait3A_298] : memref<10112x128xf32, #tpu.memory_space<vmem_shared>> -> memref<128x128xf32, #tpu.memory_space<vmem_shared>>
      %dma_wait3A_300 = arith.constant 0 : i32
      %dma_wait3A_301 = arith.constant 0 : i32
      %dma_wait3A_302 = tpu.memref_slice %arg9[%run_scoped3A_247, %dma_wait3A_300, %dma_wait3A_301] : memref<2x128x128xf32, #tpu.memory_space<vmem>> -> memref<1x128x128xf32, #tpu.memory_space<vmem>>
      %dma_wait3A_303 = tpu.memref_squeeze %dma_wait3A_302 : memref<1x128x128xf32, #tpu.memory_space<vmem>> -> memref<128x128xf32, #tpu.memory_space<vmem>>
      tpu.wait_dma2 semaphore(%run_scoped3A_280 : memref<!tpu.dma_semaphore, #tpu.memory_space<semaphore_mem>>) src(%dma_wait3A_303 : memref<128x128xf32, #tpu.memory_space<vmem>>) dst(%dma_wait3A_299 : memref<128x128xf32, #tpu.memory_space<vmem_shared>>)
      tpu.yield
    }) : () -> ()
    %mul3A_248 = arith.constant 632 : i32
    %mul3A_249 = arith.muli %arg1, %mul3A_248 : i32
    %add3A_250 = arith.constant 256 : i32
    %add3A_251 = arith.addi %mul3A_249, %add3A_250 : i32
    %run_scoped3A_252 = arith.constant 0 : i32
    "tpu.region"() ({
      %run_scoped3A_280 = tpu.sem_alloc : memref<!tpu.dma_semaphore, #tpu.memory_space<semaphore_mem>>
      %dma_start3A_281 = arith.constant 0 : i32
      %dma_start3A_282 = arith.constant 0 : i32
      %dma_start3A_283 = tpu.memref_slice %arg9[%run_scoped3A_252, %dma_start3A_281, %dma_start3A_282] : memref<2x128x128xf32, #tpu.memory_space<vmem>> -> memref<1x128x128xf32, #tpu.memory_space<vmem>>
      %dma_start3A_284 = tpu.memref_squeeze %dma_start3A_283 : memref<1x128x128xf32, #tpu.memory_space<vmem>> -> memref<128x128xf32, #tpu.memory_space<vmem>>
      %dma_start3A_285 = arith.constant 0 : i32
      %dma_start3A_286 = tpu.memref_slice %arg10[%add3A_251, %dma_start3A_285] : memref<10112x128xf32, #tpu.memory_space<vmem_shared>> -> memref<128x128xf32, #tpu.memory_space<vmem_shared>>
      %dma_start3A_287 = arith.constant 0 : i32
      %dma_start3A_288 = tpu.memref_slice %arg10[%add3A_251, %dma_start3A_287] : memref<10112x128xf32, #tpu.memory_space<vmem_shared>> -> memref<128x128xf32, #tpu.memory_space<vmem_shared>>
      %dma_start3A_289 = arith.constant 0 : i32
      %dma_start3A_290 = arith.constant 0 : i32
      %dma_start3A_291 = tpu.memref_slice %arg9[%run_scoped3A_252, %dma_start3A_289, %dma_start3A_290] : memref<2x128x128xf32, #tpu.memory_space<vmem>> -> memref<1x128x128xf32, #tpu.memory_space<vmem>>
      %dma_start3A_292 = tpu.memref_squeeze %dma_start3A_291 : memref<1x128x128xf32, #tpu.memory_space<vmem>> -> memref<128x128xf32, #tpu.memory_space<vmem>>
      tpu.enqueue_dma source(%dma_start3A_292 : memref<128x128xf32, #tpu.memory_space<vmem>>) target(%dma_start3A_288 : memref<128x128xf32, #tpu.memory_space<vmem_shared>>) target_semaphore(%run_scoped3A_280 : memref<!tpu.dma_semaphore, #tpu.memory_space<semaphore_mem>>)
      %dma_wait3A = arith.constant 0 : i32
      %dma_wait3A_293 = arith.constant 0 : i32
      %dma_wait3A_294 = tpu.memref_slice %arg9[%run_scoped3A_252, %dma_wait3A, %dma_wait3A_293] : memref<2x128x128xf32, #tpu.memory_space<vmem>> -> memref<1x128x128xf32, #tpu.memory_space<vmem>>
      %dma_wait3A_295 = tpu.memref_squeeze %dma_wait3A_294 : memref<1x128x128xf32, #tpu.memory_space<vmem>> -> memref<128x128xf32, #tpu.memory_space<vmem>>
      %dma_wait3A_296 = arith.constant 0 : i32
      %dma_wait3A_297 = tpu.memref_slice %arg10[%add3A_251, %dma_wait3A_296] : memref<10112x128xf32, #tpu.memory_space<vmem_shared>> -> memref<128x128xf32, #tpu.memory_space<vmem_shared>>
      %dma_wait3A_298 = arith.constant 0 : i32
      %dma_wait3A_299 = tpu.memref_slice %arg10[%add3A_251, %dma_wait3A_298] : memref<10112x128xf32, #tpu.memory_space<vmem_shared>> -> memref<128x128xf32, #tpu.memory_space<vmem_shared>>
      %dma_wait3A_300 = arith.constant 0 : i32
      %dma_wait3A_301 = arith.constant 0 : i32
      %dma_wait3A_302 = tpu.memref_slice %arg9[%run_scoped3A_252, %dma_wait3A_300, %dma_wait3A_301] : memref<2x128x128xf32, #tpu.memory_space<vmem>> -> memref<1x128x128xf32, #tpu.memory_space<vmem>>
      %dma_wait3A_303 = tpu.memref_squeeze %dma_wait3A_302 : memref<1x128x128xf32, #tpu.memory_space<vmem>> -> memref<128x128xf32, #tpu.memory_space<vmem>>
      tpu.wait_dma2 semaphore(%run_scoped3A_280 : memref<!tpu.dma_semaphore, #tpu.memory_space<semaphore_mem>>) src(%dma_wait3A_303 : memref<128x128xf32, #tpu.memory_space<vmem>>) dst(%dma_wait3A_299 : memref<128x128xf32, #tpu.memory_space<vmem_shared>>)
      tpu.yield
    }) : () -> ()
    %mul3A_253 = arith.constant 632 : i32
    %mul3A_254 = arith.muli %arg1, %mul3A_253 : i32
    %add3A_255 = arith.constant 384 : i32
    %add3A_256 = arith.addi %mul3A_254, %add3A_255 : i32
    %run_scoped3A_257 = arith.constant 0 : i32
    "tpu.region"() ({
      %run_scoped3A_280 = tpu.sem_alloc : memref<!tpu.dma_semaphore, #tpu.memory_space<semaphore_mem>>
      %dma_start3A_281 = arith.constant 0 : i32
      %dma_start3A_282 = arith.constant 0 : i32
      %dma_start3A_283 = tpu.memref_slice %arg9[%run_scoped3A_257, %dma_start3A_281, %dma_start3A_282] : memref<2x128x128xf32, #tpu.memory_space<vmem>> -> memref<1x128x128xf32, #tpu.memory_space<vmem>>
      %dma_start3A_284 = tpu.memref_squeeze %dma_start3A_283 : memref<1x128x128xf32, #tpu.memory_space<vmem>> -> memref<128x128xf32, #tpu.memory_space<vmem>>
      %dma_start3A_285 = arith.constant 0 : i32
      %dma_start3A_286 = tpu.memref_slice %arg10[%add3A_256, %dma_start3A_285] : memref<10112x128xf32, #tpu.memory_space<vmem_shared>> -> memref<128x128xf32, #tpu.memory_space<vmem_shared>>
      %dma_start3A_287 = arith.constant 0 : i32
      %dma_start3A_288 = tpu.memref_slice %arg10[%add3A_256, %dma_start3A_287] : memref<10112x128xf32, #tpu.memory_space<vmem_shared>> -> memref<128x128xf32, #tpu.memory_space<vmem_shared>>
      %dma_start3A_289 = arith.constant 0 : i32
      %dma_start3A_290 = arith.constant 0 : i32
      %dma_start3A_291 = tpu.memref_slice %arg9[%run_scoped3A_257, %dma_start3A_289, %dma_start3A_290] : memref<2x128x128xf32, #tpu.memory_space<vmem>> -> memref<1x128x128xf32, #tpu.memory_space<vmem>>
      %dma_start3A_292 = tpu.memref_squeeze %dma_start3A_291 : memref<1x128x128xf32, #tpu.memory_space<vmem>> -> memref<128x128xf32, #tpu.memory_space<vmem>>
      tpu.enqueue_dma source(%dma_start3A_292 : memref<128x128xf32, #tpu.memory_space<vmem>>) target(%dma_start3A_288 : memref<128x128xf32, #tpu.memory_space<vmem_shared>>) target_semaphore(%run_scoped3A_280 : memref<!tpu.dma_semaphore, #tpu.memory_space<semaphore_mem>>)
      %dma_wait3A = arith.constant 0 : i32
      %dma_wait3A_293 = arith.constant 0 : i32
      %dma_wait3A_294 = tpu.memref_slice %arg9[%run_scoped3A_257, %dma_wait3A, %dma_wait3A_293] : memref<2x128x128xf32, #tpu.memory_space<vmem>> -> memref<1x128x128xf32, #tpu.memory_space<vmem>>
      %dma_wait3A_295 = tpu.memref_squeeze %dma_wait3A_294 : memref<1x128x128xf32, #tpu.memory_space<vmem>> -> memref<128x128xf32, #tpu.memory_space<vmem>>
      %dma_wait3A_296 = arith.constant 0 : i32
      %dma_wait3A_297 = tpu.memref_slice %arg10[%add3A_256, %dma_wait3A_296] : memref<10112x128xf32, #tpu.memory_space<vmem_shared>> -> memref<128x128xf32, #tpu.memory_space<vmem_shared>>
      %dma_wait3A_298 = arith.constant 0 : i32
      %dma_wait3A_299 = tpu.memref_slice %arg10[%add3A_256, %dma_wait3A_298] : memref<10112x128xf32, #tpu.memory_space<vmem_shared>> -> memref<128x128xf32, #tpu.memory_space<vmem_shared>>
      %dma_wait3A_300 = arith.constant 0 : i32
      %dma_wait3A_301 = arith.constant 0 : i32
      %dma_wait3A_302 = tpu.memref_slice %arg9[%run_scoped3A_257, %dma_wait3A_300, %dma_wait3A_301] : memref<2x128x128xf32, #tpu.memory_space<vmem>> -> memref<1x128x128xf32, #tpu.memory_space<vmem>>
      %dma_wait3A_303 = tpu.memref_squeeze %dma_wait3A_302 : memref<1x128x128xf32, #tpu.memory_space<vmem>> -> memref<128x128xf32, #tpu.memory_space<vmem>>
      tpu.wait_dma2 semaphore(%run_scoped3A_280 : memref<!tpu.dma_semaphore, #tpu.memory_space<semaphore_mem>>) src(%dma_wait3A_303 : memref<128x128xf32, #tpu.memory_space<vmem>>) dst(%dma_wait3A_299 : memref<128x128xf32, #tpu.memory_space<vmem_shared>>)
      tpu.yield
    }) : () -> ()
    %mul3A_258 = arith.constant 632 : i32
    %mul3A_259 = arith.muli %arg1, %mul3A_258 : i32
    %add3A_260 = arith.constant 512 : i32
    %add3A_261 = arith.addi %mul3A_259, %add3A_260 : i32
    %run_scoped3A_262 = arith.constant 0 : i32
    "tpu.region"() ({
      %run_scoped3A_280 = tpu.sem_alloc : memref<!tpu.dma_semaphore, #tpu.memory_space<semaphore_mem>>
      %dma_start3A_281 = arith.constant 0 : i32
      %dma_start3A_282 = arith.constant 0 : i32
      %dma_start3A_283 = tpu.memref_slice %arg9[%run_scoped3A_262, %dma_start3A_281, %dma_start3A_282] : memref<2x128x128xf32, #tpu.memory_space<vmem>> -> memref<1x128x128xf32, #tpu.memory_space<vmem>>
      %dma_start3A_284 = tpu.memref_squeeze %dma_start3A_283 : memref<1x128x128xf32, #tpu.memory_space<vmem>> -> memref<128x128xf32, #tpu.memory_space<vmem>>
      %dma_start3A_285 = arith.constant 0 : i32
      %dma_start3A_286 = arith.constant 0 : i32
      %dma_start3A_287 = tpu.memref_slice %dma_start3A_284[%dma_start3A_285, %dma_start3A_286] : memref<128x128xf32, #tpu.memory_space<vmem>> -> memref<120x128xf32, #tpu.memory_space<vmem>>
      %dma_start3A_288 = arith.constant 0 : i32
      %dma_start3A_289 = tpu.memref_slice %arg10[%add3A_261, %dma_start3A_288] : memref<10112x128xf32, #tpu.memory_space<vmem_shared>> -> memref<120x128xf32, #tpu.memory_space<vmem_shared>>
      %dma_start3A_290 = arith.constant 0 : i32
      %dma_start3A_291 = tpu.memref_slice %arg10[%add3A_261, %dma_start3A_290] : memref<10112x128xf32, #tpu.memory_space<vmem_shared>> -> memref<120x128xf32, #tpu.memory_space<vmem_shared>>
      %dma_start3A_292 = arith.constant 0 : i32
      %dma_start3A_293 = arith.constant 0 : i32
      %dma_start3A_294 = tpu.memref_slice %arg9[%run_scoped3A_262, %dma_start3A_292, %dma_start3A_293] : memref<2x128x128xf32, #tpu.memory_space<vmem>> -> memref<1x128x128xf32, #tpu.memory_space<vmem>>
      %dma_start3A_295 = tpu.memref_squeeze %dma_start3A_294 : memref<1x128x128xf32, #tpu.memory_space<vmem>> -> memref<128x128xf32, #tpu.memory_space<vmem>>
      %dma_start3A_296 = arith.constant 0 : i32
      %dma_start3A_297 = arith.constant 0 : i32
      %dma_start3A_298 = tpu.memref_slice %dma_start3A_295[%dma_start3A_296, %dma_start3A_297] : memref<128x128xf32, #tpu.memory_space<vmem>> -> memref<120x128xf32, #tpu.memory_space<vmem>>
      tpu.enqueue_dma source(%dma_start3A_298 : memref<120x128xf32, #tpu.memory_space<vmem>>) target(%dma_start3A_291 : memref<120x128xf32, #tpu.memory_space<vmem_shared>>) target_semaphore(%run_scoped3A_280 : memref<!tpu.dma_semaphore, #tpu.memory_space<semaphore_mem>>)
      %dma_wait3A = arith.constant 0 : i32
      %dma_wait3A_299 = arith.constant 0 : i32
      %dma_wait3A_300 = tpu.memref_slice %arg9[%run_scoped3A_262, %dma_wait3A, %dma_wait3A_299] : memref<2x128x128xf32, #tpu.memory_space<vmem>> -> memref<1x128x128xf32, #tpu.memory_space<vmem>>
      %dma_wait3A_301 = tpu.memref_squeeze %dma_wait3A_300 : memref<1x128x128xf32, #tpu.memory_space<vmem>> -> memref<128x128xf32, #tpu.memory_space<vmem>>
      %dma_wait3A_302 = arith.constant 0 : i32
      %dma_wait3A_303 = arith.constant 0 : i32
      %dma_wait3A_304 = tpu.memref_slice %dma_wait3A_301[%dma_wait3A_302, %dma_wait3A_303] : memref<128x128xf32, #tpu.memory_space<vmem>> -> memref<120x128xf32, #tpu.memory_space<vmem>>
      %dma_wait3A_305 = arith.constant 0 : i32
      %dma_wait3A_306 = tpu.memref_slice %arg10[%add3A_261, %dma_wait3A_305] : memref<10112x128xf32, #tpu.memory_space<vmem_shared>> -> memref<120x128xf32, #tpu.memory_space<vmem_shared>>
      %dma_wait3A_307 = arith.constant 0 : i32
      %dma_wait3A_308 = tpu.memref_slice %arg10[%add3A_261, %dma_wait3A_307] : memref<10112x128xf32, #tpu.memory_space<vmem_shared>> -> memref<120x128xf32, #tpu.memory_space<vmem_shared>>
      %dma_wait3A_309 = arith.constant 0 : i32
      %dma_wait3A_310 = arith.constant 0 : i32
      %dma_wait3A_311 = tpu.memref_slice %arg9[%run_scoped3A_262, %dma_wait3A_309, %dma_wait3A_310] : memref<2x128x128xf32, #tpu.memory_space<vmem>> -> memref<1x128x128xf32, #tpu.memory_space<vmem>>
      %dma_wait3A_312 = tpu.memref_squeeze %dma_wait3A_311 : memref<1x128x128xf32, #tpu.memory_space<vmem>> -> memref<128x128xf32, #tpu.memory_space<vmem>>
      %dma_wait3A_313 = arith.constant 0 : i32
      %dma_wait3A_314 = arith.constant 0 : i32
      %dma_wait3A_315 = tpu.memref_slice %dma_wait3A_312[%dma_wait3A_313, %dma_wait3A_314] : memref<128x128xf32, #tpu.memory_space<vmem>> -> memref<120x128xf32, #tpu.memory_space<vmem>>
      tpu.wait_dma2 semaphore(%run_scoped3A_280 : memref<!tpu.dma_semaphore, #tpu.memory_space<semaphore_mem>>) src(%dma_wait3A_315 : memref<120x128xf32, #tpu.memory_space<vmem>>) dst(%dma_wait3A_308 : memref<120x128xf32, #tpu.memory_space<vmem_shared>>)
      tpu.yield
    }) : () -> ()
    %barrier3A_263 = arith.constant 0 : index
    tpu.barrier barrier_id(%barrier3A_263)
    %scan3A_264 = arith.constant 0 : i32
    %scan3A_265 = arith.constant 0 : i32
    %scan3A_266 = arith.constant 128 : i32
    %scan3A_267 = arith.addi %scan3A_265, %scan3A_266 : i32
    %scan3A_268 = arith.constant 1 : i32
    scf.for %scan3A_280 = %scan3A_265 to %scan3A_267 step %scan3A_268  : i32 {
      %mul3A_281 = arith.constant 1 : i32
      %mul3A_282 = arith.muli %scan3A_280, %mul3A_281 : i32
      %add3A_283 = arith.constant 0 : i32
      %add3A_284 = arith.addi %add3A_283, %mul3A_282 : i32
      %swap3A_285 = arith.constant 0 : i32
      %swap3A_286 = arith.constant 0 : i32
      %swap3A_287 = tpu.memref_slice %arg9[%scan3A_264, %swap3A_285, %swap3A_286] : memref<2x128x128xf32, #tpu.memory_space<vmem>> -> memref<1x128x128xf32, #tpu.memory_space<vmem>>
      %swap3A_288 = tpu.memref_squeeze %swap3A_287 : memref<1x128x128xf32, #tpu.memory_space<vmem>> -> memref<128x128xf32, #tpu.memory_space<vmem>>
      %swap3A_289 = arith.index_cast %add3A_284 : i32 to index
      %swap3A_290 = arith.constant 0 : index
      %swap3A_291 = tpu.vector_load %swap3A_288[%swap3A_289, %swap3A_290] {strides = array<i32>} : memref<128x128xf32, #tpu.memory_space<vmem>>, vector<1x16xf32>,
      %swap3A_292 = vector.shape_cast %swap3A_291 : vector<1x16xf32> to vector<16xf32>
      %swap3A_293 = vector.shape_cast %broadcast_in_dim3A_2 : vector<16xf32> to vector<1x16xf32>
      tpu.vector_store %swap3A_288[%swap3A_289, %swap3A_290], %swap3A_293 {strides = array<i32>} : memref<128x128xf32, #tpu.memory_space<vmem>>, vector<1x16xf32>,
      %swap3A_294 = arith.constant 0 : i32
      %swap3A_295 = arith.constant 0 : i32
      %swap3A_296 = tpu.memref_slice %arg9[%scan3A_264, %swap3A_294, %swap3A_295] : memref<2x128x128xf32, #tpu.memory_space<vmem>> -> memref<1x128x128xf32, #tpu.memory_space<vmem>>
      %swap3A_297 = tpu.memref_squeeze %swap3A_296 : memref<1x128x128xf32, #tpu.memory_space<vmem>> -> memref<128x128xf32, #tpu.memory_space<vmem>>
      %swap3A_298 = arith.index_cast %add3A_284 : i32 to index
      %swap3A_299 = arith.constant 16 : index
      %swap3A_300 = tpu.vector_load %swap3A_297[%swap3A_298, %swap3A_299] {strides = array<i32>} : memref<128x128xf32, #tpu.memory_space<vmem>>, vector<1x16xf32>,
      %swap3A_301 = vector.shape_cast %swap3A_300 : vector<1x16xf32> to vector<16xf32>
      %swap3A_302 = vector.shape_cast %broadcast_in_dim3A_2 : vector<16xf32> to vector<1x16xf32>
      tpu.vector_store %swap3A_297[%swap3A_298, %swap3A_299], %swap3A_302 {strides = array<i32>} : memref<128x128xf32, #tpu.memory_space<vmem>>, vector<1x16xf32>,
      %swap3A_303 = arith.constant 0 : i32
      %swap3A_304 = arith.constant 0 : i32
      %swap3A_305 = tpu.memref_slice %arg9[%scan3A_264, %swap3A_303, %swap3A_304] : memref<2x128x128xf32, #tpu.memory_space<vmem>> -> memref<1x128x128xf32, #tpu.memory_space<vmem>>
      %swap3A_306 = tpu.memref_squeeze %swap3A_305 : memref<1x128x128xf32, #tpu.memory_space<vmem>> -> memref<128x128xf32, #tpu.memory_space<vmem>>
      %swap3A_307 = arith.index_cast %add3A_284 : i32 to index
      %swap3A_308 = arith.constant 32 : index
      %swap3A_309 = tpu.vector_load %swap3A_306[%swap3A_307, %swap3A_308] {strides = array<i32>} : memref<128x128xf32, #tpu.memory_space<vmem>>, vector<1x16xf32>,
      %swap3A_310 = vector.shape_cast %swap3A_309 : vector<1x16xf32> to vector<16xf32>
      %swap3A_311 = vector.shape_cast %broadcast_in_dim3A_2 : vector<16xf32> to vector<1x16xf32>
      tpu.vector_store %swap3A_306[%swap3A_307, %swap3A_308], %swap3A_311 {strides = array<i32>} : memref<128x128xf32, #tpu.memory_space<vmem>>, vector<1x16xf32>,
      %swap3A_312 = arith.constant 0 : i32
      %swap3A_313 = arith.constant 0 : i32
      %swap3A_314 = tpu.memref_slice %arg9[%scan3A_264, %swap3A_312, %swap3A_313] : memref<2x128x128xf32, #tpu.memory_space<vmem>> -> memref<1x128x128xf32, #tpu.memory_space<vmem>>
      %swap3A_315 = tpu.memref_squeeze %swap3A_314 : memref<1x128x128xf32, #tpu.memory_space<vmem>> -> memref<128x128xf32, #tpu.memory_space<vmem>>
      %swap3A_316 = arith.index_cast %add3A_284 : i32 to index
      %swap3A_317 = arith.constant 48 : index
      %swap3A_318 = tpu.vector_load %swap3A_315[%swap3A_316, %swap3A_317] {strides = array<i32>} : memref<128x128xf32, #tpu.memory_space<vmem>>, vector<1x16xf32>,
      %swap3A_319 = vector.shape_cast %swap3A_318 : vector<1x16xf32> to vector<16xf32>
      %swap3A_320 = vector.shape_cast %broadcast_in_dim3A_2 : vector<16xf32> to vector<1x16xf32>
      tpu.vector_store %swap3A_315[%swap3A_316, %swap3A_317], %swap3A_320 {strides = array<i32>} : memref<128x128xf32, #tpu.memory_space<vmem>>, vector<1x16xf32>,
      %swap3A_321 = arith.constant 0 : i32
      %swap3A_322 = arith.constant 0 : i32
      %swap3A_323 = tpu.memref_slice %arg9[%scan3A_264, %swap3A_321, %swap3A_322] : memref<2x128x128xf32, #tpu.memory_space<vmem>> -> memref<1x128x128xf32, #tpu.memory_space<vmem>>
      %swap3A_324 = tpu.memref_squeeze %swap3A_323 : memref<1x128x128xf32, #tpu.memory_space<vmem>> -> memref<128x128xf32, #tpu.memory_space<vmem>>
      %swap3A_325 = arith.index_cast %add3A_284 : i32 to index
      %swap3A_326 = arith.constant 64 : index
      %swap3A_327 = tpu.vector_load %swap3A_324[%swap3A_325, %swap3A_326] {strides = array<i32>} : memref<128x128xf32, #tpu.memory_space<vmem>>, vector<1x16xf32>,
      %swap3A_328 = vector.shape_cast %swap3A_327 : vector<1x16xf32> to vector<16xf32>
      %swap3A_329 = vector.shape_cast %broadcast_in_dim3A_2 : vector<16xf32> to vector<1x16xf32>
      tpu.vector_store %swap3A_324[%swap3A_325, %swap3A_326], %swap3A_329 {strides = array<i32>} : memref<128x128xf32, #tpu.memory_space<vmem>>, vector<1x16xf32>,
      %swap3A_330 = arith.constant 0 : i32
      %swap3A_331 = arith.constant 0 : i32
      %swap3A_332 = tpu.memref_slice %arg9[%scan3A_264, %swap3A_330, %swap3A_331] : memref<2x128x128xf32, #tpu.memory_space<vmem>> -> memref<1x128x128xf32, #tpu.memory_space<vmem>>
      %swap3A_333 = tpu.memref_squeeze %swap3A_332 : memref<1x128x128xf32, #tpu.memory_space<vmem>> -> memref<128x128xf32, #tpu.memory_space<vmem>>
      %swap3A_334 = arith.index_cast %add3A_284 : i32 to index
      %swap3A_335 = arith.constant 80 : index
      %swap3A_336 = tpu.vector_load %swap3A_333[%swap3A_334, %swap3A_335] {strides = array<i32>} : memref<128x128xf32, #tpu.memory_space<vmem>>, vector<1x16xf32>,
      %swap3A_337 = vector.shape_cast %swap3A_336 : vector<1x16xf32> to vector<16xf32>
      %swap3A_338 = vector.shape_cast %broadcast_in_dim3A_2 : vector<16xf32> to vector<1x16xf32>
      tpu.vector_store %swap3A_333[%swap3A_334, %swap3A_335], %swap3A_338 {strides = array<i32>} : memref<128x128xf32, #tpu.memory_space<vmem>>, vector<1x16xf32>,
      %swap3A_339 = arith.constant 0 : i32
      %swap3A_340 = arith.constant 0 : i32
      %swap3A_341 = tpu.memref_slice %arg9[%scan3A_264, %swap3A_339, %swap3A_340] : memref<2x128x128xf32, #tpu.memory_space<vmem>> -> memref<1x128x128xf32, #tpu.memory_space<vmem>>
      %swap3A_342 = tpu.memref_squeeze %swap3A_341 : memref<1x128x128xf32, #tpu.memory_space<vmem>> -> memref<128x128xf32, #tpu.memory_space<vmem>>
      %swap3A_343 = arith.index_cast %add3A_284 : i32 to index
      %swap3A_344 = arith.constant 96 : index
      %swap3A_345 = tpu.vector_load %swap3A_342[%swap3A_343, %swap3A_344] {strides = array<i32>} : memref<128x128xf32, #tpu.memory_space<vmem>>, vector<1x16xf32>,
      %swap3A_346 = vector.shape_cast %swap3A_345 : vector<1x16xf32> to vector<16xf32>
      %swap3A_347 = vector.shape_cast %broadcast_in_dim3A_2 : vector<16xf32> to vector<1x16xf32>
      tpu.vector_store %swap3A_342[%swap3A_343, %swap3A_344], %swap3A_347 {strides = array<i32>} : memref<128x128xf32, #tpu.memory_space<vmem>>, vector<1x16xf32>,
      %swap3A_348 = arith.constant 0 : i32
      %swap3A_349 = arith.constant 0 : i32
      %swap3A_350 = tpu.memref_slice %arg9[%scan3A_264, %swap3A_348, %swap3A_349] : memref<2x128x128xf32, #tpu.memory_space<vmem>> -> memref<1x128x128xf32, #tpu.memory_space<vmem>>
      %swap3A_351 = tpu.memref_squeeze %swap3A_350 : memref<1x128x128xf32, #tpu.memory_space<vmem>> -> memref<128x128xf32, #tpu.memory_space<vmem>>
      %swap3A_352 = arith.index_cast %add3A_284 : i32 to index
      %swap3A_353 = arith.constant 112 : index
      %swap3A_354 = tpu.vector_load %swap3A_351[%swap3A_352, %swap3A_353] {strides = array<i32>} : memref<128x128xf32, #tpu.memory_space<vmem>>, vector<1x16xf32>,
      %swap3A_355 = vector.shape_cast %swap3A_354 : vector<1x16xf32> to vector<16xf32>
      %swap3A_356 = vector.shape_cast %broadcast_in_dim3A_2 : vector<16xf32> to vector<1x16xf32>
      tpu.vector_store %swap3A_351[%swap3A_352, %swap3A_353], %swap3A_356 {strides = array<i32>} : memref<128x128xf32, #tpu.memory_space<vmem>>, vector<1x16xf32>,
    }
    %scan3A_269 = arith.constant 128 : i32
    %scan3A_270 = arith.constant 0 : i32
    %scan3A_271 = arith.constant 79 : i32
    %scan3A_272 = arith.addi %scan3A_270, %scan3A_271 : i32
    %scan3A_273 = arith.constant 1 : i32
    scf.for %scan3A_280 = %scan3A_270 to %scan3A_272 step %scan3A_273  : i32 {
      %mul3A_281 = arith.constant 1 : i32
      %mul3A_282 = arith.muli %scan3A_280, %mul3A_281 : i32
      %add3A_283 = arith.constant 0 : i32
      %add3A_284 = arith.addi %add3A_283, %mul3A_282 : i32
      %get3A_285 = arith.index_cast %add3A_284 : i32 to index
      %get3A_286 = arith.constant 0 : index
      %get3A_287 = tpu.vector_load %arg6[%get3A_285, %get3A_286] {strides = array<i32>} : memref<79x128xi32, #tpu.memory_space<vmem>>, vector<1x16xi32>,
      %get3A_288 = vector.shape_cast %get3A_287 : vector<1x16xi32> to vector<16xi32>
      %shift_right_arithmetic3A_289 = arith.constant 14 : i32
      %shift_right_arithmetic3A_290 = vector.broadcast %shift_right_arithmetic3A_289 : i32 to vector<16xi32>
      %shift_right_arithmetic3A_291 = arith.shrsi %get3A_288, %shift_right_arithmetic3A_290 : vector<16xi32>
      %swap3A_292 = arith.constant 0 : i32
      %swap3A_293 = arith.index_cast %swap3A_292 : i32 to index
      %swap3A_294 = arith.constant 0 : index
      %swap3A_295 = tpu.vector_load %arg8[%swap3A_293, %swap3A_294] {strides = array<i32>} : memref<2x128xi32, #tpu.memory_space<vmem>>, vector<1x16xi32>,
      %swap3A_296 = vector.shape_cast %swap3A_295 : vector<1x16xi32> to vector<16xi32>
      %swap3A_297 = vector.shape_cast %shift_right_arithmetic3A_291 : vector<16xi32> to vector<1x16xi32>
      tpu.vector_store %arg8[%swap3A_293, %swap3A_294], %swap3A_297 {strides = array<i32>} : memref<2x128xi32, #tpu.memory_space<vmem>>, vector<1x16xi32>,
      %get3A_298 = arith.index_cast %add3A_284 : i32 to index
      %get3A_299 = arith.constant 16 : index
      %get3A_300 = tpu.vector_load %arg6[%get3A_298, %get3A_299] {strides = array<i32>} : memref<79x128xi32, #tpu.memory_space<vmem>>, vector<1x16xi32>,
      %get3A_301 = vector.shape_cast %get3A_300 : vector<1x16xi32> to vector<16xi32>
      %shift_right_arithmetic3A_302 = arith.constant 14 : i32
      %shift_right_arithmetic3A_303 = vector.broadcast %shift_right_arithmetic3A_302 : i32 to vector<16xi32>
      %shift_right_arithmetic3A_304 = arith.shrsi %get3A_301, %shift_right_arithmetic3A_303 : vector<16xi32>
      %swap3A_305 = arith.constant 0 : i32
      %swap3A_306 = arith.index_cast %swap3A_305 : i32 to index
      %swap3A_307 = arith.constant 16 : index
      %swap3A_308 = tpu.vector_load %arg8[%swap3A_306, %swap3A_307] {strides = array<i32>} : memref<2x128xi32, #tpu.memory_space<vmem>>, vector<1x16xi32>,
      %swap3A_309 = vector.shape_cast %swap3A_308 : vector<1x16xi32> to vector<16xi32>
      %swap3A_310 = vector.shape_cast %shift_right_arithmetic3A_304 : vector<16xi32> to vector<1x16xi32>
      tpu.vector_store %arg8[%swap3A_306, %swap3A_307], %swap3A_310 {strides = array<i32>} : memref<2x128xi32, #tpu.memory_space<vmem>>, vector<1x16xi32>,
      %get3A_311 = arith.index_cast %add3A_284 : i32 to index
      %get3A_312 = arith.constant 32 : index
      %get3A_313 = tpu.vector_load %arg6[%get3A_311, %get3A_312] {strides = array<i32>} : memref<79x128xi32, #tpu.memory_space<vmem>>, vector<1x16xi32>,
      %get3A_314 = vector.shape_cast %get3A_313 : vector<1x16xi32> to vector<16xi32>
      %shift_right_arithmetic3A_315 = arith.constant 14 : i32
      %shift_right_arithmetic3A_316 = vector.broadcast %shift_right_arithmetic3A_315 : i32 to vector<16xi32>
      %shift_right_arithmetic3A_317 = arith.shrsi %get3A_314, %shift_right_arithmetic3A_316 : vector<16xi32>
      %swap3A_318 = arith.constant 0 : i32
      %swap3A_319 = arith.index_cast %swap3A_318 : i32 to index
      %swap3A_320 = arith.constant 32 : index
      %swap3A_321 = tpu.vector_load %arg8[%swap3A_319, %swap3A_320] {strides = array<i32>} : memref<2x128xi32, #tpu.memory_space<vmem>>, vector<1x16xi32>,
      %swap3A_322 = vector.shape_cast %swap3A_321 : vector<1x16xi32> to vector<16xi32>
      %swap3A_323 = vector.shape_cast %shift_right_arithmetic3A_317 : vector<16xi32> to vector<1x16xi32>
      tpu.vector_store %arg8[%swap3A_319, %swap3A_320], %swap3A_323 {strides = array<i32>} : memref<2x128xi32, #tpu.memory_space<vmem>>, vector<1x16xi32>,
      %get3A_324 = arith.index_cast %add3A_284 : i32 to index
      %get3A_325 = arith.constant 48 : index
      %get3A_326 = tpu.vector_load %arg6[%get3A_324, %get3A_325] {strides = array<i32>} : memref<79x128xi32, #tpu.memory_space<vmem>>, vector<1x16xi32>,
      %get3A_327 = vector.shape_cast %get3A_326 : vector<1x16xi32> to vector<16xi32>
      %shift_right_arithmetic3A_328 = arith.constant 14 : i32
      %shift_right_arithmetic3A_329 = vector.broadcast %shift_right_arithmetic3A_328 : i32 to vector<16xi32>
      %shift_right_arithmetic3A_330 = arith.shrsi %get3A_327, %shift_right_arithmetic3A_329 : vector<16xi32>
      %swap3A_331 = arith.constant 0 : i32
      %swap3A_332 = arith.index_cast %swap3A_331 : i32 to index
      %swap3A_333 = arith.constant 48 : index
      %swap3A_334 = tpu.vector_load %arg8[%swap3A_332, %swap3A_333] {strides = array<i32>} : memref<2x128xi32, #tpu.memory_space<vmem>>, vector<1x16xi32>,
      %swap3A_335 = vector.shape_cast %swap3A_334 : vector<1x16xi32> to vector<16xi32>
      %swap3A_336 = vector.shape_cast %shift_right_arithmetic3A_330 : vector<16xi32> to vector<1x16xi32>
      tpu.vector_store %arg8[%swap3A_332, %swap3A_333], %swap3A_336 {strides = array<i32>} : memref<2x128xi32, #tpu.memory_space<vmem>>, vector<1x16xi32>,
      %get3A_337 = arith.index_cast %add3A_284 : i32 to index
      %get3A_338 = arith.constant 64 : index
      %get3A_339 = tpu.vector_load %arg6[%get3A_337, %get3A_338] {strides = array<i32>} : memref<79x128xi32, #tpu.memory_space<vmem>>, vector<1x16xi32>,
      %get3A_340 = vector.shape_cast %get3A_339 : vector<1x16xi32> to vector<16xi32>
      %shift_right_arithmetic3A_341 = arith.constant 14 : i32
      %shift_right_arithmetic3A_342 = vector.broadcast %shift_right_arithmetic3A_341 : i32 to vector<16xi32>
      %shift_right_arithmetic3A_343 = arith.shrsi %get3A_340, %shift_right_arithmetic3A_342 : vector<16xi32>
      %swap3A_344 = arith.constant 0 : i32
      %swap3A_345 = arith.index_cast %swap3A_344 : i32 to index
      %swap3A_346 = arith.constant 64 : index
      %swap3A_347 = tpu.vector_load %arg8[%swap3A_345, %swap3A_346] {strides = array<i32>} : memref<2x128xi32, #tpu.memory_space<vmem>>, vector<1x16xi32>,
      %swap3A_348 = vector.shape_cast %swap3A_347 : vector<1x16xi32> to vector<16xi32>
      %swap3A_349 = vector.shape_cast %shift_right_arithmetic3A_343 : vector<16xi32> to vector<1x16xi32>
      tpu.vector_store %arg8[%swap3A_345, %swap3A_346], %swap3A_349 {strides = array<i32>} : memref<2x128xi32, #tpu.memory_space<vmem>>, vector<1x16xi32>,
      %get3A_350 = arith.index_cast %add3A_284 : i32 to index
      %get3A_351 = arith.constant 80 : index
      %get3A_352 = tpu.vector_load %arg6[%get3A_350, %get3A_351] {strides = array<i32>} : memref<79x128xi32, #tpu.memory_space<vmem>>, vector<1x16xi32>,
      %get3A_353 = vector.shape_cast %get3A_352 : vector<1x16xi32> to vector<16xi32>
      %shift_right_arithmetic3A_354 = arith.constant 14 : i32
      %shift_right_arithmetic3A_355 = vector.broadcast %shift_right_arithmetic3A_354 : i32 to vector<16xi32>
      %shift_right_arithmetic3A_356 = arith.shrsi %get3A_353, %shift_right_arithmetic3A_355 : vector<16xi32>
      %swap3A_357 = arith.constant 0 : i32
      %swap3A_358 = arith.index_cast %swap3A_357 : i32 to index
      %swap3A_359 = arith.constant 80 : index
      %swap3A_360 = tpu.vector_load %arg8[%swap3A_358, %swap3A_359] {strides = array<i32>} : memref<2x128xi32, #tpu.memory_space<vmem>>, vector<1x16xi32>,
      %swap3A_361 = vector.shape_cast %swap3A_360 : vector<1x16xi32> to vector<16xi32>
      %swap3A_362 = vector.shape_cast %shift_right_arithmetic3A_356 : vector<16xi32> to vector<1x16xi32>
      tpu.vector_store %arg8[%swap3A_358, %swap3A_359], %swap3A_362 {strides = array<i32>} : memref<2x128xi32, #tpu.memory_space<vmem>>, vector<1x16xi32>,
      %get3A_363 = arith.index_cast %add3A_284 : i32 to index
      %get3A_364 = arith.constant 96 : index
      %get3A_365 = tpu.vector_load %arg6[%get3A_363, %get3A_364] {strides = array<i32>} : memref<79x128xi32, #tpu.memory_space<vmem>>, vector<1x16xi32>,
      %get3A_366 = vector.shape_cast %get3A_365 : vector<1x16xi32> to vector<16xi32>
      %shift_right_arithmetic3A_367 = arith.constant 14 : i32
      %shift_right_arithmetic3A_368 = vector.broadcast %shift_right_arithmetic3A_367 : i32 to vector<16xi32>
      %shift_right_arithmetic3A_369 = arith.shrsi %get3A_366, %shift_right_arithmetic3A_368 : vector<16xi32>
      %swap3A_370 = arith.constant 0 : i32
      %swap3A_371 = arith.index_cast %swap3A_370 : i32 to index
      %swap3A_372 = arith.constant 96 : index
      %swap3A_373 = tpu.vector_load %arg8[%swap3A_371, %swap3A_372] {strides = array<i32>} : memref<2x128xi32, #tpu.memory_space<vmem>>, vector<1x16xi32>,
      %swap3A_374 = vector.shape_cast %swap3A_373 : vector<1x16xi32> to vector<16xi32>
      %swap3A_375 = vector.shape_cast %shift_right_arithmetic3A_369 : vector<16xi32> to vector<1x16xi32>
      tpu.vector_store %arg8[%swap3A_371, %swap3A_372], %swap3A_375 {strides = array<i32>} : memref<2x128xi32, #tpu.memory_space<vmem>>, vector<1x16xi32>,
      %get3A_376 = arith.index_cast %add3A_284 : i32 to index
      %get3A_377 = arith.constant 112 : index
      %get3A_378 = tpu.vector_load %arg6[%get3A_376, %get3A_377] {strides = array<i32>} : memref<79x128xi32, #tpu.memory_space<vmem>>, vector<1x16xi32>,
      %get3A_379 = vector.shape_cast %get3A_378 : vector<1x16xi32> to vector<16xi32>
      %shift_right_arithmetic3A_380 = arith.constant 14 : i32
      %shift_right_arithmetic3A_381 = vector.broadcast %shift_right_arithmetic3A_380 : i32 to vector<16xi32>
      %shift_right_arithmetic3A_382 = arith.shrsi %get3A_379, %shift_right_arithmetic3A_381 : vector<16xi32>
      %swap3A_383 = arith.constant 0 : i32
      %swap3A_384 = arith.index_cast %swap3A_383 : i32 to index
      %swap3A_385 = arith.constant 112 : index
      %swap3A_386 = tpu.vector_load %arg8[%swap3A_384, %swap3A_385] {strides = array<i32>} : memref<2x128xi32, #tpu.memory_space<vmem>>, vector<1x16xi32>,
      %swap3A_387 = vector.shape_cast %swap3A_386 : vector<1x16xi32> to vector<16xi32>
      %swap3A_388 = vector.shape_cast %shift_right_arithmetic3A_382 : vector<16xi32> to vector<1x16xi32>
      tpu.vector_store %arg8[%swap3A_384, %swap3A_385], %swap3A_388 {strides = array<i32>} : memref<2x128xi32, #tpu.memory_space<vmem>>, vector<1x16xi32>,
      %run_scoped3A_389 = arith.constant 0 : i32
      %run_scoped3A_390 = arith.constant 0 : i32
      "tpu.region"() ({
        %run_scoped3A_391 = tpu.sem_alloc : memref<!tpu.dma_semaphore, #tpu.memory_space<semaphore_mem>>
        %dma_start3A_392 = arith.constant 0 : i32
        %dma_start3A_393 = arith.constant 0 : i32
        %dma_start3A_394 = tpu.memref_slice %arg9[%run_scoped3A_389, %dma_start3A_392, %dma_start3A_393] : memref<2x128x128xf32, #tpu.memory_space<vmem>> -> memref<1x128x128xf32, #tpu.memory_space<vmem>>
        %dma_start3A_395 = tpu.memref_squeeze %dma_start3A_394 : memref<1x128x128xf32, #tpu.memory_space<vmem>> -> memref<128x128xf32, #tpu.memory_space<vmem>>
        %dma_start3A_396 = arith.constant 0 : i32
        %dma_start3A_397 = tpu.memref_slice %arg8[%run_scoped3A_390, %dma_start3A_396] : memref<2x128xi32, #tpu.memory_space<vmem>> -> memref<1x128xi32, #tpu.memory_space<vmem>>
        %dma_start3A_398 = tpu.memref_squeeze %dma_start3A_397 : memref<1x128xi32, #tpu.memory_space<vmem>> -> memref<128xi32, #tpu.memory_space<vmem>>
        %dma_start3A_399 = arith.constant 0 : i32
        %dma_start3A_400 = arith.constant 0 : i32
        %dma_start3A_401 = tpu.memref_slice %arg10[%dma_start3A_399, %dma_start3A_400] : memref<10112x128xf32, #tpu.memory_space<vmem_shared>> -> memref<10112x128xf32, #tpu.memory_space<vmem_shared>>
        tpu.enqueue_indirect_dma source(%dma_start3A_395 : memref<128x128xf32, #tpu.memory_space<vmem>>) target(%dma_start3A_401 : memref<10112x128xf32, #tpu.memory_space<vmem_shared>>) offsets(%dma_start3A_398 : memref<128xi32, #tpu.memory_space<vmem>>) semaphore(%run_scoped3A_391 : memref<!tpu.dma_semaphore, #tpu.memory_space<semaphore_mem>>) {add = true}
        %dma_wait3A = arith.constant 0 : i32
        %dma_wait3A_402 = arith.constant 0 : i32
        %dma_wait3A_403 = tpu.memref_slice %arg9[%run_scoped3A_389, %dma_wait3A, %dma_wait3A_402] : memref<2x128x128xf32, #tpu.memory_space<vmem>> -> memref<1x128x128xf32, #tpu.memory_space<vmem>>
        %dma_wait3A_404 = tpu.memref_squeeze %dma_wait3A_403 : memref<1x128x128xf32, #tpu.memory_space<vmem>> -> memref<128x128xf32, #tpu.memory_space<vmem>>
        %dma_wait3A_405 = arith.constant 0 : i32
        %dma_wait3A_406 = tpu.memref_slice %arg8[%run_scoped3A_390, %dma_wait3A_405] : memref<2x128xi32, #tpu.memory_space<vmem>> -> memref<1x128xi32, #tpu.memory_space<vmem>>
        %dma_wait3A_407 = tpu.memref_squeeze %dma_wait3A_406 : memref<1x128xi32, #tpu.memory_space<vmem>> -> memref<128xi32, #tpu.memory_space<vmem>>
        %dma_wait3A_408 = arith.constant 0 : i32
        %dma_wait3A_409 = arith.constant 0 : i32
        %dma_wait3A_410 = tpu.memref_slice %arg10[%dma_wait3A_408, %dma_wait3A_409] : memref<10112x128xf32, #tpu.memory_space<vmem_shared>> -> memref<10112x128xf32, #tpu.memory_space<vmem_shared>>
        tpu.wait_indirect_dma semaphore(%run_scoped3A_391 : memref<!tpu.dma_semaphore, #tpu.memory_space<semaphore_mem>>) src(%dma_wait3A_404 : memref<128x128xf32, #tpu.memory_space<vmem>>) dst(%dma_wait3A_410 : memref<10112x128xf32, #tpu.memory_space<vmem_shared>>)
        tpu.yield
      }) : () -> ()
    }
    %scan3A_274 = arith.constant 79 : i32
    %barrier3A_275 = arith.constant 0 : index
    tpu.barrier barrier_id(%barrier3A_275)
    %mul3A_276 = arith.constant 632 : i32
    %mul3A_277 = arith.muli %arg1, %mul3A_276 : i32
    %mul3A_278 = arith.constant 632 : i32
    %mul3A_279 = arith.muli %arg1, %mul3A_278 : i32
    "tpu.region"() ({
      %run_scoped3A_280 = tpu.sem_alloc : memref<!tpu.dma_semaphore, #tpu.memory_space<semaphore_mem>>
      %dma_start3A_281 = arith.constant 0 : i32
      %dma_start3A_282 = tpu.memref_slice %arg5[%arg0, %mul3A_279, %dma_start3A_281] : memref<2x10112x128xf32, #tpu.memory_space<hbm>> -> memref<1x632x128xf32, #tpu.memory_space<hbm>>
      %dma_start3A_283 = tpu.memref_squeeze %dma_start3A_282 : memref<1x632x128xf32, #tpu.memory_space<hbm>> -> memref<632x128xf32, #tpu.memory_space<hbm>>
      %dma_start3A_284 = arith.constant 0 : i32
      %dma_start3A_285 = tpu.memref_slice %arg10[%mul3A_277, %dma_start3A_284] : memref<10112x128xf32, #tpu.memory_space<vmem_shared>> -> memref<632x128xf32, #tpu.memory_space<vmem_shared>>
      tpu.enqueue_dma source(%dma_start3A_285 : memref<632x128xf32, #tpu.memory_space<vmem_shared>>) target(%dma_start3A_283 : memref<632x128xf32, #tpu.memory_space<hbm>>) target_semaphore(%run_scoped3A_280 : memref<!tpu.dma_semaphore, #tpu.memory_space<semaphore_mem>>)
      %dma_wait3A = arith.constant 0 : i32
      %dma_wait3A_286 = tpu.memref_slice %arg5[%arg0, %mul3A_279, %dma_wait3A] : memref<2x10112x128xf32, #tpu.memory_space<hbm>> -> memref<1x632x128xf32, #tpu.memory_space<hbm>>
      %dma_wait3A_287 = tpu.memref_squeeze %dma_wait3A_286 : memref<1x632x128xf32, #tpu.memory_space<hbm>> -> memref<632x128xf32, #tpu.memory_space<hbm>>
      %dma_wait3A_288 = arith.constant 0 : i32
      %dma_wait3A_289 = tpu.memref_slice %arg10[%mul3A_277, %dma_wait3A_288] : memref<10112x128xf32, #tpu.memory_space<vmem_shared>> -> memref<632x128xf32, #tpu.memory_space<vmem_shared>>
      tpu.wait_dma2 semaphore(%run_scoped3A_280 : memref<!tpu.dma_semaphore, #tpu.memory_space<semaphore_mem>>) src(%dma_wait3A_289 : memref<632x128xf32, #tpu.memory_space<vmem_shared>>) dst(%dma_wait3A_287 : memref<632x128xf32, #tpu.memory_space<hbm>>)
      tpu.yield
    }) : () -> ()
    return
  }
}

#map = affine_map<(d0, d1) -> (0, 0)>
#map1 = affine_map<(d0, d1) -> (0, 0, 0, 0)>
#map2 = affine_map<(d0, d1) -> (0, 0, 0)>
module attributes {stable_mosaic.version = 14 : i64} {
  func.func @body(%arg0: i32, %arg1: i32, %arg2: memref<10000x128xf32, #tpu.memory_space<hbm>>, %arg3: memref<2x16x79x128xi32, #tpu.memory_space<hbm>>, %arg4: memref<2x10112x128xf32, #tpu.memory_space<hbm>>, %arg5: memref<79x128xi32, #tpu.memory_space<vmem>>, %arg6: memref<2x128xi32, #tpu.memory_space<vmem>>, %arg7: memref<2x128xi32, #tpu.memory_space<vmem>>, %arg8: memref<2x128x128xf32, #tpu.memory_space<vmem>>, %arg9: memref<10112x128xf32, #tpu.memory_space<vmem_shared>>, %arg10: memref<!tpu.dma_semaphore, #tpu.memory_space<semaphore_mem>>) attributes {dimension_semantics = [#tpu.dimension_semantics<core_parallel>, #tpu.dimension_semantics<subcore_parallel>], iteration_bounds = array<i64: 2, 16>, scalar_prefetch = 0 : i64, scratch_operands = 6 : i64, tpu.core_type = #tpu.core_type<sc_vector_subcore>, window_params = [{transform_indices = #map}, {transform_indices = #map1}, {transform_indices = #map2}]} {
    "tpu.region"() ({
      %run_scoped3A_229 = tpu.sem_alloc : memref<!tpu.dma_semaphore, #tpu.memory_space<semaphore_mem>>
      %dma_start3A_230 = arith.constant 0 : i32
      %dma_start3A_231 = arith.constant 0 : i32
      %dma_start3A_232 = tpu.memref_slice %arg3[%arg0, %arg1, %dma_start3A_230, %dma_start3A_231] : memref<2x16x79x128xi32, #tpu.memory_space<hbm>> -> memref<1x1x79x128xi32, #tpu.memory_space<hbm>>
      %dma_start3A_233 = tpu.memref_squeeze %dma_start3A_232 : memref<1x1x79x128xi32, #tpu.memory_space<hbm>> -> memref<79x128xi32, #tpu.memory_space<hbm>>
      %dma_start3A_234 = arith.constant 0 : i32
      %dma_start3A_235 = arith.constant 0 : i32
      %dma_start3A_236 = tpu.memref_slice %arg3[%arg0, %arg1, %dma_start3A_234, %dma_start3A_235] : memref<2x16x79x128xi32, #tpu.memory_space<hbm>> -> memref<1x1x79x128xi32, #tpu.memory_space<hbm>>
      %dma_start3A_237 = tpu.memref_squeeze %dma_start3A_236 : memref<1x1x79x128xi32, #tpu.memory_space<hbm>> -> memref<79x128xi32, #tpu.memory_space<hbm>>
      tpu.enqueue_dma source(%dma_start3A_237 : memref<79x128xi32, #tpu.memory_space<hbm>>) target(%arg5 : memref<79x128xi32, #tpu.memory_space<vmem>>) target_semaphore(%run_scoped3A_229 : memref<!tpu.dma_semaphore, #tpu.memory_space<semaphore_mem>>)
      %dma_wait3A = arith.constant 0 : i32
      %dma_wait3A_238 = arith.constant 0 : i32
      %dma_wait3A_239 = tpu.memref_slice %arg3[%arg0, %arg1, %dma_wait3A, %dma_wait3A_238] : memref<2x16x79x128xi32, #tpu.memory_space<hbm>> -> memref<1x1x79x128xi32, #tpu.memory_space<hbm>>
      %dma_wait3A_240 = tpu.memref_squeeze %dma_wait3A_239 : memref<1x1x79x128xi32, #tpu.memory_space<hbm>> -> memref<79x128xi32, #tpu.memory_space<hbm>>
      %dma_wait3A_241 = arith.constant 0 : i32
      %dma_wait3A_242 = arith.constant 0 : i32
      %dma_wait3A_243 = tpu.memref_slice %arg3[%arg0, %arg1, %dma_wait3A_241, %dma_wait3A_242] : memref<2x16x79x128xi32, #tpu.memory_space<hbm>> -> memref<1x1x79x128xi32, #tpu.memory_space<hbm>>
      %dma_wait3A_244 = tpu.memref_squeeze %dma_wait3A_243 : memref<1x1x79x128xi32, #tpu.memory_space<hbm>> -> memref<79x128xi32, #tpu.memory_space<hbm>>
      tpu.wait_dma2 semaphore(%run_scoped3A_229 : memref<!tpu.dma_semaphore, #tpu.memory_space<semaphore_mem>>) src(%dma_wait3A_244 : memref<79x128xi32, #tpu.memory_space<hbm>>) dst(%arg5 : memref<79x128xi32, #tpu.memory_space<vmem>>)
      tpu.yield
    }) : () -> ()
    %broadcast_in_dim3A = arith.constant 0.000000e+00 : f32
    %broadcast_in_dim3A_0 = vector.broadcast %broadcast_in_dim3A : f32 to vector<16xf32>
    %scan3A = arith.constant 0 : i32
    %scan3A_1 = arith.constant 0 : i32
    %scan3A_2 = arith.constant 128 : i32
    %scan3A_3 = arith.addi %scan3A_1, %scan3A_2 : i32
    %scan3A_4 = arith.constant 1 : i32
    scf.for %scan3A_229 = %scan3A_1 to %scan3A_3 step %scan3A_4  : i32 {
      %mul3A_230 = arith.constant 1 : i32
      %mul3A_231 = arith.muli %scan3A_229, %mul3A_230 : i32
      %add3A_232 = arith.constant 0 : i32
      %add3A_233 = arith.addi %add3A_232, %mul3A_231 : i32
      %swap3A_234 = arith.constant 0 : i32
      %swap3A_235 = arith.constant 0 : i32
      %swap3A_236 = tpu.memref_slice %arg8[%scan3A, %swap3A_234, %swap3A_235] : memref<2x128x128xf32, #tpu.memory_space<vmem>> -> memref<1x128x128xf32, #tpu.memory_space<vmem>>
      %swap3A_237 = tpu.memref_squeeze %swap3A_236 : memref<1x128x128xf32, #tpu.memory_space<vmem>> -> memref<128x128xf32, #tpu.memory_space<vmem>>
      %swap3A_238 = arith.index_cast %add3A_233 : i32 to index
      %swap3A_239 = arith.constant 0 : index
      %swap3A_240 = tpu.vector_load %swap3A_237[%swap3A_238, %swap3A_239] {strides = array<i32>} : memref<128x128xf32, #tpu.memory_space<vmem>>, vector<1x16xf32>,
      %swap3A_241 = vector.shape_cast %swap3A_240 : vector<1x16xf32> to vector<16xf32>
      %swap3A_242 = vector.shape_cast %broadcast_in_dim3A_0 : vector<16xf32> to vector<1x16xf32>
      tpu.vector_store %swap3A_237[%swap3A_238, %swap3A_239], %swap3A_242 {strides = array<i32>} : memref<128x128xf32, #tpu.memory_space<vmem>>, vector<1x16xf32>,
      %swap3A_243 = arith.constant 0 : i32
      %swap3A_244 = arith.constant 0 : i32
      %swap3A_245 = tpu.memref_slice %arg8[%scan3A, %swap3A_243, %swap3A_244] : memref<2x128x128xf32, #tpu.memory_space<vmem>> -> memref<1x128x128xf32, #tpu.memory_space<vmem>>
      %swap3A_246 = tpu.memref_squeeze %swap3A_245 : memref<1x128x128xf32, #tpu.memory_space<vmem>> -> memref<128x128xf32, #tpu.memory_space<vmem>>
      %swap3A_247 = arith.index_cast %add3A_233 : i32 to index
      %swap3A_248 = arith.constant 16 : index
      %swap3A_249 = tpu.vector_load %swap3A_246[%swap3A_247, %swap3A_248] {strides = array<i32>} : memref<128x128xf32, #tpu.memory_space<vmem>>, vector<1x16xf32>,
      %swap3A_250 = vector.shape_cast %swap3A_249 : vector<1x16xf32> to vector<16xf32>
      %swap3A_251 = vector.shape_cast %broadcast_in_dim3A_0 : vector<16xf32> to vector<1x16xf32>
      tpu.vector_store %swap3A_246[%swap3A_247, %swap3A_248], %swap3A_251 {strides = array<i32>} : memref<128x128xf32, #tpu.memory_space<vmem>>, vector<1x16xf32>,
      %swap3A_252 = arith.constant 0 : i32
      %swap3A_253 = arith.constant 0 : i32
      %swap3A_254 = tpu.memref_slice %arg8[%scan3A, %swap3A_252, %swap3A_253] : memref<2x128x128xf32, #tpu.memory_space<vmem>> -> memref<1x128x128xf32, #tpu.memory_space<vmem>>
      %swap3A_255 = tpu.memref_squeeze %swap3A_254 : memref<1x128x128xf32, #tpu.memory_space<vmem>> -> memref<128x128xf32, #tpu.memory_space<vmem>>
      %swap3A_256 = arith.index_cast %add3A_233 : i32 to index
      %swap3A_257 = arith.constant 32 : index
      %swap3A_258 = tpu.vector_load %swap3A_255[%swap3A_256, %swap3A_257] {strides = array<i32>} : memref<128x128xf32, #tpu.memory_space<vmem>>, vector<1x16xf32>,
      %swap3A_259 = vector.shape_cast %swap3A_258 : vector<1x16xf32> to vector<16xf32>
      %swap3A_260 = vector.shape_cast %broadcast_in_dim3A_0 : vector<16xf32> to vector<1x16xf32>
      tpu.vector_store %swap3A_255[%swap3A_256, %swap3A_257], %swap3A_260 {strides = array<i32>} : memref<128x128xf32, #tpu.memory_space<vmem>>, vector<1x16xf32>,
      %swap3A_261 = arith.constant 0 : i32
      %swap3A_262 = arith.constant 0 : i32
      %swap3A_263 = tpu.memref_slice %arg8[%scan3A, %swap3A_261, %swap3A_262] : memref<2x128x128xf32, #tpu.memory_space<vmem>> -> memref<1x128x128xf32, #tpu.memory_space<vmem>>
      %swap3A_264 = tpu.memref_squeeze %swap3A_263 : memref<1x128x128xf32, #tpu.memory_space<vmem>> -> memref<128x128xf32, #tpu.memory_space<vmem>>
      %swap3A_265 = arith.index_cast %add3A_233 : i32 to index
      %swap3A_266 = arith.constant 48 : index
      %swap3A_267 = tpu.vector_load %swap3A_264[%swap3A_265, %swap3A_266] {strides = array<i32>} : memref<128x128xf32, #tpu.memory_space<vmem>>, vector<1x16xf32>,
      %swap3A_268 = vector.shape_cast %swap3A_267 : vector<1x16xf32> to vector<16xf32>
      %swap3A_269 = vector.shape_cast %broadcast_in_dim3A_0 : vector<16xf32> to vector<1x16xf32>
      tpu.vector_store %swap3A_264[%swap3A_265, %swap3A_266], %swap3A_269 {strides = array<i32>} : memref<128x128xf32, #tpu.memory_space<vmem>>, vector<1x16xf32>,
      %swap3A_270 = arith.constant 0 : i32
      %swap3A_271 = arith.constant 0 : i32
      %swap3A_272 = tpu.memref_slice %arg8[%scan3A, %swap3A_270, %swap3A_271] : memref<2x128x128xf32, #tpu.memory_space<vmem>> -> memref<1x128x128xf32, #tpu.memory_space<vmem>>
      %swap3A_273 = tpu.memref_squeeze %swap3A_272 : memref<1x128x128xf32, #tpu.memory_space<vmem>> -> memref<128x128xf32, #tpu.memory_space<vmem>>
      %swap3A_274 = arith.index_cast %add3A_233 : i32 to index
      %swap3A_275 = arith.constant 64 : index
      %swap3A_276 = tpu.vector_load %swap3A_273[%swap3A_274, %swap3A_275] {strides = array<i32>} : memref<128x128xf32, #tpu.memory_space<vmem>>, vector<1x16xf32>,
      %swap3A_277 = vector.shape_cast %swap3A_276 : vector<1x16xf32> to vector<16xf32>
      %swap3A_278 = vector.shape_cast %broadcast_in_dim3A_0 : vector<16xf32> to vector<1x16xf32>
      tpu.vector_store %swap3A_273[%swap3A_274, %swap3A_275], %swap3A_278 {strides = array<i32>} : memref<128x128xf32, #tpu.memory_space<vmem>>, vector<1x16xf32>,
      %swap3A_279 = arith.constant 0 : i32
      %swap3A_280 = arith.constant 0 : i32
      %swap3A_281 = tpu.memref_slice %arg8[%scan3A, %swap3A_279, %swap3A_280] : memref<2x128x128xf32, #tpu.memory_space<vmem>> -> memref<1x128x128xf32, #tpu.memory_space<vmem>>
      %swap3A_282 = tpu.memref_squeeze %swap3A_281 : memref<1x128x128xf32, #tpu.memory_space<vmem>> -> memref<128x128xf32, #tpu.memory_space<vmem>>
      %swap3A_283 = arith.index_cast %add3A_233 : i32 to index
      %swap3A_284 = arith.constant 80 : index
      %swap3A_285 = tpu.vector_load %swap3A_282[%swap3A_283, %swap3A_284] {strides = array<i32>} : memref<128x128xf32, #tpu.memory_space<vmem>>, vector<1x16xf32>,
      %swap3A_286 = vector.shape_cast %swap3A_285 : vector<1x16xf32> to vector<16xf32>
      %swap3A_287 = vector.shape_cast %broadcast_in_dim3A_0 : vector<16xf32> to vector<1x16xf32>
      tpu.vector_store %swap3A_282[%swap3A_283, %swap3A_284], %swap3A_287 {strides = array<i32>} : memref<128x128xf32, #tpu.memory_space<vmem>>, vector<1x16xf32>,
      %swap3A_288 = arith.constant 0 : i32
      %swap3A_289 = arith.constant 0 : i32
      %swap3A_290 = tpu.memref_slice %arg8[%scan3A, %swap3A_288, %swap3A_289] : memref<2x128x128xf32, #tpu.memory_space<vmem>> -> memref<1x128x128xf32, #tpu.memory_space<vmem>>
      %swap3A_291 = tpu.memref_squeeze %swap3A_290 : memref<1x128x128xf32, #tpu.memory_space<vmem>> -> memref<128x128xf32, #tpu.memory_space<vmem>>
      %swap3A_292 = arith.index_cast %add3A_233 : i32 to index
      %swap3A_293 = arith.constant 96 : index
      %swap3A_294 = tpu.vector_load %swap3A_291[%swap3A_292, %swap3A_293] {strides = array<i32>} : memref<128x128xf32, #tpu.memory_space<vmem>>, vector<1x16xf32>,
      %swap3A_295 = vector.shape_cast %swap3A_294 : vector<1x16xf32> to vector<16xf32>
      %swap3A_296 = vector.shape_cast %broadcast_in_dim3A_0 : vector<16xf32> to vector<1x16xf32>
      tpu.vector_store %swap3A_291[%swap3A_292, %swap3A_293], %swap3A_296 {strides = array<i32>} : memref<128x128xf32, #tpu.memory_space<vmem>>, vector<1x16xf32>,
      %swap3A_297 = arith.constant 0 : i32
      %swap3A_298 = arith.constant 0 : i32
      %swap3A_299 = tpu.memref_slice %arg8[%scan3A, %swap3A_297, %swap3A_298] : memref<2x128x128xf32, #tpu.memory_space<vmem>> -> memref<1x128x128xf32, #tpu.memory_space<vmem>>
      %swap3A_300 = tpu.memref_squeeze %swap3A_299 : memref<1x128x128xf32, #tpu.memory_space<vmem>> -> memref<128x128xf32, #tpu.memory_space<vmem>>
      %swap3A_301 = arith.index_cast %add3A_233 : i32 to index
      %swap3A_302 = arith.constant 112 : index
      %swap3A_303 = tpu.vector_load %swap3A_300[%swap3A_301, %swap3A_302] {strides = array<i32>} : memref<128x128xf32, #tpu.memory_space<vmem>>, vector<1x16xf32>,
      %swap3A_304 = vector.shape_cast %swap3A_303 : vector<1x16xf32> to vector<16xf32>
      %swap3A_305 = vector.shape_cast %broadcast_in_dim3A_0 : vector<16xf32> to vector<1x16xf32>
      tpu.vector_store %swap3A_300[%swap3A_301, %swap3A_302], %swap3A_305 {strides = array<i32>} : memref<128x128xf32, #tpu.memory_space<vmem>>, vector<1x16xf32>,
    }
    %scan3A_5 = arith.constant 128 : i32
    %mul3A = arith.constant 632 : i32
    %mul3A_6 = arith.muli %arg1, %mul3A : i32
    %add3A = arith.constant 0 : i32
    %add3A_7 = arith.addi %mul3A_6, %add3A : i32
    %run_scoped3A = arith.constant 0 : i32
    "tpu.region"() ({
      %run_scoped3A_229 = tpu.sem_alloc : memref<!tpu.dma_semaphore, #tpu.memory_space<semaphore_mem>>
      %dma_start3A_230 = arith.constant 0 : i32
      %dma_start3A_231 = arith.constant 0 : i32
      %dma_start3A_232 = tpu.memref_slice %arg8[%run_scoped3A, %dma_start3A_230, %dma_start3A_231] : memref<2x128x128xf32, #tpu.memory_space<vmem>> -> memref<1x128x128xf32, #tpu.memory_space<vmem>>
      %dma_start3A_233 = tpu.memref_squeeze %dma_start3A_232 : memref<1x128x128xf32, #tpu.memory_space<vmem>> -> memref<128x128xf32, #tpu.memory_space<vmem>>
      %dma_start3A_234 = arith.constant 0 : i32
      %dma_start3A_235 = tpu.memref_slice %arg9[%add3A_7, %dma_start3A_234] : memref<10112x128xf32, #tpu.memory_space<vmem_shared>> -> memref<128x128xf32, #tpu.memory_space<vmem_shared>>
      %dma_start3A_236 = arith.constant 0 : i32
      %dma_start3A_237 = tpu.memref_slice %arg9[%add3A_7, %dma_start3A_236] : memref<10112x128xf32, #tpu.memory_space<vmem_shared>> -> memref<128x128xf32, #tpu.memory_space<vmem_shared>>
      %dma_start3A_238 = arith.constant 0 : i32
      %dma_start3A_239 = arith.constant 0 : i32
      %dma_start3A_240 = tpu.memref_slice %arg8[%run_scoped3A, %dma_start3A_238, %dma_start3A_239] : memref<2x128x128xf32, #tpu.memory_space<vmem>> -> memref<1x128x128xf32, #tpu.memory_space<vmem>>
      %dma_start3A_241 = tpu.memref_squeeze %dma_start3A_240 : memref<1x128x128xf32, #tpu.memory_space<vmem>> -> memref<128x128xf32, #tpu.memory_space<vmem>>
      tpu.enqueue_dma source(%dma_start3A_241 : memref<128x128xf32, #tpu.memory_space<vmem>>) target(%dma_start3A_237 : memref<128x128xf32, #tpu.memory_space<vmem_shared>>) target_semaphore(%run_scoped3A_229 : memref<!tpu.dma_semaphore, #tpu.memory_space<semaphore_mem>>)
      %dma_wait3A = arith.constant 0 : i32
      %dma_wait3A_242 = arith.constant 0 : i32
      %dma_wait3A_243 = tpu.memref_slice %arg8[%run_scoped3A, %dma_wait3A, %dma_wait3A_242] : memref<2x128x128xf32, #tpu.memory_space<vmem>> -> memref<1x128x128xf32, #tpu.memory_space<vmem>>
      %dma_wait3A_244 = tpu.memref_squeeze %dma_wait3A_243 : memref<1x128x128xf32, #tpu.memory_space<vmem>> -> memref<128x128xf32, #tpu.memory_space<vmem>>
      %dma_wait3A_245 = arith.constant 0 : i32
      %dma_wait3A_246 = tpu.memref_slice %arg9[%add3A_7, %dma_wait3A_245] : memref<10112x128xf32, #tpu.memory_space<vmem_shared>> -> memref<128x128xf32, #tpu.memory_space<vmem_shared>>
      %dma_wait3A_247 = arith.constant 0 : i32
      %dma_wait3A_248 = tpu.memref_slice %arg9[%add3A_7, %dma_wait3A_247] : memref<10112x128xf32, #tpu.memory_space<vmem_shared>> -> memref<128x128xf32, #tpu.memory_space<vmem_shared>>
      %dma_wait3A_249 = arith.constant 0 : i32
      %dma_wait3A_250 = arith.constant 0 : i32
      %dma_wait3A_251 = tpu.memref_slice %arg8[%run_scoped3A, %dma_wait3A_249, %dma_wait3A_250] : memref<2x128x128xf32, #tpu.memory_space<vmem>> -> memref<1x128x128xf32, #tpu.memory_space<vmem>>
      %dma_wait3A_252 = tpu.memref_squeeze %dma_wait3A_251 : memref<1x128x128xf32, #tpu.memory_space<vmem>> -> memref<128x128xf32, #tpu.memory_space<vmem>>
      tpu.wait_dma2 semaphore(%run_scoped3A_229 : memref<!tpu.dma_semaphore, #tpu.memory_space<semaphore_mem>>) src(%dma_wait3A_252 : memref<128x128xf32, #tpu.memory_space<vmem>>) dst(%dma_wait3A_248 : memref<128x128xf32, #tpu.memory_space<vmem_shared>>)
      tpu.yield
    }) : () -> ()
    %mul3A_8 = arith.constant 632 : i32
    %mul3A_9 = arith.muli %arg1, %mul3A_8 : i32
    %add3A_10 = arith.constant 128 : i32
    %add3A_11 = arith.addi %mul3A_9, %add3A_10 : i32
    %run_scoped3A_12 = arith.constant 0 : i32
    "tpu.region"() ({
      %run_scoped3A_229 = tpu.sem_alloc : memref<!tpu.dma_semaphore, #tpu.memory_space<semaphore_mem>>
      %dma_start3A_230 = arith.constant 0 : i32
      %dma_start3A_231 = arith.constant 0 : i32
      %dma_start3A_232 = tpu.memref_slice %arg8[%run_scoped3A_12, %dma_start3A_230, %dma_start3A_231] : memref<2x128x128xf32, #tpu.memory_space<vmem>> -> memref<1x128x128xf32, #tpu.memory_space<vmem>>
      %dma_start3A_233 = tpu.memref_squeeze %dma_start3A_232 : memref<1x128x128xf32, #tpu.memory_space<vmem>> -> memref<128x128xf32, #tpu.memory_space<vmem>>
      %dma_start3A_234 = arith.constant 0 : i32
      %dma_start3A_235 = tpu.memref_slice %arg9[%add3A_11, %dma_start3A_234] : memref<10112x128xf32, #tpu.memory_space<vmem_shared>> -> memref<128x128xf32, #tpu.memory_space<vmem_shared>>
      %dma_start3A_236 = arith.constant 0 : i32
      %dma_start3A_237 = tpu.memref_slice %arg9[%add3A_11, %dma_start3A_236] : memref<10112x128xf32, #tpu.memory_space<vmem_shared>> -> memref<128x128xf32, #tpu.memory_space<vmem_shared>>
      %dma_start3A_238 = arith.constant 0 : i32
      %dma_start3A_239 = arith.constant 0 : i32
      %dma_start3A_240 = tpu.memref_slice %arg8[%run_scoped3A_12, %dma_start3A_238, %dma_start3A_239] : memref<2x128x128xf32, #tpu.memory_space<vmem>> -> memref<1x128x128xf32, #tpu.memory_space<vmem>>
      %dma_start3A_241 = tpu.memref_squeeze %dma_start3A_240 : memref<1x128x128xf32, #tpu.memory_space<vmem>> -> memref<128x128xf32, #tpu.memory_space<vmem>>
      tpu.enqueue_dma source(%dma_start3A_241 : memref<128x128xf32, #tpu.memory_space<vmem>>) target(%dma_start3A_237 : memref<128x128xf32, #tpu.memory_space<vmem_shared>>) target_semaphore(%run_scoped3A_229 : memref<!tpu.dma_semaphore, #tpu.memory_space<semaphore_mem>>)
      %dma_wait3A = arith.constant 0 : i32
      %dma_wait3A_242 = arith.constant 0 : i32
      %dma_wait3A_243 = tpu.memref_slice %arg8[%run_scoped3A_12, %dma_wait3A, %dma_wait3A_242] : memref<2x128x128xf32, #tpu.memory_space<vmem>> -> memref<1x128x128xf32, #tpu.memory_space<vmem>>
      %dma_wait3A_244 = tpu.memref_squeeze %dma_wait3A_243 : memref<1x128x128xf32, #tpu.memory_space<vmem>> -> memref<128x128xf32, #tpu.memory_space<vmem>>
      %dma_wait3A_245 = arith.constant 0 : i32
      %dma_wait3A_246 = tpu.memref_slice %arg9[%add3A_11, %dma_wait3A_245] : memref<10112x128xf32, #tpu.memory_space<vmem_shared>> -> memref<128x128xf32, #tpu.memory_space<vmem_shared>>
      %dma_wait3A_247 = arith.constant 0 : i32
      %dma_wait3A_248 = tpu.memref_slice %arg9[%add3A_11, %dma_wait3A_247] : memref<10112x128xf32, #tpu.memory_space<vmem_shared>> -> memref<128x128xf32, #tpu.memory_space<vmem_shared>>
      %dma_wait3A_249 = arith.constant 0 : i32
      %dma_wait3A_250 = arith.constant 0 : i32
      %dma_wait3A_251 = tpu.memref_slice %arg8[%run_scoped3A_12, %dma_wait3A_249, %dma_wait3A_250] : memref<2x128x128xf32, #tpu.memory_space<vmem>> -> memref<1x128x128xf32, #tpu.memory_space<vmem>>
      %dma_wait3A_252 = tpu.memref_squeeze %dma_wait3A_251 : memref<1x128x128xf32, #tpu.memory_space<vmem>> -> memref<128x128xf32, #tpu.memory_space<vmem>>
      tpu.wait_dma2 semaphore(%run_scoped3A_229 : memref<!tpu.dma_semaphore, #tpu.memory_space<semaphore_mem>>) src(%dma_wait3A_252 : memref<128x128xf32, #tpu.memory_space<vmem>>) dst(%dma_wait3A_248 : memref<128x128xf32, #tpu.memory_space<vmem_shared>>)
      tpu.yield
    }) : () -> ()
    %mul3A_13 = arith.constant 632 : i32
    %mul3A_14 = arith.muli %arg1, %mul3A_13 : i32
    %add3A_15 = arith.constant 256 : i32
    %add3A_16 = arith.addi %mul3A_14, %add3A_15 : i32
    %run_scoped3A_17 = arith.constant 0 : i32
    "tpu.region"() ({
      %run_scoped3A_229 = tpu.sem_alloc : memref<!tpu.dma_semaphore, #tpu.memory_space<semaphore_mem>>
      %dma_start3A_230 = arith.constant 0 : i32
      %dma_start3A_231 = arith.constant 0 : i32
      %dma_start3A_232 = tpu.memref_slice %arg8[%run_scoped3A_17, %dma_start3A_230, %dma_start3A_231] : memref<2x128x128xf32, #tpu.memory_space<vmem>> -> memref<1x128x128xf32, #tpu.memory_space<vmem>>
      %dma_start3A_233 = tpu.memref_squeeze %dma_start3A_232 : memref<1x128x128xf32, #tpu.memory_space<vmem>> -> memref<128x128xf32, #tpu.memory_space<vmem>>
      %dma_start3A_234 = arith.constant 0 : i32
      %dma_start3A_235 = tpu.memref_slice %arg9[%add3A_16, %dma_start3A_234] : memref<10112x128xf32, #tpu.memory_space<vmem_shared>> -> memref<128x128xf32, #tpu.memory_space<vmem_shared>>
      %dma_start3A_236 = arith.constant 0 : i32
      %dma_start3A_237 = tpu.memref_slice %arg9[%add3A_16, %dma_start3A_236] : memref<10112x128xf32, #tpu.memory_space<vmem_shared>> -> memref<128x128xf32, #tpu.memory_space<vmem_shared>>
      %dma_start3A_238 = arith.constant 0 : i32
      %dma_start3A_239 = arith.constant 0 : i32
      %dma_start3A_240 = tpu.memref_slice %arg8[%run_scoped3A_17, %dma_start3A_238, %dma_start3A_239] : memref<2x128x128xf32, #tpu.memory_space<vmem>> -> memref<1x128x128xf32, #tpu.memory_space<vmem>>
      %dma_start3A_241 = tpu.memref_squeeze %dma_start3A_240 : memref<1x128x128xf32, #tpu.memory_space<vmem>> -> memref<128x128xf32, #tpu.memory_space<vmem>>
      tpu.enqueue_dma source(%dma_start3A_241 : memref<128x128xf32, #tpu.memory_space<vmem>>) target(%dma_start3A_237 : memref<128x128xf32, #tpu.memory_space<vmem_shared>>) target_semaphore(%run_scoped3A_229 : memref<!tpu.dma_semaphore, #tpu.memory_space<semaphore_mem>>)
      %dma_wait3A = arith.constant 0 : i32
      %dma_wait3A_242 = arith.constant 0 : i32
      %dma_wait3A_243 = tpu.memref_slice %arg8[%run_scoped3A_17, %dma_wait3A, %dma_wait3A_242] : memref<2x128x128xf32, #tpu.memory_space<vmem>> -> memref<1x128x128xf32, #tpu.memory_space<vmem>>
      %dma_wait3A_244 = tpu.memref_squeeze %dma_wait3A_243 : memref<1x128x128xf32, #tpu.memory_space<vmem>> -> memref<128x128xf32, #tpu.memory_space<vmem>>
      %dma_wait3A_245 = arith.constant 0 : i32
      %dma_wait3A_246 = tpu.memref_slice %arg9[%add3A_16, %dma_wait3A_245] : memref<10112x128xf32, #tpu.memory_space<vmem_shared>> -> memref<128x128xf32, #tpu.memory_space<vmem_shared>>
      %dma_wait3A_247 = arith.constant 0 : i32
      %dma_wait3A_248 = tpu.memref_slice %arg9[%add3A_16, %dma_wait3A_247] : memref<10112x128xf32, #tpu.memory_space<vmem_shared>> -> memref<128x128xf32, #tpu.memory_space<vmem_shared>>
      %dma_wait3A_249 = arith.constant 0 : i32
      %dma_wait3A_250 = arith.constant 0 : i32
      %dma_wait3A_251 = tpu.memref_slice %arg8[%run_scoped3A_17, %dma_wait3A_249, %dma_wait3A_250] : memref<2x128x128xf32, #tpu.memory_space<vmem>> -> memref<1x128x128xf32, #tpu.memory_space<vmem>>
      %dma_wait3A_252 = tpu.memref_squeeze %dma_wait3A_251 : memref<1x128x128xf32, #tpu.memory_space<vmem>> -> memref<128x128xf32, #tpu.memory_space<vmem>>
      tpu.wait_dma2 semaphore(%run_scoped3A_229 : memref<!tpu.dma_semaphore, #tpu.memory_space<semaphore_mem>>) src(%dma_wait3A_252 : memref<128x128xf32, #tpu.memory_space<vmem>>) dst(%dma_wait3A_248 : memref<128x128xf32, #tpu.memory_space<vmem_shared>>)
      tpu.yield
    }) : () -> ()
    %mul3A_18 = arith.constant 632 : i32
    %mul3A_19 = arith.muli %arg1, %mul3A_18 : i32
    %add3A_20 = arith.constant 384 : i32
    %add3A_21 = arith.addi %mul3A_19, %add3A_20 : i32
    %run_scoped3A_22 = arith.constant 0 : i32
    "tpu.region"() ({
      %run_scoped3A_229 = tpu.sem_alloc : memref<!tpu.dma_semaphore, #tpu.memory_space<semaphore_mem>>
      %dma_start3A_230 = arith.constant 0 : i32
      %dma_start3A_231 = arith.constant 0 : i32
      %dma_start3A_232 = tpu.memref_slice %arg8[%run_scoped3A_22, %dma_start3A_230, %dma_start3A_231] : memref<2x128x128xf32, #tpu.memory_space<vmem>> -> memref<1x128x128xf32, #tpu.memory_space<vmem>>
      %dma_start3A_233 = tpu.memref_squeeze %dma_start3A_232 : memref<1x128x128xf32, #tpu.memory_space<vmem>> -> memref<128x128xf32, #tpu.memory_space<vmem>>
      %dma_start3A_234 = arith.constant 0 : i32
      %dma_start3A_235 = tpu.memref_slice %arg9[%add3A_21, %dma_start3A_234] : memref<10112x128xf32, #tpu.memory_space<vmem_shared>> -> memref<128x128xf32, #tpu.memory_space<vmem_shared>>
      %dma_start3A_236 = arith.constant 0 : i32
      %dma_start3A_237 = tpu.memref_slice %arg9[%add3A_21, %dma_start3A_236] : memref<10112x128xf32, #tpu.memory_space<vmem_shared>> -> memref<128x128xf32, #tpu.memory_space<vmem_shared>>
      %dma_start3A_238 = arith.constant 0 : i32
      %dma_start3A_239 = arith.constant 0 : i32
      %dma_start3A_240 = tpu.memref_slice %arg8[%run_scoped3A_22, %dma_start3A_238, %dma_start3A_239] : memref<2x128x128xf32, #tpu.memory_space<vmem>> -> memref<1x128x128xf32, #tpu.memory_space<vmem>>
      %dma_start3A_241 = tpu.memref_squeeze %dma_start3A_240 : memref<1x128x128xf32, #tpu.memory_space<vmem>> -> memref<128x128xf32, #tpu.memory_space<vmem>>
      tpu.enqueue_dma source(%dma_start3A_241 : memref<128x128xf32, #tpu.memory_space<vmem>>) target(%dma_start3A_237 : memref<128x128xf32, #tpu.memory_space<vmem_shared>>) target_semaphore(%run_scoped3A_229 : memref<!tpu.dma_semaphore, #tpu.memory_space<semaphore_mem>>)
      %dma_wait3A = arith.constant 0 : i32
      %dma_wait3A_242 = arith.constant 0 : i32
      %dma_wait3A_243 = tpu.memref_slice %arg8[%run_scoped3A_22, %dma_wait3A, %dma_wait3A_242] : memref<2x128x128xf32, #tpu.memory_space<vmem>> -> memref<1x128x128xf32, #tpu.memory_space<vmem>>
      %dma_wait3A_244 = tpu.memref_squeeze %dma_wait3A_243 : memref<1x128x128xf32, #tpu.memory_space<vmem>> -> memref<128x128xf32, #tpu.memory_space<vmem>>
      %dma_wait3A_245 = arith.constant 0 : i32
      %dma_wait3A_246 = tpu.memref_slice %arg9[%add3A_21, %dma_wait3A_245] : memref<10112x128xf32, #tpu.memory_space<vmem_shared>> -> memref<128x128xf32, #tpu.memory_space<vmem_shared>>
      %dma_wait3A_247 = arith.constant 0 : i32
      %dma_wait3A_248 = tpu.memref_slice %arg9[%add3A_21, %dma_wait3A_247] : memref<10112x128xf32, #tpu.memory_space<vmem_shared>> -> memref<128x128xf32, #tpu.memory_space<vmem_shared>>
      %dma_wait3A_249 = arith.constant 0 : i32
      %dma_wait3A_250 = arith.constant 0 : i32
      %dma_wait3A_251 = tpu.memref_slice %arg8[%run_scoped3A_22, %dma_wait3A_249, %dma_wait3A_250] : memref<2x128x128xf32, #tpu.memory_space<vmem>> -> memref<1x128x128xf32, #tpu.memory_space<vmem>>
      %dma_wait3A_252 = tpu.memref_squeeze %dma_wait3A_251 : memref<1x128x128xf32, #tpu.memory_space<vmem>> -> memref<128x128xf32, #tpu.memory_space<vmem>>
      tpu.wait_dma2 semaphore(%run_scoped3A_229 : memref<!tpu.dma_semaphore, #tpu.memory_space<semaphore_mem>>) src(%dma_wait3A_252 : memref<128x128xf32, #tpu.memory_space<vmem>>) dst(%dma_wait3A_248 : memref<128x128xf32, #tpu.memory_space<vmem_shared>>)
      tpu.yield
    }) : () -> ()
    %mul3A_23 = arith.constant 632 : i32
    %mul3A_24 = arith.muli %arg1, %mul3A_23 : i32
    %add3A_25 = arith.constant 512 : i32
    %add3A_26 = arith.addi %mul3A_24, %add3A_25 : i32
    %run_scoped3A_27 = arith.constant 0 : i32
    "tpu.region"() ({
      %run_scoped3A_229 = tpu.sem_alloc : memref<!tpu.dma_semaphore, #tpu.memory_space<semaphore_mem>>
      %dma_start3A_230 = arith.constant 0 : i32
      %dma_start3A_231 = arith.constant 0 : i32
      %dma_start3A_232 = tpu.memref_slice %arg8[%run_scoped3A_27, %dma_start3A_230, %dma_start3A_231] : memref<2x128x128xf32, #tpu.memory_space<vmem>> -> memref<1x128x128xf32, #tpu.memory_space<vmem>>
      %dma_start3A_233 = tpu.memref_squeeze %dma_start3A_232 : memref<1x128x128xf32, #tpu.memory_space<vmem>> -> memref<128x128xf32, #tpu.memory_space<vmem>>
      %dma_start3A_234 = arith.constant 0 : i32
      %dma_start3A_235 = arith.constant 0 : i32
      %dma_start3A_236 = tpu.memref_slice %dma_start3A_233[%dma_start3A_234, %dma_start3A_235] : memref<128x128xf32, #tpu.memory_space<vmem>> -> memref<120x128xf32, #tpu.memory_space<vmem>>
      %dma_start3A_237 = arith.constant 0 : i32
      %dma_start3A_238 = tpu.memref_slice %arg9[%add3A_26, %dma_start3A_237] : memref<10112x128xf32, #tpu.memory_space<vmem_shared>> -> memref<120x128xf32, #tpu.memory_space<vmem_shared>>
      %dma_start3A_239 = arith.constant 0 : i32
      %dma_start3A_240 = tpu.memref_slice %arg9[%add3A_26, %dma_start3A_239] : memref<10112x128xf32, #tpu.memory_space<vmem_shared>> -> memref<120x128xf32, #tpu.memory_space<vmem_shared>>
      %dma_start3A_241 = arith.constant 0 : i32
      %dma_start3A_242 = arith.constant 0 : i32
      %dma_start3A_243 = tpu.memref_slice %arg8[%run_scoped3A_27, %dma_start3A_241, %dma_start3A_242] : memref<2x128x128xf32, #tpu.memory_space<vmem>> -> memref<1x128x128xf32, #tpu.memory_space<vmem>>
      %dma_start3A_244 = tpu.memref_squeeze %dma_start3A_243 : memref<1x128x128xf32, #tpu.memory_space<vmem>> -> memref<128x128xf32, #tpu.memory_space<vmem>>
      %dma_start3A_245 = arith.constant 0 : i32
      %dma_start3A_246 = arith.constant 0 : i32
      %dma_start3A_247 = tpu.memref_slice %dma_start3A_244[%dma_start3A_245, %dma_start3A_246] : memref<128x128xf32, #tpu.memory_space<vmem>> -> memref<120x128xf32, #tpu.memory_space<vmem>>
      tpu.enqueue_dma source(%dma_start3A_247 : memref<120x128xf32, #tpu.memory_space<vmem>>) target(%dma_start3A_240 : memref<120x128xf32, #tpu.memory_space<vmem_shared>>) target_semaphore(%run_scoped3A_229 : memref<!tpu.dma_semaphore, #tpu.memory_space<semaphore_mem>>)
      %dma_wait3A = arith.constant 0 : i32
      %dma_wait3A_248 = arith.constant 0 : i32
      %dma_wait3A_249 = tpu.memref_slice %arg8[%run_scoped3A_27, %dma_wait3A, %dma_wait3A_248] : memref<2x128x128xf32, #tpu.memory_space<vmem>> -> memref<1x128x128xf32, #tpu.memory_space<vmem>>
      %dma_wait3A_250 = tpu.memref_squeeze %dma_wait3A_249 : memref<1x128x128xf32, #tpu.memory_space<vmem>> -> memref<128x128xf32, #tpu.memory_space<vmem>>
      %dma_wait3A_251 = arith.constant 0 : i32
      %dma_wait3A_252 = arith.constant 0 : i32
      %dma_wait3A_253 = tpu.memref_slice %dma_wait3A_250[%dma_wait3A_251, %dma_wait3A_252] : memref<128x128xf32, #tpu.memory_space<vmem>> -> memref<120x128xf32, #tpu.memory_space<vmem>>
      %dma_wait3A_254 = arith.constant 0 : i32
      %dma_wait3A_255 = tpu.memref_slice %arg9[%add3A_26, %dma_wait3A_254] : memref<10112x128xf32, #tpu.memory_space<vmem_shared>> -> memref<120x128xf32, #tpu.memory_space<vmem_shared>>
      %dma_wait3A_256 = arith.constant 0 : i32
      %dma_wait3A_257 = tpu.memref_slice %arg9[%add3A_26, %dma_wait3A_256] : memref<10112x128xf32, #tpu.memory_space<vmem_shared>> -> memref<120x128xf32, #tpu.memory_space<vmem_shared>>
      %dma_wait3A_258 = arith.constant 0 : i32
      %dma_wait3A_259 = arith.constant 0 : i32
      %dma_wait3A_260 = tpu.memref_slice %arg8[%run_scoped3A_27, %dma_wait3A_258, %dma_wait3A_259] : memref<2x128x128xf32, #tpu.memory_space<vmem>> -> memref<1x128x128xf32, #tpu.memory_space<vmem>>
      %dma_wait3A_261 = tpu.memref_squeeze %dma_wait3A_260 : memref<1x128x128xf32, #tpu.memory_space<vmem>> -> memref<128x128xf32, #tpu.memory_space<vmem>>
      %dma_wait3A_262 = arith.constant 0 : i32
      %dma_wait3A_263 = arith.constant 0 : i32
      %dma_wait3A_264 = tpu.memref_slice %dma_wait3A_261[%dma_wait3A_262, %dma_wait3A_263] : memref<128x128xf32, #tpu.memory_space<vmem>> -> memref<120x128xf32, #tpu.memory_space<vmem>>
      tpu.wait_dma2 semaphore(%run_scoped3A_229 : memref<!tpu.dma_semaphore, #tpu.memory_space<semaphore_mem>>) src(%dma_wait3A_264 : memref<120x128xf32, #tpu.memory_space<vmem>>) dst(%dma_wait3A_257 : memref<120x128xf32, #tpu.memory_space<vmem_shared>>)
      tpu.yield
    }) : () -> ()
    %barrier3A = arith.constant 0 : index
    tpu.barrier barrier_id(%barrier3A)
    %get3A = arith.constant 0 : i32
    %get3A_28 = arith.index_cast %get3A : i32 to index
    %get3A_29 = arith.constant 0 : index
    %get3A_30 = tpu.vector_load %arg5[%get3A_28, %get3A_29] {strides = array<i32>} : memref<79x128xi32, #tpu.memory_space<vmem>>, vector<1x16xi32>,
    %get3A_31 = vector.shape_cast %get3A_30 : vector<1x16xi32> to vector<16xi32>
    %shift_right_arithmetic3A = arith.constant 14 : i32
    %shift_right_arithmetic3A_32 = vector.broadcast %shift_right_arithmetic3A : i32 to vector<16xi32>
    %shift_right_arithmetic3A_33 = arith.shrsi %get3A_31, %shift_right_arithmetic3A_32 : vector<16xi32>
    %swap3A = arith.constant 0 : i32
    %swap3A_34 = arith.index_cast %swap3A : i32 to index
    %swap3A_35 = arith.constant 0 : index
    %swap3A_36 = tpu.vector_load %arg7[%swap3A_34, %swap3A_35] {strides = array<i32>} : memref<2x128xi32, #tpu.memory_space<vmem>>, vector<1x16xi32>,
    %swap3A_37 = vector.shape_cast %swap3A_36 : vector<1x16xi32> to vector<16xi32>
    %swap3A_38 = vector.shape_cast %shift_right_arithmetic3A_33 : vector<16xi32> to vector<1x16xi32>
    tpu.vector_store %arg7[%swap3A_34, %swap3A_35], %swap3A_38 {strides = array<i32>} : memref<2x128xi32, #tpu.memory_space<vmem>>, vector<1x16xi32>,
    %and3A = arith.constant 16383 : i32
    %and3A_39 = vector.broadcast %and3A : i32 to vector<16xi32>
    %and3A_40 = arith.andi %get3A_31, %and3A_39 : vector<16xi32>
    %swap3A_41 = arith.constant 0 : i32
    %swap3A_42 = arith.index_cast %swap3A_41 : i32 to index
    %swap3A_43 = arith.constant 0 : index
    %swap3A_44 = tpu.vector_load %arg6[%swap3A_42, %swap3A_43] {strides = array<i32>} : memref<2x128xi32, #tpu.memory_space<vmem>>, vector<1x16xi32>,
    %swap3A_45 = vector.shape_cast %swap3A_44 : vector<1x16xi32> to vector<16xi32>
    %swap3A_46 = vector.shape_cast %and3A_40 : vector<16xi32> to vector<1x16xi32>
    tpu.vector_store %arg6[%swap3A_42, %swap3A_43], %swap3A_46 {strides = array<i32>} : memref<2x128xi32, #tpu.memory_space<vmem>>, vector<1x16xi32>,
    %get3A_47 = arith.constant 0 : i32
    %get3A_48 = arith.index_cast %get3A_47 : i32 to index
    %get3A_49 = arith.constant 16 : index
    %get3A_50 = tpu.vector_load %arg5[%get3A_48, %get3A_49] {strides = array<i32>} : memref<79x128xi32, #tpu.memory_space<vmem>>, vector<1x16xi32>,
    %get3A_51 = vector.shape_cast %get3A_50 : vector<1x16xi32> to vector<16xi32>
    %shift_right_arithmetic3A_52 = arith.constant 14 : i32
    %shift_right_arithmetic3A_53 = vector.broadcast %shift_right_arithmetic3A_52 : i32 to vector<16xi32>
    %shift_right_arithmetic3A_54 = arith.shrsi %get3A_51, %shift_right_arithmetic3A_53 : vector<16xi32>
    %swap3A_55 = arith.constant 0 : i32
    %swap3A_56 = arith.index_cast %swap3A_55 : i32 to index
    %swap3A_57 = arith.constant 16 : index
    %swap3A_58 = tpu.vector_load %arg7[%swap3A_56, %swap3A_57] {strides = array<i32>} : memref<2x128xi32, #tpu.memory_space<vmem>>, vector<1x16xi32>,
    %swap3A_59 = vector.shape_cast %swap3A_58 : vector<1x16xi32> to vector<16xi32>
    %swap3A_60 = vector.shape_cast %shift_right_arithmetic3A_54 : vector<16xi32> to vector<1x16xi32>
    tpu.vector_store %arg7[%swap3A_56, %swap3A_57], %swap3A_60 {strides = array<i32>} : memref<2x128xi32, #tpu.memory_space<vmem>>, vector<1x16xi32>,
    %and3A_61 = arith.constant 16383 : i32
    %and3A_62 = vector.broadcast %and3A_61 : i32 to vector<16xi32>
    %and3A_63 = arith.andi %get3A_51, %and3A_62 : vector<16xi32>
    %swap3A_64 = arith.constant 0 : i32
    %swap3A_65 = arith.index_cast %swap3A_64 : i32 to index
    %swap3A_66 = arith.constant 16 : index
    %swap3A_67 = tpu.vector_load %arg6[%swap3A_65, %swap3A_66] {strides = array<i32>} : memref<2x128xi32, #tpu.memory_space<vmem>>, vector<1x16xi32>,
    %swap3A_68 = vector.shape_cast %swap3A_67 : vector<1x16xi32> to vector<16xi32>
    %swap3A_69 = vector.shape_cast %and3A_63 : vector<16xi32> to vector<1x16xi32>
    tpu.vector_store %arg6[%swap3A_65, %swap3A_66], %swap3A_69 {strides = array<i32>} : memref<2x128xi32, #tpu.memory_space<vmem>>, vector<1x16xi32>,
    %get3A_70 = arith.constant 0 : i32
    %get3A_71 = arith.index_cast %get3A_70 : i32 to index
    %get3A_72 = arith.constant 32 : index
    %get3A_73 = tpu.vector_load %arg5[%get3A_71, %get3A_72] {strides = array<i32>} : memref<79x128xi32, #tpu.memory_space<vmem>>, vector<1x16xi32>,
    %get3A_74 = vector.shape_cast %get3A_73 : vector<1x16xi32> to vector<16xi32>
    %shift_right_arithmetic3A_75 = arith.constant 14 : i32
    %shift_right_arithmetic3A_76 = vector.broadcast %shift_right_arithmetic3A_75 : i32 to vector<16xi32>
    %shift_right_arithmetic3A_77 = arith.shrsi %get3A_74, %shift_right_arithmetic3A_76 : vector<16xi32>
    %swap3A_78 = arith.constant 0 : i32
    %swap3A_79 = arith.index_cast %swap3A_78 : i32 to index
    %swap3A_80 = arith.constant 32 : index
    %swap3A_81 = tpu.vector_load %arg7[%swap3A_79, %swap3A_80] {strides = array<i32>} : memref<2x128xi32, #tpu.memory_space<vmem>>, vector<1x16xi32>,
    %swap3A_82 = vector.shape_cast %swap3A_81 : vector<1x16xi32> to vector<16xi32>
    %swap3A_83 = vector.shape_cast %shift_right_arithmetic3A_77 : vector<16xi32> to vector<1x16xi32>
    tpu.vector_store %arg7[%swap3A_79, %swap3A_80], %swap3A_83 {strides = array<i32>} : memref<2x128xi32, #tpu.memory_space<vmem>>, vector<1x16xi32>,
    %and3A_84 = arith.constant 16383 : i32
    %and3A_85 = vector.broadcast %and3A_84 : i32 to vector<16xi32>
    %and3A_86 = arith.andi %get3A_74, %and3A_85 : vector<16xi32>
    %swap3A_87 = arith.constant 0 : i32
    %swap3A_88 = arith.index_cast %swap3A_87 : i32 to index
    %swap3A_89 = arith.constant 32 : index
    %swap3A_90 = tpu.vector_load %arg6[%swap3A_88, %swap3A_89] {strides = array<i32>} : memref<2x128xi32, #tpu.memory_space<vmem>>, vector<1x16xi32>,
    %swap3A_91 = vector.shape_cast %swap3A_90 : vector<1x16xi32> to vector<16xi32>
    %swap3A_92 = vector.shape_cast %and3A_86 : vector<16xi32> to vector<1x16xi32>
    tpu.vector_store %arg6[%swap3A_88, %swap3A_89], %swap3A_92 {strides = array<i32>} : memref<2x128xi32, #tpu.memory_space<vmem>>, vector<1x16xi32>,
    %get3A_93 = arith.constant 0 : i32
    %get3A_94 = arith.index_cast %get3A_93 : i32 to index
    %get3A_95 = arith.constant 48 : index
    %get3A_96 = tpu.vector_load %arg5[%get3A_94, %get3A_95] {strides = array<i32>} : memref<79x128xi32, #tpu.memory_space<vmem>>, vector<1x16xi32>,
    %get3A_97 = vector.shape_cast %get3A_96 : vector<1x16xi32> to vector<16xi32>
    %shift_right_arithmetic3A_98 = arith.constant 14 : i32
    %shift_right_arithmetic3A_99 = vector.broadcast %shift_right_arithmetic3A_98 : i32 to vector<16xi32>
    %shift_right_arithmetic3A_100 = arith.shrsi %get3A_97, %shift_right_arithmetic3A_99 : vector<16xi32>
    %swap3A_101 = arith.constant 0 : i32
    %swap3A_102 = arith.index_cast %swap3A_101 : i32 to index
    %swap3A_103 = arith.constant 48 : index
    %swap3A_104 = tpu.vector_load %arg7[%swap3A_102, %swap3A_103] {strides = array<i32>} : memref<2x128xi32, #tpu.memory_space<vmem>>, vector<1x16xi32>,
    %swap3A_105 = vector.shape_cast %swap3A_104 : vector<1x16xi32> to vector<16xi32>
    %swap3A_106 = vector.shape_cast %shift_right_arithmetic3A_100 : vector<16xi32> to vector<1x16xi32>
    tpu.vector_store %arg7[%swap3A_102, %swap3A_103], %swap3A_106 {strides = array<i32>} : memref<2x128xi32, #tpu.memory_space<vmem>>, vector<1x16xi32>,
    %and3A_107 = arith.constant 16383 : i32
    %and3A_108 = vector.broadcast %and3A_107 : i32 to vector<16xi32>
    %and3A_109 = arith.andi %get3A_97, %and3A_108 : vector<16xi32>
    %swap3A_110 = arith.constant 0 : i32
    %swap3A_111 = arith.index_cast %swap3A_110 : i32 to index
    %swap3A_112 = arith.constant 48 : index
    %swap3A_113 = tpu.vector_load %arg6[%swap3A_111, %swap3A_112] {strides = array<i32>} : memref<2x128xi32, #tpu.memory_space<vmem>>, vector<1x16xi32>,
    %swap3A_114 = vector.shape_cast %swap3A_113 : vector<1x16xi32> to vector<16xi32>
    %swap3A_115 = vector.shape_cast %and3A_109 : vector<16xi32> to vector<1x16xi32>
    tpu.vector_store %arg6[%swap3A_111, %swap3A_112], %swap3A_115 {strides = array<i32>} : memref<2x128xi32, #tpu.memory_space<vmem>>, vector<1x16xi32>,
    %get3A_116 = arith.constant 0 : i32
    %get3A_117 = arith.index_cast %get3A_116 : i32 to index
    %get3A_118 = arith.constant 64 : index
    %get3A_119 = tpu.vector_load %arg5[%get3A_117, %get3A_118] {strides = array<i32>} : memref<79x128xi32, #tpu.memory_space<vmem>>, vector<1x16xi32>,
    %get3A_120 = vector.shape_cast %get3A_119 : vector<1x16xi32> to vector<16xi32>
    %shift_right_arithmetic3A_121 = arith.constant 14 : i32
    %shift_right_arithmetic3A_122 = vector.broadcast %shift_right_arithmetic3A_121 : i32 to vector<16xi32>
    %shift_right_arithmetic3A_123 = arith.shrsi %get3A_120, %shift_right_arithmetic3A_122 : vector<16xi32>
    %swap3A_124 = arith.constant 0 : i32
    %swap3A_125 = arith.index_cast %swap3A_124 : i32 to index
    %swap3A_126 = arith.constant 64 : index
    %swap3A_127 = tpu.vector_load %arg7[%swap3A_125, %swap3A_126] {strides = array<i32>} : memref<2x128xi32, #tpu.memory_space<vmem>>, vector<1x16xi32>,
    %swap3A_128 = vector.shape_cast %swap3A_127 : vector<1x16xi32> to vector<16xi32>
    %swap3A_129 = vector.shape_cast %shift_right_arithmetic3A_123 : vector<16xi32> to vector<1x16xi32>
    tpu.vector_store %arg7[%swap3A_125, %swap3A_126], %swap3A_129 {strides = array<i32>} : memref<2x128xi32, #tpu.memory_space<vmem>>, vector<1x16xi32>,
    %and3A_130 = arith.constant 16383 : i32
    %and3A_131 = vector.broadcast %and3A_130 : i32 to vector<16xi32>
    %and3A_132 = arith.andi %get3A_120, %and3A_131 : vector<16xi32>
    %swap3A_133 = arith.constant 0 : i32
    %swap3A_134 = arith.index_cast %swap3A_133 : i32 to index
    %swap3A_135 = arith.constant 64 : index
    %swap3A_136 = tpu.vector_load %arg6[%swap3A_134, %swap3A_135] {strides = array<i32>} : memref<2x128xi32, #tpu.memory_space<vmem>>, vector<1x16xi32>,
    %swap3A_137 = vector.shape_cast %swap3A_136 : vector<1x16xi32> to vector<16xi32>
    %swap3A_138 = vector.shape_cast %and3A_132 : vector<16xi32> to vector<1x16xi32>
    tpu.vector_store %arg6[%swap3A_134, %swap3A_135], %swap3A_138 {strides = array<i32>} : memref<2x128xi32, #tpu.memory_space<vmem>>, vector<1x16xi32>,
    %get3A_139 = arith.constant 0 : i32
    %get3A_140 = arith.index_cast %get3A_139 : i32 to index
    %get3A_141 = arith.constant 80 : index
    %get3A_142 = tpu.vector_load %arg5[%get3A_140, %get3A_141] {strides = array<i32>} : memref<79x128xi32, #tpu.memory_space<vmem>>, vector<1x16xi32>,
    %get3A_143 = vector.shape_cast %get3A_142 : vector<1x16xi32> to vector<16xi32>
    %shift_right_arithmetic3A_144 = arith.constant 14 : i32
    %shift_right_arithmetic3A_145 = vector.broadcast %shift_right_arithmetic3A_144 : i32 to vector<16xi32>
    %shift_right_arithmetic3A_146 = arith.shrsi %get3A_143, %shift_right_arithmetic3A_145 : vector<16xi32>
    %swap3A_147 = arith.constant 0 : i32
    %swap3A_148 = arith.index_cast %swap3A_147 : i32 to index
    %swap3A_149 = arith.constant 80 : index
    %swap3A_150 = tpu.vector_load %arg7[%swap3A_148, %swap3A_149] {strides = array<i32>} : memref<2x128xi32, #tpu.memory_space<vmem>>, vector<1x16xi32>,
    %swap3A_151 = vector.shape_cast %swap3A_150 : vector<1x16xi32> to vector<16xi32>
    %swap3A_152 = vector.shape_cast %shift_right_arithmetic3A_146 : vector<16xi32> to vector<1x16xi32>
    tpu.vector_store %arg7[%swap3A_148, %swap3A_149], %swap3A_152 {strides = array<i32>} : memref<2x128xi32, #tpu.memory_space<vmem>>, vector<1x16xi32>,
    %and3A_153 = arith.constant 16383 : i32
    %and3A_154 = vector.broadcast %and3A_153 : i32 to vector<16xi32>
    %and3A_155 = arith.andi %get3A_143, %and3A_154 : vector<16xi32>
    %swap3A_156 = arith.constant 0 : i32
    %swap3A_157 = arith.index_cast %swap3A_156 : i32 to index
    %swap3A_158 = arith.constant 80 : index
    %swap3A_159 = tpu.vector_load %arg6[%swap3A_157, %swap3A_158] {strides = array<i32>} : memref<2x128xi32, #tpu.memory_space<vmem>>, vector<1x16xi32>,
    %swap3A_160 = vector.shape_cast %swap3A_159 : vector<1x16xi32> to vector<16xi32>
    %swap3A_161 = vector.shape_cast %and3A_155 : vector<16xi32> to vector<1x16xi32>
    tpu.vector_store %arg6[%swap3A_157, %swap3A_158], %swap3A_161 {strides = array<i32>} : memref<2x128xi32, #tpu.memory_space<vmem>>, vector<1x16xi32>,
    %get3A_162 = arith.constant 0 : i32
    %get3A_163 = arith.index_cast %get3A_162 : i32 to index
    %get3A_164 = arith.constant 96 : index
    %get3A_165 = tpu.vector_load %arg5[%get3A_163, %get3A_164] {strides = array<i32>} : memref<79x128xi32, #tpu.memory_space<vmem>>, vector<1x16xi32>,
    %get3A_166 = vector.shape_cast %get3A_165 : vector<1x16xi32> to vector<16xi32>
    %shift_right_arithmetic3A_167 = arith.constant 14 : i32
    %shift_right_arithmetic3A_168 = vector.broadcast %shift_right_arithmetic3A_167 : i32 to vector<16xi32>
    %shift_right_arithmetic3A_169 = arith.shrsi %get3A_166, %shift_right_arithmetic3A_168 : vector<16xi32>
    %swap3A_170 = arith.constant 0 : i32
    %swap3A_171 = arith.index_cast %swap3A_170 : i32 to index
    %swap3A_172 = arith.constant 96 : index
    %swap3A_173 = tpu.vector_load %arg7[%swap3A_171, %swap3A_172] {strides = array<i32>} : memref<2x128xi32, #tpu.memory_space<vmem>>, vector<1x16xi32>,
    %swap3A_174 = vector.shape_cast %swap3A_173 : vector<1x16xi32> to vector<16xi32>
    %swap3A_175 = vector.shape_cast %shift_right_arithmetic3A_169 : vector<16xi32> to vector<1x16xi32>
    tpu.vector_store %arg7[%swap3A_171, %swap3A_172], %swap3A_175 {strides = array<i32>} : memref<2x128xi32, #tpu.memory_space<vmem>>, vector<1x16xi32>,
    %and3A_176 = arith.constant 16383 : i32
    %and3A_177 = vector.broadcast %and3A_176 : i32 to vector<16xi32>
    %and3A_178 = arith.andi %get3A_166, %and3A_177 : vector<16xi32>
    %swap3A_179 = arith.constant 0 : i32
    %swap3A_180 = arith.index_cast %swap3A_179 : i32 to index
    %swap3A_181 = arith.constant 96 : index
    %swap3A_182 = tpu.vector_load %arg6[%swap3A_180, %swap3A_181] {strides = array<i32>} : memref<2x128xi32, #tpu.memory_space<vmem>>, vector<1x16xi32>,
    %swap3A_183 = vector.shape_cast %swap3A_182 : vector<1x16xi32> to vector<16xi32>
    %swap3A_184 = vector.shape_cast %and3A_178 : vector<16xi32> to vector<1x16xi32>
    tpu.vector_store %arg6[%swap3A_180, %swap3A_181], %swap3A_184 {strides = array<i32>} : memref<2x128xi32, #tpu.memory_space<vmem>>, vector<1x16xi32>,
    %get3A_185 = arith.constant 0 : i32
    %get3A_186 = arith.index_cast %get3A_185 : i32 to index
    %get3A_187 = arith.constant 112 : index
    %get3A_188 = tpu.vector_load %arg5[%get3A_186, %get3A_187] {strides = array<i32>} : memref<79x128xi32, #tpu.memory_space<vmem>>, vector<1x16xi32>,
    %get3A_189 = vector.shape_cast %get3A_188 : vector<1x16xi32> to vector<16xi32>
    %shift_right_arithmetic3A_190 = arith.constant 14 : i32
    %shift_right_arithmetic3A_191 = vector.broadcast %shift_right_arithmetic3A_190 : i32 to vector<16xi32>
    %shift_right_arithmetic3A_192 = arith.shrsi %get3A_189, %shift_right_arithmetic3A_191 : vector<16xi32>
    %swap3A_193 = arith.constant 0 : i32
    %swap3A_194 = arith.index_cast %swap3A_193 : i32 to index
    %swap3A_195 = arith.constant 112 : index
    %swap3A_196 = tpu.vector_load %arg7[%swap3A_194, %swap3A_195] {strides = array<i32>} : memref<2x128xi32, #tpu.memory_space<vmem>>, vector<1x16xi32>,
    %swap3A_197 = vector.shape_cast %swap3A_196 : vector<1x16xi32> to vector<16xi32>
    %swap3A_198 = vector.shape_cast %shift_right_arithmetic3A_192 : vector<16xi32> to vector<1x16xi32>
    tpu.vector_store %arg7[%swap3A_194, %swap3A_195], %swap3A_198 {strides = array<i32>} : memref<2x128xi32, #tpu.memory_space<vmem>>, vector<1x16xi32>,
    %and3A_199 = arith.constant 16383 : i32
    %and3A_200 = vector.broadcast %and3A_199 : i32 to vector<16xi32>
    %and3A_201 = arith.andi %get3A_189, %and3A_200 : vector<16xi32>
    %swap3A_202 = arith.constant 0 : i32
    %swap3A_203 = arith.index_cast %swap3A_202 : i32 to index
    %swap3A_204 = arith.constant 112 : index
    %swap3A_205 = tpu.vector_load %arg6[%swap3A_203, %swap3A_204] {strides = array<i32>} : memref<2x128xi32, #tpu.memory_space<vmem>>, vector<1x16xi32>,
    %swap3A_206 = vector.shape_cast %swap3A_205 : vector<1x16xi32> to vector<16xi32>
    %swap3A_207 = vector.shape_cast %and3A_201 : vector<16xi32> to vector<1x16xi32>
    tpu.vector_store %arg6[%swap3A_203, %swap3A_204], %swap3A_207 {strides = array<i32>} : memref<2x128xi32, #tpu.memory_space<vmem>>, vector<1x16xi32>,
    %dma_start3A = arith.constant 0 : i32
    %dma_start3A_208 = arith.constant 0 : i32
    %dma_start3A_209 = arith.constant 0 : i32
    %dma_start3A_210 = arith.constant 0 : i32
    %dma_start3A_211 = tpu.memref_slice %arg8[%dma_start3A_208, %dma_start3A_209, %dma_start3A_210] : memref<2x128x128xf32, #tpu.memory_space<vmem>> -> memref<1x128x128xf32, #tpu.memory_space<vmem>>
    %dma_start3A_212 = tpu.memref_squeeze %dma_start3A_211 : memref<1x128x128xf32, #tpu.memory_space<vmem>> -> memref<128x128xf32, #tpu.memory_space<vmem>>
    %dma_start3A_213 = arith.constant 0 : i32
    %dma_start3A_214 = tpu.memref_slice %arg6[%dma_start3A, %dma_start3A_213] : memref<2x128xi32, #tpu.memory_space<vmem>> -> memref<1x128xi32, #tpu.memory_space<vmem>>
    %dma_start3A_215 = tpu.memref_squeeze %dma_start3A_214 : memref<1x128xi32, #tpu.memory_space<vmem>> -> memref<128xi32, #tpu.memory_space<vmem>>
    %dma_start3A_216 = arith.constant 0 : i32
    %dma_start3A_217 = arith.constant 0 : i32
    %dma_start3A_218 = tpu.memref_slice %arg2[%dma_start3A_216, %dma_start3A_217] : memref<10000x128xf32, #tpu.memory_space<hbm>> -> memref<10000x128xf32, #tpu.memory_space<hbm>>
    tpu.enqueue_indirect_dma source(%dma_start3A_218 : memref<10000x128xf32, #tpu.memory_space<hbm>>) target(%dma_start3A_212 : memref<128x128xf32, #tpu.memory_space<vmem>>) offsets(%dma_start3A_215 : memref<128xi32, #tpu.memory_space<vmem>>) semaphore(%arg10 : memref<!tpu.dma_semaphore, #tpu.memory_space<semaphore_mem>>)
    %scan3A_219 = arith.constant 0 : i32
    %scan3A_220 = arith.constant 79 : i32
    %scan3A_221 = arith.addi %scan3A_219, %scan3A_220 : i32
    %scan3A_222 = arith.constant 1 : i32
    scf.for %scan3A_229 = %scan3A_219 to %scan3A_221 step %scan3A_222  : i32 {
      %mul3A_230 = arith.constant 1 : i32
      %mul3A_231 = arith.muli %scan3A_229, %mul3A_230 : i32
      %add3A_232 = arith.constant 0 : i32
      %add3A_233 = arith.addi %add3A_232, %mul3A_231 : i32
      %rem3A = arith.constant 2 : i32
      %rem3A_234 = arith.remsi %add3A_233, %rem3A : i32
      %dma_wait3A = arith.constant 0 : i32
      %dma_wait3A_235 = arith.constant 0 : i32
      %dma_wait3A_236 = tpu.memref_slice %arg8[%rem3A_234, %dma_wait3A, %dma_wait3A_235] : memref<2x128x128xf32, #tpu.memory_space<vmem>> -> memref<1x128x128xf32, #tpu.memory_space<vmem>>
      %dma_wait3A_237 = tpu.memref_squeeze %dma_wait3A_236 : memref<1x128x128xf32, #tpu.memory_space<vmem>> -> memref<128x128xf32, #tpu.memory_space<vmem>>
      %dma_wait3A_238 = arith.constant 0 : i32
      %dma_wait3A_239 = tpu.memref_slice %arg6[%rem3A_234, %dma_wait3A_238] : memref<2x128xi32, #tpu.memory_space<vmem>> -> memref<1x128xi32, #tpu.memory_space<vmem>>
      %dma_wait3A_240 = tpu.memref_squeeze %dma_wait3A_239 : memref<1x128xi32, #tpu.memory_space<vmem>> -> memref<128xi32, #tpu.memory_space<vmem>>
      %dma_wait3A_241 = arith.constant 0 : i32
      %dma_wait3A_242 = arith.constant 0 : i32
      %dma_wait3A_243 = tpu.memref_slice %arg2[%dma_wait3A_241, %dma_wait3A_242] : memref<10000x128xf32, #tpu.memory_space<hbm>> -> memref<10000x128xf32, #tpu.memory_space<hbm>>
      tpu.wait_indirect_dma semaphore(%arg10 : memref<!tpu.dma_semaphore, #tpu.memory_space<semaphore_mem>>) src(%dma_wait3A_243 : memref<10000x128xf32, #tpu.memory_space<hbm>>) dst(%dma_wait3A_237 : memref<128x128xf32, #tpu.memory_space<vmem>>)
      %lt3A = arith.constant 78 : i32
      %lt3A_244 = arith.cmpi slt, %add3A_233, %lt3A : i32
      %convert_element_type3A = arith.extui %lt3A_244 : i1 to i32
      %cond3A = arith.constant 0 : i32
      %cond3A_245 = arith.cmpi ne, %convert_element_type3A, %cond3A : i32
      scf.if %cond3A_245 {
        %add3A_246 = arith.constant 1 : i32
        %add3A_247 = arith.addi %add3A_233, %add3A_246 : i32
        %sub3A = arith.constant 1 : i32
        %sub3A_248 = arith.subi %sub3A, %rem3A_234 : i32
        %get3A_249 = arith.index_cast %add3A_247 : i32 to index
        %get3A_250 = arith.constant 0 : index
        %get3A_251 = tpu.vector_load %arg5[%get3A_249, %get3A_250] {strides = array<i32>} : memref<79x128xi32, #tpu.memory_space<vmem>>, vector<1x16xi32>,
        %get3A_252 = vector.shape_cast %get3A_251 : vector<1x16xi32> to vector<16xi32>
        %shift_right_arithmetic3A_253 = arith.constant 14 : i32
        %shift_right_arithmetic3A_254 = vector.broadcast %shift_right_arithmetic3A_253 : i32 to vector<16xi32>
        %shift_right_arithmetic3A_255 = arith.shrsi %get3A_252, %shift_right_arithmetic3A_254 : vector<16xi32>
        %swap3A_256 = arith.index_cast %sub3A_248 : i32 to index
        %swap3A_257 = arith.constant 0 : index
        %swap3A_258 = tpu.vector_load %arg7[%swap3A_256, %swap3A_257] {strides = array<i32>} : memref<2x128xi32, #tpu.memory_space<vmem>>, vector<1x16xi32>,
        %swap3A_259 = vector.shape_cast %swap3A_258 : vector<1x16xi32> to vector<16xi32>
        %swap3A_260 = vector.shape_cast %shift_right_arithmetic3A_255 : vector<16xi32> to vector<1x16xi32>
        tpu.vector_store %arg7[%swap3A_256, %swap3A_257], %swap3A_260 {strides = array<i32>} : memref<2x128xi32, #tpu.memory_space<vmem>>, vector<1x16xi32>,
        %and3A_261 = arith.constant 16383 : i32
        %and3A_262 = vector.broadcast %and3A_261 : i32 to vector<16xi32>
        %and3A_263 = arith.andi %get3A_252, %and3A_262 : vector<16xi32>
        %swap3A_264 = arith.index_cast %sub3A_248 : i32 to index
        %swap3A_265 = arith.constant 0 : index
        %swap3A_266 = tpu.vector_load %arg6[%swap3A_264, %swap3A_265] {strides = array<i32>} : memref<2x128xi32, #tpu.memory_space<vmem>>, vector<1x16xi32>,
        %swap3A_267 = vector.shape_cast %swap3A_266 : vector<1x16xi32> to vector<16xi32>
        %swap3A_268 = vector.shape_cast %and3A_263 : vector<16xi32> to vector<1x16xi32>
        tpu.vector_store %arg6[%swap3A_264, %swap3A_265], %swap3A_268 {strides = array<i32>} : memref<2x128xi32, #tpu.memory_space<vmem>>, vector<1x16xi32>,
        %get3A_269 = arith.index_cast %add3A_247 : i32 to index
        %get3A_270 = arith.constant 16 : index
        %get3A_271 = tpu.vector_load %arg5[%get3A_269, %get3A_270] {strides = array<i32>} : memref<79x128xi32, #tpu.memory_space<vmem>>, vector<1x16xi32>,
        %get3A_272 = vector.shape_cast %get3A_271 : vector<1x16xi32> to vector<16xi32>
        %shift_right_arithmetic3A_273 = arith.constant 14 : i32
        %shift_right_arithmetic3A_274 = vector.broadcast %shift_right_arithmetic3A_273 : i32 to vector<16xi32>
        %shift_right_arithmetic3A_275 = arith.shrsi %get3A_272, %shift_right_arithmetic3A_274 : vector<16xi32>
        %swap3A_276 = arith.index_cast %sub3A_248 : i32 to index
        %swap3A_277 = arith.constant 16 : index
        %swap3A_278 = tpu.vector_load %arg7[%swap3A_276, %swap3A_277] {strides = array<i32>} : memref<2x128xi32, #tpu.memory_space<vmem>>, vector<1x16xi32>,
        %swap3A_279 = vector.shape_cast %swap3A_278 : vector<1x16xi32> to vector<16xi32>
        %swap3A_280 = vector.shape_cast %shift_right_arithmetic3A_275 : vector<16xi32> to vector<1x16xi32>
        tpu.vector_store %arg7[%swap3A_276, %swap3A_277], %swap3A_280 {strides = array<i32>} : memref<2x128xi32, #tpu.memory_space<vmem>>, vector<1x16xi32>,
        %and3A_281 = arith.constant 16383 : i32
        %and3A_282 = vector.broadcast %and3A_281 : i32 to vector<16xi32>
        %and3A_283 = arith.andi %get3A_272, %and3A_282 : vector<16xi32>
        %swap3A_284 = arith.index_cast %sub3A_248 : i32 to index
        %swap3A_285 = arith.constant 16 : index
        %swap3A_286 = tpu.vector_load %arg6[%swap3A_284, %swap3A_285] {strides = array<i32>} : memref<2x128xi32, #tpu.memory_space<vmem>>, vector<1x16xi32>,
        %swap3A_287 = vector.shape_cast %swap3A_286 : vector<1x16xi32> to vector<16xi32>
        %swap3A_288 = vector.shape_cast %and3A_283 : vector<16xi32> to vector<1x16xi32>
        tpu.vector_store %arg6[%swap3A_284, %swap3A_285], %swap3A_288 {strides = array<i32>} : memref<2x128xi32, #tpu.memory_space<vmem>>, vector<1x16xi32>,
        %get3A_289 = arith.index_cast %add3A_247 : i32 to index
        %get3A_290 = arith.constant 32 : index
        %get3A_291 = tpu.vector_load %arg5[%get3A_289, %get3A_290] {strides = array<i32>} : memref<79x128xi32, #tpu.memory_space<vmem>>, vector<1x16xi32>,
        %get3A_292 = vector.shape_cast %get3A_291 : vector<1x16xi32> to vector<16xi32>
        %shift_right_arithmetic3A_293 = arith.constant 14 : i32
        %shift_right_arithmetic3A_294 = vector.broadcast %shift_right_arithmetic3A_293 : i32 to vector<16xi32>
        %shift_right_arithmetic3A_295 = arith.shrsi %get3A_292, %shift_right_arithmetic3A_294 : vector<16xi32>
        %swap3A_296 = arith.index_cast %sub3A_248 : i32 to index
        %swap3A_297 = arith.constant 32 : index
        %swap3A_298 = tpu.vector_load %arg7[%swap3A_296, %swap3A_297] {strides = array<i32>} : memref<2x128xi32, #tpu.memory_space<vmem>>, vector<1x16xi32>,
        %swap3A_299 = vector.shape_cast %swap3A_298 : vector<1x16xi32> to vector<16xi32>
        %swap3A_300 = vector.shape_cast %shift_right_arithmetic3A_295 : vector<16xi32> to vector<1x16xi32>
        tpu.vector_store %arg7[%swap3A_296, %swap3A_297], %swap3A_300 {strides = array<i32>} : memref<2x128xi32, #tpu.memory_space<vmem>>, vector<1x16xi32>,
        %and3A_301 = arith.constant 16383 : i32
        %and3A_302 = vector.broadcast %and3A_301 : i32 to vector<16xi32>
        %and3A_303 = arith.andi %get3A_292, %and3A_302 : vector<16xi32>
        %swap3A_304 = arith.index_cast %sub3A_248 : i32 to index
        %swap3A_305 = arith.constant 32 : index
        %swap3A_306 = tpu.vector_load %arg6[%swap3A_304, %swap3A_305] {strides = array<i32>} : memref<2x128xi32, #tpu.memory_space<vmem>>, vector<1x16xi32>,
        %swap3A_307 = vector.shape_cast %swap3A_306 : vector<1x16xi32> to vector<16xi32>
        %swap3A_308 = vector.shape_cast %and3A_303 : vector<16xi32> to vector<1x16xi32>
        tpu.vector_store %arg6[%swap3A_304, %swap3A_305], %swap3A_308 {strides = array<i32>} : memref<2x128xi32, #tpu.memory_space<vmem>>, vector<1x16xi32>,
        %get3A_309 = arith.index_cast %add3A_247 : i32 to index
        %get3A_310 = arith.constant 48 : index
        %get3A_311 = tpu.vector_load %arg5[%get3A_309, %get3A_310] {strides = array<i32>} : memref<79x128xi32, #tpu.memory_space<vmem>>, vector<1x16xi32>,
        %get3A_312 = vector.shape_cast %get3A_311 : vector<1x16xi32> to vector<16xi32>
        %shift_right_arithmetic3A_313 = arith.constant 14 : i32
        %shift_right_arithmetic3A_314 = vector.broadcast %shift_right_arithmetic3A_313 : i32 to vector<16xi32>
        %shift_right_arithmetic3A_315 = arith.shrsi %get3A_312, %shift_right_arithmetic3A_314 : vector<16xi32>
        %swap3A_316 = arith.index_cast %sub3A_248 : i32 to index
        %swap3A_317 = arith.constant 48 : index
        %swap3A_318 = tpu.vector_load %arg7[%swap3A_316, %swap3A_317] {strides = array<i32>} : memref<2x128xi32, #tpu.memory_space<vmem>>, vector<1x16xi32>,
        %swap3A_319 = vector.shape_cast %swap3A_318 : vector<1x16xi32> to vector<16xi32>
        %swap3A_320 = vector.shape_cast %shift_right_arithmetic3A_315 : vector<16xi32> to vector<1x16xi32>
        tpu.vector_store %arg7[%swap3A_316, %swap3A_317], %swap3A_320 {strides = array<i32>} : memref<2x128xi32, #tpu.memory_space<vmem>>, vector<1x16xi32>,
        %and3A_321 = arith.constant 16383 : i32
        %and3A_322 = vector.broadcast %and3A_321 : i32 to vector<16xi32>
        %and3A_323 = arith.andi %get3A_312, %and3A_322 : vector<16xi32>
        %swap3A_324 = arith.index_cast %sub3A_248 : i32 to index
        %swap3A_325 = arith.constant 48 : index
        %swap3A_326 = tpu.vector_load %arg6[%swap3A_324, %swap3A_325] {strides = array<i32>} : memref<2x128xi32, #tpu.memory_space<vmem>>, vector<1x16xi32>,
        %swap3A_327 = vector.shape_cast %swap3A_326 : vector<1x16xi32> to vector<16xi32>
        %swap3A_328 = vector.shape_cast %and3A_323 : vector<16xi32> to vector<1x16xi32>
        tpu.vector_store %arg6[%swap3A_324, %swap3A_325], %swap3A_328 {strides = array<i32>} : memref<2x128xi32, #tpu.memory_space<vmem>>, vector<1x16xi32>,
        %get3A_329 = arith.index_cast %add3A_247 : i32 to index
        %get3A_330 = arith.constant 64 : index
        %get3A_331 = tpu.vector_load %arg5[%get3A_329, %get3A_330] {strides = array<i32>} : memref<79x128xi32, #tpu.memory_space<vmem>>, vector<1x16xi32>,
        %get3A_332 = vector.shape_cast %get3A_331 : vector<1x16xi32> to vector<16xi32>
        %shift_right_arithmetic3A_333 = arith.constant 14 : i32
        %shift_right_arithmetic3A_334 = vector.broadcast %shift_right_arithmetic3A_333 : i32 to vector<16xi32>
        %shift_right_arithmetic3A_335 = arith.shrsi %get3A_332, %shift_right_arithmetic3A_334 : vector<16xi32>
        %swap3A_336 = arith.index_cast %sub3A_248 : i32 to index
        %swap3A_337 = arith.constant 64 : index
        %swap3A_338 = tpu.vector_load %arg7[%swap3A_336, %swap3A_337] {strides = array<i32>} : memref<2x128xi32, #tpu.memory_space<vmem>>, vector<1x16xi32>,
        %swap3A_339 = vector.shape_cast %swap3A_338 : vector<1x16xi32> to vector<16xi32>
        %swap3A_340 = vector.shape_cast %shift_right_arithmetic3A_335 : vector<16xi32> to vector<1x16xi32>
        tpu.vector_store %arg7[%swap3A_336, %swap3A_337], %swap3A_340 {strides = array<i32>} : memref<2x128xi32, #tpu.memory_space<vmem>>, vector<1x16xi32>,
        %and3A_341 = arith.constant 16383 : i32
        %and3A_342 = vector.broadcast %and3A_341 : i32 to vector<16xi32>
        %and3A_343 = arith.andi %get3A_332, %and3A_342 : vector<16xi32>
        %swap3A_344 = arith.index_cast %sub3A_248 : i32 to index
        %swap3A_345 = arith.constant 64 : index
        %swap3A_346 = tpu.vector_load %arg6[%swap3A_344, %swap3A_345] {strides = array<i32>} : memref<2x128xi32, #tpu.memory_space<vmem>>, vector<1x16xi32>,
        %swap3A_347 = vector.shape_cast %swap3A_346 : vector<1x16xi32> to vector<16xi32>
        %swap3A_348 = vector.shape_cast %and3A_343 : vector<16xi32> to vector<1x16xi32>
        tpu.vector_store %arg6[%swap3A_344, %swap3A_345], %swap3A_348 {strides = array<i32>} : memref<2x128xi32, #tpu.memory_space<vmem>>, vector<1x16xi32>,
        %get3A_349 = arith.index_cast %add3A_247 : i32 to index
        %get3A_350 = arith.constant 80 : index
        %get3A_351 = tpu.vector_load %arg5[%get3A_349, %get3A_350] {strides = array<i32>} : memref<79x128xi32, #tpu.memory_space<vmem>>, vector<1x16xi32>,
        %get3A_352 = vector.shape_cast %get3A_351 : vector<1x16xi32> to vector<16xi32>
        %shift_right_arithmetic3A_353 = arith.constant 14 : i32
        %shift_right_arithmetic3A_354 = vector.broadcast %shift_right_arithmetic3A_353 : i32 to vector<16xi32>
        %shift_right_arithmetic3A_355 = arith.shrsi %get3A_352, %shift_right_arithmetic3A_354 : vector<16xi32>
        %swap3A_356 = arith.index_cast %sub3A_248 : i32 to index
        %swap3A_357 = arith.constant 80 : index
        %swap3A_358 = tpu.vector_load %arg7[%swap3A_356, %swap3A_357] {strides = array<i32>} : memref<2x128xi32, #tpu.memory_space<vmem>>, vector<1x16xi32>,
        %swap3A_359 = vector.shape_cast %swap3A_358 : vector<1x16xi32> to vector<16xi32>
        %swap3A_360 = vector.shape_cast %shift_right_arithmetic3A_355 : vector<16xi32> to vector<1x16xi32>
        tpu.vector_store %arg7[%swap3A_356, %swap3A_357], %swap3A_360 {strides = array<i32>} : memref<2x128xi32, #tpu.memory_space<vmem>>, vector<1x16xi32>,
        %and3A_361 = arith.constant 16383 : i32
        %and3A_362 = vector.broadcast %and3A_361 : i32 to vector<16xi32>
        %and3A_363 = arith.andi %get3A_352, %and3A_362 : vector<16xi32>
        %swap3A_364 = arith.index_cast %sub3A_248 : i32 to index
        %swap3A_365 = arith.constant 80 : index
        %swap3A_366 = tpu.vector_load %arg6[%swap3A_364, %swap3A_365] {strides = array<i32>} : memref<2x128xi32, #tpu.memory_space<vmem>>, vector<1x16xi32>,
        %swap3A_367 = vector.shape_cast %swap3A_366 : vector<1x16xi32> to vector<16xi32>
        %swap3A_368 = vector.shape_cast %and3A_363 : vector<16xi32> to vector<1x16xi32>
        tpu.vector_store %arg6[%swap3A_364, %swap3A_365], %swap3A_368 {strides = array<i32>} : memref<2x128xi32, #tpu.memory_space<vmem>>, vector<1x16xi32>,
        %get3A_369 = arith.index_cast %add3A_247 : i32 to index
        %get3A_370 = arith.constant 96 : index
        %get3A_371 = tpu.vector_load %arg5[%get3A_369, %get3A_370] {strides = array<i32>} : memref<79x128xi32, #tpu.memory_space<vmem>>, vector<1x16xi32>,
        %get3A_372 = vector.shape_cast %get3A_371 : vector<1x16xi32> to vector<16xi32>
        %shift_right_arithmetic3A_373 = arith.constant 14 : i32
        %shift_right_arithmetic3A_374 = vector.broadcast %shift_right_arithmetic3A_373 : i32 to vector<16xi32>
        %shift_right_arithmetic3A_375 = arith.shrsi %get3A_372, %shift_right_arithmetic3A_374 : vector<16xi32>
        %swap3A_376 = arith.index_cast %sub3A_248 : i32 to index
        %swap3A_377 = arith.constant 96 : index
        %swap3A_378 = tpu.vector_load %arg7[%swap3A_376, %swap3A_377] {strides = array<i32>} : memref<2x128xi32, #tpu.memory_space<vmem>>, vector<1x16xi32>,
        %swap3A_379 = vector.shape_cast %swap3A_378 : vector<1x16xi32> to vector<16xi32>
        %swap3A_380 = vector.shape_cast %shift_right_arithmetic3A_375 : vector<16xi32> to vector<1x16xi32>
        tpu.vector_store %arg7[%swap3A_376, %swap3A_377], %swap3A_380 {strides = array<i32>} : memref<2x128xi32, #tpu.memory_space<vmem>>, vector<1x16xi32>,
        %and3A_381 = arith.constant 16383 : i32
        %and3A_382 = vector.broadcast %and3A_381 : i32 to vector<16xi32>
        %and3A_383 = arith.andi %get3A_372, %and3A_382 : vector<16xi32>
        %swap3A_384 = arith.index_cast %sub3A_248 : i32 to index
        %swap3A_385 = arith.constant 96 : index
        %swap3A_386 = tpu.vector_load %arg6[%swap3A_384, %swap3A_385] {strides = array<i32>} : memref<2x128xi32, #tpu.memory_space<vmem>>, vector<1x16xi32>,
        %swap3A_387 = vector.shape_cast %swap3A_386 : vector<1x16xi32> to vector<16xi32>
        %swap3A_388 = vector.shape_cast %and3A_383 : vector<16xi32> to vector<1x16xi32>
        tpu.vector_store %arg6[%swap3A_384, %swap3A_385], %swap3A_388 {strides = array<i32>} : memref<2x128xi32, #tpu.memory_space<vmem>>, vector<1x16xi32>,
        %get3A_389 = arith.index_cast %add3A_247 : i32 to index
        %get3A_390 = arith.constant 112 : index
        %get3A_391 = tpu.vector_load %arg5[%get3A_389, %get3A_390] {strides = array<i32>} : memref<79x128xi32, #tpu.memory_space<vmem>>, vector<1x16xi32>,
        %get3A_392 = vector.shape_cast %get3A_391 : vector<1x16xi32> to vector<16xi32>
        %shift_right_arithmetic3A_393 = arith.constant 14 : i32
        %shift_right_arithmetic3A_394 = vector.broadcast %shift_right_arithmetic3A_393 : i32 to vector<16xi32>
        %shift_right_arithmetic3A_395 = arith.shrsi %get3A_392, %shift_right_arithmetic3A_394 : vector<16xi32>
        %swap3A_396 = arith.index_cast %sub3A_248 : i32 to index
        %swap3A_397 = arith.constant 112 : index
        %swap3A_398 = tpu.vector_load %arg7[%swap3A_396, %swap3A_397] {strides = array<i32>} : memref<2x128xi32, #tpu.memory_space<vmem>>, vector<1x16xi32>,
        %swap3A_399 = vector.shape_cast %swap3A_398 : vector<1x16xi32> to vector<16xi32>
        %swap3A_400 = vector.shape_cast %shift_right_arithmetic3A_395 : vector<16xi32> to vector<1x16xi32>
        tpu.vector_store %arg7[%swap3A_396, %swap3A_397], %swap3A_400 {strides = array<i32>} : memref<2x128xi32, #tpu.memory_space<vmem>>, vector<1x16xi32>,
        %and3A_401 = arith.constant 16383 : i32
        %and3A_402 = vector.broadcast %and3A_401 : i32 to vector<16xi32>
        %and3A_403 = arith.andi %get3A_392, %and3A_402 : vector<16xi32>
        %swap3A_404 = arith.index_cast %sub3A_248 : i32 to index
        %swap3A_405 = arith.constant 112 : index
        %swap3A_406 = tpu.vector_load %arg6[%swap3A_404, %swap3A_405] {strides = array<i32>} : memref<2x128xi32, #tpu.memory_space<vmem>>, vector<1x16xi32>,
        %swap3A_407 = vector.shape_cast %swap3A_406 : vector<1x16xi32> to vector<16xi32>
        %swap3A_408 = vector.shape_cast %and3A_403 : vector<16xi32> to vector<1x16xi32>
        tpu.vector_store %arg6[%swap3A_404, %swap3A_405], %swap3A_408 {strides = array<i32>} : memref<2x128xi32, #tpu.memory_space<vmem>>, vector<1x16xi32>,
        %dma_start3A_409 = arith.constant 0 : i32
        %dma_start3A_410 = arith.constant 0 : i32
        %dma_start3A_411 = tpu.memref_slice %arg8[%sub3A_248, %dma_start3A_409, %dma_start3A_410] : memref<2x128x128xf32, #tpu.memory_space<vmem>> -> memref<1x128x128xf32, #tpu.memory_space<vmem>>
        %dma_start3A_412 = tpu.memref_squeeze %dma_start3A_411 : memref<1x128x128xf32, #tpu.memory_space<vmem>> -> memref<128x128xf32, #tpu.memory_space<vmem>>
        %dma_start3A_413 = arith.constant 0 : i32
        %dma_start3A_414 = tpu.memref_slice %arg6[%sub3A_248, %dma_start3A_413] : memref<2x128xi32, #tpu.memory_space<vmem>> -> memref<1x128xi32, #tpu.memory_space<vmem>>
        %dma_start3A_415 = tpu.memref_squeeze %dma_start3A_414 : memref<1x128xi32, #tpu.memory_space<vmem>> -> memref<128xi32, #tpu.memory_space<vmem>>
        %dma_start3A_416 = arith.constant 0 : i32
        %dma_start3A_417 = arith.constant 0 : i32
        %dma_start3A_418 = tpu.memref_slice %arg2[%dma_start3A_416, %dma_start3A_417] : memref<10000x128xf32, #tpu.memory_space<hbm>> -> memref<10000x128xf32, #tpu.memory_space<hbm>>
        tpu.enqueue_indirect_dma source(%dma_start3A_418 : memref<10000x128xf32, #tpu.memory_space<hbm>>) target(%dma_start3A_412 : memref<128x128xf32, #tpu.memory_space<vmem>>) offsets(%dma_start3A_415 : memref<128xi32, #tpu.memory_space<vmem>>) semaphore(%arg10 : memref<!tpu.dma_semaphore, #tpu.memory_space<semaphore_mem>>)
      } else {
      }
      "tpu.region"() ({
        %run_scoped3A_246 = tpu.sem_alloc : memref<!tpu.dma_semaphore, #tpu.memory_space<semaphore_mem>>
        %dma_start3A_247 = arith.constant 0 : i32
        %dma_start3A_248 = arith.constant 0 : i32
        %dma_start3A_249 = tpu.memref_slice %arg8[%rem3A_234, %dma_start3A_247, %dma_start3A_248] : memref<2x128x128xf32, #tpu.memory_space<vmem>> -> memref<1x128x128xf32, #tpu.memory_space<vmem>>
        %dma_start3A_250 = tpu.memref_squeeze %dma_start3A_249 : memref<1x128x128xf32, #tpu.memory_space<vmem>> -> memref<128x128xf32, #tpu.memory_space<vmem>>
        %dma_start3A_251 = arith.constant 0 : i32
        %dma_start3A_252 = tpu.memref_slice %arg7[%rem3A_234, %dma_start3A_251] : memref<2x128xi32, #tpu.memory_space<vmem>> -> memref<1x128xi32, #tpu.memory_space<vmem>>
        %dma_start3A_253 = tpu.memref_squeeze %dma_start3A_252 : memref<1x128xi32, #tpu.memory_space<vmem>> -> memref<128xi32, #tpu.memory_space<vmem>>
        %dma_start3A_254 = arith.constant 0 : i32
        %dma_start3A_255 = arith.constant 0 : i32
        %dma_start3A_256 = tpu.memref_slice %arg9[%dma_start3A_254, %dma_start3A_255] : memref<10112x128xf32, #tpu.memory_space<vmem_shared>> -> memref<10112x128xf32, #tpu.memory_space<vmem_shared>>
        tpu.enqueue_indirect_dma source(%dma_start3A_250 : memref<128x128xf32, #tpu.memory_space<vmem>>) target(%dma_start3A_256 : memref<10112x128xf32, #tpu.memory_space<vmem_shared>>) offsets(%dma_start3A_253 : memref<128xi32, #tpu.memory_space<vmem>>) semaphore(%run_scoped3A_246 : memref<!tpu.dma_semaphore, #tpu.memory_space<semaphore_mem>>) {add = true}
        %dma_wait3A_257 = arith.constant 0 : i32
        %dma_wait3A_258 = arith.constant 0 : i32
        %dma_wait3A_259 = tpu.memref_slice %arg8[%rem3A_234, %dma_wait3A_257, %dma_wait3A_258] : memref<2x128x128xf32, #tpu.memory_space<vmem>> -> memref<1x128x128xf32, #tpu.memory_space<vmem>>
        %dma_wait3A_260 = tpu.memref_squeeze %dma_wait3A_259 : memref<1x128x128xf32, #tpu.memory_space<vmem>> -> memref<128x128xf32, #tpu.memory_space<vmem>>
        %dma_wait3A_261 = arith.constant 0 : i32
        %dma_wait3A_262 = tpu.memref_slice %arg7[%rem3A_234, %dma_wait3A_261] : memref<2x128xi32, #tpu.memory_space<vmem>> -> memref<1x128xi32, #tpu.memory_space<vmem>>
        %dma_wait3A_263 = tpu.memref_squeeze %dma_wait3A_262 : memref<1x128xi32, #tpu.memory_space<vmem>> -> memref<128xi32, #tpu.memory_space<vmem>>
        %dma_wait3A_264 = arith.constant 0 : i32
        %dma_wait3A_265 = arith.constant 0 : i32
        %dma_wait3A_266 = tpu.memref_slice %arg9[%dma_wait3A_264, %dma_wait3A_265] : memref<10112x128xf32, #tpu.memory_space<vmem_shared>> -> memref<10112x128xf32, #tpu.memory_space<vmem_shared>>
        tpu.wait_indirect_dma semaphore(%run_scoped3A_246 : memref<!tpu.dma_semaphore, #tpu.memory_space<semaphore_mem>>) src(%dma_wait3A_260 : memref<128x128xf32, #tpu.memory_space<vmem>>) dst(%dma_wait3A_266 : memref<10112x128xf32, #tpu.memory_space<vmem_shared>>)
        tpu.yield
      }) : () -> ()
    }
    %scan3A_223 = arith.constant 79 : i32
    %barrier3A_224 = arith.constant 0 : index
    tpu.barrier barrier_id(%barrier3A_224)
    %mul3A_225 = arith.constant 632 : i32
    %mul3A_226 = arith.muli %arg1, %mul3A_225 : i32
    %mul3A_227 = arith.constant 632 : i32
    %mul3A_228 = arith.muli %arg1, %mul3A_227 : i32
    "tpu.region"() ({
      %run_scoped3A_229 = tpu.sem_alloc : memref<!tpu.dma_semaphore, #tpu.memory_space<semaphore_mem>>
      %dma_start3A_230 = arith.constant 0 : i32
      %dma_start3A_231 = tpu.memref_slice %arg4[%arg0, %mul3A_228, %dma_start3A_230] : memref<2x10112x128xf32, #tpu.memory_space<hbm>> -> memref<1x632x128xf32, #tpu.memory_space<hbm>>
      %dma_start3A_232 = tpu.memref_squeeze %dma_start3A_231 : memref<1x632x128xf32, #tpu.memory_space<hbm>> -> memref<632x128xf32, #tpu.memory_space<hbm>>
      %dma_start3A_233 = arith.constant 0 : i32
      %dma_start3A_234 = tpu.memref_slice %arg9[%mul3A_226, %dma_start3A_233] : memref<10112x128xf32, #tpu.memory_space<vmem_shared>> -> memref<632x128xf32, #tpu.memory_space<vmem_shared>>
      tpu.enqueue_dma source(%dma_start3A_234 : memref<632x128xf32, #tpu.memory_space<vmem_shared>>) target(%dma_start3A_232 : memref<632x128xf32, #tpu.memory_space<hbm>>) target_semaphore(%run_scoped3A_229 : memref<!tpu.dma_semaphore, #tpu.memory_space<semaphore_mem>>)
      %dma_wait3A = arith.constant 0 : i32
      %dma_wait3A_235 = tpu.memref_slice %arg4[%arg0, %mul3A_228, %dma_wait3A] : memref<2x10112x128xf32, #tpu.memory_space<hbm>> -> memref<1x632x128xf32, #tpu.memory_space<hbm>>
      %dma_wait3A_236 = tpu.memref_squeeze %dma_wait3A_235 : memref<1x632x128xf32, #tpu.memory_space<hbm>> -> memref<632x128xf32, #tpu.memory_space<hbm>>
      %dma_wait3A_237 = arith.constant 0 : i32
      %dma_wait3A_238 = tpu.memref_slice %arg9[%mul3A_226, %dma_wait3A_237] : memref<10112x128xf32, #tpu.memory_space<vmem_shared>> -> memref<632x128xf32, #tpu.memory_space<vmem_shared>>
      tpu.wait_dma2 semaphore(%run_scoped3A_229 : memref<!tpu.dma_semaphore, #tpu.memory_space<semaphore_mem>>) src(%dma_wait3A_238 : memref<632x128xf32, #tpu.memory_space<vmem_shared>>) dst(%dma_wait3A_236 : memref<632x128xf32, #tpu.memory_space<hbm>>)
      tpu.yield
    }) : () -> ()
    return
  }
}

#map = affine_map<(d0, d1) -> (0, 0)>
#map1 = affine_map<(d0, d1) -> (0, 0, 0, 0)>
#map2 = affine_map<(d0, d1) -> (0, 0, 0)>
module attributes {stable_mosaic.version = 14 : i64} {
  func.func @body(%arg0: i32, %arg1: i32, %arg2: memref<10000x128xf32, #tpu.memory_space<hbm>>, %arg3: memref<2x16x79x128xi32, #tpu.memory_space<hbm>>, %arg4: memref<2x10112x128xf32, #tpu.memory_space<hbm>>, %arg5: memref<79x128xi32, #tpu.memory_space<vmem>>, %arg6: memref<2x128xi32, #tpu.memory_space<vmem>>, %arg7: memref<2x128xi32, #tpu.memory_space<vmem>>, %arg8: memref<2x128x128xf32, #tpu.memory_space<vmem>>, %arg9: memref<10112x128xf32, #tpu.memory_space<vmem_shared>>, %arg10: memref<!tpu.dma_semaphore, #tpu.memory_space<semaphore_mem>>) attributes {dimension_semantics = [#tpu.dimension_semantics<core_parallel>, #tpu.dimension_semantics<subcore_parallel>], iteration_bounds = array<i64: 2, 16>, scalar_prefetch = 0 : i64, scratch_operands = 6 : i64, tpu.core_type = #tpu.core_type<sc_vector_subcore>, window_params = [{transform_indices = #map}, {transform_indices = #map1}, {transform_indices = #map2}]} {
    "tpu.region"() ({
      %run_scoped3A_229 = tpu.sem_alloc : memref<!tpu.dma_semaphore, #tpu.memory_space<semaphore_mem>>
      %dma_start3A_230 = arith.constant 0 : i32
      %dma_start3A_231 = arith.constant 0 : i32
      %dma_start3A_232 = tpu.memref_slice %arg3[%arg0, %arg1, %dma_start3A_230, %dma_start3A_231] : memref<2x16x79x128xi32, #tpu.memory_space<hbm>> -> memref<1x1x79x128xi32, #tpu.memory_space<hbm>>
      %dma_start3A_233 = tpu.memref_squeeze %dma_start3A_232 : memref<1x1x79x128xi32, #tpu.memory_space<hbm>> -> memref<79x128xi32, #tpu.memory_space<hbm>>
      %dma_start3A_234 = arith.constant 0 : i32
      %dma_start3A_235 = arith.constant 0 : i32
      %dma_start3A_236 = tpu.memref_slice %arg3[%arg0, %arg1, %dma_start3A_234, %dma_start3A_235] : memref<2x16x79x128xi32, #tpu.memory_space<hbm>> -> memref<1x1x79x128xi32, #tpu.memory_space<hbm>>
      %dma_start3A_237 = tpu.memref_squeeze %dma_start3A_236 : memref<1x1x79x128xi32, #tpu.memory_space<hbm>> -> memref<79x128xi32, #tpu.memory_space<hbm>>
      tpu.enqueue_dma source(%dma_start3A_237 : memref<79x128xi32, #tpu.memory_space<hbm>>) target(%arg5 : memref<79x128xi32, #tpu.memory_space<vmem>>) target_semaphore(%run_scoped3A_229 : memref<!tpu.dma_semaphore, #tpu.memory_space<semaphore_mem>>)
      %dma_wait3A = arith.constant 0 : i32
      %dma_wait3A_238 = arith.constant 0 : i32
      %dma_wait3A_239 = tpu.memref_slice %arg3[%arg0, %arg1, %dma_wait3A, %dma_wait3A_238] : memref<2x16x79x128xi32, #tpu.memory_space<hbm>> -> memref<1x1x79x128xi32, #tpu.memory_space<hbm>>
      %dma_wait3A_240 = tpu.memref_squeeze %dma_wait3A_239 : memref<1x1x79x128xi32, #tpu.memory_space<hbm>> -> memref<79x128xi32, #tpu.memory_space<hbm>>
      %dma_wait3A_241 = arith.constant 0 : i32
      %dma_wait3A_242 = arith.constant 0 : i32
      %dma_wait3A_243 = tpu.memref_slice %arg3[%arg0, %arg1, %dma_wait3A_241, %dma_wait3A_242] : memref<2x16x79x128xi32, #tpu.memory_space<hbm>> -> memref<1x1x79x128xi32, #tpu.memory_space<hbm>>
      %dma_wait3A_244 = tpu.memref_squeeze %dma_wait3A_243 : memref<1x1x79x128xi32, #tpu.memory_space<hbm>> -> memref<79x128xi32, #tpu.memory_space<hbm>>
      tpu.wait_dma2 semaphore(%run_scoped3A_229 : memref<!tpu.dma_semaphore, #tpu.memory_space<semaphore_mem>>) src(%dma_wait3A_244 : memref<79x128xi32, #tpu.memory_space<hbm>>) dst(%arg5 : memref<79x128xi32, #tpu.memory_space<vmem>>)
      tpu.yield
    }) : () -> ()
    %broadcast_in_dim3A = arith.constant 0.000000e+00 : f32
    %broadcast_in_dim3A_0 = vector.broadcast %broadcast_in_dim3A : f32 to vector<16xf32>
    %scan3A = arith.constant 0 : i32
    %scan3A_1 = arith.constant 0 : i32
    %scan3A_2 = arith.constant 128 : i32
    %scan3A_3 = arith.addi %scan3A_1, %scan3A_2 : i32
    %scan3A_4 = arith.constant 1 : i32
    scf.for %scan3A_229 = %scan3A_1 to %scan3A_3 step %scan3A_4  : i32 {
      %mul3A_230 = arith.constant 1 : i32
      %mul3A_231 = arith.muli %scan3A_229, %mul3A_230 : i32
      %add3A_232 = arith.constant 0 : i32
      %add3A_233 = arith.addi %add3A_232, %mul3A_231 : i32
      %swap3A_234 = arith.constant 0 : i32
      %swap3A_235 = arith.constant 0 : i32
      %swap3A_236 = tpu.memref_slice %arg8[%scan3A, %swap3A_234, %swap3A_235] : memref<2x128x128xf32, #tpu.memory_space<vmem>> -> memref<1x128x128xf32, #tpu.memory_space<vmem>>
      %swap3A_237 = tpu.memref_squeeze %swap3A_236 : memref<1x128x128xf32, #tpu.memory_space<vmem>> -> memref<128x128xf32, #tpu.memory_space<vmem>>
      %swap3A_238 = arith.index_cast %add3A_233 : i32 to index
      %swap3A_239 = arith.constant 0 : index
      %swap3A_240 = tpu.vector_load %swap3A_237[%swap3A_238, %swap3A_239] {strides = array<i32>} : memref<128x128xf32, #tpu.memory_space<vmem>>, vector<1x16xf32>,
      %swap3A_241 = vector.shape_cast %swap3A_240 : vector<1x16xf32> to vector<16xf32>
      %swap3A_242 = vector.shape_cast %broadcast_in_dim3A_0 : vector<16xf32> to vector<1x16xf32>
      tpu.vector_store %swap3A_237[%swap3A_238, %swap3A_239], %swap3A_242 {strides = array<i32>} : memref<128x128xf32, #tpu.memory_space<vmem>>, vector<1x16xf32>,
      %swap3A_243 = arith.constant 0 : i32
      %swap3A_244 = arith.constant 0 : i32
      %swap3A_245 = tpu.memref_slice %arg8[%scan3A, %swap3A_243, %swap3A_244] : memref<2x128x128xf32, #tpu.memory_space<vmem>> -> memref<1x128x128xf32, #tpu.memory_space<vmem>>
      %swap3A_246 = tpu.memref_squeeze %swap3A_245 : memref<1x128x128xf32, #tpu.memory_space<vmem>> -> memref<128x128xf32, #tpu.memory_space<vmem>>
      %swap3A_247 = arith.index_cast %add3A_233 : i32 to index
      %swap3A_248 = arith.constant 16 : index
      %swap3A_249 = tpu.vector_load %swap3A_246[%swap3A_247, %swap3A_248] {strides = array<i32>} : memref<128x128xf32, #tpu.memory_space<vmem>>, vector<1x16xf32>,
      %swap3A_250 = vector.shape_cast %swap3A_249 : vector<1x16xf32> to vector<16xf32>
      %swap3A_251 = vector.shape_cast %broadcast_in_dim3A_0 : vector<16xf32> to vector<1x16xf32>
      tpu.vector_store %swap3A_246[%swap3A_247, %swap3A_248], %swap3A_251 {strides = array<i32>} : memref<128x128xf32, #tpu.memory_space<vmem>>, vector<1x16xf32>,
      %swap3A_252 = arith.constant 0 : i32
      %swap3A_253 = arith.constant 0 : i32
      %swap3A_254 = tpu.memref_slice %arg8[%scan3A, %swap3A_252, %swap3A_253] : memref<2x128x128xf32, #tpu.memory_space<vmem>> -> memref<1x128x128xf32, #tpu.memory_space<vmem>>
      %swap3A_255 = tpu.memref_squeeze %swap3A_254 : memref<1x128x128xf32, #tpu.memory_space<vmem>> -> memref<128x128xf32, #tpu.memory_space<vmem>>
      %swap3A_256 = arith.index_cast %add3A_233 : i32 to index
      %swap3A_257 = arith.constant 32 : index
      %swap3A_258 = tpu.vector_load %swap3A_255[%swap3A_256, %swap3A_257] {strides = array<i32>} : memref<128x128xf32, #tpu.memory_space<vmem>>, vector<1x16xf32>,
      %swap3A_259 = vector.shape_cast %swap3A_258 : vector<1x16xf32> to vector<16xf32>
      %swap3A_260 = vector.shape_cast %broadcast_in_dim3A_0 : vector<16xf32> to vector<1x16xf32>
      tpu.vector_store %swap3A_255[%swap3A_256, %swap3A_257], %swap3A_260 {strides = array<i32>} : memref<128x128xf32, #tpu.memory_space<vmem>>, vector<1x16xf32>,
      %swap3A_261 = arith.constant 0 : i32
      %swap3A_262 = arith.constant 0 : i32
      %swap3A_263 = tpu.memref_slice %arg8[%scan3A, %swap3A_261, %swap3A_262] : memref<2x128x128xf32, #tpu.memory_space<vmem>> -> memref<1x128x128xf32, #tpu.memory_space<vmem>>
      %swap3A_264 = tpu.memref_squeeze %swap3A_263 : memref<1x128x128xf32, #tpu.memory_space<vmem>> -> memref<128x128xf32, #tpu.memory_space<vmem>>
      %swap3A_265 = arith.index_cast %add3A_233 : i32 to index
      %swap3A_266 = arith.constant 48 : index
      %swap3A_267 = tpu.vector_load %swap3A_264[%swap3A_265, %swap3A_266] {strides = array<i32>} : memref<128x128xf32, #tpu.memory_space<vmem>>, vector<1x16xf32>,
      %swap3A_268 = vector.shape_cast %swap3A_267 : vector<1x16xf32> to vector<16xf32>
      %swap3A_269 = vector.shape_cast %broadcast_in_dim3A_0 : vector<16xf32> to vector<1x16xf32>
      tpu.vector_store %swap3A_264[%swap3A_265, %swap3A_266], %swap3A_269 {strides = array<i32>} : memref<128x128xf32, #tpu.memory_space<vmem>>, vector<1x16xf32>,
      %swap3A_270 = arith.constant 0 : i32
      %swap3A_271 = arith.constant 0 : i32
      %swap3A_272 = tpu.memref_slice %arg8[%scan3A, %swap3A_270, %swap3A_271] : memref<2x128x128xf32, #tpu.memory_space<vmem>> -> memref<1x128x128xf32, #tpu.memory_space<vmem>>
      %swap3A_273 = tpu.memref_squeeze %swap3A_272 : memref<1x128x128xf32, #tpu.memory_space<vmem>> -> memref<128x128xf32, #tpu.memory_space<vmem>>
      %swap3A_274 = arith.index_cast %add3A_233 : i32 to index
      %swap3A_275 = arith.constant 64 : index
      %swap3A_276 = tpu.vector_load %swap3A_273[%swap3A_274, %swap3A_275] {strides = array<i32>} : memref<128x128xf32, #tpu.memory_space<vmem>>, vector<1x16xf32>,
      %swap3A_277 = vector.shape_cast %swap3A_276 : vector<1x16xf32> to vector<16xf32>
      %swap3A_278 = vector.shape_cast %broadcast_in_dim3A_0 : vector<16xf32> to vector<1x16xf32>
      tpu.vector_store %swap3A_273[%swap3A_274, %swap3A_275], %swap3A_278 {strides = array<i32>} : memref<128x128xf32, #tpu.memory_space<vmem>>, vector<1x16xf32>,
      %swap3A_279 = arith.constant 0 : i32
      %swap3A_280 = arith.constant 0 : i32
      %swap3A_281 = tpu.memref_slice %arg8[%scan3A, %swap3A_279, %swap3A_280] : memref<2x128x128xf32, #tpu.memory_space<vmem>> -> memref<1x128x128xf32, #tpu.memory_space<vmem>>
      %swap3A_282 = tpu.memref_squeeze %swap3A_281 : memref<1x128x128xf32, #tpu.memory_space<vmem>> -> memref<128x128xf32, #tpu.memory_space<vmem>>
      %swap3A_283 = arith.index_cast %add3A_233 : i32 to index
      %swap3A_284 = arith.constant 80 : index
      %swap3A_285 = tpu.vector_load %swap3A_282[%swap3A_283, %swap3A_284] {strides = array<i32>} : memref<128x128xf32, #tpu.memory_space<vmem>>, vector<1x16xf32>,
      %swap3A_286 = vector.shape_cast %swap3A_285 : vector<1x16xf32> to vector<16xf32>
      %swap3A_287 = vector.shape_cast %broadcast_in_dim3A_0 : vector<16xf32> to vector<1x16xf32>
      tpu.vector_store %swap3A_282[%swap3A_283, %swap3A_284], %swap3A_287 {strides = array<i32>} : memref<128x128xf32, #tpu.memory_space<vmem>>, vector<1x16xf32>,
      %swap3A_288 = arith.constant 0 : i32
      %swap3A_289 = arith.constant 0 : i32
      %swap3A_290 = tpu.memref_slice %arg8[%scan3A, %swap3A_288, %swap3A_289] : memref<2x128x128xf32, #tpu.memory_space<vmem>> -> memref<1x128x128xf32, #tpu.memory_space<vmem>>
      %swap3A_291 = tpu.memref_squeeze %swap3A_290 : memref<1x128x128xf32, #tpu.memory_space<vmem>> -> memref<128x128xf32, #tpu.memory_space<vmem>>
      %swap3A_292 = arith.index_cast %add3A_233 : i32 to index
      %swap3A_293 = arith.constant 96 : index
      %swap3A_294 = tpu.vector_load %swap3A_291[%swap3A_292, %swap3A_293] {strides = array<i32>} : memref<128x128xf32, #tpu.memory_space<vmem>>, vector<1x16xf32>,
      %swap3A_295 = vector.shape_cast %swap3A_294 : vector<1x16xf32> to vector<16xf32>
      %swap3A_296 = vector.shape_cast %broadcast_in_dim3A_0 : vector<16xf32> to vector<1x16xf32>
      tpu.vector_store %swap3A_291[%swap3A_292, %swap3A_293], %swap3A_296 {strides = array<i32>} : memref<128x128xf32, #tpu.memory_space<vmem>>, vector<1x16xf32>,
      %swap3A_297 = arith.constant 0 : i32
      %swap3A_298 = arith.constant 0 : i32
      %swap3A_299 = tpu.memref_slice %arg8[%scan3A, %swap3A_297, %swap3A_298] : memref<2x128x128xf32, #tpu.memory_space<vmem>> -> memref<1x128x128xf32, #tpu.memory_space<vmem>>
      %swap3A_300 = tpu.memref_squeeze %swap3A_299 : memref<1x128x128xf32, #tpu.memory_space<vmem>> -> memref<128x128xf32, #tpu.memory_space<vmem>>
      %swap3A_301 = arith.index_cast %add3A_233 : i32 to index
      %swap3A_302 = arith.constant 112 : index
      %swap3A_303 = tpu.vector_load %swap3A_300[%swap3A_301, %swap3A_302] {strides = array<i32>} : memref<128x128xf32, #tpu.memory_space<vmem>>, vector<1x16xf32>,
      %swap3A_304 = vector.shape_cast %swap3A_303 : vector<1x16xf32> to vector<16xf32>
      %swap3A_305 = vector.shape_cast %broadcast_in_dim3A_0 : vector<16xf32> to vector<1x16xf32>
      tpu.vector_store %swap3A_300[%swap3A_301, %swap3A_302], %swap3A_305 {strides = array<i32>} : memref<128x128xf32, #tpu.memory_space<vmem>>, vector<1x16xf32>,
    }
    %scan3A_5 = arith.constant 128 : i32
    %mul3A = arith.constant 632 : i32
    %mul3A_6 = arith.muli %arg1, %mul3A : i32
    %add3A = arith.constant 0 : i32
    %add3A_7 = arith.addi %mul3A_6, %add3A : i32
    %run_scoped3A = arith.constant 0 : i32
    "tpu.region"() ({
      %run_scoped3A_229 = tpu.sem_alloc : memref<!tpu.dma_semaphore, #tpu.memory_space<semaphore_mem>>
      %dma_start3A_230 = arith.constant 0 : i32
      %dma_start3A_231 = arith.constant 0 : i32
      %dma_start3A_232 = tpu.memref_slice %arg8[%run_scoped3A, %dma_start3A_230, %dma_start3A_231] : memref<2x128x128xf32, #tpu.memory_space<vmem>> -> memref<1x128x128xf32, #tpu.memory_space<vmem>>
      %dma_start3A_233 = tpu.memref_squeeze %dma_start3A_232 : memref<1x128x128xf32, #tpu.memory_space<vmem>> -> memref<128x128xf32, #tpu.memory_space<vmem>>
      %dma_start3A_234 = arith.constant 0 : i32
      %dma_start3A_235 = tpu.memref_slice %arg9[%add3A_7, %dma_start3A_234] : memref<10112x128xf32, #tpu.memory_space<vmem_shared>> -> memref<128x128xf32, #tpu.memory_space<vmem_shared>>
      %dma_start3A_236 = arith.constant 0 : i32
      %dma_start3A_237 = tpu.memref_slice %arg9[%add3A_7, %dma_start3A_236] : memref<10112x128xf32, #tpu.memory_space<vmem_shared>> -> memref<128x128xf32, #tpu.memory_space<vmem_shared>>
      %dma_start3A_238 = arith.constant 0 : i32
      %dma_start3A_239 = arith.constant 0 : i32
      %dma_start3A_240 = tpu.memref_slice %arg8[%run_scoped3A, %dma_start3A_238, %dma_start3A_239] : memref<2x128x128xf32, #tpu.memory_space<vmem>> -> memref<1x128x128xf32, #tpu.memory_space<vmem>>
      %dma_start3A_241 = tpu.memref_squeeze %dma_start3A_240 : memref<1x128x128xf32, #tpu.memory_space<vmem>> -> memref<128x128xf32, #tpu.memory_space<vmem>>
      tpu.enqueue_dma source(%dma_start3A_241 : memref<128x128xf32, #tpu.memory_space<vmem>>) target(%dma_start3A_237 : memref<128x128xf32, #tpu.memory_space<vmem_shared>>) target_semaphore(%run_scoped3A_229 : memref<!tpu.dma_semaphore, #tpu.memory_space<semaphore_mem>>)
      %dma_wait3A = arith.constant 0 : i32
      %dma_wait3A_242 = arith.constant 0 : i32
      %dma_wait3A_243 = tpu.memref_slice %arg8[%run_scoped3A, %dma_wait3A, %dma_wait3A_242] : memref<2x128x128xf32, #tpu.memory_space<vmem>> -> memref<1x128x128xf32, #tpu.memory_space<vmem>>
      %dma_wait3A_244 = tpu.memref_squeeze %dma_wait3A_243 : memref<1x128x128xf32, #tpu.memory_space<vmem>> -> memref<128x128xf32, #tpu.memory_space<vmem>>
      %dma_wait3A_245 = arith.constant 0 : i32
      %dma_wait3A_246 = tpu.memref_slice %arg9[%add3A_7, %dma_wait3A_245] : memref<10112x128xf32, #tpu.memory_space<vmem_shared>> -> memref<128x128xf32, #tpu.memory_space<vmem_shared>>
      %dma_wait3A_247 = arith.constant 0 : i32
      %dma_wait3A_248 = tpu.memref_slice %arg9[%add3A_7, %dma_wait3A_247] : memref<10112x128xf32, #tpu.memory_space<vmem_shared>> -> memref<128x128xf32, #tpu.memory_space<vmem_shared>>
      %dma_wait3A_249 = arith.constant 0 : i32
      %dma_wait3A_250 = arith.constant 0 : i32
      %dma_wait3A_251 = tpu.memref_slice %arg8[%run_scoped3A, %dma_wait3A_249, %dma_wait3A_250] : memref<2x128x128xf32, #tpu.memory_space<vmem>> -> memref<1x128x128xf32, #tpu.memory_space<vmem>>
      %dma_wait3A_252 = tpu.memref_squeeze %dma_wait3A_251 : memref<1x128x128xf32, #tpu.memory_space<vmem>> -> memref<128x128xf32, #tpu.memory_space<vmem>>
      tpu.wait_dma2 semaphore(%run_scoped3A_229 : memref<!tpu.dma_semaphore, #tpu.memory_space<semaphore_mem>>) src(%dma_wait3A_252 : memref<128x128xf32, #tpu.memory_space<vmem>>) dst(%dma_wait3A_248 : memref<128x128xf32, #tpu.memory_space<vmem_shared>>)
      tpu.yield
    }) : () -> ()
    %mul3A_8 = arith.constant 632 : i32
    %mul3A_9 = arith.muli %arg1, %mul3A_8 : i32
    %add3A_10 = arith.constant 128 : i32
    %add3A_11 = arith.addi %mul3A_9, %add3A_10 : i32
    %run_scoped3A_12 = arith.constant 0 : i32
    "tpu.region"() ({
      %run_scoped3A_229 = tpu.sem_alloc : memref<!tpu.dma_semaphore, #tpu.memory_space<semaphore_mem>>
      %dma_start3A_230 = arith.constant 0 : i32
      %dma_start3A_231 = arith.constant 0 : i32
      %dma_start3A_232 = tpu.memref_slice %arg8[%run_scoped3A_12, %dma_start3A_230, %dma_start3A_231] : memref<2x128x128xf32, #tpu.memory_space<vmem>> -> memref<1x128x128xf32, #tpu.memory_space<vmem>>
      %dma_start3A_233 = tpu.memref_squeeze %dma_start3A_232 : memref<1x128x128xf32, #tpu.memory_space<vmem>> -> memref<128x128xf32, #tpu.memory_space<vmem>>
      %dma_start3A_234 = arith.constant 0 : i32
      %dma_start3A_235 = tpu.memref_slice %arg9[%add3A_11, %dma_start3A_234] : memref<10112x128xf32, #tpu.memory_space<vmem_shared>> -> memref<128x128xf32, #tpu.memory_space<vmem_shared>>
      %dma_start3A_236 = arith.constant 0 : i32
      %dma_start3A_237 = tpu.memref_slice %arg9[%add3A_11, %dma_start3A_236] : memref<10112x128xf32, #tpu.memory_space<vmem_shared>> -> memref<128x128xf32, #tpu.memory_space<vmem_shared>>
      %dma_start3A_238 = arith.constant 0 : i32
      %dma_start3A_239 = arith.constant 0 : i32
      %dma_start3A_240 = tpu.memref_slice %arg8[%run_scoped3A_12, %dma_start3A_238, %dma_start3A_239] : memref<2x128x128xf32, #tpu.memory_space<vmem>> -> memref<1x128x128xf32, #tpu.memory_space<vmem>>
      %dma_start3A_241 = tpu.memref_squeeze %dma_start3A_240 : memref<1x128x128xf32, #tpu.memory_space<vmem>> -> memref<128x128xf32, #tpu.memory_space<vmem>>
      tpu.enqueue_dma source(%dma_start3A_241 : memref<128x128xf32, #tpu.memory_space<vmem>>) target(%dma_start3A_237 : memref<128x128xf32, #tpu.memory_space<vmem_shared>>) target_semaphore(%run_scoped3A_229 : memref<!tpu.dma_semaphore, #tpu.memory_space<semaphore_mem>>)
      %dma_wait3A = arith.constant 0 : i32
      %dma_wait3A_242 = arith.constant 0 : i32
      %dma_wait3A_243 = tpu.memref_slice %arg8[%run_scoped3A_12, %dma_wait3A, %dma_wait3A_242] : memref<2x128x128xf32, #tpu.memory_space<vmem>> -> memref<1x128x128xf32, #tpu.memory_space<vmem>>
      %dma_wait3A_244 = tpu.memref_squeeze %dma_wait3A_243 : memref<1x128x128xf32, #tpu.memory_space<vmem>> -> memref<128x128xf32, #tpu.memory_space<vmem>>
      %dma_wait3A_245 = arith.constant 0 : i32
      %dma_wait3A_246 = tpu.memref_slice %arg9[%add3A_11, %dma_wait3A_245] : memref<10112x128xf32, #tpu.memory_space<vmem_shared>> -> memref<128x128xf32, #tpu.memory_space<vmem_shared>>
      %dma_wait3A_247 = arith.constant 0 : i32
      %dma_wait3A_248 = tpu.memref_slice %arg9[%add3A_11, %dma_wait3A_247] : memref<10112x128xf32, #tpu.memory_space<vmem_shared>> -> memref<128x128xf32, #tpu.memory_space<vmem_shared>>
      %dma_wait3A_249 = arith.constant 0 : i32
      %dma_wait3A_250 = arith.constant 0 : i32
      %dma_wait3A_251 = tpu.memref_slice %arg8[%run_scoped3A_12, %dma_wait3A_249, %dma_wait3A_250] : memref<2x128x128xf32, #tpu.memory_space<vmem>> -> memref<1x128x128xf32, #tpu.memory_space<vmem>>
      %dma_wait3A_252 = tpu.memref_squeeze %dma_wait3A_251 : memref<1x128x128xf32, #tpu.memory_space<vmem>> -> memref<128x128xf32, #tpu.memory_space<vmem>>
      tpu.wait_dma2 semaphore(%run_scoped3A_229 : memref<!tpu.dma_semaphore, #tpu.memory_space<semaphore_mem>>) src(%dma_wait3A_252 : memref<128x128xf32, #tpu.memory_space<vmem>>) dst(%dma_wait3A_248 : memref<128x128xf32, #tpu.memory_space<vmem_shared>>)
      tpu.yield
    }) : () -> ()
    %mul3A_13 = arith.constant 632 : i32
    %mul3A_14 = arith.muli %arg1, %mul3A_13 : i32
    %add3A_15 = arith.constant 256 : i32
    %add3A_16 = arith.addi %mul3A_14, %add3A_15 : i32
    %run_scoped3A_17 = arith.constant 0 : i32
    "tpu.region"() ({
      %run_scoped3A_229 = tpu.sem_alloc : memref<!tpu.dma_semaphore, #tpu.memory_space<semaphore_mem>>
      %dma_start3A_230 = arith.constant 0 : i32
      %dma_start3A_231 = arith.constant 0 : i32
      %dma_start3A_232 = tpu.memref_slice %arg8[%run_scoped3A_17, %dma_start3A_230, %dma_start3A_231] : memref<2x128x128xf32, #tpu.memory_space<vmem>> -> memref<1x128x128xf32, #tpu.memory_space<vmem>>
      %dma_start3A_233 = tpu.memref_squeeze %dma_start3A_232 : memref<1x128x128xf32, #tpu.memory_space<vmem>> -> memref<128x128xf32, #tpu.memory_space<vmem>>
      %dma_start3A_234 = arith.constant 0 : i32
      %dma_start3A_235 = tpu.memref_slice %arg9[%add3A_16, %dma_start3A_234] : memref<10112x128xf32, #tpu.memory_space<vmem_shared>> -> memref<128x128xf32, #tpu.memory_space<vmem_shared>>
      %dma_start3A_236 = arith.constant 0 : i32
      %dma_start3A_237 = tpu.memref_slice %arg9[%add3A_16, %dma_start3A_236] : memref<10112x128xf32, #tpu.memory_space<vmem_shared>> -> memref<128x128xf32, #tpu.memory_space<vmem_shared>>
      %dma_start3A_238 = arith.constant 0 : i32
      %dma_start3A_239 = arith.constant 0 : i32
      %dma_start3A_240 = tpu.memref_slice %arg8[%run_scoped3A_17, %dma_start3A_238, %dma_start3A_239] : memref<2x128x128xf32, #tpu.memory_space<vmem>> -> memref<1x128x128xf32, #tpu.memory_space<vmem>>
      %dma_start3A_241 = tpu.memref_squeeze %dma_start3A_240 : memref<1x128x128xf32, #tpu.memory_space<vmem>> -> memref<128x128xf32, #tpu.memory_space<vmem>>
      tpu.enqueue_dma source(%dma_start3A_241 : memref<128x128xf32, #tpu.memory_space<vmem>>) target(%dma_start3A_237 : memref<128x128xf32, #tpu.memory_space<vmem_shared>>) target_semaphore(%run_scoped3A_229 : memref<!tpu.dma_semaphore, #tpu.memory_space<semaphore_mem>>)
      %dma_wait3A = arith.constant 0 : i32
      %dma_wait3A_242 = arith.constant 0 : i32
      %dma_wait3A_243 = tpu.memref_slice %arg8[%run_scoped3A_17, %dma_wait3A, %dma_wait3A_242] : memref<2x128x128xf32, #tpu.memory_space<vmem>> -> memref<1x128x128xf32, #tpu.memory_space<vmem>>
      %dma_wait3A_244 = tpu.memref_squeeze %dma_wait3A_243 : memref<1x128x128xf32, #tpu.memory_space<vmem>> -> memref<128x128xf32, #tpu.memory_space<vmem>>
      %dma_wait3A_245 = arith.constant 0 : i32
      %dma_wait3A_246 = tpu.memref_slice %arg9[%add3A_16, %dma_wait3A_245] : memref<10112x128xf32, #tpu.memory_space<vmem_shared>> -> memref<128x128xf32, #tpu.memory_space<vmem_shared>>
      %dma_wait3A_247 = arith.constant 0 : i32
      %dma_wait3A_248 = tpu.memref_slice %arg9[%add3A_16, %dma_wait3A_247] : memref<10112x128xf32, #tpu.memory_space<vmem_shared>> -> memref<128x128xf32, #tpu.memory_space<vmem_shared>>
      %dma_wait3A_249 = arith.constant 0 : i32
      %dma_wait3A_250 = arith.constant 0 : i32
      %dma_wait3A_251 = tpu.memref_slice %arg8[%run_scoped3A_17, %dma_wait3A_249, %dma_wait3A_250] : memref<2x128x128xf32, #tpu.memory_space<vmem>> -> memref<1x128x128xf32, #tpu.memory_space<vmem>>
      %dma_wait3A_252 = tpu.memref_squeeze %dma_wait3A_251 : memref<1x128x128xf32, #tpu.memory_space<vmem>> -> memref<128x128xf32, #tpu.memory_space<vmem>>
      tpu.wait_dma2 semaphore(%run_scoped3A_229 : memref<!tpu.dma_semaphore, #tpu.memory_space<semaphore_mem>>) src(%dma_wait3A_252 : memref<128x128xf32, #tpu.memory_space<vmem>>) dst(%dma_wait3A_248 : memref<128x128xf32, #tpu.memory_space<vmem_shared>>)
      tpu.yield
    }) : () -> ()
    %mul3A_18 = arith.constant 632 : i32
    %mul3A_19 = arith.muli %arg1, %mul3A_18 : i32
    %add3A_20 = arith.constant 384 : i32
    %add3A_21 = arith.addi %mul3A_19, %add3A_20 : i32
    %run_scoped3A_22 = arith.constant 0 : i32
    "tpu.region"() ({
      %run_scoped3A_229 = tpu.sem_alloc : memref<!tpu.dma_semaphore, #tpu.memory_space<semaphore_mem>>
      %dma_start3A_230 = arith.constant 0 : i32
      %dma_start3A_231 = arith.constant 0 : i32
      %dma_start3A_232 = tpu.memref_slice %arg8[%run_scoped3A_22, %dma_start3A_230, %dma_start3A_231] : memref<2x128x128xf32, #tpu.memory_space<vmem>> -> memref<1x128x128xf32, #tpu.memory_space<vmem>>
      %dma_start3A_233 = tpu.memref_squeeze %dma_start3A_232 : memref<1x128x128xf32, #tpu.memory_space<vmem>> -> memref<128x128xf32, #tpu.memory_space<vmem>>
      %dma_start3A_234 = arith.constant 0 : i32
      %dma_start3A_235 = tpu.memref_slice %arg9[%add3A_21, %dma_start3A_234] : memref<10112x128xf32, #tpu.memory_space<vmem_shared>> -> memref<128x128xf32, #tpu.memory_space<vmem_shared>>
      %dma_start3A_236 = arith.constant 0 : i32
      %dma_start3A_237 = tpu.memref_slice %arg9[%add3A_21, %dma_start3A_236] : memref<10112x128xf32, #tpu.memory_space<vmem_shared>> -> memref<128x128xf32, #tpu.memory_space<vmem_shared>>
      %dma_start3A_238 = arith.constant 0 : i32
      %dma_start3A_239 = arith.constant 0 : i32
      %dma_start3A_240 = tpu.memref_slice %arg8[%run_scoped3A_22, %dma_start3A_238, %dma_start3A_239] : memref<2x128x128xf32, #tpu.memory_space<vmem>> -> memref<1x128x128xf32, #tpu.memory_space<vmem>>
      %dma_start3A_241 = tpu.memref_squeeze %dma_start3A_240 : memref<1x128x128xf32, #tpu.memory_space<vmem>> -> memref<128x128xf32, #tpu.memory_space<vmem>>
      tpu.enqueue_dma source(%dma_start3A_241 : memref<128x128xf32, #tpu.memory_space<vmem>>) target(%dma_start3A_237 : memref<128x128xf32, #tpu.memory_space<vmem_shared>>) target_semaphore(%run_scoped3A_229 : memref<!tpu.dma_semaphore, #tpu.memory_space<semaphore_mem>>)
      %dma_wait3A = arith.constant 0 : i32
      %dma_wait3A_242 = arith.constant 0 : i32
      %dma_wait3A_243 = tpu.memref_slice %arg8[%run_scoped3A_22, %dma_wait3A, %dma_wait3A_242] : memref<2x128x128xf32, #tpu.memory_space<vmem>> -> memref<1x128x128xf32, #tpu.memory_space<vmem>>
      %dma_wait3A_244 = tpu.memref_squeeze %dma_wait3A_243 : memref<1x128x128xf32, #tpu.memory_space<vmem>> -> memref<128x128xf32, #tpu.memory_space<vmem>>
      %dma_wait3A_245 = arith.constant 0 : i32
      %dma_wait3A_246 = tpu.memref_slice %arg9[%add3A_21, %dma_wait3A_245] : memref<10112x128xf32, #tpu.memory_space<vmem_shared>> -> memref<128x128xf32, #tpu.memory_space<vmem_shared>>
      %dma_wait3A_247 = arith.constant 0 : i32
      %dma_wait3A_248 = tpu.memref_slice %arg9[%add3A_21, %dma_wait3A_247] : memref<10112x128xf32, #tpu.memory_space<vmem_shared>> -> memref<128x128xf32, #tpu.memory_space<vmem_shared>>
      %dma_wait3A_249 = arith.constant 0 : i32
      %dma_wait3A_250 = arith.constant 0 : i32
      %dma_wait3A_251 = tpu.memref_slice %arg8[%run_scoped3A_22, %dma_wait3A_249, %dma_wait3A_250] : memref<2x128x128xf32, #tpu.memory_space<vmem>> -> memref<1x128x128xf32, #tpu.memory_space<vmem>>
      %dma_wait3A_252 = tpu.memref_squeeze %dma_wait3A_251 : memref<1x128x128xf32, #tpu.memory_space<vmem>> -> memref<128x128xf32, #tpu.memory_space<vmem>>
      tpu.wait_dma2 semaphore(%run_scoped3A_229 : memref<!tpu.dma_semaphore, #tpu.memory_space<semaphore_mem>>) src(%dma_wait3A_252 : memref<128x128xf32, #tpu.memory_space<vmem>>) dst(%dma_wait3A_248 : memref<128x128xf32, #tpu.memory_space<vmem_shared>>)
      tpu.yield
    }) : () -> ()
    %mul3A_23 = arith.constant 632 : i32
    %mul3A_24 = arith.muli %arg1, %mul3A_23 : i32
    %add3A_25 = arith.constant 512 : i32
    %add3A_26 = arith.addi %mul3A_24, %add3A_25 : i32
    %run_scoped3A_27 = arith.constant 0 : i32
    "tpu.region"() ({
      %run_scoped3A_229 = tpu.sem_alloc : memref<!tpu.dma_semaphore, #tpu.memory_space<semaphore_mem>>
      %dma_start3A_230 = arith.constant 0 : i32
      %dma_start3A_231 = arith.constant 0 : i32
      %dma_start3A_232 = tpu.memref_slice %arg8[%run_scoped3A_27, %dma_start3A_230, %dma_start3A_231] : memref<2x128x128xf32, #tpu.memory_space<vmem>> -> memref<1x128x128xf32, #tpu.memory_space<vmem>>
      %dma_start3A_233 = tpu.memref_squeeze %dma_start3A_232 : memref<1x128x128xf32, #tpu.memory_space<vmem>> -> memref<128x128xf32, #tpu.memory_space<vmem>>
      %dma_start3A_234 = arith.constant 0 : i32
      %dma_start3A_235 = arith.constant 0 : i32
      %dma_start3A_236 = tpu.memref_slice %dma_start3A_233[%dma_start3A_234, %dma_start3A_235] : memref<128x128xf32, #tpu.memory_space<vmem>> -> memref<120x128xf32, #tpu.memory_space<vmem>>
      %dma_start3A_237 = arith.constant 0 : i32
      %dma_start3A_238 = tpu.memref_slice %arg9[%add3A_26, %dma_start3A_237] : memref<10112x128xf32, #tpu.memory_space<vmem_shared>> -> memref<120x128xf32, #tpu.memory_space<vmem_shared>>
      %dma_start3A_239 = arith.constant 0 : i32
      %dma_start3A_240 = tpu.memref_slice %arg9[%add3A_26, %dma_start3A_239] : memref<10112x128xf32, #tpu.memory_space<vmem_shared>> -> memref<120x128xf32, #tpu.memory_space<vmem_shared>>
      %dma_start3A_241 = arith.constant 0 : i32
      %dma_start3A_242 = arith.constant 0 : i32
      %dma_start3A_243 = tpu.memref_slice %arg8[%run_scoped3A_27, %dma_start3A_241, %dma_start3A_242] : memref<2x128x128xf32, #tpu.memory_space<vmem>> -> memref<1x128x128xf32, #tpu.memory_space<vmem>>
      %dma_start3A_244 = tpu.memref_squeeze %dma_start3A_243 : memref<1x128x128xf32, #tpu.memory_space<vmem>> -> memref<128x128xf32, #tpu.memory_space<vmem>>
      %dma_start3A_245 = arith.constant 0 : i32
      %dma_start3A_246 = arith.constant 0 : i32
      %dma_start3A_247 = tpu.memref_slice %dma_start3A_244[%dma_start3A_245, %dma_start3A_246] : memref<128x128xf32, #tpu.memory_space<vmem>> -> memref<120x128xf32, #tpu.memory_space<vmem>>
      tpu.enqueue_dma source(%dma_start3A_247 : memref<120x128xf32, #tpu.memory_space<vmem>>) target(%dma_start3A_240 : memref<120x128xf32, #tpu.memory_space<vmem_shared>>) target_semaphore(%run_scoped3A_229 : memref<!tpu.dma_semaphore, #tpu.memory_space<semaphore_mem>>)
      %dma_wait3A = arith.constant 0 : i32
      %dma_wait3A_248 = arith.constant 0 : i32
      %dma_wait3A_249 = tpu.memref_slice %arg8[%run_scoped3A_27, %dma_wait3A, %dma_wait3A_248] : memref<2x128x128xf32, #tpu.memory_space<vmem>> -> memref<1x128x128xf32, #tpu.memory_space<vmem>>
      %dma_wait3A_250 = tpu.memref_squeeze %dma_wait3A_249 : memref<1x128x128xf32, #tpu.memory_space<vmem>> -> memref<128x128xf32, #tpu.memory_space<vmem>>
      %dma_wait3A_251 = arith.constant 0 : i32
      %dma_wait3A_252 = arith.constant 0 : i32
      %dma_wait3A_253 = tpu.memref_slice %dma_wait3A_250[%dma_wait3A_251, %dma_wait3A_252] : memref<128x128xf32, #tpu.memory_space<vmem>> -> memref<120x128xf32, #tpu.memory_space<vmem>>
      %dma_wait3A_254 = arith.constant 0 : i32
      %dma_wait3A_255 = tpu.memref_slice %arg9[%add3A_26, %dma_wait3A_254] : memref<10112x128xf32, #tpu.memory_space<vmem_shared>> -> memref<120x128xf32, #tpu.memory_space<vmem_shared>>
      %dma_wait3A_256 = arith.constant 0 : i32
      %dma_wait3A_257 = tpu.memref_slice %arg9[%add3A_26, %dma_wait3A_256] : memref<10112x128xf32, #tpu.memory_space<vmem_shared>> -> memref<120x128xf32, #tpu.memory_space<vmem_shared>>
      %dma_wait3A_258 = arith.constant 0 : i32
      %dma_wait3A_259 = arith.constant 0 : i32
      %dma_wait3A_260 = tpu.memref_slice %arg8[%run_scoped3A_27, %dma_wait3A_258, %dma_wait3A_259] : memref<2x128x128xf32, #tpu.memory_space<vmem>> -> memref<1x128x128xf32, #tpu.memory_space<vmem>>
      %dma_wait3A_261 = tpu.memref_squeeze %dma_wait3A_260 : memref<1x128x128xf32, #tpu.memory_space<vmem>> -> memref<128x128xf32, #tpu.memory_space<vmem>>
      %dma_wait3A_262 = arith.constant 0 : i32
      %dma_wait3A_263 = arith.constant 0 : i32
      %dma_wait3A_264 = tpu.memref_slice %dma_wait3A_261[%dma_wait3A_262, %dma_wait3A_263] : memref<128x128xf32, #tpu.memory_space<vmem>> -> memref<120x128xf32, #tpu.memory_space<vmem>>
      tpu.wait_dma2 semaphore(%run_scoped3A_229 : memref<!tpu.dma_semaphore, #tpu.memory_space<semaphore_mem>>) src(%dma_wait3A_264 : memref<120x128xf32, #tpu.memory_space<vmem>>) dst(%dma_wait3A_257 : memref<120x128xf32, #tpu.memory_space<vmem_shared>>)
      tpu.yield
    }) : () -> ()
    %barrier3A = arith.constant 0 : index
    tpu.barrier barrier_id(%barrier3A)
    %get3A = arith.constant 0 : i32
    %get3A_28 = arith.index_cast %get3A : i32 to index
    %get3A_29 = arith.constant 0 : index
    %get3A_30 = tpu.vector_load %arg5[%get3A_28, %get3A_29] {strides = array<i32>} : memref<79x128xi32, #tpu.memory_space<vmem>>, vector<1x16xi32>,
    %get3A_31 = vector.shape_cast %get3A_30 : vector<1x16xi32> to vector<16xi32>
    %shift_right_arithmetic3A = arith.constant 14 : i32
    %shift_right_arithmetic3A_32 = vector.broadcast %shift_right_arithmetic3A : i32 to vector<16xi32>
    %shift_right_arithmetic3A_33 = arith.shrsi %get3A_31, %shift_right_arithmetic3A_32 : vector<16xi32>
    %swap3A = arith.constant 0 : i32
    %swap3A_34 = arith.index_cast %swap3A : i32 to index
    %swap3A_35 = arith.constant 0 : index
    %swap3A_36 = tpu.vector_load %arg7[%swap3A_34, %swap3A_35] {strides = array<i32>} : memref<2x128xi32, #tpu.memory_space<vmem>>, vector<1x16xi32>,
    %swap3A_37 = vector.shape_cast %swap3A_36 : vector<1x16xi32> to vector<16xi32>
    %swap3A_38 = vector.shape_cast %shift_right_arithmetic3A_33 : vector<16xi32> to vector<1x16xi32>
    tpu.vector_store %arg7[%swap3A_34, %swap3A_35], %swap3A_38 {strides = array<i32>} : memref<2x128xi32, #tpu.memory_space<vmem>>, vector<1x16xi32>,
    %and3A = arith.constant 16383 : i32
    %and3A_39 = vector.broadcast %and3A : i32 to vector<16xi32>
    %and3A_40 = arith.andi %get3A_31, %and3A_39 : vector<16xi32>
    %swap3A_41 = arith.constant 0 : i32
    %swap3A_42 = arith.index_cast %swap3A_41 : i32 to index
    %swap3A_43 = arith.constant 0 : index
    %swap3A_44 = tpu.vector_load %arg6[%swap3A_42, %swap3A_43] {strides = array<i32>} : memref<2x128xi32, #tpu.memory_space<vmem>>, vector<1x16xi32>,
    %swap3A_45 = vector.shape_cast %swap3A_44 : vector<1x16xi32> to vector<16xi32>
    %swap3A_46 = vector.shape_cast %and3A_40 : vector<16xi32> to vector<1x16xi32>
    tpu.vector_store %arg6[%swap3A_42, %swap3A_43], %swap3A_46 {strides = array<i32>} : memref<2x128xi32, #tpu.memory_space<vmem>>, vector<1x16xi32>,
    %get3A_47 = arith.constant 0 : i32
    %get3A_48 = arith.index_cast %get3A_47 : i32 to index
    %get3A_49 = arith.constant 16 : index
    %get3A_50 = tpu.vector_load %arg5[%get3A_48, %get3A_49] {strides = array<i32>} : memref<79x128xi32, #tpu.memory_space<vmem>>, vector<1x16xi32>,
    %get3A_51 = vector.shape_cast %get3A_50 : vector<1x16xi32> to vector<16xi32>
    %shift_right_arithmetic3A_52 = arith.constant 14 : i32
    %shift_right_arithmetic3A_53 = vector.broadcast %shift_right_arithmetic3A_52 : i32 to vector<16xi32>
    %shift_right_arithmetic3A_54 = arith.shrsi %get3A_51, %shift_right_arithmetic3A_53 : vector<16xi32>
    %swap3A_55 = arith.constant 0 : i32
    %swap3A_56 = arith.index_cast %swap3A_55 : i32 to index
    %swap3A_57 = arith.constant 16 : index
    %swap3A_58 = tpu.vector_load %arg7[%swap3A_56, %swap3A_57] {strides = array<i32>} : memref<2x128xi32, #tpu.memory_space<vmem>>, vector<1x16xi32>,
    %swap3A_59 = vector.shape_cast %swap3A_58 : vector<1x16xi32> to vector<16xi32>
    %swap3A_60 = vector.shape_cast %shift_right_arithmetic3A_54 : vector<16xi32> to vector<1x16xi32>
    tpu.vector_store %arg7[%swap3A_56, %swap3A_57], %swap3A_60 {strides = array<i32>} : memref<2x128xi32, #tpu.memory_space<vmem>>, vector<1x16xi32>,
    %and3A_61 = arith.constant 16383 : i32
    %and3A_62 = vector.broadcast %and3A_61 : i32 to vector<16xi32>
    %and3A_63 = arith.andi %get3A_51, %and3A_62 : vector<16xi32>
    %swap3A_64 = arith.constant 0 : i32
    %swap3A_65 = arith.index_cast %swap3A_64 : i32 to index
    %swap3A_66 = arith.constant 16 : index
    %swap3A_67 = tpu.vector_load %arg6[%swap3A_65, %swap3A_66] {strides = array<i32>} : memref<2x128xi32, #tpu.memory_space<vmem>>, vector<1x16xi32>,
    %swap3A_68 = vector.shape_cast %swap3A_67 : vector<1x16xi32> to vector<16xi32>
    %swap3A_69 = vector.shape_cast %and3A_63 : vector<16xi32> to vector<1x16xi32>
    tpu.vector_store %arg6[%swap3A_65, %swap3A_66], %swap3A_69 {strides = array<i32>} : memref<2x128xi32, #tpu.memory_space<vmem>>, vector<1x16xi32>,
    %get3A_70 = arith.constant 0 : i32
    %get3A_71 = arith.index_cast %get3A_70 : i32 to index
    %get3A_72 = arith.constant 32 : index
    %get3A_73 = tpu.vector_load %arg5[%get3A_71, %get3A_72] {strides = array<i32>} : memref<79x128xi32, #tpu.memory_space<vmem>>, vector<1x16xi32>,
    %get3A_74 = vector.shape_cast %get3A_73 : vector<1x16xi32> to vector<16xi32>
    %shift_right_arithmetic3A_75 = arith.constant 14 : i32
    %shift_right_arithmetic3A_76 = vector.broadcast %shift_right_arithmetic3A_75 : i32 to vector<16xi32>
    %shift_right_arithmetic3A_77 = arith.shrsi %get3A_74, %shift_right_arithmetic3A_76 : vector<16xi32>
    %swap3A_78 = arith.constant 0 : i32
    %swap3A_79 = arith.index_cast %swap3A_78 : i32 to index
    %swap3A_80 = arith.constant 32 : index
    %swap3A_81 = tpu.vector_load %arg7[%swap3A_79, %swap3A_80] {strides = array<i32>} : memref<2x128xi32, #tpu.memory_space<vmem>>, vector<1x16xi32>,
    %swap3A_82 = vector.shape_cast %swap3A_81 : vector<1x16xi32> to vector<16xi32>
    %swap3A_83 = vector.shape_cast %shift_right_arithmetic3A_77 : vector<16xi32> to vector<1x16xi32>
    tpu.vector_store %arg7[%swap3A_79, %swap3A_80], %swap3A_83 {strides = array<i32>} : memref<2x128xi32, #tpu.memory_space<vmem>>, vector<1x16xi32>,
    %and3A_84 = arith.constant 16383 : i32
    %and3A_85 = vector.broadcast %and3A_84 : i32 to vector<16xi32>
    %and3A_86 = arith.andi %get3A_74, %and3A_85 : vector<16xi32>
    %swap3A_87 = arith.constant 0 : i32
    %swap3A_88 = arith.index_cast %swap3A_87 : i32 to index
    %swap3A_89 = arith.constant 32 : index
    %swap3A_90 = tpu.vector_load %arg6[%swap3A_88, %swap3A_89] {strides = array<i32>} : memref<2x128xi32, #tpu.memory_space<vmem>>, vector<1x16xi32>,
    %swap3A_91 = vector.shape_cast %swap3A_90 : vector<1x16xi32> to vector<16xi32>
    %swap3A_92 = vector.shape_cast %and3A_86 : vector<16xi32> to vector<1x16xi32>
    tpu.vector_store %arg6[%swap3A_88, %swap3A_89], %swap3A_92 {strides = array<i32>} : memref<2x128xi32, #tpu.memory_space<vmem>>, vector<1x16xi32>,
    %get3A_93 = arith.constant 0 : i32
    %get3A_94 = arith.index_cast %get3A_93 : i32 to index
    %get3A_95 = arith.constant 48 : index
    %get3A_96 = tpu.vector_load %arg5[%get3A_94, %get3A_95] {strides = array<i32>} : memref<79x128xi32, #tpu.memory_space<vmem>>, vector<1x16xi32>,
    %get3A_97 = vector.shape_cast %get3A_96 : vector<1x16xi32> to vector<16xi32>
    %shift_right_arithmetic3A_98 = arith.constant 14 : i32
    %shift_right_arithmetic3A_99 = vector.broadcast %shift_right_arithmetic3A_98 : i32 to vector<16xi32>
    %shift_right_arithmetic3A_100 = arith.shrsi %get3A_97, %shift_right_arithmetic3A_99 : vector<16xi32>
    %swap3A_101 = arith.constant 0 : i32
    %swap3A_102 = arith.index_cast %swap3A_101 : i32 to index
    %swap3A_103 = arith.constant 48 : index
    %swap3A_104 = tpu.vector_load %arg7[%swap3A_102, %swap3A_103] {strides = array<i32>} : memref<2x128xi32, #tpu.memory_space<vmem>>, vector<1x16xi32>,
    %swap3A_105 = vector.shape_cast %swap3A_104 : vector<1x16xi32> to vector<16xi32>
    %swap3A_106 = vector.shape_cast %shift_right_arithmetic3A_100 : vector<16xi32> to vector<1x16xi32>
    tpu.vector_store %arg7[%swap3A_102, %swap3A_103], %swap3A_106 {strides = array<i32>} : memref<2x128xi32, #tpu.memory_space<vmem>>, vector<1x16xi32>,
    %and3A_107 = arith.constant 16383 : i32
    %and3A_108 = vector.broadcast %and3A_107 : i32 to vector<16xi32>
    %and3A_109 = arith.andi %get3A_97, %and3A_108 : vector<16xi32>
    %swap3A_110 = arith.constant 0 : i32
    %swap3A_111 = arith.index_cast %swap3A_110 : i32 to index
    %swap3A_112 = arith.constant 48 : index
    %swap3A_113 = tpu.vector_load %arg6[%swap3A_111, %swap3A_112] {strides = array<i32>} : memref<2x128xi32, #tpu.memory_space<vmem>>, vector<1x16xi32>,
    %swap3A_114 = vector.shape_cast %swap3A_113 : vector<1x16xi32> to vector<16xi32>
    %swap3A_115 = vector.shape_cast %and3A_109 : vector<16xi32> to vector<1x16xi32>
    tpu.vector_store %arg6[%swap3A_111, %swap3A_112], %swap3A_115 {strides = array<i32>} : memref<2x128xi32, #tpu.memory_space<vmem>>, vector<1x16xi32>,
    %get3A_116 = arith.constant 0 : i32
    %get3A_117 = arith.index_cast %get3A_116 : i32 to index
    %get3A_118 = arith.constant 64 : index
    %get3A_119 = tpu.vector_load %arg5[%get3A_117, %get3A_118] {strides = array<i32>} : memref<79x128xi32, #tpu.memory_space<vmem>>, vector<1x16xi32>,
    %get3A_120 = vector.shape_cast %get3A_119 : vector<1x16xi32> to vector<16xi32>
    %shift_right_arithmetic3A_121 = arith.constant 14 : i32
    %shift_right_arithmetic3A_122 = vector.broadcast %shift_right_arithmetic3A_121 : i32 to vector<16xi32>
    %shift_right_arithmetic3A_123 = arith.shrsi %get3A_120, %shift_right_arithmetic3A_122 : vector<16xi32>
    %swap3A_124 = arith.constant 0 : i32
    %swap3A_125 = arith.index_cast %swap3A_124 : i32 to index
    %swap3A_126 = arith.constant 64 : index
    %swap3A_127 = tpu.vector_load %arg7[%swap3A_125, %swap3A_126] {strides = array<i32>} : memref<2x128xi32, #tpu.memory_space<vmem>>, vector<1x16xi32>,
    %swap3A_128 = vector.shape_cast %swap3A_127 : vector<1x16xi32> to vector<16xi32>
    %swap3A_129 = vector.shape_cast %shift_right_arithmetic3A_123 : vector<16xi32> to vector<1x16xi32>
    tpu.vector_store %arg7[%swap3A_125, %swap3A_126], %swap3A_129 {strides = array<i32>} : memref<2x128xi32, #tpu.memory_space<vmem>>, vector<1x16xi32>,
    %and3A_130 = arith.constant 16383 : i32
    %and3A_131 = vector.broadcast %and3A_130 : i32 to vector<16xi32>
    %and3A_132 = arith.andi %get3A_120, %and3A_131 : vector<16xi32>
    %swap3A_133 = arith.constant 0 : i32
    %swap3A_134 = arith.index_cast %swap3A_133 : i32 to index
    %swap3A_135 = arith.constant 64 : index
    %swap3A_136 = tpu.vector_load %arg6[%swap3A_134, %swap3A_135] {strides = array<i32>} : memref<2x128xi32, #tpu.memory_space<vmem>>, vector<1x16xi32>,
    %swap3A_137 = vector.shape_cast %swap3A_136 : vector<1x16xi32> to vector<16xi32>
    %swap3A_138 = vector.shape_cast %and3A_132 : vector<16xi32> to vector<1x16xi32>
    tpu.vector_store %arg6[%swap3A_134, %swap3A_135], %swap3A_138 {strides = array<i32>} : memref<2x128xi32, #tpu.memory_space<vmem>>, vector<1x16xi32>,
    %get3A_139 = arith.constant 0 : i32
    %get3A_140 = arith.index_cast %get3A_139 : i32 to index
    %get3A_141 = arith.constant 80 : index
    %get3A_142 = tpu.vector_load %arg5[%get3A_140, %get3A_141] {strides = array<i32>} : memref<79x128xi32, #tpu.memory_space<vmem>>, vector<1x16xi32>,
    %get3A_143 = vector.shape_cast %get3A_142 : vector<1x16xi32> to vector<16xi32>
    %shift_right_arithmetic3A_144 = arith.constant 14 : i32
    %shift_right_arithmetic3A_145 = vector.broadcast %shift_right_arithmetic3A_144 : i32 to vector<16xi32>
    %shift_right_arithmetic3A_146 = arith.shrsi %get3A_143, %shift_right_arithmetic3A_145 : vector<16xi32>
    %swap3A_147 = arith.constant 0 : i32
    %swap3A_148 = arith.index_cast %swap3A_147 : i32 to index
    %swap3A_149 = arith.constant 80 : index
    %swap3A_150 = tpu.vector_load %arg7[%swap3A_148, %swap3A_149] {strides = array<i32>} : memref<2x128xi32, #tpu.memory_space<vmem>>, vector<1x16xi32>,
    %swap3A_151 = vector.shape_cast %swap3A_150 : vector<1x16xi32> to vector<16xi32>
    %swap3A_152 = vector.shape_cast %shift_right_arithmetic3A_146 : vector<16xi32> to vector<1x16xi32>
    tpu.vector_store %arg7[%swap3A_148, %swap3A_149], %swap3A_152 {strides = array<i32>} : memref<2x128xi32, #tpu.memory_space<vmem>>, vector<1x16xi32>,
    %and3A_153 = arith.constant 16383 : i32
    %and3A_154 = vector.broadcast %and3A_153 : i32 to vector<16xi32>
    %and3A_155 = arith.andi %get3A_143, %and3A_154 : vector<16xi32>
    %swap3A_156 = arith.constant 0 : i32
    %swap3A_157 = arith.index_cast %swap3A_156 : i32 to index
    %swap3A_158 = arith.constant 80 : index
    %swap3A_159 = tpu.vector_load %arg6[%swap3A_157, %swap3A_158] {strides = array<i32>} : memref<2x128xi32, #tpu.memory_space<vmem>>, vector<1x16xi32>,
    %swap3A_160 = vector.shape_cast %swap3A_159 : vector<1x16xi32> to vector<16xi32>
    %swap3A_161 = vector.shape_cast %and3A_155 : vector<16xi32> to vector<1x16xi32>
    tpu.vector_store %arg6[%swap3A_157, %swap3A_158], %swap3A_161 {strides = array<i32>} : memref<2x128xi32, #tpu.memory_space<vmem>>, vector<1x16xi32>,
    %get3A_162 = arith.constant 0 : i32
    %get3A_163 = arith.index_cast %get3A_162 : i32 to index
    %get3A_164 = arith.constant 96 : index
    %get3A_165 = tpu.vector_load %arg5[%get3A_163, %get3A_164] {strides = array<i32>} : memref<79x128xi32, #tpu.memory_space<vmem>>, vector<1x16xi32>,
    %get3A_166 = vector.shape_cast %get3A_165 : vector<1x16xi32> to vector<16xi32>
    %shift_right_arithmetic3A_167 = arith.constant 14 : i32
    %shift_right_arithmetic3A_168 = vector.broadcast %shift_right_arithmetic3A_167 : i32 to vector<16xi32>
    %shift_right_arithmetic3A_169 = arith.shrsi %get3A_166, %shift_right_arithmetic3A_168 : vector<16xi32>
    %swap3A_170 = arith.constant 0 : i32
    %swap3A_171 = arith.index_cast %swap3A_170 : i32 to index
    %swap3A_172 = arith.constant 96 : index
    %swap3A_173 = tpu.vector_load %arg7[%swap3A_171, %swap3A_172] {strides = array<i32>} : memref<2x128xi32, #tpu.memory_space<vmem>>, vector<1x16xi32>,
    %swap3A_174 = vector.shape_cast %swap3A_173 : vector<1x16xi32> to vector<16xi32>
    %swap3A_175 = vector.shape_cast %shift_right_arithmetic3A_169 : vector<16xi32> to vector<1x16xi32>
    tpu.vector_store %arg7[%swap3A_171, %swap3A_172], %swap3A_175 {strides = array<i32>} : memref<2x128xi32, #tpu.memory_space<vmem>>, vector<1x16xi32>,
    %and3A_176 = arith.constant 16383 : i32
    %and3A_177 = vector.broadcast %and3A_176 : i32 to vector<16xi32>
    %and3A_178 = arith.andi %get3A_166, %and3A_177 : vector<16xi32>
    %swap3A_179 = arith.constant 0 : i32
    %swap3A_180 = arith.index_cast %swap3A_179 : i32 to index
    %swap3A_181 = arith.constant 96 : index
    %swap3A_182 = tpu.vector_load %arg6[%swap3A_180, %swap3A_181] {strides = array<i32>} : memref<2x128xi32, #tpu.memory_space<vmem>>, vector<1x16xi32>,
    %swap3A_183 = vector.shape_cast %swap3A_182 : vector<1x16xi32> to vector<16xi32>
    %swap3A_184 = vector.shape_cast %and3A_178 : vector<16xi32> to vector<1x16xi32>
    tpu.vector_store %arg6[%swap3A_180, %swap3A_181], %swap3A_184 {strides = array<i32>} : memref<2x128xi32, #tpu.memory_space<vmem>>, vector<1x16xi32>,
    %get3A_185 = arith.constant 0 : i32
    %get3A_186 = arith.index_cast %get3A_185 : i32 to index
    %get3A_187 = arith.constant 112 : index
    %get3A_188 = tpu.vector_load %arg5[%get3A_186, %get3A_187] {strides = array<i32>} : memref<79x128xi32, #tpu.memory_space<vmem>>, vector<1x16xi32>,
    %get3A_189 = vector.shape_cast %get3A_188 : vector<1x16xi32> to vector<16xi32>
    %shift_right_arithmetic3A_190 = arith.constant 14 : i32
    %shift_right_arithmetic3A_191 = vector.broadcast %shift_right_arithmetic3A_190 : i32 to vector<16xi32>
    %shift_right_arithmetic3A_192 = arith.shrsi %get3A_189, %shift_right_arithmetic3A_191 : vector<16xi32>
    %swap3A_193 = arith.constant 0 : i32
    %swap3A_194 = arith.index_cast %swap3A_193 : i32 to index
    %swap3A_195 = arith.constant 112 : index
    %swap3A_196 = tpu.vector_load %arg7[%swap3A_194, %swap3A_195] {strides = array<i32>} : memref<2x128xi32, #tpu.memory_space<vmem>>, vector<1x16xi32>,
    %swap3A_197 = vector.shape_cast %swap3A_196 : vector<1x16xi32> to vector<16xi32>
    %swap3A_198 = vector.shape_cast %shift_right_arithmetic3A_192 : vector<16xi32> to vector<1x16xi32>
    tpu.vector_store %arg7[%swap3A_194, %swap3A_195], %swap3A_198 {strides = array<i32>} : memref<2x128xi32, #tpu.memory_space<vmem>>, vector<1x16xi32>,
    %and3A_199 = arith.constant 16383 : i32
    %and3A_200 = vector.broadcast %and3A_199 : i32 to vector<16xi32>
    %and3A_201 = arith.andi %get3A_189, %and3A_200 : vector<16xi32>
    %swap3A_202 = arith.constant 0 : i32
    %swap3A_203 = arith.index_cast %swap3A_202 : i32 to index
    %swap3A_204 = arith.constant 112 : index
    %swap3A_205 = tpu.vector_load %arg6[%swap3A_203, %swap3A_204] {strides = array<i32>} : memref<2x128xi32, #tpu.memory_space<vmem>>, vector<1x16xi32>,
    %swap3A_206 = vector.shape_cast %swap3A_205 : vector<1x16xi32> to vector<16xi32>
    %swap3A_207 = vector.shape_cast %and3A_201 : vector<16xi32> to vector<1x16xi32>
    tpu.vector_store %arg6[%swap3A_203, %swap3A_204], %swap3A_207 {strides = array<i32>} : memref<2x128xi32, #tpu.memory_space<vmem>>, vector<1x16xi32>,
    %dma_start3A = arith.constant 0 : i32
    %dma_start3A_208 = arith.constant 0 : i32
    %dma_start3A_209 = arith.constant 0 : i32
    %dma_start3A_210 = arith.constant 0 : i32
    %dma_start3A_211 = tpu.memref_slice %arg8[%dma_start3A_208, %dma_start3A_209, %dma_start3A_210] : memref<2x128x128xf32, #tpu.memory_space<vmem>> -> memref<1x128x128xf32, #tpu.memory_space<vmem>>
    %dma_start3A_212 = tpu.memref_squeeze %dma_start3A_211 : memref<1x128x128xf32, #tpu.memory_space<vmem>> -> memref<128x128xf32, #tpu.memory_space<vmem>>
    %dma_start3A_213 = arith.constant 0 : i32
    %dma_start3A_214 = tpu.memref_slice %arg6[%dma_start3A, %dma_start3A_213] : memref<2x128xi32, #tpu.memory_space<vmem>> -> memref<1x128xi32, #tpu.memory_space<vmem>>
    %dma_start3A_215 = tpu.memref_squeeze %dma_start3A_214 : memref<1x128xi32, #tpu.memory_space<vmem>> -> memref<128xi32, #tpu.memory_space<vmem>>
    %dma_start3A_216 = arith.constant 0 : i32
    %dma_start3A_217 = arith.constant 0 : i32
    %dma_start3A_218 = tpu.memref_slice %arg2[%dma_start3A_216, %dma_start3A_217] : memref<10000x128xf32, #tpu.memory_space<hbm>> -> memref<10000x128xf32, #tpu.memory_space<hbm>>
    tpu.enqueue_indirect_dma source(%dma_start3A_218 : memref<10000x128xf32, #tpu.memory_space<hbm>>) target(%dma_start3A_212 : memref<128x128xf32, #tpu.memory_space<vmem>>) offsets(%dma_start3A_215 : memref<128xi32, #tpu.memory_space<vmem>>) semaphore(%arg10 : memref<!tpu.dma_semaphore, #tpu.memory_space<semaphore_mem>>)
    %scan3A_219 = arith.constant 0 : i32
    %scan3A_220 = arith.constant 79 : i32
    %scan3A_221 = arith.addi %scan3A_219, %scan3A_220 : i32
    %scan3A_222 = arith.constant 1 : i32
    scf.for %scan3A_229 = %scan3A_219 to %scan3A_221 step %scan3A_222  : i32 {
      %mul3A_230 = arith.constant 1 : i32
      %mul3A_231 = arith.muli %scan3A_229, %mul3A_230 : i32
      %add3A_232 = arith.constant 0 : i32
      %add3A_233 = arith.addi %add3A_232, %mul3A_231 : i32
      %rem3A = arith.constant 2 : i32
      %rem3A_234 = arith.remsi %add3A_233, %rem3A : i32
      %dma_wait3A = arith.constant 0 : i32
      %dma_wait3A_235 = arith.constant 0 : i32
      %dma_wait3A_236 = tpu.memref_slice %arg8[%rem3A_234, %dma_wait3A, %dma_wait3A_235] : memref<2x128x128xf32, #tpu.memory_space<vmem>> -> memref<1x128x128xf32, #tpu.memory_space<vmem>>
      %dma_wait3A_237 = tpu.memref_squeeze %dma_wait3A_236 : memref<1x128x128xf32, #tpu.memory_space<vmem>> -> memref<128x128xf32, #tpu.memory_space<vmem>>
      %dma_wait3A_238 = arith.constant 0 : i32
      %dma_wait3A_239 = tpu.memref_slice %arg6[%rem3A_234, %dma_wait3A_238] : memref<2x128xi32, #tpu.memory_space<vmem>> -> memref<1x128xi32, #tpu.memory_space<vmem>>
      %dma_wait3A_240 = tpu.memref_squeeze %dma_wait3A_239 : memref<1x128xi32, #tpu.memory_space<vmem>> -> memref<128xi32, #tpu.memory_space<vmem>>
      %dma_wait3A_241 = arith.constant 0 : i32
      %dma_wait3A_242 = arith.constant 0 : i32
      %dma_wait3A_243 = tpu.memref_slice %arg2[%dma_wait3A_241, %dma_wait3A_242] : memref<10000x128xf32, #tpu.memory_space<hbm>> -> memref<10000x128xf32, #tpu.memory_space<hbm>>
      tpu.wait_indirect_dma semaphore(%arg10 : memref<!tpu.dma_semaphore, #tpu.memory_space<semaphore_mem>>) src(%dma_wait3A_243 : memref<10000x128xf32, #tpu.memory_space<hbm>>) dst(%dma_wait3A_237 : memref<128x128xf32, #tpu.memory_space<vmem>>)
      %lt3A = arith.constant 78 : i32
      %lt3A_244 = arith.cmpi slt, %add3A_233, %lt3A : i32
      %convert_element_type3A = arith.extui %lt3A_244 : i1 to i32
      %cond3A = arith.constant 0 : i32
      %cond3A_245 = arith.cmpi ne, %convert_element_type3A, %cond3A : i32
      scf.if %cond3A_245 {
        %add3A_246 = arith.constant 1 : i32
        %add3A_247 = arith.addi %add3A_233, %add3A_246 : i32
        %sub3A = arith.constant 1 : i32
        %sub3A_248 = arith.subi %sub3A, %rem3A_234 : i32
        %get3A_249 = arith.index_cast %add3A_247 : i32 to index
        %get3A_250 = arith.constant 0 : index
        %get3A_251 = tpu.vector_load %arg5[%get3A_249, %get3A_250] {strides = array<i32>} : memref<79x128xi32, #tpu.memory_space<vmem>>, vector<1x16xi32>,
        %get3A_252 = vector.shape_cast %get3A_251 : vector<1x16xi32> to vector<16xi32>
        %shift_right_arithmetic3A_253 = arith.constant 14 : i32
        %shift_right_arithmetic3A_254 = vector.broadcast %shift_right_arithmetic3A_253 : i32 to vector<16xi32>
        %shift_right_arithmetic3A_255 = arith.shrsi %get3A_252, %shift_right_arithmetic3A_254 : vector<16xi32>
        %swap3A_256 = arith.index_cast %sub3A_248 : i32 to index
        %swap3A_257 = arith.constant 0 : index
        %swap3A_258 = tpu.vector_load %arg7[%swap3A_256, %swap3A_257] {strides = array<i32>} : memref<2x128xi32, #tpu.memory_space<vmem>>, vector<1x16xi32>,
        %swap3A_259 = vector.shape_cast %swap3A_258 : vector<1x16xi32> to vector<16xi32>
        %swap3A_260 = vector.shape_cast %shift_right_arithmetic3A_255 : vector<16xi32> to vector<1x16xi32>
        tpu.vector_store %arg7[%swap3A_256, %swap3A_257], %swap3A_260 {strides = array<i32>} : memref<2x128xi32, #tpu.memory_space<vmem>>, vector<1x16xi32>,
        %and3A_261 = arith.constant 16383 : i32
        %and3A_262 = vector.broadcast %and3A_261 : i32 to vector<16xi32>
        %and3A_263 = arith.andi %get3A_252, %and3A_262 : vector<16xi32>
        %swap3A_264 = arith.index_cast %sub3A_248 : i32 to index
        %swap3A_265 = arith.constant 0 : index
        %swap3A_266 = tpu.vector_load %arg6[%swap3A_264, %swap3A_265] {strides = array<i32>} : memref<2x128xi32, #tpu.memory_space<vmem>>, vector<1x16xi32>,
        %swap3A_267 = vector.shape_cast %swap3A_266 : vector<1x16xi32> to vector<16xi32>
        %swap3A_268 = vector.shape_cast %and3A_263 : vector<16xi32> to vector<1x16xi32>
        tpu.vector_store %arg6[%swap3A_264, %swap3A_265], %swap3A_268 {strides = array<i32>} : memref<2x128xi32, #tpu.memory_space<vmem>>, vector<1x16xi32>,
        %get3A_269 = arith.index_cast %add3A_247 : i32 to index
        %get3A_270 = arith.constant 16 : index
        %get3A_271 = tpu.vector_load %arg5[%get3A_269, %get3A_270] {strides = array<i32>} : memref<79x128xi32, #tpu.memory_space<vmem>>, vector<1x16xi32>,
        %get3A_272 = vector.shape_cast %get3A_271 : vector<1x16xi32> to vector<16xi32>
        %shift_right_arithmetic3A_273 = arith.constant 14 : i32
        %shift_right_arithmetic3A_274 = vector.broadcast %shift_right_arithmetic3A_273 : i32 to vector<16xi32>
        %shift_right_arithmetic3A_275 = arith.shrsi %get3A_272, %shift_right_arithmetic3A_274 : vector<16xi32>
        %swap3A_276 = arith.index_cast %sub3A_248 : i32 to index
        %swap3A_277 = arith.constant 16 : index
        %swap3A_278 = tpu.vector_load %arg7[%swap3A_276, %swap3A_277] {strides = array<i32>} : memref<2x128xi32, #tpu.memory_space<vmem>>, vector<1x16xi32>,
        %swap3A_279 = vector.shape_cast %swap3A_278 : vector<1x16xi32> to vector<16xi32>
        %swap3A_280 = vector.shape_cast %shift_right_arithmetic3A_275 : vector<16xi32> to vector<1x16xi32>
        tpu.vector_store %arg7[%swap3A_276, %swap3A_277], %swap3A_280 {strides = array<i32>} : memref<2x128xi32, #tpu.memory_space<vmem>>, vector<1x16xi32>,
        %and3A_281 = arith.constant 16383 : i32
        %and3A_282 = vector.broadcast %and3A_281 : i32 to vector<16xi32>
        %and3A_283 = arith.andi %get3A_272, %and3A_282 : vector<16xi32>
        %swap3A_284 = arith.index_cast %sub3A_248 : i32 to index
        %swap3A_285 = arith.constant 16 : index
        %swap3A_286 = tpu.vector_load %arg6[%swap3A_284, %swap3A_285] {strides = array<i32>} : memref<2x128xi32, #tpu.memory_space<vmem>>, vector<1x16xi32>,
        %swap3A_287 = vector.shape_cast %swap3A_286 : vector<1x16xi32> to vector<16xi32>
        %swap3A_288 = vector.shape_cast %and3A_283 : vector<16xi32> to vector<1x16xi32>
        tpu.vector_store %arg6[%swap3A_284, %swap3A_285], %swap3A_288 {strides = array<i32>} : memref<2x128xi32, #tpu.memory_space<vmem>>, vector<1x16xi32>,
        %get3A_289 = arith.index_cast %add3A_247 : i32 to index
        %get3A_290 = arith.constant 32 : index
        %get3A_291 = tpu.vector_load %arg5[%get3A_289, %get3A_290] {strides = array<i32>} : memref<79x128xi32, #tpu.memory_space<vmem>>, vector<1x16xi32>,
        %get3A_292 = vector.shape_cast %get3A_291 : vector<1x16xi32> to vector<16xi32>
        %shift_right_arithmetic3A_293 = arith.constant 14 : i32
        %shift_right_arithmetic3A_294 = vector.broadcast %shift_right_arithmetic3A_293 : i32 to vector<16xi32>
        %shift_right_arithmetic3A_295 = arith.shrsi %get3A_292, %shift_right_arithmetic3A_294 : vector<16xi32>
        %swap3A_296 = arith.index_cast %sub3A_248 : i32 to index
        %swap3A_297 = arith.constant 32 : index
        %swap3A_298 = tpu.vector_load %arg7[%swap3A_296, %swap3A_297] {strides = array<i32>} : memref<2x128xi32, #tpu.memory_space<vmem>>, vector<1x16xi32>,
        %swap3A_299 = vector.shape_cast %swap3A_298 : vector<1x16xi32> to vector<16xi32>
        %swap3A_300 = vector.shape_cast %shift_right_arithmetic3A_295 : vector<16xi32> to vector<1x16xi32>
        tpu.vector_store %arg7[%swap3A_296, %swap3A_297], %swap3A_300 {strides = array<i32>} : memref<2x128xi32, #tpu.memory_space<vmem>>, vector<1x16xi32>,
        %and3A_301 = arith.constant 16383 : i32
        %and3A_302 = vector.broadcast %and3A_301 : i32 to vector<16xi32>
        %and3A_303 = arith.andi %get3A_292, %and3A_302 : vector<16xi32>
        %swap3A_304 = arith.index_cast %sub3A_248 : i32 to index
        %swap3A_305 = arith.constant 32 : index
        %swap3A_306 = tpu.vector_load %arg6[%swap3A_304, %swap3A_305] {strides = array<i32>} : memref<2x128xi32, #tpu.memory_space<vmem>>, vector<1x16xi32>,
        %swap3A_307 = vector.shape_cast %swap3A_306 : vector<1x16xi32> to vector<16xi32>
        %swap3A_308 = vector.shape_cast %and3A_303 : vector<16xi32> to vector<1x16xi32>
        tpu.vector_store %arg6[%swap3A_304, %swap3A_305], %swap3A_308 {strides = array<i32>} : memref<2x128xi32, #tpu.memory_space<vmem>>, vector<1x16xi32>,
        %get3A_309 = arith.index_cast %add3A_247 : i32 to index
        %get3A_310 = arith.constant 48 : index
        %get3A_311 = tpu.vector_load %arg5[%get3A_309, %get3A_310] {strides = array<i32>} : memref<79x128xi32, #tpu.memory_space<vmem>>, vector<1x16xi32>,
        %get3A_312 = vector.shape_cast %get3A_311 : vector<1x16xi32> to vector<16xi32>
        %shift_right_arithmetic3A_313 = arith.constant 14 : i32
        %shift_right_arithmetic3A_314 = vector.broadcast %shift_right_arithmetic3A_313 : i32 to vector<16xi32>
        %shift_right_arithmetic3A_315 = arith.shrsi %get3A_312, %shift_right_arithmetic3A_314 : vector<16xi32>
        %swap3A_316 = arith.index_cast %sub3A_248 : i32 to index
        %swap3A_317 = arith.constant 48 : index
        %swap3A_318 = tpu.vector_load %arg7[%swap3A_316, %swap3A_317] {strides = array<i32>} : memref<2x128xi32, #tpu.memory_space<vmem>>, vector<1x16xi32>,
        %swap3A_319 = vector.shape_cast %swap3A_318 : vector<1x16xi32> to vector<16xi32>
        %swap3A_320 = vector.shape_cast %shift_right_arithmetic3A_315 : vector<16xi32> to vector<1x16xi32>
        tpu.vector_store %arg7[%swap3A_316, %swap3A_317], %swap3A_320 {strides = array<i32>} : memref<2x128xi32, #tpu.memory_space<vmem>>, vector<1x16xi32>,
        %and3A_321 = arith.constant 16383 : i32
        %and3A_322 = vector.broadcast %and3A_321 : i32 to vector<16xi32>
        %and3A_323 = arith.andi %get3A_312, %and3A_322 : vector<16xi32>
        %swap3A_324 = arith.index_cast %sub3A_248 : i32 to index
        %swap3A_325 = arith.constant 48 : index
        %swap3A_326 = tpu.vector_load %arg6[%swap3A_324, %swap3A_325] {strides = array<i32>} : memref<2x128xi32, #tpu.memory_space<vmem>>, vector<1x16xi32>,
        %swap3A_327 = vector.shape_cast %swap3A_326 : vector<1x16xi32> to vector<16xi32>
        %swap3A_328 = vector.shape_cast %and3A_323 : vector<16xi32> to vector<1x16xi32>
        tpu.vector_store %arg6[%swap3A_324, %swap3A_325], %swap3A_328 {strides = array<i32>} : memref<2x128xi32, #tpu.memory_space<vmem>>, vector<1x16xi32>,
        %get3A_329 = arith.index_cast %add3A_247 : i32 to index
        %get3A_330 = arith.constant 64 : index
        %get3A_331 = tpu.vector_load %arg5[%get3A_329, %get3A_330] {strides = array<i32>} : memref<79x128xi32, #tpu.memory_space<vmem>>, vector<1x16xi32>,
        %get3A_332 = vector.shape_cast %get3A_331 : vector<1x16xi32> to vector<16xi32>
        %shift_right_arithmetic3A_333 = arith.constant 14 : i32
        %shift_right_arithmetic3A_334 = vector.broadcast %shift_right_arithmetic3A_333 : i32 to vector<16xi32>
        %shift_right_arithmetic3A_335 = arith.shrsi %get3A_332, %shift_right_arithmetic3A_334 : vector<16xi32>
        %swap3A_336 = arith.index_cast %sub3A_248 : i32 to index
        %swap3A_337 = arith.constant 64 : index
        %swap3A_338 = tpu.vector_load %arg7[%swap3A_336, %swap3A_337] {strides = array<i32>} : memref<2x128xi32, #tpu.memory_space<vmem>>, vector<1x16xi32>,
        %swap3A_339 = vector.shape_cast %swap3A_338 : vector<1x16xi32> to vector<16xi32>
        %swap3A_340 = vector.shape_cast %shift_right_arithmetic3A_335 : vector<16xi32> to vector<1x16xi32>
        tpu.vector_store %arg7[%swap3A_336, %swap3A_337], %swap3A_340 {strides = array<i32>} : memref<2x128xi32, #tpu.memory_space<vmem>>, vector<1x16xi32>,
        %and3A_341 = arith.constant 16383 : i32
        %and3A_342 = vector.broadcast %and3A_341 : i32 to vector<16xi32>
        %and3A_343 = arith.andi %get3A_332, %and3A_342 : vector<16xi32>
        %swap3A_344 = arith.index_cast %sub3A_248 : i32 to index
        %swap3A_345 = arith.constant 64 : index
        %swap3A_346 = tpu.vector_load %arg6[%swap3A_344, %swap3A_345] {strides = array<i32>} : memref<2x128xi32, #tpu.memory_space<vmem>>, vector<1x16xi32>,
        %swap3A_347 = vector.shape_cast %swap3A_346 : vector<1x16xi32> to vector<16xi32>
        %swap3A_348 = vector.shape_cast %and3A_343 : vector<16xi32> to vector<1x16xi32>
        tpu.vector_store %arg6[%swap3A_344, %swap3A_345], %swap3A_348 {strides = array<i32>} : memref<2x128xi32, #tpu.memory_space<vmem>>, vector<1x16xi32>,
        %get3A_349 = arith.index_cast %add3A_247 : i32 to index
        %get3A_350 = arith.constant 80 : index
        %get3A_351 = tpu.vector_load %arg5[%get3A_349, %get3A_350] {strides = array<i32>} : memref<79x128xi32, #tpu.memory_space<vmem>>, vector<1x16xi32>,
        %get3A_352 = vector.shape_cast %get3A_351 : vector<1x16xi32> to vector<16xi32>
        %shift_right_arithmetic3A_353 = arith.constant 14 : i32
        %shift_right_arithmetic3A_354 = vector.broadcast %shift_right_arithmetic3A_353 : i32 to vector<16xi32>
        %shift_right_arithmetic3A_355 = arith.shrsi %get3A_352, %shift_right_arithmetic3A_354 : vector<16xi32>
        %swap3A_356 = arith.index_cast %sub3A_248 : i32 to index
        %swap3A_357 = arith.constant 80 : index
        %swap3A_358 = tpu.vector_load %arg7[%swap3A_356, %swap3A_357] {strides = array<i32>} : memref<2x128xi32, #tpu.memory_space<vmem>>, vector<1x16xi32>,
        %swap3A_359 = vector.shape_cast %swap3A_358 : vector<1x16xi32> to vector<16xi32>
        %swap3A_360 = vector.shape_cast %shift_right_arithmetic3A_355 : vector<16xi32> to vector<1x16xi32>
        tpu.vector_store %arg7[%swap3A_356, %swap3A_357], %swap3A_360 {strides = array<i32>} : memref<2x128xi32, #tpu.memory_space<vmem>>, vector<1x16xi32>,
        %and3A_361 = arith.constant 16383 : i32
        %and3A_362 = vector.broadcast %and3A_361 : i32 to vector<16xi32>
        %and3A_363 = arith.andi %get3A_352, %and3A_362 : vector<16xi32>
        %swap3A_364 = arith.index_cast %sub3A_248 : i32 to index
        %swap3A_365 = arith.constant 80 : index
        %swap3A_366 = tpu.vector_load %arg6[%swap3A_364, %swap3A_365] {strides = array<i32>} : memref<2x128xi32, #tpu.memory_space<vmem>>, vector<1x16xi32>,
        %swap3A_367 = vector.shape_cast %swap3A_366 : vector<1x16xi32> to vector<16xi32>
        %swap3A_368 = vector.shape_cast %and3A_363 : vector<16xi32> to vector<1x16xi32>
        tpu.vector_store %arg6[%swap3A_364, %swap3A_365], %swap3A_368 {strides = array<i32>} : memref<2x128xi32, #tpu.memory_space<vmem>>, vector<1x16xi32>,
        %get3A_369 = arith.index_cast %add3A_247 : i32 to index
        %get3A_370 = arith.constant 96 : index
        %get3A_371 = tpu.vector_load %arg5[%get3A_369, %get3A_370] {strides = array<i32>} : memref<79x128xi32, #tpu.memory_space<vmem>>, vector<1x16xi32>,
        %get3A_372 = vector.shape_cast %get3A_371 : vector<1x16xi32> to vector<16xi32>
        %shift_right_arithmetic3A_373 = arith.constant 14 : i32
        %shift_right_arithmetic3A_374 = vector.broadcast %shift_right_arithmetic3A_373 : i32 to vector<16xi32>
        %shift_right_arithmetic3A_375 = arith.shrsi %get3A_372, %shift_right_arithmetic3A_374 : vector<16xi32>
        %swap3A_376 = arith.index_cast %sub3A_248 : i32 to index
        %swap3A_377 = arith.constant 96 : index
        %swap3A_378 = tpu.vector_load %arg7[%swap3A_376, %swap3A_377] {strides = array<i32>} : memref<2x128xi32, #tpu.memory_space<vmem>>, vector<1x16xi32>,
        %swap3A_379 = vector.shape_cast %swap3A_378 : vector<1x16xi32> to vector<16xi32>
        %swap3A_380 = vector.shape_cast %shift_right_arithmetic3A_375 : vector<16xi32> to vector<1x16xi32>
        tpu.vector_store %arg7[%swap3A_376, %swap3A_377], %swap3A_380 {strides = array<i32>} : memref<2x128xi32, #tpu.memory_space<vmem>>, vector<1x16xi32>,
        %and3A_381 = arith.constant 16383 : i32
        %and3A_382 = vector.broadcast %and3A_381 : i32 to vector<16xi32>
        %and3A_383 = arith.andi %get3A_372, %and3A_382 : vector<16xi32>
        %swap3A_384 = arith.index_cast %sub3A_248 : i32 to index
        %swap3A_385 = arith.constant 96 : index
        %swap3A_386 = tpu.vector_load %arg6[%swap3A_384, %swap3A_385] {strides = array<i32>} : memref<2x128xi32, #tpu.memory_space<vmem>>, vector<1x16xi32>,
        %swap3A_387 = vector.shape_cast %swap3A_386 : vector<1x16xi32> to vector<16xi32>
        %swap3A_388 = vector.shape_cast %and3A_383 : vector<16xi32> to vector<1x16xi32>
        tpu.vector_store %arg6[%swap3A_384, %swap3A_385], %swap3A_388 {strides = array<i32>} : memref<2x128xi32, #tpu.memory_space<vmem>>, vector<1x16xi32>,
        %get3A_389 = arith.index_cast %add3A_247 : i32 to index
        %get3A_390 = arith.constant 112 : index
        %get3A_391 = tpu.vector_load %arg5[%get3A_389, %get3A_390] {strides = array<i32>} : memref<79x128xi32, #tpu.memory_space<vmem>>, vector<1x16xi32>,
        %get3A_392 = vector.shape_cast %get3A_391 : vector<1x16xi32> to vector<16xi32>
        %shift_right_arithmetic3A_393 = arith.constant 14 : i32
        %shift_right_arithmetic3A_394 = vector.broadcast %shift_right_arithmetic3A_393 : i32 to vector<16xi32>
        %shift_right_arithmetic3A_395 = arith.shrsi %get3A_392, %shift_right_arithmetic3A_394 : vector<16xi32>
        %swap3A_396 = arith.index_cast %sub3A_248 : i32 to index
        %swap3A_397 = arith.constant 112 : index
        %swap3A_398 = tpu.vector_load %arg7[%swap3A_396, %swap3A_397] {strides = array<i32>} : memref<2x128xi32, #tpu.memory_space<vmem>>, vector<1x16xi32>,
        %swap3A_399 = vector.shape_cast %swap3A_398 : vector<1x16xi32> to vector<16xi32>
        %swap3A_400 = vector.shape_cast %shift_right_arithmetic3A_395 : vector<16xi32> to vector<1x16xi32>
        tpu.vector_store %arg7[%swap3A_396, %swap3A_397], %swap3A_400 {strides = array<i32>} : memref<2x128xi32, #tpu.memory_space<vmem>>, vector<1x16xi32>,
        %and3A_401 = arith.constant 16383 : i32
        %and3A_402 = vector.broadcast %and3A_401 : i32 to vector<16xi32>
        %and3A_403 = arith.andi %get3A_392, %and3A_402 : vector<16xi32>
        %swap3A_404 = arith.index_cast %sub3A_248 : i32 to index
        %swap3A_405 = arith.constant 112 : index
        %swap3A_406 = tpu.vector_load %arg6[%swap3A_404, %swap3A_405] {strides = array<i32>} : memref<2x128xi32, #tpu.memory_space<vmem>>, vector<1x16xi32>,
        %swap3A_407 = vector.shape_cast %swap3A_406 : vector<1x16xi32> to vector<16xi32>
        %swap3A_408 = vector.shape_cast %and3A_403 : vector<16xi32> to vector<1x16xi32>
        tpu.vector_store %arg6[%swap3A_404, %swap3A_405], %swap3A_408 {strides = array<i32>} : memref<2x128xi32, #tpu.memory_space<vmem>>, vector<1x16xi32>,
        %dma_start3A_409 = arith.constant 0 : i32
        %dma_start3A_410 = arith.constant 0 : i32
        %dma_start3A_411 = tpu.memref_slice %arg8[%sub3A_248, %dma_start3A_409, %dma_start3A_410] : memref<2x128x128xf32, #tpu.memory_space<vmem>> -> memref<1x128x128xf32, #tpu.memory_space<vmem>>
        %dma_start3A_412 = tpu.memref_squeeze %dma_start3A_411 : memref<1x128x128xf32, #tpu.memory_space<vmem>> -> memref<128x128xf32, #tpu.memory_space<vmem>>
        %dma_start3A_413 = arith.constant 0 : i32
        %dma_start3A_414 = tpu.memref_slice %arg6[%sub3A_248, %dma_start3A_413] : memref<2x128xi32, #tpu.memory_space<vmem>> -> memref<1x128xi32, #tpu.memory_space<vmem>>
        %dma_start3A_415 = tpu.memref_squeeze %dma_start3A_414 : memref<1x128xi32, #tpu.memory_space<vmem>> -> memref<128xi32, #tpu.memory_space<vmem>>
        %dma_start3A_416 = arith.constant 0 : i32
        %dma_start3A_417 = arith.constant 0 : i32
        %dma_start3A_418 = tpu.memref_slice %arg2[%dma_start3A_416, %dma_start3A_417] : memref<10000x128xf32, #tpu.memory_space<hbm>> -> memref<10000x128xf32, #tpu.memory_space<hbm>>
        tpu.enqueue_indirect_dma source(%dma_start3A_418 : memref<10000x128xf32, #tpu.memory_space<hbm>>) target(%dma_start3A_412 : memref<128x128xf32, #tpu.memory_space<vmem>>) offsets(%dma_start3A_415 : memref<128xi32, #tpu.memory_space<vmem>>) semaphore(%arg10 : memref<!tpu.dma_semaphore, #tpu.memory_space<semaphore_mem>>)
      } else {
      }
      "tpu.region"() ({
        %run_scoped3A_246 = tpu.sem_alloc : memref<!tpu.dma_semaphore, #tpu.memory_space<semaphore_mem>>
        %dma_start3A_247 = arith.constant 0 : i32
        %dma_start3A_248 = arith.constant 0 : i32
        %dma_start3A_249 = tpu.memref_slice %arg8[%rem3A_234, %dma_start3A_247, %dma_start3A_248] : memref<2x128x128xf32, #tpu.memory_space<vmem>> -> memref<1x128x128xf32, #tpu.memory_space<vmem>>
        %dma_start3A_250 = tpu.memref_squeeze %dma_start3A_249 : memref<1x128x128xf32, #tpu.memory_space<vmem>> -> memref<128x128xf32, #tpu.memory_space<vmem>>
        %dma_start3A_251 = arith.constant 0 : i32
        %dma_start3A_252 = tpu.memref_slice %arg7[%rem3A_234, %dma_start3A_251] : memref<2x128xi32, #tpu.memory_space<vmem>> -> memref<1x128xi32, #tpu.memory_space<vmem>>
        %dma_start3A_253 = tpu.memref_squeeze %dma_start3A_252 : memref<1x128xi32, #tpu.memory_space<vmem>> -> memref<128xi32, #tpu.memory_space<vmem>>
        %dma_start3A_254 = arith.constant 0 : i32
        %dma_start3A_255 = arith.constant 0 : i32
        %dma_start3A_256 = tpu.memref_slice %arg9[%dma_start3A_254, %dma_start3A_255] : memref<10112x128xf32, #tpu.memory_space<vmem_shared>> -> memref<10112x128xf32, #tpu.memory_space<vmem_shared>>
        tpu.enqueue_indirect_dma source(%dma_start3A_250 : memref<128x128xf32, #tpu.memory_space<vmem>>) target(%dma_start3A_256 : memref<10112x128xf32, #tpu.memory_space<vmem_shared>>) offsets(%dma_start3A_253 : memref<128xi32, #tpu.memory_space<vmem>>) semaphore(%run_scoped3A_246 : memref<!tpu.dma_semaphore, #tpu.memory_space<semaphore_mem>>) {add = true}
        %dma_wait3A_257 = arith.constant 0 : i32
        %dma_wait3A_258 = arith.constant 0 : i32
        %dma_wait3A_259 = tpu.memref_slice %arg8[%rem3A_234, %dma_wait3A_257, %dma_wait3A_258] : memref<2x128x128xf32, #tpu.memory_space<vmem>> -> memref<1x128x128xf32, #tpu.memory_space<vmem>>
        %dma_wait3A_260 = tpu.memref_squeeze %dma_wait3A_259 : memref<1x128x128xf32, #tpu.memory_space<vmem>> -> memref<128x128xf32, #tpu.memory_space<vmem>>
        %dma_wait3A_261 = arith.constant 0 : i32
        %dma_wait3A_262 = tpu.memref_slice %arg7[%rem3A_234, %dma_wait3A_261] : memref<2x128xi32, #tpu.memory_space<vmem>> -> memref<1x128xi32, #tpu.memory_space<vmem>>
        %dma_wait3A_263 = tpu.memref_squeeze %dma_wait3A_262 : memref<1x128xi32, #tpu.memory_space<vmem>> -> memref<128xi32, #tpu.memory_space<vmem>>
        %dma_wait3A_264 = arith.constant 0 : i32
        %dma_wait3A_265 = arith.constant 0 : i32
        %dma_wait3A_266 = tpu.memref_slice %arg9[%dma_wait3A_264, %dma_wait3A_265] : memref<10112x128xf32, #tpu.memory_space<vmem_shared>> -> memref<10112x128xf32, #tpu.memory_space<vmem_shared>>
        tpu.wait_indirect_dma semaphore(%run_scoped3A_246 : memref<!tpu.dma_semaphore, #tpu.memory_space<semaphore_mem>>) src(%dma_wait3A_260 : memref<128x128xf32, #tpu.memory_space<vmem>>) dst(%dma_wait3A_266 : memref<10112x128xf32, #tpu.memory_space<vmem_shared>>)
        tpu.yield
      }) : () -> ()
    }
    %scan3A_223 = arith.constant 79 : i32
    %barrier3A_224 = arith.constant 0 : index
    tpu.barrier barrier_id(%barrier3A_224)
    %mul3A_225 = arith.constant 632 : i32
    %mul3A_226 = arith.muli %arg1, %mul3A_225 : i32
    %mul3A_227 = arith.constant 632 : i32
    %mul3A_228 = arith.muli %arg1, %mul3A_227 : i32
    "tpu.region"() ({
      %run_scoped3A_229 = tpu.sem_alloc : memref<!tpu.dma_semaphore, #tpu.memory_space<semaphore_mem>>
      %dma_start3A_230 = arith.constant 0 : i32
      %dma_start3A_231 = tpu.memref_slice %arg4[%arg0, %mul3A_228, %dma_start3A_230] : memref<2x10112x128xf32, #tpu.memory_space<hbm>> -> memref<1x632x128xf32, #tpu.memory_space<hbm>>
      %dma_start3A_232 = tpu.memref_squeeze %dma_start3A_231 : memref<1x632x128xf32, #tpu.memory_space<hbm>> -> memref<632x128xf32, #tpu.memory_space<hbm>>
      %dma_start3A_233 = arith.constant 0 : i32
      %dma_start3A_234 = tpu.memref_slice %arg9[%mul3A_226, %dma_start3A_233] : memref<10112x128xf32, #tpu.memory_space<vmem_shared>> -> memref<632x128xf32, #tpu.memory_space<vmem_shared>>
      tpu.enqueue_dma source(%dma_start3A_234 : memref<632x128xf32, #tpu.memory_space<vmem_shared>>) target(%dma_start3A_232 : memref<632x128xf32, #tpu.memory_space<hbm>>) target_semaphore(%run_scoped3A_229 : memref<!tpu.dma_semaphore, #tpu.memory_space<semaphore_mem>>)
      %dma_wait3A = arith.constant 0 : i32
      %dma_wait3A_235 = tpu.memref_slice %arg4[%arg0, %mul3A_228, %dma_wait3A] : memref<2x10112x128xf32, #tpu.memory_space<hbm>> -> memref<1x632x128xf32, #tpu.memory_space<hbm>>
      %dma_wait3A_236 = tpu.memref_squeeze %dma_wait3A_235 : memref<1x632x128xf32, #tpu.memory_space<hbm>> -> memref<632x128xf32, #tpu.memory_space<hbm>>
      %dma_wait3A_237 = arith.constant 0 : i32
      %dma_wait3A_238 = tpu.memref_slice %arg9[%mul3A_226, %dma_wait3A_237] : memref<10112x128xf32, #tpu.memory_space<vmem_shared>> -> memref<632x128xf32, #tpu.memory_space<vmem_shared>>
      tpu.wait_dma2 semaphore(%run_scoped3A_229 : memref<!tpu.dma_semaphore, #tpu.memory_space<semaphore_mem>>) src(%dma_wait3A_238 : memref<632x128xf32, #tpu.memory_space<vmem_shared>>) dst(%dma_wait3A_236 : memref<632x128xf32, #tpu.memory_space<hbm>>)
      tpu.yield
    }) : () -> ()
    return
  }
}

module attributes {stable_mosaic.version = 14 : i64} {
  func.func @body(%arg0: i32, %arg1: memref<1000x128xf32, #tpu.memory_space<vmem>>, %arg2: memref<128x128xf32, #tpu.memory_space<vmem>>, %arg3: memref<1000x128xf32, #tpu.memory_space<vmem>>) attributes {dimension_semantics = [#tpu.dimension_semantics<arbitrary>], iteration_bounds = array<i64: 10>, scalar_prefetch = 0 : i64, scratch_operands = 0 : i64, tpu.core_type = #tpu.core_type<tc>, window_params = [{transform_indices = @transform_0, window_bounds = array<i64: 1000, 128>}, {pipeline_mode = #tpu.pipeline_mode<synchronous>, transform_indices = @transform_1, window_bounds = array<i64: 128, 128>}, {transform_indices = @transform_2, window_bounds = array<i64: 1000, 128>}]} {
    %get3A = arith.constant 0 : index
    %get3A_0 = arith.constant 0 : index
    %get3A_1 = vector.load %arg1[%get3A, %get3A_0] : memref<1000x128xf32, #tpu.memory_space<vmem>>, vector<1000x128xf32>
    %get3A_2 = arith.constant 0 : index
    %get3A_3 = arith.constant 0 : index
    %get3A_4 = vector.load %arg2[%get3A_2, %get3A_3] : memref<128x128xf32, #tpu.memory_space<vmem>>, vector<128x128xf32>
    %dot_general3A = arith.constant dense<0.000000e+00> : vector<1000x128xf32>
    %dot_general3A_5 = tpu.matmul %get3A_1, %get3A_4, %dot_general3A {dimension_numbers = #tpu.dot_dimension_numbers<[1], [0], [0], [1], [0, 0, 1, 1], [], []>, transpose_lhs_hint = false} : vector<1000x128xf32>, vector<128x128xf32>, vector<1000x128xf32> -> vector<1000x128xf32>
    %swap3A = arith.constant 0 : index
    %swap3A_6 = arith.constant 0 : index
    %swap3A_7 = vector.load %arg3[%swap3A, %swap3A_6] : memref<1000x128xf32, #tpu.memory_space<vmem>>, vector<1000x128xf32>
    tpu.vector_store %arg3[%swap3A, %swap3A_6], %dot_general3A_5 {strides = array<i32>} : memref<1000x128xf32, #tpu.memory_space<vmem>>, vector<1000x128xf32>,
    return
  }
  func.func @transform_0(%arg0: i32) -> (i32, i32) {
    %c0_i32 = arith.constant 0 : i32
    %c0_i32_0 = arith.constant 0 : i32
    return %arg0, %c0_i32 : i32, i32
  }
  func.func @transform_1(%arg0: i32) -> (i32, i32) {
    %c0_i32 = arith.constant 0 : i32
    %c0_i32_0 = arith.constant 0 : i32
    %c0_i32_1 = arith.constant 0 : i32
    return %c0_i32, %c0_i32_0 : i32, i32
  }
  func.func @transform_2(%arg0: i32) -> (i32, i32) {
    %c0_i32 = arith.constant 0 : i32
    %c0_i32_0 = arith.constant 0 : i32
    return %arg0, %c0_i32 : i32, i32
  }
}

module attributes {stable_mosaic.version = 14 : i64} {
  func.func @body(%arg0: i32, %arg1: memref<1x128x128xf32, #tpu.memory_space<vmem>>, %arg2: memref<1x128x128xf32, #tpu.memory_space<vmem>>, %arg3: memref<128x1xf32, #tpu.memory_space<vmem>>) attributes {dimension_semantics = [#tpu.dimension_semantics<arbitrary>], iteration_bounds = array<i64: 79>, scalar_prefetch = 0 : i64, scratch_operands = 0 : i64, tpu.core_type = #tpu.core_type<tc>, window_params = [{transform_indices = @transform_0, window_bounds = array<i64: 1, 128, 128>}, {transform_indices = @transform_1, window_bounds = array<i64: 1, 128, 128>}, {transform_indices = @transform_2, window_bounds = array<i64: 128, 1>}]} {
    %get3A = arith.constant 0 : index
    %get3A_0 = arith.constant 0 : index
    %get3A_1 = arith.constant 0 : index
    %get3A_2 = vector.load %arg1[%get3A, %get3A_0, %get3A_1] : memref<1x128x128xf32, #tpu.memory_space<vmem>>, vector<1x128x1xf32>
    %get3A_3 = vector.shape_cast %get3A_2 : vector<1x128x1xf32> to vector<128x1xf32>
    %get3A_4 = arith.constant 0 : index
    %get3A_5 = arith.constant 0 : index
    %get3A_6 = arith.constant 0 : index
    %get3A_7 = vector.load %arg2[%get3A_4, %get3A_5, %get3A_6] : memref<1x128x128xf32, #tpu.memory_space<vmem>>, vector<1x128x1xf32>
    %get3A_8 = vector.shape_cast %get3A_7 : vector<1x128x1xf32> to vector<128x1xf32>
    %add3A = arith.addf %get3A_3, %get3A_8 : vector<128x1xf32>
    %max3A = arith.constant 1.000000e+00 : f32
    %max3A_9 = vector.broadcast %max3A : f32 to vector<128x1xf32>
    %max3A_10 = arith.maximumf %add3A, %max3A_9 : vector<128x1xf32>
    %div3A = arith.constant 1.000000e+00 : f32
    %div3A_11 = vector.broadcast %div3A : f32 to vector<128x1xf32>
    %div3A_12 = arith.divf %div3A_11, %max3A_10 : vector<128x1xf32>
    %swap3A = arith.constant 0 : index
    %swap3A_13 = arith.constant 0 : index
    %swap3A_14 = vector.load %arg3[%swap3A, %swap3A_13] : memref<128x1xf32, #tpu.memory_space<vmem>>, vector<128x1xf32>
    tpu.vector_store %arg3[%swap3A, %swap3A_13], %div3A_12 {strides = array<i32>} : memref<128x1xf32, #tpu.memory_space<vmem>>, vector<128x1xf32>,
    return
  }
  func.func @transform_0(%arg0: i32) -> (i32, i32, i32) {
    %c0_i32 = arith.constant 0 : i32
    %c0_i32_0 = arith.constant 0 : i32
    %c0_i32_1 = arith.constant 0 : i32
    return %c0_i32, %arg0, %c0_i32_0 : i32, i32, i32
  }
  func.func @transform_1(%arg0: i32) -> (i32, i32, i32) {
    %c1_i32 = arith.constant 1 : i32
    %c0_i32 = arith.constant 0 : i32
    %c0_i32_0 = arith.constant 0 : i32
    return %c1_i32, %arg0, %c0_i32 : i32, i32, i32
  }
  func.func @transform_2(%arg0: i32) -> (i32, i32) {
    %c0_i32 = arith.constant 0 : i32
    %c0_i32_0 = arith.constant 0 : i32
    return %arg0, %c0_i32 : i32, i32
  }
}

module attributes {stable_mosaic.version = 14 : i64} {
  func.func @body(%arg0: i32, %arg1: memref<1x1000x128xf32, #tpu.memory_space<vmem>>, %arg2: memref<1x1000x128xf32, #tpu.memory_space<vmem>>, %arg3: memref<1000x1xf32, #tpu.memory_space<vmem>>, %arg4: memref<1000x128xf32, #tpu.memory_space<vmem>>, %arg5: memref<128x128xf32, #tpu.memory_space<vmem>>, %arg6: memref<1x128xf32, #tpu.memory_space<vmem>>, %arg7: memref<1000x128xf32, #tpu.memory_space<vmem>>) attributes {dimension_semantics = [#tpu.dimension_semantics<arbitrary>], iteration_bounds = array<i64: 10>, scalar_prefetch = 0 : i64, scratch_operands = 0 : i64, tpu.core_type = #tpu.core_type<tc>, window_params = [{transform_indices = @transform_0, window_bounds = array<i64: 1, 1000, 128>}, {transform_indices = @transform_1, window_bounds = array<i64: 1, 1000, 128>}, {transform_indices = @transform_2, window_bounds = array<i64: 1000, 1>}, {transform_indices = @transform_3, window_bounds = array<i64: 1000, 128>}, {pipeline_mode = #tpu.pipeline_mode<synchronous>, transform_indices = @transform_4, window_bounds = array<i64: 128, 128>}, {pipeline_mode = #tpu.pipeline_mode<synchronous>, transform_indices = @transform_5, window_bounds = array<i64: 1, 128>}, {transform_indices = @transform_6, window_bounds = array<i64: 1000, 128>}]} {
    %get3A = arith.constant 0 : index
    %get3A_0 = arith.constant 0 : index
    %get3A_1 = arith.constant 0 : index
    %get3A_2 = vector.load %arg1[%get3A, %get3A_0, %get3A_1] : memref<1x1000x128xf32, #tpu.memory_space<vmem>>, vector<1x1000x128xf32>
    %get3A_3 = vector.shape_cast %get3A_2 : vector<1x1000x128xf32> to vector<1000x128xf32>
    %get3A_4 = arith.constant 0 : index
    %get3A_5 = arith.constant 0 : index
    %get3A_6 = arith.constant 0 : index
    %get3A_7 = vector.load %arg2[%get3A_4, %get3A_5, %get3A_6] : memref<1x1000x128xf32, #tpu.memory_space<vmem>>, vector<1x1000x128xf32>
    %get3A_8 = vector.shape_cast %get3A_7 : vector<1x1000x128xf32> to vector<1000x128xf32>
    %add3A = arith.addf %get3A_3, %get3A_8 : vector<1000x128xf32>
    %get3A_9 = arith.constant 0 : index
    %get3A_10 = arith.constant 0 : index
    %get3A_11 = vector.load %arg3[%get3A_9, %get3A_10] : memref<1000x1xf32, #tpu.memory_space<vmem>>, vector<1000x1xf32>
    %mul3A = vector.broadcast %get3A_11 : vector<1000x1xf32> to vector<1000x128xf32>
    %mul3A_12 = arith.mulf %mul3A, %add3A : vector<1000x128xf32>
    %get3A_13 = arith.constant 0 : index
    %get3A_14 = arith.constant 0 : index
    %get3A_15 = vector.load %arg6[%get3A_13, %get3A_14] : memref<1x128xf32, #tpu.memory_space<vmem>>, vector<1x128xf32>
    %add3A_16 = vector.broadcast %get3A_15 : vector<1x128xf32> to vector<1000x128xf32>
    %add3A_17 = arith.addf %mul3A_12, %add3A_16 : vector<1000x128xf32>
    %get3A_18 = arith.constant 0 : index
    %get3A_19 = arith.constant 0 : index
    %get3A_20 = vector.load %arg4[%get3A_18, %get3A_19] : memref<1000x128xf32, #tpu.memory_space<vmem>>, vector<1000x128xf32>
    %get3A_21 = arith.constant 0 : index
    %get3A_22 = arith.constant 0 : index
    %get3A_23 = vector.load %arg5[%get3A_21, %get3A_22] : memref<128x128xf32, #tpu.memory_space<vmem>>, vector<128x128xf32>
    %dot_general3A = arith.constant dense<0.000000e+00> : vector<1000x128xf32>
    %dot_general3A_24 = tpu.matmul %get3A_20, %get3A_23, %dot_general3A {dimension_numbers = #tpu.dot_dimension_numbers<[1], [0], [0], [1], [0, 0, 1, 1], [], []>, transpose_lhs_hint = false} : vector<1000x128xf32>, vector<128x128xf32>, vector<1000x128xf32> -> vector<1000x128xf32>
    %add3A_25 = arith.addf %add3A_17, %dot_general3A_24 : vector<1000x128xf32>
    %swap3A = arith.constant 0 : index
    %swap3A_26 = arith.constant 0 : index
    %swap3A_27 = vector.load %arg7[%swap3A, %swap3A_26] : memref<1000x128xf32, #tpu.memory_space<vmem>>, vector<1000x128xf32>
    tpu.vector_store %arg7[%swap3A, %swap3A_26], %add3A_25 {strides = array<i32>} : memref<1000x128xf32, #tpu.memory_space<vmem>>, vector<1000x128xf32>,
    return
  }
  func.func @transform_0(%arg0: i32) -> (i32, i32, i32) {
    %c0_i32 = arith.constant 0 : i32
    %c0_i32_0 = arith.constant 0 : i32
    %c0_i32_1 = arith.constant 0 : i32
    return %c0_i32, %arg0, %c0_i32_0 : i32, i32, i32
  }
  func.func @transform_1(%arg0: i32) -> (i32, i32, i32) {
    %c1_i32 = arith.constant 1 : i32
    %c0_i32 = arith.constant 0 : i32
    %c0_i32_0 = arith.constant 0 : i32
    return %c1_i32, %arg0, %c0_i32 : i32, i32, i32
  }
  func.func @transform_2(%arg0: i32) -> (i32, i32) {
    %c0_i32 = arith.constant 0 : i32
    %c0_i32_0 = arith.constant 0 : i32
    return %arg0, %c0_i32 : i32, i32
  }
  func.func @transform_3(%arg0: i32) -> (i32, i32) {
    %c0_i32 = arith.constant 0 : i32
    %c0_i32_0 = arith.constant 0 : i32
    return %arg0, %c0_i32 : i32, i32
  }
  func.func @transform_4(%arg0: i32) -> (i32, i32) {
    %c0_i32 = arith.constant 0 : i32
    %c0_i32_0 = arith.constant 0 : i32
    %c0_i32_1 = arith.constant 0 : i32
    return %c0_i32, %c0_i32_0 : i32, i32
  }
  func.func @transform_5(%arg0: i32) -> (i32, i32) {
    %c0_i32 = arith.constant 0 : i32
    %c0_i32_0 = arith.constant 0 : i32
    %c0_i32_1 = arith.constant 0 : i32
    return %c0_i32, %c0_i32_0 : i32, i32
  }
  func.func @transform_6(%arg0: i32) -> (i32, i32) {
    %c0_i32 = arith.constant 0 : i32
    %c0_i32_0 = arith.constant 0 : i32
    return %arg0, %c0_i32 : i32, i32
  }
}

module attributes {stable_mosaic.version = 14 : i64} {
  func.func @body(%arg0: i32, %arg1: memref<1x1x1000xi32, #tpu.memory_space<vmem>>, %arg2: memref<1000x128xf32, #tpu.memory_space<vmem>>, %arg3: memref<1000x128xf32, #tpu.memory_space<vmem>>, %arg4: memref<1000x128xf32, #tpu.memory_space<vmem>>, %arg5: memref<64x384xf32, #tpu.memory_space<vmem>>, %arg6: memref<64x1xf32, #tpu.memory_space<vmem>>) attributes {dimension_semantics = [#tpu.dimension_semantics<arbitrary>], iteration_bounds = array<i64: 10>, scalar_prefetch = 0 : i64, scratch_operands = 0 : i64, tpu.core_type = #tpu.core_type<tc>, window_params = [{transform_indices = @transform_0, window_bounds = array<i64: 1, 1, 1000>}, {transform_indices = @transform_1, window_bounds = array<i64: 1000, 128>}, {transform_indices = @transform_2, window_bounds = array<i64: 1000, 128>}, {transform_indices = @transform_3, window_bounds = array<i64: 1000, 128>}, {pipeline_mode = #tpu.pipeline_mode<synchronous>, transform_indices = @transform_4, window_bounds = array<i64: 64, 384>}, {pipeline_mode = #tpu.pipeline_mode<synchronous>, transform_indices = @transform_5, window_bounds = array<i64: 64, 1>}]} {
    %eq3A = arith.constant 0 : i32
    %eq3A_0 = arith.cmpi eq, %arg0, %eq3A : i32
    %convert_element_type3A = arith.extui %eq3A_0 : i1 to i32
    %cond3A = arith.constant 0 : i32
    %cond3A_1 = arith.cmpi ne, %convert_element_type3A, %cond3A : i32
    scf.if %cond3A_1 {
      %broadcast_in_dim3A_33 = arith.constant 0.000000e+00 : f32
      %broadcast_in_dim3A_34 = vector.broadcast %broadcast_in_dim3A_33 : f32 to vector<64x384xf32>
      %swap3A_35 = arith.constant 0 : index
      %swap3A_36 = arith.constant 0 : index
      %swap3A_37 = vector.load %arg5[%swap3A_35, %swap3A_36] : memref<64x384xf32, #tpu.memory_space<vmem>>, vector<64x384xf32>
      tpu.vector_store %arg5[%swap3A_35, %swap3A_36], %broadcast_in_dim3A_34 {strides = array<i32>} : memref<64x384xf32, #tpu.memory_space<vmem>>, vector<64x384xf32>,
      %broadcast_in_dim3A_38 = arith.constant 0.000000e+00 : f32
      %broadcast_in_dim3A_39 = vector.broadcast %broadcast_in_dim3A_38 : f32 to vector<64x1xf32>
      %swap3A_40 = arith.constant 0 : index
      %swap3A_41 = arith.constant 0 : index
      %swap3A_42 = vector.load %arg6[%swap3A_40, %swap3A_41] : memref<64x1xf32, #tpu.memory_space<vmem>>, vector<64x1xf32>
      tpu.vector_store %arg6[%swap3A_40, %swap3A_41], %broadcast_in_dim3A_39 {strides = array<i32>} : memref<64x1xf32, #tpu.memory_space<vmem>>, vector<64x1xf32>,
    } else {
    }
    %get3A = arith.constant 0 : index
    %get3A_2 = arith.constant 0 : index
    %get3A_3 = arith.constant 0 : index
    %get3A_4 = vector.load %arg1[%get3A, %get3A_2, %get3A_3] : memref<1x1x1000xi32, #tpu.memory_space<vmem>>, vector<1x1x1000xi32>
    %get3A_5 = vector.shape_cast %get3A_4 : vector<1x1x1000xi32> to vector<1x1000xi32>
    %iota3A = tpu.iota {dimensions = array<i32: 0>} : vector<64x1000xi32>
    %eq3A_6 = vector.broadcast %get3A_5 : vector<1x1000xi32> to vector<64x1000xi32>
    %eq3A_7 = arith.cmpi eq, %iota3A, %eq3A_6 : vector<64x1000xi32>
    %convert_element_type3A_8 = arith.extui %eq3A_7 : vector<64x1000xi1> to vector<64x1000xi32>
    %convert_element_type3A_9 = arith.sitofp %convert_element_type3A_8 : vector<64x1000xi32> to vector<64x1000xf32>
    %get3A_10 = arith.constant 0 : index
    %get3A_11 = arith.constant 0 : index
    %get3A_12 = vector.load %arg2[%get3A_10, %get3A_11] : memref<1000x128xf32, #tpu.memory_space<vmem>>, vector<1000x128xf32>
    %get3A_13 = arith.constant 0 : index
    %get3A_14 = arith.constant 0 : index
    %get3A_15 = vector.load %arg3[%get3A_13, %get3A_14] : memref<1000x128xf32, #tpu.memory_space<vmem>>, vector<1000x128xf32>
    %get3A_16 = arith.constant 0 : index
    %get3A_17 = arith.constant 0 : index
    %get3A_18 = vector.load %arg4[%get3A_16, %get3A_17] : memref<1000x128xf32, #tpu.memory_space<vmem>>, vector<1000x128xf32>
    %concatenate3A = tpu.concatenate %get3A_12, %get3A_15, %get3A_18 in 1 : vector<1000x128xf32>, vector<1000x128xf32>, vector<1000x128xf32> -> vector<1000x384xf32>
    %get3A_19 = arith.constant 0 : index
    %get3A_20 = arith.constant 0 : index
    %get3A_21 = vector.load %arg5[%get3A_19, %get3A_20] : memref<64x384xf32, #tpu.memory_space<vmem>>, vector<64x384xf32>
    %dot_general3A = arith.constant dense<0.000000e+00> : vector<64x384xf32>
    %dot_general3A_22 = tpu.matmul %convert_element_type3A_9, %concatenate3A, %dot_general3A {dimension_numbers = #tpu.dot_dimension_numbers<[1], [0], [0], [1], [0, 0, 1, 1], [], []>, transpose_lhs_hint = false} : vector<64x1000xf32>, vector<1000x384xf32>, vector<64x384xf32> -> vector<64x384xf32>
    %add3A = arith.addf %get3A_21, %dot_general3A_22 : vector<64x384xf32>
    %swap3A = arith.constant 0 : index
    %swap3A_23 = arith.constant 0 : index
    %swap3A_24 = vector.load %arg5[%swap3A, %swap3A_23] : memref<64x384xf32, #tpu.memory_space<vmem>>, vector<64x384xf32>
    tpu.vector_store %arg5[%swap3A, %swap3A_23], %add3A {strides = array<i32>} : memref<64x384xf32, #tpu.memory_space<vmem>>, vector<64x384xf32>,
    %get3A_25 = arith.constant 0 : index
    %get3A_26 = arith.constant 0 : index
    %get3A_27 = vector.load %arg6[%get3A_25, %get3A_26] : memref<64x1xf32, #tpu.memory_space<vmem>>, vector<64x1xf32>
    %reduce_sum3A = arith.constant dense<0.000000e+00> : vector<64xf32>
    %reduce_sum3A_28 = vector.multi_reduction <add>, %convert_element_type3A_9, %reduce_sum3A [1] : vector<64x1000xf32> to vector<64xf32>
    %broadcast_in_dim3A = vector.shape_cast %reduce_sum3A_28 : vector<64xf32> to vector<64x1xf32>
    %add3A_29 = arith.addf %get3A_27, %broadcast_in_dim3A : vector<64x1xf32>
    %swap3A_30 = arith.constant 0 : index
    %swap3A_31 = arith.constant 0 : index
    %swap3A_32 = vector.load %arg6[%swap3A_30, %swap3A_31] : memref<64x1xf32, #tpu.memory_space<vmem>>, vector<64x1xf32>
    tpu.vector_store %arg6[%swap3A_30, %swap3A_31], %add3A_29 {strides = array<i32>} : memref<64x1xf32, #tpu.memory_space<vmem>>, vector<64x1xf32>,
    return
  }
  func.func @transform_0(%arg0: i32) -> (i32, i32, i32) {
    %c0_i32 = arith.constant 0 : i32
    %c0_i32_0 = arith.constant 0 : i32
    %c0_i32_1 = arith.constant 0 : i32
    return %arg0, %c0_i32, %c0_i32_0 : i32, i32, i32
  }
  func.func @transform_1(%arg0: i32) -> (i32, i32) {
    %c0_i32 = arith.constant 0 : i32
    %c0_i32_0 = arith.constant 0 : i32
    return %arg0, %c0_i32 : i32, i32
  }
  func.func @transform_2(%arg0: i32) -> (i32, i32) {
    %c0_i32 = arith.constant 0 : i32
    %c0_i32_0 = arith.constant 0 : i32
    return %arg0, %c0_i32 : i32, i32
  }
  func.func @transform_3(%arg0: i32) -> (i32, i32) {
    %c0_i32 = arith.constant 0 : i32
    %c0_i32_0 = arith.constant 0 : i32
    return %arg0, %c0_i32 : i32, i32
  }
  func.func @transform_4(%arg0: i32) -> (i32, i32) {
    %c0_i32 = arith.constant 0 : i32
    %c0_i32_0 = arith.constant 0 : i32
    %c0_i32_1 = arith.constant 0 : i32
    return %c0_i32, %c0_i32_0 : i32, i32
  }
  func.func @transform_5(%arg0: i32) -> (i32, i32) {
    %c0_i32 = arith.constant 0 : i32
    %c0_i32_0 = arith.constant 0 : i32
    %c0_i32_1 = arith.constant 0 : i32
    return %c0_i32, %c0_i32_0 : i32, i32
  }
}

module attributes {stable_mosaic.version = 14 : i64} {
  func.func @body(%arg0: memref<64x384xf32, #tpu.memory_space<vmem>>, %arg1: memref<64x1xf32, #tpu.memory_space<vmem>>, %arg2: memref<384x128xf32, #tpu.memory_space<vmem>>, %arg3: memref<1x128xf32, #tpu.memory_space<vmem>>, %arg4: memref<128x10xf32, #tpu.memory_space<vmem>>, %arg5: memref<1x10xf32, #tpu.memory_space<vmem>>, %arg6: memref<64x10xf32, #tpu.memory_space<vmem>>) attributes {dimension_semantics = [], scalar_prefetch = 0 : i64, scratch_operands = 0 : i64, tpu.core_type = #tpu.core_type<tc>} {
    %get3A = arith.constant 0 : index
    %get3A_0 = arith.constant 0 : index
    %get3A_1 = vector.load %arg0[%get3A, %get3A_0] : memref<64x384xf32, #tpu.memory_space<vmem>>, vector<64x384xf32>
    %get3A_2 = arith.constant 0 : index
    %get3A_3 = arith.constant 0 : index
    %get3A_4 = vector.load %arg1[%get3A_2, %get3A_3] : memref<64x1xf32, #tpu.memory_space<vmem>>, vector<64x1xf32>
    %max3A = arith.constant 1.000000e+00 : f32
    %max3A_5 = vector.broadcast %max3A : f32 to vector<64x1xf32>
    %max3A_6 = arith.maximumf %get3A_4, %max3A_5 : vector<64x1xf32>
    %div3A = vector.broadcast %max3A_6 : vector<64x1xf32> to vector<64x384xf32>
    %div3A_7 = arith.divf %get3A_1, %div3A : vector<64x384xf32>
    %get3A_8 = arith.constant 0 : index
    %get3A_9 = arith.constant 0 : index
    %get3A_10 = vector.load %arg2[%get3A_8, %get3A_9] : memref<384x128xf32, #tpu.memory_space<vmem>>, vector<384x128xf32>
    %dot_general3A = arith.constant dense<0.000000e+00> : vector<64x128xf32>
    %dot_general3A_11 = tpu.matmul %div3A_7, %get3A_10, %dot_general3A {dimension_numbers = #tpu.dot_dimension_numbers<[1], [0], [0], [1], [0, 0, 1, 1], [], []>, transpose_lhs_hint = false} : vector<64x384xf32>, vector<384x128xf32>, vector<64x128xf32> -> vector<64x128xf32>
    %get3A_12 = arith.constant 0 : index
    %get3A_13 = arith.constant 0 : index
    %get3A_14 = vector.load %arg3[%get3A_12, %get3A_13] : memref<1x128xf32, #tpu.memory_space<vmem>>, vector<1x128xf32>
    %add3A = vector.broadcast %get3A_14 : vector<1x128xf32> to vector<64x128xf32>
    %add3A_15 = arith.addf %dot_general3A_11, %add3A : vector<64x128xf32>
    %max3A_16 = arith.constant 0.000000e+00 : f32
    %max3A_17 = vector.broadcast %max3A_16 : f32 to vector<64x128xf32>
    %max3A_18 = arith.maximumf %add3A_15, %max3A_17 : vector<64x128xf32>
    %get3A_19 = arith.constant 0 : index
    %get3A_20 = arith.constant 0 : index
    %get3A_21 = vector.load %arg4[%get3A_19, %get3A_20] : memref<128x10xf32, #tpu.memory_space<vmem>>, vector<128x10xf32>
    %dot_general3A_22 = arith.constant dense<0.000000e+00> : vector<64x10xf32>
    %dot_general3A_23 = tpu.matmul %max3A_18, %get3A_21, %dot_general3A_22 {dimension_numbers = #tpu.dot_dimension_numbers<[1], [0], [0], [1], [0, 0, 1, 1], [], []>, transpose_lhs_hint = false} : vector<64x128xf32>, vector<128x10xf32>, vector<64x10xf32> -> vector<64x10xf32>
    %get3A_24 = arith.constant 0 : index
    %get3A_25 = arith.constant 0 : index
    %get3A_26 = vector.load %arg5[%get3A_24, %get3A_25] : memref<1x10xf32, #tpu.memory_space<vmem>>, vector<1x10xf32>
    %add3A_27 = vector.broadcast %get3A_26 : vector<1x10xf32> to vector<64x10xf32>
    %add3A_28 = arith.addf %dot_general3A_23, %add3A_27 : vector<64x10xf32>
    %logistic3A = arith.negf %add3A_28 : vector<64x10xf32>
    %logistic3A_29 = math.exp %logistic3A : vector<64x10xf32>
    %logistic3A_30 = arith.constant 1.000000e+00 : f32
    %logistic3A_31 = vector.broadcast %logistic3A_30 : f32 to vector<64x10xf32>
    %logistic3A_32 = arith.addf %logistic3A_31, %logistic3A_29 : vector<64x10xf32>
    %logistic3A_33 = arith.divf %logistic3A_31, %logistic3A_32 : vector<64x10xf32>
    %swap3A = arith.constant 0 : index
    %swap3A_34 = arith.constant 0 : index
    %swap3A_35 = vector.load %arg6[%swap3A, %swap3A_34] : memref<64x10xf32, #tpu.memory_space<vmem>>, vector<64x10xf32>
    tpu.vector_store %arg6[%swap3A, %swap3A_34], %logistic3A_33 {strides = array<i32>} : memref<64x10xf32, #tpu.memory_space<vmem>>, vector<64x10xf32>,
    return
  }
}

</mosaic_0001>

<sc_bundles>
// kernel: kernel.14.cloned.1.call-start
scs
__scs_entry_jumppad:
0x0: {  	(pc) =	sbr.rel $0x88, $3  }
0x1: {  	(tag) =	ssettag $0x0;
	lr =	simm.s32 $0x1  }
0x2: {  	[smem:$0x3F91] =	sst lr;
	_ =	strace $0xD0000000  }
0x3: {  	_ = 	snop  }
0x4: {  	_ = 	snop  }
0x5: {  	_ = 	snop  }
0x6: {  	_ = 	snop  }
0x7: {  	_ = 	snop  }
__scs_overlays_trampoline_lowered:
0x8: {  	[smem:$0x3FA0] =	sst s0  }
0x9: {  	[smem:$0x3FA1] =	sst s1  }
0xa: {  	[smem:$0x3FA2] =	sst s2  }
0xb: {  	[smem:$0x3FA3] =	sst s3  }
0xc: {  	[smem:$0x3FA4] =	sst s4  }
0xd: {  	[smem:$0x3FA5] =	sst s5  }
0xe: {  	[smem:$0x3FA6] =	sst s6  }
0xf: {  	[smem:$0x3FA7] =	sst s7  }
0x10: {  	[smem:$0x3FA8] =	sst s8  }
0x11: {  	[smem:$0x3FA9] =	sst s9;
	s0 =	simm.s32 @!p0 $0x0  }
0x12: {  	s1 =	sld [smem:$0x3F8F];
	s0 =	simm.s32 @p0 $0x1  }
0x13: {  	[smem:$0x3FAA] =	sst s0;
	s0 =	simm.s32 @!p1 $0x0  }
0x14: {  	s2 =	sld [smem:$0x3F8E];
	s0 =	simm.s32 @p1 $0x1  }
0x15: {  	[smem:$0x3FAB] =	sst s0;
	s0 =	simm.s32 @!p2 $0x0  }
0x16: {  	s3 =	sld [smem:$0x3FDB];
	s0 =	simm.s32 @p2 $0x1  }
0x17: {  	s4 =	simm.s32 $0x1BF5;
	[smem:$0x3FAD] =	sst s0  }
0x18: {  	s0 =	sld [smem:$0x3F90];
	_ =	swait.ge [sflag:s4], $0x0  }
0x19: {  	s7 =	sld [smem:$0x3F91]  }
0x1a: {  	s8 =	sadd.s32 $0xFFFFE003, lr  }
0x1b: {  	s9 =	sadd.s32 $0xFFFFFEF7, lr;
	s5 =	simm.s32 $0xFFFFFFFF;
	p2 =	slt.u32 s8, $0xFFFFF086  }
0x1c: {  	p1 =	slt.u32 s9, $0xF7A;
	s5 =	simm.s32 @!p2 $0x0  }
0x1d: {  	s5 =	simm.s32 @p1 $0x1;
	p0 =	seq.s32 s7, s2  }
0x1e: {  	s7 =	smul.u32 @!p0 $0xF7A, s2;
	p2 =	seq.s32 @!p0 s5, $0x0  }
0x1f: {  	s9 =	smul.u32 $0xF7A, s1;
	s8 =	simm.s32 @!p0 $0x1BF5;
	p2 =	por !p2, p0  }
0x20: {  	[sflag:s8] =	ssyncset.s32 @!p0 $0xFFFFF086;
	s6 =	sadd.s32 @!p0 s3, s7;
	s7 =	simm.s32 @!p0 $0x108  }
0x21: {  	s3 =	sadd.s32 s3, s9;
	s6 =	sadd.s32 @!p0 $0x88, s6;
	s7 =	simm.s32 @p2 $0x1082  }
0x22: {  	[simem:s7], [sflag:s8] =	dma.local @!p0 [hbm:s6], $0xF7A  }
0x23: {  	s9 =	sor.u32 $0xD0000000, s2;
	s6 =	simm.s32 $0x108;
	_ =	swait.ge @!p0 [sflag:s8], $0x0  }
0x24: {  	s3 =	sadd.s32 $0x88, s3;
	s6 =	simm.s32 @!p1 $0x1082;
	[sflag:s4] =	ssyncset.s32 $0xFFFFF086  }
0x25: {  	[simem:s6], [sflag:s4] =	dma.local [hbm:s3], $0xF7A  }
0x26: {  	[smem:$0x3F91] =	sst s1;
	(tag) =	ssettag s2;
	_ =	strace s9  }
0x27: {  	s1 =	sld [smem:$0x3FA1]  }
0x28: {  	s2 =	sld [smem:$0x3FA2]  }
0x29: {  	s4 =	sld [smem:$0x3FA4]  }
0x2a: {  	p0 =	seq.s32 s5, $0x0;
	s5 =	sld [smem:$0x3FA5]  }
0x2b: {  	s6 =	sld [smem:$0x3FA6]  }
0x2c: {  	s7 =	sld [smem:$0x3FA7]  }
0x2d: {  	s3 =	simm.s32 $0x108;
	s8 =	sld [smem:$0x3FA8]  }
0x2e: {  	s3 =	simm.s32 @!p0 $0x1082;
	s9 =	sld [smem:$0x3FA9]  }
0x2f: {  	lr =	sadd.s32 s0, s3;
	s0 =	sld [smem:$0x3FA0]  }
0x30: {  	s3 =	sld [smem:$0x3FA3]  }
0x31: {  	[smem:$0x3FAC] =	sst s10  }
0x32: {  	s10 =	sld [smem:$0x3FAA];
	_ =	sdelay $0x3  }
0x33: {  	p0 =	seq.s32 s10, $0x1;
	s10 =	sld [smem:$0x3FAC];
	_ =	sdelay $0x3  }
0x34: {  	[smem:$0x3FAC] =	sst s10  }
0x35: {  	s10 =	sld [smem:$0x3FAB];
	_ =	sdelay $0x3  }
0x36: {  	p1 =	seq.s32 s10, $0x1;
	s10 =	sld [smem:$0x3FAC];
	_ =	sdelay $0x3  }
0x37: {  	[smem:$0x3FAC] =	sst s10  }
0x38: {  	s10 =	sld [smem:$0x3FAD]  }
0x39: {  	_ = 	snop;
	(pc) =	sbr.ind lr, $3  }
0x3a: {  	_ = 	snop  }
0x3b: {  	_ = 	snop  }
0x3c: {  	p2 =	seq.s32 s10, $0x1;
	s10 =	sld [smem:$0x3FAC]  }
0x3d: {  	_ =	shalt  }
0x3e: {  	_ =	shalt  }
0x3f: {  	_ =	shalt  }
0x40: {  	_ =	shalt  }
0x41: {  	_ =	shalt  }
0x42: {  	_ =	shalt  }
0x43: {  	_ =	shalt  }
0x44: {  	_ =	shalt  }
0x45: {  	_ =	shalt  }
0x46: {  	_ =	shalt  }
0x47: {  	_ =	shalt  }
0x48: {  	_ =	shalt  }
0x49: {  	_ =	shalt  }
0x4a: {  	_ =	shalt  }
0x4b: {  	_ =	shalt  }
0x4c: {  	_ =	shalt  }
0x4d: {  	_ =	shalt  }
0x4e: {  	_ =	shalt  }
0x4f: {  	_ =	shalt  }
0x50: {  	_ =	shalt  }
0x51: {  	_ =	shalt  }
0x52: {  	_ =	shalt  }
0x53: {  	_ =	shalt  }
0x54: {  	_ =	shalt  }
0x55: {  	_ =	shalt  }
0x56: {  	_ =	shalt  }
0x57: {  	_ =	shalt  }
0x58: {  	_ =	shalt  }
0x59: {  	_ =	shalt  }
0x5a: {  	_ =	shalt  }
0x5b: {  	_ =	shalt  }
0x5c: {  	_ =	shalt  }
0x5d: {  	_ =	shalt  }
0x5e: {  	_ =	shalt  }
0x5f: {  	_ =	shalt  }
0x60: {  	_ =	shalt  }
0x61: {  	_ =	shalt  }
0x62: {  	_ =	shalt  }
0x63: {  	_ =	shalt  }
0x64: {  	_ =	shalt  }
0x65: {  	_ =	shalt  }
0x66: {  	_ =	shalt  }
0x67: {  	_ =	shalt  }
0x68: {  	_ =	shalt  }
0x69: {  	_ =	shalt  }
0x6a: {  	_ =	shalt  }
0x6b: {  	_ =	shalt  }
0x6c: {  	_ =	shalt  }
0x6d: {  	_ =	shalt  }
0x6e: {  	_ =	shalt  }
0x6f: {  	_ =	shalt  }
0x70: {  	_ =	shalt  }
0x71: {  	_ =	shalt  }
0x72: {  	_ =	shalt  }
0x73: {  	_ =	shalt  }
0x74: {  	_ =	shalt  }
0x75: {  	_ =	shalt  }
0x76: {  	_ =	shalt  }
0x77: {  	_ =	shalt  }
0x78: {  	_ =	shalt  }
0x79: {  	_ =	shalt  }
0x7a: {  	_ =	shalt  }
0x7b: {  	_ =	shalt  }
0x7c: {  	_ =	shalt  }
0x7d: {  	_ =	shalt  }
0x7e: {  	_ =	shalt  }
0x7f: {  	_ =	shalt  }
0x80: {  	_ =	shalt  }
0x81: {  	_ =	shalt  }
0x82: {  	_ =	shalt  }
0x83: {  	_ =	shalt  }
0x84: {  	_ =	shalt  }
0x85: {  	_ =	shalt  }
0x86: {  	_ =	shalt  }
0x87: {  	_ =	shalt  }
.Lfunc_end0:
.L_simem_size_0:
called_computation_lowered:
.L_overlay_start_0:
0x88: {  	s2 =	sld [smem:$0x3FD9]  }
0x89: {  	s3 =	sld [smem:$0x3FFE];
	_ =	sdelay $0x1  }
0x8a: {  	s1 =	srdreg.scid  }
0x8b: {  	s0 =	sand.u32 $0x1, s1  }
0x8c: {  	s16 =	sshll.u32 s0, $0xA;
	s2 =	sadd.s32 s3, s2  }
0x8d: {  	s2 =	sadd.s32 s2, s16  }
0x8e: {  	[smem:$0x3FB8] =	sst s2  }
0x8f: {  	_ = 	snop  }
0x90: {  	(tm) =	ssettm $0x1  }
0x91: {  	s17 =	sld [smem:$0x3FFB];
	_ =	sdelay $0x3  }
0x92: {  	_ =	strace s17  }
0x93: {  	s2 =	sld [smem:$0x3FFC];
	_ =	sdelay $0x3  }
0x94: {  	_ =	strace s2  }
0x95: {  	s2 =	sld [smem:$0x3FFD];
	_ =	sdelay $0x3  }
0x96: {  	_ =	strace s2  }
0x97: {  	_ =	strace $0x8FFFFFFF  }
0x98: {  	s18 =	sld [smem:$0x3FDB];
	_ =	sdelay $0x1  }
0x99: {  	s19 =	simm.s32 $_scs_section_size  }
0x9a: {  	s4 =	simm.s32 $_size__tile_overlayer_lowered;
	s5 =	simm.s32 $_tile_overlayer_lowered  }
0x9b: {  	s22 =	simm.s32 $0x1BFF;
	s21 =	sshll.u32 s5, $0x1;
	s2 =	sadd.s32 s19, s18  }
0x9c: {  	s6 =	simm.s32 $0x0;
	s20 =	sshll.u32 s4, $0x1;
	s4 =	sadd.s32 s21, s2  }
0x9d: {  	[timem:s6], [sflag:s22] =	dma.local [hbm:s4], s20  }
0x9e: {  	_ =	swait.ge [sflag:s22], s20  }
0x9f: {  	s3 =	ssub.s32 $0x0, s20;
	[sflag:s22] =	ssyncset.done $0x0  }
0xa0: {  	[sflag:s22] =	ssyncadd.s32 s3;
	_ =	sdelay $0x1  }
0xa1: {  	s23 =	simm.s32 $0x1B8B  }
0xa2: {  	_ =	swait.ge [sflag:s23], $0x1  }
0xa3: {  	[sflag:s23] =	ssyncset.done $0x0  }
0xa4: {  	s25 =	simm.s32 $0x1B8E;
	s24 =	sld [smem:$0x3FFE];
	[sflag:s23] =	ssyncadd.s32 $0xFFFFFFFF  }
0xa5: {  	s26 =	simm.s32 $execute0_lowered;
	[smem:$0x3FD2] =	sst s25  }
0xa6: {  	s4 =	sshll.u32 s26, $0x1;
	_ =	strace $0x80000046;
	[dreg:$0x1] =	wrdreg $0xFFFFFFFF  }
0xa7: {  	s28 =	simm.s32 $_size_execute0_lowered;
	s2 =	sadd.s32 s2, s4;
	[dreg:$0x0] =	wrdreg $0x0  }
0xa8: {  	s4 =	sshll.u32 s28, $0x1;
	[dreg:$0x2] =	wrdreg s2  }
0xa9: {  	[dreg:$0x3] =	wrdreg s4  }
0xaa: {  	[dreg:$0x4] =	wrdreg $0xC0  }
0xab: {  	_ =	task [dreg:s6], $0x5FFFF  }
0xac: {  	[dreg:$0x1] =	wrdreg $0xFFFFFFFF  }
0xad: {  	[dreg:$0x0] =	wrdreg $0x60  }
0xae: {  	[dreg:$0x2] =	wrdreg s24  }
0xaf: {  	[dreg:$0x3] =	wrdreg $0xAA000  }
0xb0: {  	[dreg:$0x4] =	wrdreg $0x9  }
0xb1: {  	_ =	task.clear_ibuf [dreg:s6], $0x5FFFF;
	_ =	strace $0x90000046  }
0xb2: {  	s29 =	simm.s32 $0x9;
	_ =	strace $0x80000048  }
0xb3: {  	_ =	swait.ge [sflag:s29], $0x1  }
0xb4: {  	[sflag:s29] =	ssyncadd.s32 $0xFFFFFFFF  }
0xb5: {  	_ =	strace $0x90000048  }
0xb6: {  	_ =	sfence  }
0xb7: {  	s30 =	sld [smem:$0x0];
	_ =	sdelay $0x2  }
0xb8: {  	s31 =	sshll.u32 s1, $0xD;
	s1 =	sshrl.u32 s1, $0x2  }
0xb9: {  	s3 =	sand.u32 $0x4000, s31;
	s1 =	sadd.s32 s1, s30  }
0xba: {  	s0 =	sor.u32 s3, s0;
	s1 =	sshll.u32 s1, $0x11  }
0xbb: {  	s0 =	sor.u32 s1, s0  }
0xbc: {  	s0 =	sadd.s32 $0x8F2B, s0  }
0xbd: {  	[sflag:s0] =	ssyncadd.remote.s32 $0x1  }
0xbe: {  	_ =	sfence.sel $0xFFFF  }
0xbf: {  	[dreg:$0x0] =	wrdreg $0xFFFFFFFF;
	(pc) =	sbr.abs _section_cstart, $3  }
0xc0: {  	[dreg:$0x1] =	wrdreg $0xFFFFFFFF  }
0xc1: {  	_ =	task.clear_ibuf [dreg:s6], $0x2FFFF;
	_ =	strace $0x9FFFFFFF  }
0xc2: {  	(tm) =	ssettm $0x7FFFFFFF  }
0xc3: {  	_ =	shalt  }
tec
execute0_lowered:
.L_overlay_start_1:
0x0: {  	(tag) =	ssettag $0x1  }
0x1: {  	s5 =	rddreg [dreg:$0x0];
	s0 =	srdreg.scid  }
0x2: {  	s2 =	rddreg [dreg:$0x1];
	s1 =	stileid.u32;
	s3 =	simm.s32 $0x0  }
0x3: {  	s14 =	simm.s32 $0x2;
	s15 =	simm.s32 $0x2A00;
	s16 =	simm.s32 $0x80  }
0x4: {  	s17 =	simm.s32 $0x2800;
	s18 =	simm.s32 $0x1;
	s7 =	smul.u32 $0x2800, s1  }
0x5: {  	s19 =	simm.s32 $0x2900;
	s6 =	sand.u32 $0x1, s0;
	s10 =	smul.u32 $0x4F000, s1  }
0x6: {  	s20 =	simm.s32 $0x0;
	s0 =	rddreg [dreg:$0x2];
	s4 =	smul.u32 $0x28000, s6  }
0x7: {  	[smem:$0x7FF] =	sst s3;
	s8 =	smul.u32 $0x13C000, s6;
	s6 =	ssub.s32 $0x2, s6  }
0x8: {  	s9 =	smul.u32 $0x13C00, s1;
	_ =	strace $0x80000047;
	s31 =	sshrl.u32 s6, $0x1  }
0x9: {  	s10 =	sshrl.u32 s10, $0x2;
	s7 =	sadd.s32 s7, s4;
	s4 =	sadd.s32 $0xD000, s5  }
0xa: {  	s8 =	sadd.s32 s9, s8;
	s13 =	ssub.s32 s6, s31;
	s7 =	sshrl.u32 s7, $0x3  }
0xb: {  	s8 =	sshrl.u32 s8, $0x3;
	s13 =	smax.u32 s13, $0x1;
	s7 =	sadd.s32 s7, s5  }
0xc: {  	s12 =	sadd.s32 s8, s5;
	s5 =	sadd.s32 s10, s2;
	s6 =	sadd.s32 $0x3000, s7  }
0xd: {  	s7 =	sadd.s32 $0x4000, s5;
	s8 =	sadd.s32 $0x8000, s5;
	s9 =	sadd.s32 $0xC000, s5  }
0xe: {  	v0 =	vimm.f32 $0.0e+00;
	v1 =	vimm.f32 $1.000000000e+00;
	s10 =	sadd.s32 $0x10000, s5;
	s11 =	sadd.s32 $0x83200, s12;
	s12 =	sadd.s32 $0x34200, s12  }
.LBB2_1:
0xf: {  	[tilespmem:s3], [sflag:$0x2] =	stream.linear.gather [hbm4b:s6+s3], $0x2780, $0x38;
	[tilespmem:$0x1E600] =	vst v63  }
0x10: {  	_ =	swait.ge [sflag:s14], $0x2780  }
0x11: {  	[sflag:s14] =	ssyncset.done $0x0  }
0x12: {  	s21 =	simm.s32 $0x0;
	s22 =	simm.s32 $0x200;
	[sflag:s14] =	ssyncadd.s32 $0xFFFFD880  }
.LBB2_2:
0x13: {  	p0 =	sne.s32 s22, $0xFE00;
	[tilespmem:s21+$0x2A70] =	vst v0  }
0x14: {  	[tilespmem:s21+$0x2A00] =	vst v0  }
0x15: {  	[tilespmem:s21+$0x2A10] =	vst v0  }
.Ltmp0:
0x16: {  	[tilespmem:s21+$0x2A20] =	vst v0;
	(pc) =	sbr.rel @p0 .LBB2_2-.Ltmp0, $4  }
0x17: {  	[tilespmem:s21+$0x2A30] =	vst v0  }
0x18: {  	[tilespmem:s21+$0x2A40] =	vst v0  }
0x19: {  	[tilespmem:s21+$0x2A50] =	vst v0  }
0x1a: {  	[tilespmem:s21+$0x2A60] =	vst v0;
	s21 =	sshra.s32 s22, $0x2;
	s22 =	sadd.s32 $0x200, s22  }
0x1b: {  	[tilespmem:s21+$0x2A70] =	vst v0  }
0x1c: {  	[tilespmem:s21+$0x2A00] =	vst v0  }
0x1d: {  	[tilespmem:s21+$0x2A10] =	vst v0  }
0x1e: {  	[tilespmem:s21+$0x2A20] =	vst v0  }
0x1f: {  	[tilespmem:s21+$0x2A30] =	vst v0  }
0x20: {  	[tilespmem:s21+$0x2A40] =	vst v0  }
0x21: {  	[tilespmem:s21+$0x2A50] =	vst v0  }
0x22: {  	[tilespmem:s21+$0x2A60] =	vst v0  }
0x23: {  	[spmem:s5] =	stream.linear.scatter [tilespmem:s15], [sflag:$0x2], $0x4000, $0x38;
	[tilespmem:$0x1E600] =	vst v63  }
0x24: {  	_ =	swait.ge [sflag:s14], $0x4000  }
0x25: {  	[sflag:s14] =	ssyncset.done $0x0  }
0x26: {  	[sflag:s14] =	ssyncadd.s32 $0xFFFFC000  }
0x27: {  	[spmem:s7] =	stream.linear.scatter [tilespmem:s15], [sflag:$0x2], $0x4000, $0x38;
	[tilespmem:$0x1E600] =	vst v63  }
0x28: {  	_ =	swait.ge [sflag:s14], $0x4000  }
0x29: {  	[sflag:s14] =	ssyncset.done $0x0  }
0x2a: {  	[sflag:s14] =	ssyncadd.s32 $0xFFFFC000  }
0x2b: {  	[spmem:s8] =	stream.linear.scatter [tilespmem:s15], [sflag:$0x2], $0x4000, $0x38;
	[tilespmem:$0x1E600] =	vst v63  }
0x2c: {  	_ =	swait.ge [sflag:s14], $0x4000  }
0x2d: {  	[sflag:s14] =	ssyncset.done $0x0  }
0x2e: {  	[sflag:s14] =	ssyncadd.s32 $0xFFFFC000  }
0x2f: {  	[spmem:s9] =	stream.linear.scatter [tilespmem:s15], [sflag:$0x2], $0x4000, $0x38;
	[tilespmem:$0x1E600] =	vst v63  }
0x30: {  	_ =	swait.ge [sflag:s14], $0x4000  }
0x31: {  	[sflag:s14] =	ssyncset.done $0x0  }
0x32: {  	[sflag:s14] =	ssyncadd.s32 $0xFFFFC000  }
0x33: {  	[spmem:s10] =	stream.linear.scatter [tilespmem:s15], [sflag:$0x2], $0x3C00, $0x38;
	[tilespmem:$0x1E600] =	vst v63  }
0x34: {  	_ =	swait.ge [sflag:s14], $0x3C00  }
0x35: {  	[sflag:s14] =	ssyncset.done $0x0  }
0x36: {  	[sflag:s14] =	ssyncadd.s32 $0xFFFFC400  }
0x37: {  	[bflag:$0x0] =	sbarrier.arrive $0xFFFF  }
0x38: {  	v2 =	vld [tilespmem:$0x0];
	_ =	sdelay $0x1  }
0x39: {  	v3 =	vld [tilespmem:$0x10];
	_ =	sdelay $0x1  }
0x3a: {  	v4 =	vld [tilespmem:$0x20]  }
0x3b: {  	v5 =	vshra.s32 v2, $0xE  }
0x3c: {  	v61 =	vld [tilespmem:$0x30];
	v2 =	vand.u32 $0x3FFF, v2;
	[tilespmem:$0x2900] =	vst v5  }
0x3d: {  	[tilespmem:$0x2800] =	vst v2;
	v2 =	vshra.s32 v3, $0xE  }
0x3e: {  	[tilespmem:$0x2910] =	vst v2;
	v2 =	vand.u32 $0x3FFF, v3;
	v3 =	vld [tilespmem:$0x40]  }
0x3f: {  	[tilespmem:$0x2810] =	vst v2;
	v2 =	vshra.s32 v4, $0xE  }
0x40: {  	v62 =	vld [tilespmem:$0x50];
	[tilespmem:$0x2920] =	vst v2;
	v2 =	vand.u32 $0x3FFF, v4  }
0x41: {  	[tilespmem:$0x2820] =	vst v2;
	v2 =	vshra.s32 v61, $0xE  }
0x42: {  	v63 =	vld [tilespmem:$0x60];
	[tilespmem:$0x2930] =	vst v2;
	v2 =	vand.u32 $0x3FFF, v61  }
0x43: {  	[tilespmem:$0x2830] =	vst v2;
	v2 =	vshra.s32 v3, $0xE  }
0x44: {  	[tilespmem:$0x2940] =	vst v2;
	v2 =	vand.u32 $0x3FFF, v3;
	v3 =	vld [tilespmem:$0x70]  }
0x45: {  	[tilespmem:$0x2840] =	vst v2;
	v2 =	vshra.s32 v62, $0xE  }
0x46: {  	[tilespmem:$0x2950] =	vst v2;
	v2 =	vand.u32 $0x3FFF, v62  }
0x47: {  	[tilespmem:$0x2850] =	vst v2;
	v2 =	vshra.s32 v63, $0xE  }
0x48: {  	[tilespmem:$0x2960] =	vst v2;
	v2 =	vand.u32 $0x3FFF, v63  }
0x49: {  	[tilespmem:$0x2860] =	vst v2;
	v2 =	vshra.s32 v3, $0xE  }
0x4a: {  	[tilespmem:$0x2970] =	vst v2;
	v2 =	vand.u32 $0x3FFF, v3  }
0x4b: {  	[tilespmem:$0x2870] =	vst v2  }
0x4c: {  	[tilespmem:s15], [sflag:$0x1] =	stream.indirect.gather [hbm4b:s4+s16], $0x80, s17, s16, $0xb8;
	[tilespmem:$0x1E600] =	vst v63  }
0x4d: {  	_ =	swait.ge [sflag:s18], $0x4000  }
0x4e: {  	[sflag:s18] =	ssyncset.done $0x0  }
0x4f: {  	s21 =	simm.s32 $0xF0;
	p0 =	por $0x0, $0x0;
	[sflag:s18] =	ssyncadd.s32 $0xFFFFC000  }
0x50: {  	v2 =	vld @!p0 [tilespmem:s21+$0xFFFFFF90];
	_ =	sdelay $0x1  }
0x51: {  	s22 =	simm.s32 $0x0  }
0x52: {  	s24 =	sand.u32 $0x1, s22  }
0x53: {  	s25 =	sxor.u32 @!p0 $0x1, s24  }
0x54: {  	s22 =	sshll.u32 @!p0 s25, $0x7;
	v3 =	vshra.s32 @!p0 v2, $0xE  }
0x55: {  	v2 =	vand.u32 @!p0 $0x3FFF, v2;
	[tilespmem:s22+$0x2900] =	vst @!p0 v3  }
0x56: {  	[tilespmem:s22+$0x2800] =	vst @!p0 v2  }
0x57: {  	v2 =	vld @!p0 [tilespmem:s21+$0xFFFFFFA0];
	_ =	sdelay $0x4  }
0x58: {  	v3 =	vshra.s32 @!p0 v2, $0xE  }
0x59: {  	v2 =	vand.u32 @!p0 $0x3FFF, v2;
	[tilespmem:s22+$0x2910] =	vst @!p0 v3  }
0x5a: {  	[tilespmem:s22+$0x2810] =	vst @!p0 v2  }
0x5b: {  	v2 =	vld @!p0 [tilespmem:s21+$0xFFFFFFB0];
	_ =	sdelay $0x4  }
0x5c: {  	v3 =	vshra.s32 @!p0 v2, $0xE  }
0x5d: {  	v2 =	vand.u32 @!p0 $0x3FFF, v2;
	[tilespmem:s22+$0x2920] =	vst @!p0 v3  }
0x5e: {  	[tilespmem:s22+$0x2820] =	vst @!p0 v2  }
0x5f: {  	v2 =	vld @!p0 [tilespmem:s21+$0xFFFFFFC0];
	_ =	sdelay $0x4  }
0x60: {  	v3 =	vshra.s32 @!p0 v2, $0xE  }
0x61: {  	v2 =	vand.u32 @!p0 $0x3FFF, v2;
	[tilespmem:s22+$0x2930] =	vst @!p0 v3  }
0x62: {  	[tilespmem:s22+$0x2830] =	vst @!p0 v2  }
0x63: {  	v2 =	vld @!p0 [tilespmem:s21+$0xFFFFFFD0];
	_ =	sdelay $0x4  }
0x64: {  	v3 =	vshra.s32 @!p0 v2, $0xE  }
0x65: {  	v2 =	vand.u32 @!p0 $0x3FFF, v2;
	[tilespmem:s22+$0x2940] =	vst @!p0 v3  }
0x66: {  	[tilespmem:s22+$0x2840] =	vst @!p0 v2  }
0x67: {  	v2 =	vld @!p0 [tilespmem:s21+$0xFFFFFFE0];
	_ =	sdelay $0x4  }
0x68: {  	v3 =	vshra.s32 @!p0 v2, $0xE  }
0x69: {  	v2 =	vand.u32 @!p0 $0x3FFF, v2;
	[tilespmem:s22+$0x2950] =	vst @!p0 v3  }
0x6a: {  	[tilespmem:s22+$0x2850] =	vst @!p0 v2  }
0x6b: {  	v2 =	vld @!p0 [tilespmem:s21+$0xFFFFFFF0];
	_ =	sdelay $0x4  }
0x6c: {  	v3 =	vshra.s32 @!p0 v2, $0xE  }
0x6d: {  	v2 =	vand.u32 @!p0 $0x3FFF, v2;
	[tilespmem:s22+$0x2960] =	vst @!p0 v3  }
0x6e: {  	s23 =	simm.s32 $0x1;
	s29 =	simm.s32 @!p0 $0x80;
	s26 =	sshll.u32 s24, $0xE;
	[tilespmem:s22+$0x2860] =	vst @!p0 v2  }
0x6f: {  	s28 =	sshll.u32 s24, $0x7;
	s25 =	sshll.u32 @!p0 s25, $0xE;
	s26 =	sor.u32 $0x2A00, s26;
	v2 =	vld @!p0 [tilespmem:s21+$0x0]  }
0x70: {  	s28 =	sor.u32 $0x2900, s28;
	s24 =	sor.u32 @!p0 $0x2800, s22;
	s25 =	sor.u32 @!p0 $0x2A00, s25  }
.LBB2_4:
0x71: {  	_ =	sdelay $0x2  }
0x72: {  	s21 =	sadd.s32 $0x80, s21;
	s30 =	smov.u32 s23;
	s23 =	sadd.s32 $0x1, s23;
	v3 =	vshra.s32 @!p0 v2, $0xE;
	v2 =	vand.u32 @!p0 $0x3FFF, v2  }
0x73: {  	p1 =	sne.s32 s23, $0x4F;
	[tilespmem:s22+$0x2970] =	vst @!p0 v3  }
0x74: {  	[tilespmem:s22+$0x2870] =	vst @!p0 v2  }
0x75: {  	[tilespmem:s25], [sflag:$0x1] =	stream.indirect.gather @!p0 [hbm4b:s4+s29], $0x80, s24, s29, $0xb8;
	[tilespmem:$0x1E600] =	vst v63  }
0x76: {  	_ = 	snop  }
0x77: {  	[spmem:s2] =	stream.indirect.scatter.add.f32 [tilespmem:s26], [sflag:$0x2], $0x80, s28, s16, $0xb8;
	[tilespmem:$0x1E600] =	vst v63  }
0x78: {  	_ =	swait.ge [sflag:s14], $0x4000  }
0x79: {  	[sflag:s14] =	ssyncset.done $0x0  }
0x7a: {  	[sflag:s14] =	ssyncadd.s32 $0xFFFFC000  }
0x7b: {  	_ =	swait.ge [sflag:s18], $0x4000  }
0x7c: {  	[sflag:s18] =	ssyncset.done $0x0  }
0x7d: {  	p0 =	seq.s32 s30, $0x4E;
	[sflag:s18] =	ssyncadd.s32 $0xFFFFC000  }
0x7e: {  	v2 =	vld @!p0 [tilespmem:s21+$0xFFFFFF90];
	_ =	sdelay $0x2  }
0x7f: {  	s22 =	sand.u32 $0x1, s30  }
0x80: {  	s24 =	sxor.u32 @!p0 $0x1, s22;
	s26 =	sshll.u32 s22, $0xE;
	s28 =	sshll.u32 s22, $0x7  }
0x81: {  	s22 =	sshll.u32 @!p0 s24, $0x7;
	s25 =	sshll.u32 @!p0 s24, $0xE;
	v3 =	vshra.s32 @!p0 v2, $0xE;
	v2 =	vand.u32 @!p0 $0x3FFF, v2  }
0x82: {  	s24 =	sor.u32 @!p0 $0x2800, s22;
	s25 =	sor.u32 @!p0 $0x2A00, s25;
	[tilespmem:s22+$0x2900] =	vst @!p0 v3  }
0x83: {  	[tilespmem:s22+$0x2800] =	vst @!p0 v2  }
0x84: {  	v2 =	vld @!p0 [tilespmem:s21+$0xFFFFFFA0];
	_ =	sdelay $0x4  }
0x85: {  	v3 =	vshra.s32 @!p0 v2, $0xE;
	v2 =	vand.u32 @!p0 $0x3FFF, v2  }
0x86: {  	[tilespmem:s22+$0x2910] =	vst @!p0 v3  }
0x87: {  	[tilespmem:s22+$0x2810] =	vst @!p0 v2  }
0x88: {  	v2 =	vld @!p0 [tilespmem:s21+$0xFFFFFFB0];
	_ =	sdelay $0x4  }
0x89: {  	v3 =	vshra.s32 @!p0 v2, $0xE;
	v2 =	vand.u32 @!p0 $0x3FFF, v2  }
0x8a: {  	[tilespmem:s22+$0x2920] =	vst @!p0 v3  }
0x8b: {  	[tilespmem:s22+$0x2820] =	vst @!p0 v2  }
0x8c: {  	v2 =	vld @!p0 [tilespmem:s21+$0xFFFFFFC0];
	_ =	sdelay $0x4  }
0x8d: {  	v3 =	vshra.s32 @!p0 v2, $0xE;
	v2 =	vand.u32 @!p0 $0x3FFF, v2  }
0x8e: {  	[tilespmem:s22+$0x2930] =	vst @!p0 v3  }
0x8f: {  	[tilespmem:s22+$0x2830] =	vst @!p0 v2  }
0x90: {  	v2 =	vld @!p0 [tilespmem:s21+$0xFFFFFFD0];
	_ =	sdelay $0x4  }
0x91: {  	v3 =	vshra.s32 @!p0 v2, $0xE;
	v2 =	vand.u32 @!p0 $0x3FFF, v2  }
0x92: {  	[tilespmem:s22+$0x2940] =	vst @!p0 v3  }
0x93: {  	[tilespmem:s22+$0x2840] =	vst @!p0 v2  }
0x94: {  	v2 =	vld @!p0 [tilespmem:s21+$0xFFFFFFE0];
	_ =	sdelay $0x4  }
0x95: {  	v3 =	vshra.s32 @!p0 v2, $0xE;
	v2 =	vand.u32 @!p0 $0x3FFF, v2  }
0x96: {  	[tilespmem:s22+$0x2950] =	vst @!p0 v3  }
0x97: {  	[tilespmem:s22+$0x2850] =	vst @!p0 v2  }
0x98: {  	v2 =	vld @!p0 [tilespmem:s21+$0xFFFFFFF0];
	_ =	sdelay $0x4  }
.Ltmp1:
0x99: {  	v3 =	vshra.s32 @!p0 v2, $0xE;
	v2 =	vand.u32 @!p0 $0x3FFF, v2;
	(pc) =	sbr.rel @p1 .LBB2_4-.Ltmp1, $4  }
0x9a: {  	[tilespmem:s22+$0x2960] =	vst @!p0 v3  }
0x9b: {  	s29 =	simm.s32 @!p0 $0x80;
	[tilespmem:s22+$0x2860] =	vst @!p0 v2  }
0x9c: {  	v2 =	vld @!p0 [tilespmem:s21+$0x0]  }
0x9d: {  	s26 =	sor.u32 $0x2A00, s26;
	s28 =	sor.u32 $0x2900, s28  }
0x9e: {  	_ =	sdelay $0x2  }
0x9f: {  	v3 =	vshra.s32 @!p0 v2, $0xE  }
0xa0: {  	v2 =	vand.u32 @!p0 $0x3FFF, v2;
	[tilespmem:s22+$0x2970] =	vst @!p0 v3  }
0xa1: {  	[tilespmem:s22+$0x2870] =	vst @!p0 v2  }
0xa2: {  	[tilespmem:s25], [sflag:$0x1] =	stream.indirect.gather @!p0 [hbm4b:s4+s29], $0x80, s24, s29, $0xb8;
	[tilespmem:$0x1E600] =	vst v63  }
0xa3: {  	_ = 	snop  }
0xa4: {  	[spmem:s2] =	stream.indirect.scatter.add.f32 [tilespmem:s26], [sflag:$0x2], $0x80, s28, s16, $0xb8;
	[tilespmem:$0x1E600] =	vst v63  }
0xa5: {  	_ =	swait.ge [sflag:s14], $0x4000  }
0xa6: {  	[sflag:s14] =	ssyncset.done $0x0  }
0xa7: {  	s21 =	sshll.u32 s1, $0x6;
	[sflag:s14] =	ssyncadd.s32 $0xFFFFC000  }
0xa8: {  	s21 =	sor.u32 $0x1C02, s21;
	s22 =	sshrl.u32 s5, $0x3;
	[bflag:$0x0] =	sbarrier.arrive $0xFFFF  }
0xa9: {  	[hbm:s11], [sflag:s21] =	dma.local [spmem:s22], $0x2780  }
0xaa: {  	_ =	swait.ge [sflag:s14], $0x2780  }
0xab: {  	[sflag:s14] =	ssyncset.done $0x0  }
0xac: {  	[sflag:s14] =	ssyncadd.s32 $0xFFFFD880  }
0xad: {  	s23 =	simm.s32 $0x0;
	s24 =	simm.s32 $0x200;
	[bflag:$0x0] =	sbarrier.arrive $0xFFFF  }
.LBB2_6:
0xae: {  	p0 =	sne.s32 s24, $0xFE00;
	[tilespmem:s23+$0x2A70] =	vst v0  }
0xaf: {  	[tilespmem:s23+$0x2A00] =	vst v0  }
0xb0: {  	[tilespmem:s23+$0x2A10] =	vst v0  }
.Ltmp2:
0xb1: {  	[tilespmem:s23+$0x2A20] =	vst v0;
	(pc) =	sbr.rel @p0 .LBB2_6-.Ltmp2, $4  }
0xb2: {  	[tilespmem:s23+$0x2A30] =	vst v0  }
0xb3: {  	[tilespmem:s23+$0x2A40] =	vst v0  }
0xb4: {  	[tilespmem:s23+$0x2A50] =	vst v0  }
0xb5: {  	[tilespmem:s23+$0x2A60] =	vst v0;
	s23 =	sshra.s32 s24, $0x2;
	s24 =	sadd.s32 $0x200, s24  }
0xb6: {  	[tilespmem:s23+$0x2A70] =	vst v0  }
0xb7: {  	[tilespmem:s23+$0x2A00] =	vst v0  }
0xb8: {  	[tilespmem:s23+$0x2A10] =	vst v0  }
0xb9: {  	[tilespmem:s23+$0x2A20] =	vst v0  }
0xba: {  	[tilespmem:s23+$0x2A30] =	vst v0  }
0xbb: {  	[tilespmem:s23+$0x2A40] =	vst v0  }
0xbc: {  	[tilespmem:s23+$0x2A50] =	vst v0  }
0xbd: {  	[tilespmem:s23+$0x2A60] =	vst v0  }
0xbe: {  	[spmem:s5] =	stream.linear.scatter [tilespmem:s15], [sflag:$0x2], $0x4000, $0x38;
	[tilespmem:$0x1E600] =	vst v63  }
0xbf: {  	_ =	swait.ge [sflag:s14], $0x4000  }
0xc0: {  	[sflag:s14] =	ssyncset.done $0x0  }
0xc1: {  	[sflag:s14] =	ssyncadd.s32 $0xFFFFC000  }
0xc2: {  	[spmem:s7] =	stream.linear.scatter [tilespmem:s15], [sflag:$0x2], $0x4000, $0x38;
	[tilespmem:$0x1E600] =	vst v63  }
0xc3: {  	_ =	swait.ge [sflag:s14], $0x4000  }
0xc4: {  	[sflag:s14] =	ssyncset.done $0x0  }
0xc5: {  	[sflag:s14] =	ssyncadd.s32 $0xFFFFC000  }
0xc6: {  	[spmem:s8] =	stream.linear.scatter [tilespmem:s15], [sflag:$0x2], $0x4000, $0x38;
	[tilespmem:$0x1E600] =	vst v63  }
0xc7: {  	_ =	swait.ge [sflag:s14], $0x4000  }
0xc8: {  	[sflag:s14] =	ssyncset.done $0x0  }
0xc9: {  	[sflag:s14] =	ssyncadd.s32 $0xFFFFC000  }
0xca: {  	[spmem:s9] =	stream.linear.scatter [tilespmem:s15], [sflag:$0x2], $0x4000, $0x38;
	[tilespmem:$0x1E600] =	vst v63  }
0xcb: {  	_ =	swait.ge [sflag:s14], $0x4000  }
0xcc: {  	[sflag:s14] =	ssyncset.done $0x0  }
0xcd: {  	[sflag:s14] =	ssyncadd.s32 $0xFFFFC000  }
0xce: {  	[spmem:s10] =	stream.linear.scatter [tilespmem:s15], [sflag:$0x2], $0x3C00, $0x38;
	[tilespmem:$0x1E600] =	vst v63  }
0xcf: {  	_ =	swait.ge [sflag:s14], $0x3C00  }
0xd0: {  	[sflag:s14] =	ssyncset.done $0x0  }
0xd1: {  	[sflag:s14] =	ssyncadd.s32 $0xFFFFC400  }
0xd2: {  	s23 =	simm.s32 $0x0;
	s24 =	simm.s32 $0x200;
	[bflag:$0x0] =	sbarrier.arrive $0xFFFF  }
.LBB2_8:
0xd3: {  	p0 =	sne.s32 s24, $0xFE00;
	[tilespmem:s23+$0x2A70] =	vst v1  }
0xd4: {  	[tilespmem:s23+$0x2A00] =	vst v1  }
0xd5: {  	[tilespmem:s23+$0x2A10] =	vst v1  }
.Ltmp3:
0xd6: {  	[tilespmem:s23+$0x2A20] =	vst v1;
	(pc) =	sbr.rel @p0 .LBB2_8-.Ltmp3, $4  }
0xd7: {  	[tilespmem:s23+$0x2A30] =	vst v1  }
0xd8: {  	[tilespmem:s23+$0x2A40] =	vst v1  }
0xd9: {  	[tilespmem:s23+$0x2A50] =	vst v1  }
0xda: {  	[tilespmem:s23+$0x2A60] =	vst v1;
	s23 =	sshra.s32 s24, $0x2;
	s24 =	sadd.s32 $0x200, s24  }
0xdb: {  	[tilespmem:s23+$0x2A70] =	vst v1  }
0xdc: {  	[tilespmem:s23+$0x2A00] =	vst v1  }
0xdd: {  	[tilespmem:s23+$0x2A10] =	vst v1  }
0xde: {  	[tilespmem:s23+$0x2A20] =	vst v1  }
0xdf: {  	[tilespmem:s23+$0x2A30] =	vst v1  }
0xe0: {  	[tilespmem:s23+$0x2A40] =	vst v1  }
0xe1: {  	[tilespmem:s23+$0x2A50] =	vst v1  }
0xe2: {  	[tilespmem:s23+$0x2A60] =	vst v1;
	s31 =	simm.s32 $0x0  }
0xe3: {  	v2 =	vld [tilespmem:s31+$0x0];
	_ =	sdelay $0x4  }
0xe4: {  	v2 =	vshra.s32 v2, $0xE  }
0xe5: {  	[tilespmem:$0x2900] =	vst v2  }
0xe6: {  	v2 =	vld [tilespmem:s31+$0x10];
	_ =	sdelay $0x4  }
0xe7: {  	v2 =	vshra.s32 v2, $0xE  }
0xe8: {  	[tilespmem:$0x2910] =	vst v2  }
0xe9: {  	v2 =	vld [tilespmem:s31+$0x20];
	_ =	sdelay $0x4  }
0xea: {  	v2 =	vshra.s32 v2, $0xE  }
0xeb: {  	[tilespmem:$0x2920] =	vst v2  }
0xec: {  	v2 =	vld [tilespmem:s31+$0x30];
	_ =	sdelay $0x4  }
0xed: {  	v2 =	vshra.s32 v2, $0xE  }
0xee: {  	[tilespmem:$0x2930] =	vst v2  }
0xef: {  	v2 =	vld [tilespmem:s31+$0x40];
	_ =	sdelay $0x4  }
0xf0: {  	v2 =	vshra.s32 v2, $0xE  }
0xf1: {  	[tilespmem:$0x2940] =	vst v2  }
0xf2: {  	v2 =	vld [tilespmem:s31+$0x50];
	_ =	sdelay $0x4  }
0xf3: {  	v2 =	vshra.s32 v2, $0xE  }
0xf4: {  	[tilespmem:$0x2950] =	vst v2  }
0xf5: {  	v2 =	vld [tilespmem:s31+$0x60];
	_ =	sdelay $0x4  }
0xf6: {  	v2 =	vshra.s32 v2, $0xE  }
0xf7: {  	[tilespmem:$0x2960] =	vst v2  }
0xf8: {  	v2 =	vld [tilespmem:s31+$0x70];
	_ =	sdelay $0x4  }
0xf9: {  	v2 =	vshra.s32 v2, $0xE  }
0xfa: {  	[tilespmem:$0x2970] =	vst v2  }
0xfb: {  	[spmem:s2] =	stream.indirect.scatter.add.f32 [tilespmem:s15], [sflag:$0x2], $0x80, s19, s16, $0xb8;
	[tilespmem:$0x1E600] =	vst v63  }
0xfc: {  	_ =	swait.ge [sflag:s14], $0x4000  }
0xfd: {  	s23 =	simm.s32 $0x200;
	s26 =	simm.s32 $0x400;
	[sflag:s14] =	ssyncset.done $0x0  }
.LBB2_10:
0xfe: {  	s25 =	sshra.s32 s23, $0x2  }
0xff: {  	[sflag:s14] =	ssyncadd.s32 $0xFFFFC000;
	s23 =	smov.u32 s26;
	s24 =	sadd.s32 $0x200, s26  }
0x100: {  	p0 =	sne.s32 s26, $0x9C00;
	v2 =	vld [tilespmem:s25+$0x0];
	_ =	sdelay $0x4  }
0x101: {  	v2 =	vshra.s32 v2, $0xE  }
0x102: {  	[tilespmem:$0x2900] =	vst v2  }
0x103: {  	v2 =	vld [tilespmem:s25+$0x10];
	_ =	sdelay $0x4  }
0x104: {  	v2 =	vshra.s32 v2, $0xE  }
0x105: {  	[tilespmem:$0x2910] =	vst v2  }
0x106: {  	v2 =	vld [tilespmem:s25+$0x20];
	_ =	sdelay $0x4  }
0x107: {  	v2 =	vshra.s32 v2, $0xE  }
0x108: {  	[tilespmem:$0x2920] =	vst v2  }
0x109: {  	v2 =	vld [tilespmem:s25+$0x30];
	_ =	sdelay $0x4  }
0x10a: {  	v2 =	vshra.s32 v2, $0xE  }
0x10b: {  	[tilespmem:$0x2930] =	vst v2  }
0x10c: {  	v2 =	vld [tilespmem:s25+$0x40];
	_ =	sdelay $0x4  }
0x10d: {  	v2 =	vshra.s32 v2, $0xE  }
0x10e: {  	[tilespmem:$0x2940] =	vst v2  }
0x10f: {  	v2 =	vld [tilespmem:s25+$0x50];
	_ =	sdelay $0x4  }
0x110: {  	v2 =	vshra.s32 v2, $0xE  }
0x111: {  	[tilespmem:$0x2950] =	vst v2  }
0x112: {  	v2 =	vld [tilespmem:s25+$0x60];
	_ =	sdelay $0x4  }
0x113: {  	v2 =	vshra.s32 v2, $0xE  }
0x114: {  	[tilespmem:$0x2960] =	vst v2  }
0x115: {  	v2 =	vld [tilespmem:s25+$0x70];
	_ =	sdelay $0x4  }
.Ltmp4:
0x116: {  	v2 =	vshra.s32 v2, $0xE;
	(pc) =	sbr.rel @p0 .LBB2_10-.Ltmp4, $4  }
0x117: {  	[tilespmem:$0x2970] =	vst v2  }
0x118: {  	[spmem:s2] =	stream.indirect.scatter.add.f32 [tilespmem:s15], [sflag:$0x2], $0x80, s19, s16, $0xb8;
	[tilespmem:$0x1E600] =	vst v63  }
0x119: {  	_ =	swait.ge [sflag:s14], $0x4000  }
0x11a: {  	s26 =	smov.u32 s24;
	[sflag:s14] =	ssyncset.done $0x0  }
0x11b: {  	s23 =	sshra.s32 s23, $0x2;
	[sflag:s14] =	ssyncadd.s32 $0xFFFFC000  }
0x11c: {  	v2 =	vld [tilespmem:s23+$0x0];
	_ =	sdelay $0x4  }
0x11d: {  	v2 =	vshra.s32 v2, $0xE  }
0x11e: {  	[tilespmem:$0x2900] =	vst v2  }
0x11f: {  	v2 =	vld [tilespmem:s23+$0x10];
	_ =	sdelay $0x4  }
0x120: {  	v2 =	vshra.s32 v2, $0xE  }
0x121: {  	[tilespmem:$0x2910] =	vst v2  }
0x122: {  	v2 =	vld [tilespmem:s23+$0x20];
	_ =	sdelay $0x4  }
0x123: {  	v2 =	vshra.s32 v2, $0xE  }
0x124: {  	[tilespmem:$0x2920] =	vst v2  }
0x125: {  	v2 =	vld [tilespmem:s23+$0x30];
	_ =	sdelay $0x4  }
0x126: {  	v2 =	vshra.s32 v2, $0xE  }
0x127: {  	[tilespmem:$0x2930] =	vst v2  }
0x128: {  	v2 =	vld [tilespmem:s23+$0x40];
	_ =	sdelay $0x4  }
0x129: {  	v2 =	vshra.s32 v2, $0xE  }
0x12a: {  	[tilespmem:$0x2940] =	vst v2  }
0x12b: {  	v2 =	vld [tilespmem:s23+$0x50];
	_ =	sdelay $0x4  }
0x12c: {  	v2 =	vshra.s32 v2, $0xE  }
0x12d: {  	[tilespmem:$0x2950] =	vst v2  }
0x12e: {  	v2 =	vld [tilespmem:s23+$0x60];
	_ =	sdelay $0x4  }
0x12f: {  	v2 =	vshra.s32 v2, $0xE  }
0x130: {  	[tilespmem:$0x2960] =	vst v2  }
0x131: {  	v2 =	vld [tilespmem:s23+$0x70];
	_ =	sdelay $0x4  }
0x132: {  	v2 =	vshra.s32 v2, $0xE  }
0x133: {  	[tilespmem:$0x2970] =	vst v2  }
0x134: {  	[spmem:s2] =	stream.indirect.scatter.add.f32 [tilespmem:s15], [sflag:$0x2], $0x80, s19, s16, $0xb8;
	[tilespmem:$0x1E600] =	vst v63  }
0x135: {  	_ =	swait.ge [sflag:s14], $0x4000  }
0x136: {  	s20 =	sadd.s32 $0x1, s20;
	[sflag:s14] =	ssyncset.done $0x0  }
0x137: {  	p0 =	sne.s32 s20, s13;
	[sflag:s14] =	ssyncadd.s32 $0xFFFFC000  }
.Ltmp5:
0x138: {  	[bflag:$0x0] =	sbarrier.arrive $0xFFFF;
	(pc) =	sbr.rel @p0 .LBB2_1-.Ltmp5, $4  }
0x139: {  	[hbm:s12], [sflag:s21] =	dma.local [spmem:s22], $0x2780  }
0x13a: {  	_ =	swait.ge [sflag:s14], $0x2780  }
0x13b: {  	[sflag:s14] =	ssyncset.done $0x0  }
0x13c: {  	[sflag:s14] =	ssyncadd.s32 $0xFFFFD880  }
0x13d: {  	_ =	sfence.sel $0x180000  }
0x13e: {  	[bflag:$0x0] =	sbarrier.arrive $0xFFFF  }
0x13f: {  	p0 =	sne.s32 s1, $0x0;
	_ =	strace $0x90000047  }
0x140: {  	s0 =	sadd.s32 @!p0 $0x100000, s0;
	[bflag:$0x2] =	sbarrier.arrive $0xFFFF  }
0x141: {  	[sflag:s0] =	ssyncadd.tile.s32 @!p0 $0x1;
	_ =	shalt  }
.Lfunc_end2:
_tile_overlayer_lowered:
.L_overlay_start_2:
0x142: {  	(tag) =	ssettag $0x2  }
0x143: {  	s0 =	rddreg [dreg:$0x0];
	s2 =	stileid.u32  }
0x144: {  	s1 =	rddreg [dreg:$0x1];
	p0 =	sne.s32 s2, $0x0  }
0x145: {  	s3 =	rddreg [dreg:$0x2];
	[bflag:$0x3] =	sbarrier.arrive $0xFFFF;
	s2 =	simm.s32 @!p0 $0x1C02  }
0x146: {  	[timem:s3], [sflag:s2] =	dma.local @!p0 [hbm:s0], s1  }
0x147: {  	s0 =	simm.s32 @!p0 $0x2  }
0x148: {  	_ =	swait.ge @!p0 [sflag:s0], s1  }
0x149: {  	s1 =	ssub.s32 @!p0 $0x0, s1;
	[sflag:s0] =	ssyncset.done @!p0 $0x0  }
0x14a: {  	[sflag:s0] =	ssyncadd.s32 @!p0 s1  }
0x14b: {  	[bflag:$0x3] =	sbarrier.arrive $0xFFFF  }
0x14c: {  	_ =	shalt  }

// kernel: kernel.17.cloned.1.call-start
scs
__scs_entry_jumppad:
0x0: {  	(pc) =	sbr.rel $0x88, $3  }
0x1: {  	(tag) =	ssettag $0x0;
	lr =	simm.s32 $0x1  }
0x2: {  	[smem:$0x3F91] =	sst lr;
	_ =	strace $0xD0000000  }
0x3: {  	_ = 	snop  }
0x4: {  	_ = 	snop  }
0x5: {  	_ = 	snop  }
0x6: {  	_ = 	snop  }
0x7: {  	_ = 	snop  }
__scs_overlays_trampoline_lowered:
0x8: {  	[smem:$0x3FA0] =	sst s0  }
0x9: {  	[smem:$0x3FA1] =	sst s1  }
0xa: {  	[smem:$0x3FA2] =	sst s2  }
0xb: {  	[smem:$0x3FA3] =	sst s3  }
0xc: {  	[smem:$0x3FA4] =	sst s4  }
0xd: {  	[smem:$0x3FA5] =	sst s5  }
0xe: {  	[smem:$0x3FA6] =	sst s6  }
0xf: {  	[smem:$0x3FA7] =	sst s7  }
0x10: {  	[smem:$0x3FA8] =	sst s8  }
0x11: {  	[smem:$0x3FA9] =	sst s9;
	s0 =	simm.s32 @!p0 $0x0  }
0x12: {  	s1 =	sld [smem:$0x3F8F];
	s0 =	simm.s32 @p0 $0x1  }
0x13: {  	[smem:$0x3FAA] =	sst s0;
	s0 =	simm.s32 @!p1 $0x0  }
0x14: {  	s2 =	sld [smem:$0x3F8E];
	s0 =	simm.s32 @p1 $0x1  }
0x15: {  	[smem:$0x3FAB] =	sst s0;
	s0 =	simm.s32 @!p2 $0x0  }
0x16: {  	s3 =	sld [smem:$0x3FDB];
	s0 =	simm.s32 @p2 $0x1  }
0x17: {  	s4 =	simm.s32 $0x1BF5;
	[smem:$0x3FAD] =	sst s0  }
0x18: {  	s0 =	sld [smem:$0x3F90];
	_ =	swait.ge [sflag:s4], $0x0  }
0x19: {  	s7 =	sld [smem:$0x3F91]  }
0x1a: {  	s8 =	sadd.s32 $0xFFFFE003, lr  }
0x1b: {  	s9 =	sadd.s32 $0xFFFFFEF7, lr;
	s5 =	simm.s32 $0xFFFFFFFF;
	p2 =	slt.u32 s8, $0xFFFFF086  }
0x1c: {  	p1 =	slt.u32 s9, $0xF7A;
	s5 =	simm.s32 @!p2 $0x0  }
0x1d: {  	s5 =	simm.s32 @p1 $0x1;
	p0 =	seq.s32 s7, s2  }
0x1e: {  	s7 =	smul.u32 @!p0 $0xF7A, s2;
	p2 =	seq.s32 @!p0 s5, $0x0  }
0x1f: {  	s9 =	smul.u32 $0xF7A, s1;
	s8 =	simm.s32 @!p0 $0x1BF5;
	p2 =	por !p2, p0  }
0x20: {  	[sflag:s8] =	ssyncset.s32 @!p0 $0xFFFFF086;
	s6 =	sadd.s32 @!p0 s3, s7;
	s7 =	simm.s32 @!p0 $0x108  }
0x21: {  	s3 =	sadd.s32 s3, s9;
	s6 =	sadd.s32 @!p0 $0x88, s6;
	s7 =	simm.s32 @p2 $0x1082  }
0x22: {  	[simem:s7], [sflag:s8] =	dma.local @!p0 [hbm:s6], $0xF7A  }
0x23: {  	s9 =	sor.u32 $0xD0000000, s2;
	s6 =	simm.s32 $0x108;
	_ =	swait.ge @!p0 [sflag:s8], $0x0  }
0x24: {  	s3 =	sadd.s32 $0x88, s3;
	s6 =	simm.s32 @!p1 $0x1082;
	[sflag:s4] =	ssyncset.s32 $0xFFFFF086  }
0x25: {  	[simem:s6], [sflag:s4] =	dma.local [hbm:s3], $0xF7A  }
0x26: {  	[smem:$0x3F91] =	sst s1;
	(tag) =	ssettag s2;
	_ =	strace s9  }
0x27: {  	s1 =	sld [smem:$0x3FA1]  }
0x28: {  	s2 =	sld [smem:$0x3FA2]  }
0x29: {  	s4 =	sld [smem:$0x3FA4]  }
0x2a: {  	p0 =	seq.s32 s5, $0x0;
	s5 =	sld [smem:$0x3FA5]  }
0x2b: {  	s6 =	sld [smem:$0x3FA6]  }
0x2c: {  	s7 =	sld [smem:$0x3FA7]  }
0x2d: {  	s3 =	simm.s32 $0x108;
	s8 =	sld [smem:$0x3FA8]  }
0x2e: {  	s3 =	simm.s32 @!p0 $0x1082;
	s9 =	sld [smem:$0x3FA9]  }
0x2f: {  	lr =	sadd.s32 s0, s3;
	s0 =	sld [smem:$0x3FA0]  }
0x30: {  	s3 =	sld [smem:$0x3FA3]  }
0x31: {  	[smem:$0x3FAC] =	sst s10  }
0x32: {  	s10 =	sld [smem:$0x3FAA];
	_ =	sdelay $0x3  }
0x33: {  	p0 =	seq.s32 s10, $0x1;
	s10 =	sld [smem:$0x3FAC];
	_ =	sdelay $0x3  }
0x34: {  	[smem:$0x3FAC] =	sst s10  }
0x35: {  	s10 =	sld [smem:$0x3FAB];
	_ =	sdelay $0x3  }
0x36: {  	p1 =	seq.s32 s10, $0x1;
	s10 =	sld [smem:$0x3FAC];
	_ =	sdelay $0x3  }
0x37: {  	[smem:$0x3FAC] =	sst s10  }
0x38: {  	s10 =	sld [smem:$0x3FAD]  }
0x39: {  	_ = 	snop;
	(pc) =	sbr.ind lr, $3  }
0x3a: {  	_ = 	snop  }
0x3b: {  	_ = 	snop  }
0x3c: {  	p2 =	seq.s32 s10, $0x1;
	s10 =	sld [smem:$0x3FAC]  }
0x3d: {  	_ =	shalt  }
0x3e: {  	_ =	shalt  }
0x3f: {  	_ =	shalt  }
0x40: {  	_ =	shalt  }
0x41: {  	_ =	shalt  }
0x42: {  	_ =	shalt  }
0x43: {  	_ =	shalt  }
0x44: {  	_ =	shalt  }
0x45: {  	_ =	shalt  }
0x46: {  	_ =	shalt  }
0x47: {  	_ =	shalt  }
0x48: {  	_ =	shalt  }
0x49: {  	_ =	shalt  }
0x4a: {  	_ =	shalt  }
0x4b: {  	_ =	shalt  }
0x4c: {  	_ =	shalt  }
0x4d: {  	_ =	shalt  }
0x4e: {  	_ =	shalt  }
0x4f: {  	_ =	shalt  }
0x50: {  	_ =	shalt  }
0x51: {  	_ =	shalt  }
0x52: {  	_ =	shalt  }
0x53: {  	_ =	shalt  }
0x54: {  	_ =	shalt  }
0x55: {  	_ =	shalt  }
0x56: {  	_ =	shalt  }
0x57: {  	_ =	shalt  }
0x58: {  	_ =	shalt  }
0x59: {  	_ =	shalt  }
0x5a: {  	_ =	shalt  }
0x5b: {  	_ =	shalt  }
0x5c: {  	_ =	shalt  }
0x5d: {  	_ =	shalt  }
0x5e: {  	_ =	shalt  }
0x5f: {  	_ =	shalt  }
0x60: {  	_ =	shalt  }
0x61: {  	_ =	shalt  }
0x62: {  	_ =	shalt  }
0x63: {  	_ =	shalt  }
0x64: {  	_ =	shalt  }
0x65: {  	_ =	shalt  }
0x66: {  	_ =	shalt  }
0x67: {  	_ =	shalt  }
0x68: {  	_ =	shalt  }
0x69: {  	_ =	shalt  }
0x6a: {  	_ =	shalt  }
0x6b: {  	_ =	shalt  }
0x6c: {  	_ =	shalt  }
0x6d: {  	_ =	shalt  }
0x6e: {  	_ =	shalt  }
0x6f: {  	_ =	shalt  }
0x70: {  	_ =	shalt  }
0x71: {  	_ =	shalt  }
0x72: {  	_ =	shalt  }
0x73: {  	_ =	shalt  }
0x74: {  	_ =	shalt  }
0x75: {  	_ =	shalt  }
0x76: {  	_ =	shalt  }
0x77: {  	_ =	shalt  }
0x78: {  	_ =	shalt  }
0x79: {  	_ =	shalt  }
0x7a: {  	_ =	shalt  }
0x7b: {  	_ =	shalt  }
0x7c: {  	_ =	shalt  }
0x7d: {  	_ =	shalt  }
0x7e: {  	_ =	shalt  }
0x7f: {  	_ =	shalt  }
0x80: {  	_ =	shalt  }
0x81: {  	_ =	shalt  }
0x82: {  	_ =	shalt  }
0x83: {  	_ =	shalt  }
0x84: {  	_ =	shalt  }
0x85: {  	_ =	shalt  }
0x86: {  	_ =	shalt  }
0x87: {  	_ =	shalt  }
.Lfunc_end0:
.L_simem_size_0:
called_computation.1_lowered:
.L_overlay_start_0:
0x88: {  	s2 =	sld [smem:$0x3FD9]  }
0x89: {  	s3 =	sld [smem:$0x3FFE];
	_ =	sdelay $0x1  }
0x8a: {  	s1 =	srdreg.scid  }
0x8b: {  	s0 =	sand.u32 $0x1, s1  }
0x8c: {  	s16 =	sshll.u32 s0, $0xA;
	s2 =	sadd.s32 s3, s2  }
0x8d: {  	s2 =	sadd.s32 s2, s16  }
0x8e: {  	[smem:$0x3FB8] =	sst s2  }
0x8f: {  	_ = 	snop  }
0x90: {  	(tm) =	ssettm $0x1  }
0x91: {  	s17 =	sld [smem:$0x3FFB];
	_ =	sdelay $0x3  }
0x92: {  	_ =	strace s17  }
0x93: {  	s2 =	sld [smem:$0x3FFC];
	_ =	sdelay $0x3  }
0x94: {  	_ =	strace s2  }
0x95: {  	s2 =	sld [smem:$0x3FFD];
	_ =	sdelay $0x3  }
0x96: {  	_ =	strace s2  }
0x97: {  	_ =	strace $0x8FFFFFFF  }
0x98: {  	s18 =	sld [smem:$0x3FDB];
	_ =	sdelay $0x1  }
0x99: {  	s19 =	simm.s32 $_scs_section_size  }
0x9a: {  	s4 =	simm.s32 $_size__tile_overlayer_lowered;
	s5 =	simm.s32 $_tile_overlayer_lowered  }
0x9b: {  	s22 =	simm.s32 $0x1BFF;
	s21 =	sshll.u32 s5, $0x1;
	s2 =	sadd.s32 s19, s18  }
0x9c: {  	s6 =	simm.s32 $0x0;
	s20 =	sshll.u32 s4, $0x1;
	s4 =	sadd.s32 s21, s2  }
0x9d: {  	[timem:s6], [sflag:s22] =	dma.local [hbm:s4], s20  }
0x9e: {  	_ =	swait.ge [sflag:s22], s20  }
0x9f: {  	s3 =	ssub.s32 $0x0, s20;
	[sflag:s22] =	ssyncset.done $0x0  }
0xa0: {  	[sflag:s22] =	ssyncadd.s32 s3;
	_ =	sdelay $0x1  }
0xa1: {  	s23 =	simm.s32 $0x1B8B  }
0xa2: {  	_ =	swait.ge [sflag:s23], $0x1  }
0xa3: {  	[sflag:s23] =	ssyncset.done $0x0  }
0xa4: {  	s25 =	simm.s32 $0x1B8E;
	s24 =	sld [smem:$0x3FFE];
	[sflag:s23] =	ssyncadd.s32 $0xFFFFFFFF  }
0xa5: {  	s26 =	simm.s32 $execute0_lowered;
	[smem:$0x3FD2] =	sst s25  }
0xa6: {  	s4 =	sshll.u32 s26, $0x1;
	_ =	strace $0x80000049;
	[dreg:$0x1] =	wrdreg $0xFFFFFFFF  }
0xa7: {  	s28 =	simm.s32 $_size_execute0_lowered;
	s2 =	sadd.s32 s2, s4;
	[dreg:$0x0] =	wrdreg $0x0  }
0xa8: {  	s4 =	sshll.u32 s28, $0x1;
	[dreg:$0x2] =	wrdreg s2  }
0xa9: {  	[dreg:$0x3] =	wrdreg s4  }
0xaa: {  	[dreg:$0x4] =	wrdreg $0xC0  }
0xab: {  	_ =	task [dreg:s6], $0x5FFFF  }
0xac: {  	[dreg:$0x1] =	wrdreg $0xFFFFFFFF  }
0xad: {  	[dreg:$0x0] =	wrdreg $0x60  }
0xae: {  	[dreg:$0x2] =	wrdreg s24  }
0xaf: {  	[dreg:$0x3] =	wrdreg $0xAA000  }
0xb0: {  	[dreg:$0x4] =	wrdreg $0x9  }
0xb1: {  	_ =	task.clear_ibuf [dreg:s6], $0x5FFFF;
	_ =	strace $0x90000049  }
0xb2: {  	s29 =	simm.s32 $0x9;
	_ =	strace $0x8000004B  }
0xb3: {  	_ =	swait.ge [sflag:s29], $0x1  }
0xb4: {  	[sflag:s29] =	ssyncadd.s32 $0xFFFFFFFF  }
0xb5: {  	_ =	strace $0x9000004B  }
0xb6: {  	_ =	sfence  }
0xb7: {  	s30 =	sld [smem:$0x0];
	_ =	sdelay $0x2  }
0xb8: {  	s31 =	sshll.u32 s1, $0xD;
	s1 =	sshrl.u32 s1, $0x2  }
0xb9: {  	s3 =	sand.u32 $0x4000, s31;
	s1 =	sadd.s32 s1, s30  }
0xba: {  	s0 =	sor.u32 s3, s0;
	s1 =	sshll.u32 s1, $0x11  }
0xbb: {  	s0 =	sor.u32 s1, s0  }
0xbc: {  	s0 =	sadd.s32 $0x8F2B, s0  }
0xbd: {  	[sflag:s0] =	ssyncadd.remote.s32 $0x1  }
0xbe: {  	_ =	sfence.sel $0xFFFF  }
0xbf: {  	[dreg:$0x0] =	wrdreg $0xFFFFFFFF;
	(pc) =	sbr.abs _section_cstart, $3  }
0xc0: {  	[dreg:$0x1] =	wrdreg $0xFFFFFFFF  }
0xc1: {  	_ =	task.clear_ibuf [dreg:s6], $0x2FFFF;
	_ =	strace $0x9FFFFFFF  }
0xc2: {  	(tm) =	ssettm $0x7FFFFFFF  }
0xc3: {  	_ =	shalt  }
tec
execute0_lowered:
.L_overlay_start_1:
0x0: {  	(tag) =	ssettag $0x1  }
0x1: {  	s5 =	rddreg [dreg:$0x0]  }
0x2: {  	s0 =	srdreg.scid;
	s2 =	rddreg [dreg:$0x1]  }
0x3: {  	s1 =	rddreg [dreg:$0x2];
	s3 =	simm.s32 $0x0;
	s13 =	simm.s32 $0x2  }
0x4: {  	s14 =	simm.s32 $0x2A00;
	s15 =	simm.s32 $0x80;
	s6 =	sand.u32 $0x1, s0  }
0x5: {  	s16 =	simm.s32 $0x2800;
	s0 =	stileid.u32;
	s7 =	smul.u32 $0x28000, s6  }
0x6: {  	s17 =	simm.s32 $0x1;
	s20 =	simm.s32 $0x0;
	s8 =	smul.u32 $0x2800, s0  }
0x7: {  	[smem:$0x7FF] =	sst s3;
	s4 =	sadd.s32 $0xD000, s5;
	s9 =	smul.u32 $0x13C000, s6  }
0x8: {  	s10 =	smul.u32 $0x13C00, s0;
	_ =	strace $0x8000004A;
	s6 =	ssub.s32 $0x2, s6  }
0x9: {  	s29 =	smul.u32 $0x4F000, s0;
	s18 =	sshll.u32 s0, $0x6;
	s30 =	sshrl.u32 s6, $0x1  }
0xa: {  	s18 =	sor.u32 $0x1C02, s18;
	s7 =	sadd.s32 s8, s7;
	s28 =	sadd.s32 s10, s9  }
0xb: {  	s31 =	sshrl.u32 s29, $0x2;
	s12 =	ssub.s32 s6, s30;
	s7 =	sshrl.u32 s7, $0x3  }
0xc: {  	s8 =	sshrl.u32 s28, $0x3;
	s6 =	sadd.s32 s31, s2;
	s12 =	smax.u32 s12, $0x1  }
0xd: {  	s7 =	sadd.s32 s7, s5;
	s11 =	sadd.s32 s8, s5;
	s8 =	sadd.s32 $0x8000, s6  }
0xe: {  	s9 =	sadd.s32 $0xC000, s6;
	s10 =	sadd.s32 $0x10000, s6;
	s19 =	sshrl.u32 s6, $0x3  }
0xf: {  	v0 =	vimm.f32 $0.0e+00;
	s5 =	sadd.s32 $0x3000, s7;
	s7 =	sadd.s32 $0x4000, s6;
	s11 =	sadd.s32 $0x34200, s11  }
.LBB2_1:
0x10: {  	[tilespmem:s3], [sflag:$0x2] =	stream.linear.gather [hbm4b:s5+s3], $0x2780, $0x38;
	[tilespmem:$0x1E600] =	vst v63  }
0x11: {  	_ =	swait.ge [sflag:s13], $0x2780  }
0x12: {  	[sflag:s13] =	ssyncset.done $0x0  }
0x13: {  	s21 =	simm.s32 $0x0;
	s22 =	simm.s32 $0x200;
	[sflag:s13] =	ssyncadd.s32 $0xFFFFD880  }
.LBB2_2:
0x14: {  	p0 =	sne.s32 s22, $0xFE00;
	[tilespmem:s21+$0x2A70] =	vst v0  }
0x15: {  	[tilespmem:s21+$0x2A00] =	vst v0  }
0x16: {  	[tilespmem:s21+$0x2A10] =	vst v0  }
.Ltmp0:
0x17: {  	[tilespmem:s21+$0x2A20] =	vst v0;
	(pc) =	sbr.rel @p0 .LBB2_2-.Ltmp0, $4  }
0x18: {  	[tilespmem:s21+$0x2A30] =	vst v0  }
0x19: {  	[tilespmem:s21+$0x2A40] =	vst v0  }
0x1a: {  	[tilespmem:s21+$0x2A50] =	vst v0  }
0x1b: {  	[tilespmem:s21+$0x2A60] =	vst v0;
	s21 =	sshra.s32 s22, $0x2;
	s22 =	sadd.s32 $0x200, s22  }
0x1c: {  	[tilespmem:s21+$0x2A70] =	vst v0  }
0x1d: {  	[tilespmem:s21+$0x2A00] =	vst v0  }
0x1e: {  	[tilespmem:s21+$0x2A10] =	vst v0  }
0x1f: {  	[tilespmem:s21+$0x2A20] =	vst v0  }
0x20: {  	[tilespmem:s21+$0x2A30] =	vst v0  }
0x21: {  	[tilespmem:s21+$0x2A40] =	vst v0  }
0x22: {  	[tilespmem:s21+$0x2A50] =	vst v0  }
0x23: {  	[tilespmem:s21+$0x2A60] =	vst v0  }
0x24: {  	[spmem:s6] =	stream.linear.scatter [tilespmem:s14], [sflag:$0x2], $0x4000, $0x38;
	[tilespmem:$0x1E600] =	vst v63  }
0x25: {  	_ =	swait.ge [sflag:s13], $0x4000  }
0x26: {  	[sflag:s13] =	ssyncset.done $0x0  }
0x27: {  	[sflag:s13] =	ssyncadd.s32 $0xFFFFC000  }
0x28: {  	[spmem:s7] =	stream.linear.scatter [tilespmem:s14], [sflag:$0x2], $0x4000, $0x38;
	[tilespmem:$0x1E600] =	vst v63  }
0x29: {  	_ =	swait.ge [sflag:s13], $0x4000  }
0x2a: {  	[sflag:s13] =	ssyncset.done $0x0  }
0x2b: {  	[sflag:s13] =	ssyncadd.s32 $0xFFFFC000  }
0x2c: {  	[spmem:s8] =	stream.linear.scatter [tilespmem:s14], [sflag:$0x2], $0x4000, $0x38;
	[tilespmem:$0x1E600] =	vst v63  }
0x2d: {  	_ =	swait.ge [sflag:s13], $0x4000  }
0x2e: {  	[sflag:s13] =	ssyncset.done $0x0  }
0x2f: {  	[sflag:s13] =	ssyncadd.s32 $0xFFFFC000  }
0x30: {  	[spmem:s9] =	stream.linear.scatter [tilespmem:s14], [sflag:$0x2], $0x4000, $0x38;
	[tilespmem:$0x1E600] =	vst v63  }
0x31: {  	_ =	swait.ge [sflag:s13], $0x4000  }
0x32: {  	[sflag:s13] =	ssyncset.done $0x0  }
0x33: {  	[sflag:s13] =	ssyncadd.s32 $0xFFFFC000  }
0x34: {  	[spmem:s10] =	stream.linear.scatter [tilespmem:s14], [sflag:$0x2], $0x3C00, $0x38;
	[tilespmem:$0x1E600] =	vst v63  }
0x35: {  	_ =	swait.ge [sflag:s13], $0x3C00  }
0x36: {  	[sflag:s13] =	ssyncset.done $0x0  }
0x37: {  	[sflag:s13] =	ssyncadd.s32 $0xFFFFC400  }
0x38: {  	[bflag:$0x0] =	sbarrier.arrive $0xFFFF  }
0x39: {  	v1 =	vld [tilespmem:$0x0];
	_ =	sdelay $0x1  }
0x3a: {  	v2 =	vld [tilespmem:$0x10];
	_ =	sdelay $0x1  }
0x3b: {  	v3 =	vld [tilespmem:$0x20]  }
0x3c: {  	v4 =	vshra.s32 v1, $0xE  }
0x3d: {  	v62 =	vld [tilespmem:$0x30];
	v1 =	vand.u32 $0x3FFF, v1;
	[tilespmem:$0x2900] =	vst v4  }
0x3e: {  	[tilespmem:$0x2800] =	vst v1;
	v1 =	vshra.s32 v2, $0xE  }
0x3f: {  	[tilespmem:$0x2910] =	vst v1;
	v1 =	vand.u32 $0x3FFF, v2;
	v2 =	vld [tilespmem:$0x40]  }
0x40: {  	[tilespmem:$0x2810] =	vst v1;
	v1 =	vshra.s32 v3, $0xE  }
0x41: {  	[tilespmem:$0x2920] =	vst v1;
	v1 =	vand.u32 $0x3FFF, v3;
	v3 =	vld [tilespmem:$0x50]  }
0x42: {  	[tilespmem:$0x2820] =	vst v1;
	v1 =	vshra.s32 v62, $0xE  }
0x43: {  	v63 =	vld [tilespmem:$0x60];
	[tilespmem:$0x2930] =	vst v1;
	v1 =	vand.u32 $0x3FFF, v62  }
0x44: {  	[tilespmem:$0x2830] =	vst v1;
	v1 =	vshra.s32 v2, $0xE  }
0x45: {  	[tilespmem:$0x2940] =	vst v1;
	v1 =	vand.u32 $0x3FFF, v2;
	v2 =	vld [tilespmem:$0x70]  }
0x46: {  	[tilespmem:$0x2840] =	vst v1;
	v1 =	vshra.s32 v3, $0xE  }
0x47: {  	[tilespmem:$0x2950] =	vst v1;
	v1 =	vand.u32 $0x3FFF, v3  }
0x48: {  	[tilespmem:$0x2850] =	vst v1;
	v1 =	vshra.s32 v63, $0xE  }
0x49: {  	[tilespmem:$0x2960] =	vst v1;
	v1 =	vand.u32 $0x3FFF, v63  }
0x4a: {  	[tilespmem:$0x2860] =	vst v1;
	v1 =	vshra.s32 v2, $0xE  }
0x4b: {  	[tilespmem:$0x2970] =	vst v1;
	v1 =	vand.u32 $0x3FFF, v2  }
0x4c: {  	[tilespmem:$0x2870] =	vst v1  }
0x4d: {  	[tilespmem:s14], [sflag:$0x1] =	stream.indirect.gather [hbm4b:s4+s15], $0x80, s16, s15, $0xb8;
	[tilespmem:$0x1E600] =	vst v63  }
0x4e: {  	_ =	swait.ge [sflag:s17], $0x4000  }
0x4f: {  	[sflag:s17] =	ssyncset.done $0x0  }
0x50: {  	s21 =	simm.s32 $0xF0;
	p0 =	por $0x0, $0x0;
	[sflag:s17] =	ssyncadd.s32 $0xFFFFC000  }
0x51: {  	v1 =	vld @!p0 [tilespmem:s21+$0xFFFFFF90];
	_ =	sdelay $0x1  }
0x52: {  	s22 =	simm.s32 $0x0  }
0x53: {  	s24 =	sand.u32 $0x1, s22  }
0x54: {  	s25 =	sxor.u32 @!p0 $0x1, s24  }
0x55: {  	s22 =	sshll.u32 @!p0 s25, $0x7;
	v2 =	vshra.s32 @!p0 v1, $0xE  }
0x56: {  	v1 =	vand.u32 @!p0 $0x3FFF, v1;
	[tilespmem:s22+$0x2900] =	vst @!p0 v2  }
0x57: {  	[tilespmem:s22+$0x2800] =	vst @!p0 v1  }
0x58: {  	v1 =	vld @!p0 [tilespmem:s21+$0xFFFFFFA0];
	_ =	sdelay $0x4  }
0x59: {  	v2 =	vshra.s32 @!p0 v1, $0xE  }
0x5a: {  	v1 =	vand.u32 @!p0 $0x3FFF, v1;
	[tilespmem:s22+$0x2910] =	vst @!p0 v2  }
0x5b: {  	[tilespmem:s22+$0x2810] =	vst @!p0 v1  }
0x5c: {  	v1 =	vld @!p0 [tilespmem:s21+$0xFFFFFFB0];
	_ =	sdelay $0x4  }
0x5d: {  	v2 =	vshra.s32 @!p0 v1, $0xE  }
0x5e: {  	v1 =	vand.u32 @!p0 $0x3FFF, v1;
	[tilespmem:s22+$0x2920] =	vst @!p0 v2  }
0x5f: {  	[tilespmem:s22+$0x2820] =	vst @!p0 v1  }
0x60: {  	v1 =	vld @!p0 [tilespmem:s21+$0xFFFFFFC0];
	_ =	sdelay $0x4  }
0x61: {  	v2 =	vshra.s32 @!p0 v1, $0xE  }
0x62: {  	v1 =	vand.u32 @!p0 $0x3FFF, v1;
	[tilespmem:s22+$0x2930] =	vst @!p0 v2  }
0x63: {  	[tilespmem:s22+$0x2830] =	vst @!p0 v1  }
0x64: {  	v1 =	vld @!p0 [tilespmem:s21+$0xFFFFFFD0];
	_ =	sdelay $0x4  }
0x65: {  	v2 =	vshra.s32 @!p0 v1, $0xE  }
0x66: {  	v1 =	vand.u32 @!p0 $0x3FFF, v1;
	[tilespmem:s22+$0x2940] =	vst @!p0 v2  }
0x67: {  	[tilespmem:s22+$0x2840] =	vst @!p0 v1  }
0x68: {  	v1 =	vld @!p0 [tilespmem:s21+$0xFFFFFFE0];
	_ =	sdelay $0x4  }
0x69: {  	v2 =	vshra.s32 @!p0 v1, $0xE  }
0x6a: {  	v1 =	vand.u32 @!p0 $0x3FFF, v1;
	[tilespmem:s22+$0x2950] =	vst @!p0 v2  }
0x6b: {  	[tilespmem:s22+$0x2850] =	vst @!p0 v1  }
0x6c: {  	v1 =	vld @!p0 [tilespmem:s21+$0xFFFFFFF0];
	_ =	sdelay $0x4  }
0x6d: {  	v2 =	vshra.s32 @!p0 v1, $0xE  }
0x6e: {  	v1 =	vand.u32 @!p0 $0x3FFF, v1;
	[tilespmem:s22+$0x2960] =	vst @!p0 v2  }
0x6f: {  	s23 =	simm.s32 $0x1;
	s29 =	simm.s32 @!p0 $0x80;
	s26 =	sshll.u32 s24, $0xE;
	[tilespmem:s22+$0x2860] =	vst @!p0 v1  }
0x70: {  	s28 =	sshll.u32 s24, $0x7;
	s25 =	sshll.u32 @!p0 s25, $0xE;
	s26 =	sor.u32 $0x2A00, s26;
	v1 =	vld @!p0 [tilespmem:s21+$0x0]  }
0x71: {  	s28 =	sor.u32 $0x2900, s28;
	s24 =	sor.u32 @!p0 $0x2800, s22;
	s25 =	sor.u32 @!p0 $0x2A00, s25  }
.LBB2_4:
0x72: {  	_ =	sdelay $0x2  }
0x73: {  	s21 =	sadd.s32 $0x80, s21;
	s30 =	smov.u32 s23;
	s23 =	sadd.s32 $0x1, s23;
	v2 =	vshra.s32 @!p0 v1, $0xE;
	v1 =	vand.u32 @!p0 $0x3FFF, v1  }
0x74: {  	p1 =	sne.s32 s23, $0x4F;
	[tilespmem:s22+$0x2970] =	vst @!p0 v2  }
0x75: {  	[tilespmem:s22+$0x2870] =	vst @!p0 v1  }
0x76: {  	[tilespmem:s25], [sflag:$0x1] =	stream.indirect.gather @!p0 [hbm4b:s4+s29], $0x80, s24, s29, $0xb8;
	[tilespmem:$0x1E600] =	vst v63  }
0x77: {  	_ = 	snop  }
0x78: {  	[spmem:s2] =	stream.indirect.scatter.add.f32 [tilespmem:s26], [sflag:$0x2], $0x80, s28, s15, $0xb8;
	[tilespmem:$0x1E600] =	vst v63  }
0x79: {  	_ =	swait.ge [sflag:s13], $0x4000  }
0x7a: {  	[sflag:s13] =	ssyncset.done $0x0  }
0x7b: {  	[sflag:s13] =	ssyncadd.s32 $0xFFFFC000  }
0x7c: {  	_ =	swait.ge [sflag:s17], $0x4000  }
0x7d: {  	[sflag:s17] =	ssyncset.done $0x0  }
0x7e: {  	p0 =	seq.s32 s30, $0x4E;
	[sflag:s17] =	ssyncadd.s32 $0xFFFFC000  }
0x7f: {  	v1 =	vld @!p0 [tilespmem:s21+$0xFFFFFF90];
	_ =	sdelay $0x2  }
0x80: {  	s22 =	sand.u32 $0x1, s30  }
0x81: {  	s24 =	sxor.u32 @!p0 $0x1, s22;
	s26 =	sshll.u32 s22, $0xE;
	s28 =	sshll.u32 s22, $0x7  }
0x82: {  	s22 =	sshll.u32 @!p0 s24, $0x7;
	s25 =	sshll.u32 @!p0 s24, $0xE;
	v2 =	vshra.s32 @!p0 v1, $0xE;
	v1 =	vand.u32 @!p0 $0x3FFF, v1  }
0x83: {  	s24 =	sor.u32 @!p0 $0x2800, s22;
	s25 =	sor.u32 @!p0 $0x2A00, s25;
	[tilespmem:s22+$0x2900] =	vst @!p0 v2  }
0x84: {  	[tilespmem:s22+$0x2800] =	vst @!p0 v1  }
0x85: {  	v1 =	vld @!p0 [tilespmem:s21+$0xFFFFFFA0];
	_ =	sdelay $0x4  }
0x86: {  	v2 =	vshra.s32 @!p0 v1, $0xE;
	v1 =	vand.u32 @!p0 $0x3FFF, v1  }
0x87: {  	[tilespmem:s22+$0x2910] =	vst @!p0 v2  }
0x88: {  	[tilespmem:s22+$0x2810] =	vst @!p0 v1  }
0x89: {  	v1 =	vld @!p0 [tilespmem:s21+$0xFFFFFFB0];
	_ =	sdelay $0x4  }
0x8a: {  	v2 =	vshra.s32 @!p0 v1, $0xE;
	v1 =	vand.u32 @!p0 $0x3FFF, v1  }
0x8b: {  	[tilespmem:s22+$0x2920] =	vst @!p0 v2  }
0x8c: {  	[tilespmem:s22+$0x2820] =	vst @!p0 v1  }
0x8d: {  	v1 =	vld @!p0 [tilespmem:s21+$0xFFFFFFC0];
	_ =	sdelay $0x4  }
0x8e: {  	v2 =	vshra.s32 @!p0 v1, $0xE;
	v1 =	vand.u32 @!p0 $0x3FFF, v1  }
0x8f: {  	[tilespmem:s22+$0x2930] =	vst @!p0 v2  }
0x90: {  	[tilespmem:s22+$0x2830] =	vst @!p0 v1  }
0x91: {  	v1 =	vld @!p0 [tilespmem:s21+$0xFFFFFFD0];
	_ =	sdelay $0x4  }
0x92: {  	v2 =	vshra.s32 @!p0 v1, $0xE;
	v1 =	vand.u32 @!p0 $0x3FFF, v1  }
0x93: {  	[tilespmem:s22+$0x2940] =	vst @!p0 v2  }
0x94: {  	[tilespmem:s22+$0x2840] =	vst @!p0 v1  }
0x95: {  	v1 =	vld @!p0 [tilespmem:s21+$0xFFFFFFE0];
	_ =	sdelay $0x4  }
0x96: {  	v2 =	vshra.s32 @!p0 v1, $0xE;
	v1 =	vand.u32 @!p0 $0x3FFF, v1  }
0x97: {  	[tilespmem:s22+$0x2950] =	vst @!p0 v2  }
0x98: {  	[tilespmem:s22+$0x2850] =	vst @!p0 v1  }
0x99: {  	v1 =	vld @!p0 [tilespmem:s21+$0xFFFFFFF0];
	_ =	sdelay $0x4  }
.Ltmp1:
0x9a: {  	v2 =	vshra.s32 @!p0 v1, $0xE;
	v1 =	vand.u32 @!p0 $0x3FFF, v1;
	(pc) =	sbr.rel @p1 .LBB2_4-.Ltmp1, $4  }
0x9b: {  	[tilespmem:s22+$0x2960] =	vst @!p0 v2  }
0x9c: {  	s29 =	simm.s32 @!p0 $0x80;
	[tilespmem:s22+$0x2860] =	vst @!p0 v1  }
0x9d: {  	v1 =	vld @!p0 [tilespmem:s21+$0x0]  }
0x9e: {  	s26 =	sor.u32 $0x2A00, s26;
	s28 =	sor.u32 $0x2900, s28  }
0x9f: {  	_ =	sdelay $0x2  }
0xa0: {  	v2 =	vshra.s32 @!p0 v1, $0xE  }
0xa1: {  	v1 =	vand.u32 @!p0 $0x3FFF, v1;
	[tilespmem:s22+$0x2970] =	vst @!p0 v2  }
0xa2: {  	[tilespmem:s22+$0x2870] =	vst @!p0 v1  }
0xa3: {  	[tilespmem:s25], [sflag:$0x1] =	stream.indirect.gather @!p0 [hbm4b:s4+s29], $0x80, s24, s29, $0xb8;
	[tilespmem:$0x1E600] =	vst v63  }
0xa4: {  	_ = 	snop  }
0xa5: {  	[spmem:s2] =	stream.indirect.scatter.add.f32 [tilespmem:s26], [sflag:$0x2], $0x80, s28, s15, $0xb8;
	[tilespmem:$0x1E600] =	vst v63  }
0xa6: {  	_ =	swait.ge [sflag:s13], $0x4000  }
0xa7: {  	s20 =	sadd.s32 $0x1, s20;
	[sflag:s13] =	ssyncset.done $0x0  }
0xa8: {  	p0 =	sne.s32 s20, s12;
	[sflag:s13] =	ssyncadd.s32 $0xFFFFC000  }
.Ltmp2:
0xa9: {  	[bflag:$0x0] =	sbarrier.arrive $0xFFFF;
	(pc) =	sbr.rel @p0 .LBB2_1-.Ltmp2, $4  }
0xaa: {  	[hbm:s11], [sflag:s18] =	dma.local [spmem:s19], $0x2780  }
0xab: {  	_ =	swait.ge [sflag:s13], $0x2780  }
0xac: {  	[sflag:s13] =	ssyncset.done $0x0  }
0xad: {  	[sflag:s13] =	ssyncadd.s32 $0xFFFFD880  }
0xae: {  	_ =	sfence.sel $0x180000  }
0xaf: {  	[bflag:$0x0] =	sbarrier.arrive $0xFFFF  }
0xb0: {  	p0 =	sne.s32 s0, $0x0;
	_ =	strace $0x9000004A  }
0xb1: {  	s0 =	sadd.s32 @!p0 $0x100000, s1;
	[bflag:$0x2] =	sbarrier.arrive $0xFFFF  }
0xb2: {  	[sflag:s0] =	ssyncadd.tile.s32 @!p0 $0x1;
	_ =	shalt  }
.Lfunc_end2:
_tile_overlayer_lowered:
.L_overlay_start_2:
0xb3: {  	(tag) =	ssettag $0x2  }
0xb4: {  	s0 =	rddreg [dreg:$0x0];
	s2 =	stileid.u32  }
0xb5: {  	s1 =	rddreg [dreg:$0x1];
	p0 =	sne.s32 s2, $0x0  }
0xb6: {  	s3 =	rddreg [dreg:$0x2];
	[bflag:$0x3] =	sbarrier.arrive $0xFFFF;
	s2 =	simm.s32 @!p0 $0x1C02  }
0xb7: {  	[timem:s3], [sflag:s2] =	dma.local @!p0 [hbm:s0], s1  }
0xb8: {  	s0 =	simm.s32 @!p0 $0x2  }
0xb9: {  	_ =	swait.ge @!p0 [sflag:s0], s1  }
0xba: {  	s1 =	ssub.s32 @!p0 $0x0, s1;
	[sflag:s0] =	ssyncset.done @!p0 $0x0  }
0xbb: {  	[sflag:s0] =	ssyncadd.s32 @!p0 s1  }
0xbc: {  	[bflag:$0x3] =	sbarrier.arrive $0xFFFF  }
0xbd: {  	_ =	shalt  }

// kernel: kernel.20.cloned.1.call-start
scs
__scs_entry_jumppad:
0x0: {  	(pc) =	sbr.rel $0x88, $3  }
0x1: {  	(tag) =	ssettag $0x0;
	lr =	simm.s32 $0x1  }
0x2: {  	[smem:$0x3F91] =	sst lr;
	_ =	strace $0xD0000000  }
0x3: {  	_ = 	snop  }
0x4: {  	_ = 	snop  }
0x5: {  	_ = 	snop  }
0x6: {  	_ = 	snop  }
0x7: {  	_ = 	snop  }
__scs_overlays_trampoline_lowered:
0x8: {  	[smem:$0x3FA0] =	sst s0  }
0x9: {  	[smem:$0x3FA1] =	sst s1  }
0xa: {  	[smem:$0x3FA2] =	sst s2  }
0xb: {  	[smem:$0x3FA3] =	sst s3  }
0xc: {  	[smem:$0x3FA4] =	sst s4  }
0xd: {  	[smem:$0x3FA5] =	sst s5  }
0xe: {  	[smem:$0x3FA6] =	sst s6  }
0xf: {  	[smem:$0x3FA7] =	sst s7  }
0x10: {  	[smem:$0x3FA8] =	sst s8  }
0x11: {  	[smem:$0x3FA9] =	sst s9;
	s0 =	simm.s32 @!p0 $0x0  }
0x12: {  	s1 =	sld [smem:$0x3F8F];
	s0 =	simm.s32 @p0 $0x1  }
0x13: {  	[smem:$0x3FAA] =	sst s0;
	s0 =	simm.s32 @!p1 $0x0  }
0x14: {  	s2 =	sld [smem:$0x3F8E];
	s0 =	simm.s32 @p1 $0x1  }
0x15: {  	[smem:$0x3FAB] =	sst s0;
	s0 =	simm.s32 @!p2 $0x0  }
0x16: {  	s3 =	sld [smem:$0x3FDB];
	s0 =	simm.s32 @p2 $0x1  }
0x17: {  	s4 =	simm.s32 $0x1BF5;
	[smem:$0x3FAD] =	sst s0  }
0x18: {  	s0 =	sld [smem:$0x3F90];
	_ =	swait.ge [sflag:s4], $0x0  }
0x19: {  	s7 =	sld [smem:$0x3F91]  }
0x1a: {  	s8 =	sadd.s32 $0xFFFFE003, lr  }
0x1b: {  	s9 =	sadd.s32 $0xFFFFFEF7, lr;
	s5 =	simm.s32 $0xFFFFFFFF;
	p2 =	slt.u32 s8, $0xFFFFF086  }
0x1c: {  	p1 =	slt.u32 s9, $0xF7A;
	s5 =	simm.s32 @!p2 $0x0  }
0x1d: {  	s5 =	simm.s32 @p1 $0x1;
	p0 =	seq.s32 s7, s2  }
0x1e: {  	s7 =	smul.u32 @!p0 $0xF7A, s2;
	p2 =	seq.s32 @!p0 s5, $0x0  }
0x1f: {  	s9 =	smul.u32 $0xF7A, s1;
	s8 =	simm.s32 @!p0 $0x1BF5;
	p2 =	por !p2, p0  }
0x20: {  	[sflag:s8] =	ssyncset.s32 @!p0 $0xFFFFF086;
	s6 =	sadd.s32 @!p0 s3, s7;
	s7 =	simm.s32 @!p0 $0x108  }
0x21: {  	s3 =	sadd.s32 s3, s9;
	s6 =	sadd.s32 @!p0 $0x88, s6;
	s7 =	simm.s32 @p2 $0x1082  }
0x22: {  	[simem:s7], [sflag:s8] =	dma.local @!p0 [hbm:s6], $0xF7A  }
0x23: {  	s9 =	sor.u32 $0xD0000000, s2;
	s6 =	simm.s32 $0x108;
	_ =	swait.ge @!p0 [sflag:s8], $0x0  }
0x24: {  	s3 =	sadd.s32 $0x88, s3;
	s6 =	simm.s32 @!p1 $0x1082;
	[sflag:s4] =	ssyncset.s32 $0xFFFFF086  }
0x25: {  	[simem:s6], [sflag:s4] =	dma.local [hbm:s3], $0xF7A  }
0x26: {  	[smem:$0x3F91] =	sst s1;
	(tag) =	ssettag s2;
	_ =	strace s9  }
0x27: {  	s1 =	sld [smem:$0x3FA1]  }
0x28: {  	s2 =	sld [smem:$0x3FA2]  }
0x29: {  	s4 =	sld [smem:$0x3FA4]  }
0x2a: {  	p0 =	seq.s32 s5, $0x0;
	s5 =	sld [smem:$0x3FA5]  }
0x2b: {  	s6 =	sld [smem:$0x3FA6]  }
0x2c: {  	s7 =	sld [smem:$0x3FA7]  }
0x2d: {  	s3 =	simm.s32 $0x108;
	s8 =	sld [smem:$0x3FA8]  }
0x2e: {  	s3 =	simm.s32 @!p0 $0x1082;
	s9 =	sld [smem:$0x3FA9]  }
0x2f: {  	lr =	sadd.s32 s0, s3;
	s0 =	sld [smem:$0x3FA0]  }
0x30: {  	s3 =	sld [smem:$0x3FA3]  }
0x31: {  	[smem:$0x3FAC] =	sst s10  }
0x32: {  	s10 =	sld [smem:$0x3FAA];
	_ =	sdelay $0x3  }
0x33: {  	p0 =	seq.s32 s10, $0x1;
	s10 =	sld [smem:$0x3FAC];
	_ =	sdelay $0x3  }
0x34: {  	[smem:$0x3FAC] =	sst s10  }
0x35: {  	s10 =	sld [smem:$0x3FAB];
	_ =	sdelay $0x3  }
0x36: {  	p1 =	seq.s32 s10, $0x1;
	s10 =	sld [smem:$0x3FAC];
	_ =	sdelay $0x3  }
0x37: {  	[smem:$0x3FAC] =	sst s10  }
0x38: {  	s10 =	sld [smem:$0x3FAD]  }
0x39: {  	_ = 	snop;
	(pc) =	sbr.ind lr, $3  }
0x3a: {  	_ = 	snop  }
0x3b: {  	_ = 	snop  }
0x3c: {  	p2 =	seq.s32 s10, $0x1;
	s10 =	sld [smem:$0x3FAC]  }
0x3d: {  	_ =	shalt  }
0x3e: {  	_ =	shalt  }
0x3f: {  	_ =	shalt  }
0x40: {  	_ =	shalt  }
0x41: {  	_ =	shalt  }
0x42: {  	_ =	shalt  }
0x43: {  	_ =	shalt  }
0x44: {  	_ =	shalt  }
0x45: {  	_ =	shalt  }
0x46: {  	_ =	shalt  }
0x47: {  	_ =	shalt  }
0x48: {  	_ =	shalt  }
0x49: {  	_ =	shalt  }
0x4a: {  	_ =	shalt  }
0x4b: {  	_ =	shalt  }
0x4c: {  	_ =	shalt  }
0x4d: {  	_ =	shalt  }
0x4e: {  	_ =	shalt  }
0x4f: {  	_ =	shalt  }
0x50: {  	_ =	shalt  }
0x51: {  	_ =	shalt  }
0x52: {  	_ =	shalt  }
0x53: {  	_ =	shalt  }
0x54: {  	_ =	shalt  }
0x55: {  	_ =	shalt  }
0x56: {  	_ =	shalt  }
0x57: {  	_ =	shalt  }
0x58: {  	_ =	shalt  }
0x59: {  	_ =	shalt  }
0x5a: {  	_ =	shalt  }
0x5b: {  	_ =	shalt  }
0x5c: {  	_ =	shalt  }
0x5d: {  	_ =	shalt  }
0x5e: {  	_ =	shalt  }
0x5f: {  	_ =	shalt  }
0x60: {  	_ =	shalt  }
0x61: {  	_ =	shalt  }
0x62: {  	_ =	shalt  }
0x63: {  	_ =	shalt  }
0x64: {  	_ =	shalt  }
0x65: {  	_ =	shalt  }
0x66: {  	_ =	shalt  }
0x67: {  	_ =	shalt  }
0x68: {  	_ =	shalt  }
0x69: {  	_ =	shalt  }
0x6a: {  	_ =	shalt  }
0x6b: {  	_ =	shalt  }
0x6c: {  	_ =	shalt  }
0x6d: {  	_ =	shalt  }
0x6e: {  	_ =	shalt  }
0x6f: {  	_ =	shalt  }
0x70: {  	_ =	shalt  }
0x71: {  	_ =	shalt  }
0x72: {  	_ =	shalt  }
0x73: {  	_ =	shalt  }
0x74: {  	_ =	shalt  }
0x75: {  	_ =	shalt  }
0x76: {  	_ =	shalt  }
0x77: {  	_ =	shalt  }
0x78: {  	_ =	shalt  }
0x79: {  	_ =	shalt  }
0x7a: {  	_ =	shalt  }
0x7b: {  	_ =	shalt  }
0x7c: {  	_ =	shalt  }
0x7d: {  	_ =	shalt  }
0x7e: {  	_ =	shalt  }
0x7f: {  	_ =	shalt  }
0x80: {  	_ =	shalt  }
0x81: {  	_ =	shalt  }
0x82: {  	_ =	shalt  }
0x83: {  	_ =	shalt  }
0x84: {  	_ =	shalt  }
0x85: {  	_ =	shalt  }
0x86: {  	_ =	shalt  }
0x87: {  	_ =	shalt  }
.Lfunc_end0:
.L_simem_size_0:
called_computation.2_lowered:
.L_overlay_start_0:
0x88: {  	s2 =	sld [smem:$0x3FD9]  }
0x89: {  	s3 =	sld [smem:$0x3FFE];
	_ =	sdelay $0x1  }
0x8a: {  	s1 =	srdreg.scid  }
0x8b: {  	s0 =	sand.u32 $0x1, s1  }
0x8c: {  	s16 =	sshll.u32 s0, $0xA;
	s2 =	sadd.s32 s3, s2  }
0x8d: {  	s2 =	sadd.s32 s2, s16  }
0x8e: {  	[smem:$0x3FB8] =	sst s2  }
0x8f: {  	_ = 	snop  }
0x90: {  	(tm) =	ssettm $0x1  }
0x91: {  	s17 =	sld [smem:$0x3FFB];
	_ =	sdelay $0x3  }
0x92: {  	_ =	strace s17  }
0x93: {  	s2 =	sld [smem:$0x3FFC];
	_ =	sdelay $0x3  }
0x94: {  	_ =	strace s2  }
0x95: {  	s2 =	sld [smem:$0x3FFD];
	_ =	sdelay $0x3  }
0x96: {  	_ =	strace s2  }
0x97: {  	_ =	strace $0x8FFFFFFF  }
0x98: {  	s18 =	sld [smem:$0x3FDB];
	_ =	sdelay $0x1  }
0x99: {  	s19 =	simm.s32 $_scs_section_size  }
0x9a: {  	s4 =	simm.s32 $_size__tile_overlayer_lowered;
	s5 =	simm.s32 $_tile_overlayer_lowered  }
0x9b: {  	s22 =	simm.s32 $0x1BFF;
	s21 =	sshll.u32 s5, $0x1;
	s2 =	sadd.s32 s19, s18  }
0x9c: {  	s6 =	simm.s32 $0x0;
	s20 =	sshll.u32 s4, $0x1;
	s4 =	sadd.s32 s21, s2  }
0x9d: {  	[timem:s6], [sflag:s22] =	dma.local [hbm:s4], s20  }
0x9e: {  	_ =	swait.ge [sflag:s22], s20  }
0x9f: {  	s3 =	ssub.s32 $0x0, s20;
	[sflag:s22] =	ssyncset.done $0x0  }
0xa0: {  	[sflag:s22] =	ssyncadd.s32 s3;
	_ =	sdelay $0x1  }
0xa1: {  	s23 =	simm.s32 $0x1B8B  }
0xa2: {  	_ =	swait.ge [sflag:s23], $0x1  }
0xa3: {  	[sflag:s23] =	ssyncset.done $0x0  }
0xa4: {  	s25 =	simm.s32 $0x1B8E;
	s24 =	sld [smem:$0x3FFE];
	[sflag:s23] =	ssyncadd.s32 $0xFFFFFFFF  }
0xa5: {  	s26 =	simm.s32 $execute0_lowered;
	[smem:$0x3FD2] =	sst s25  }
0xa6: {  	s4 =	sshll.u32 s26, $0x1;
	_ =	strace $0x8000004C;
	[dreg:$0x1] =	wrdreg $0xFFFFFFFF  }
0xa7: {  	s28 =	simm.s32 $_size_execute0_lowered;
	s2 =	sadd.s32 s2, s4;
	[dreg:$0x0] =	wrdreg $0x0  }
0xa8: {  	s4 =	sshll.u32 s28, $0x1;
	[dreg:$0x2] =	wrdreg s2  }
0xa9: {  	[dreg:$0x3] =	wrdreg s4  }
0xaa: {  	[dreg:$0x4] =	wrdreg $0xC0  }
0xab: {  	_ =	task [dreg:s6], $0x5FFFF  }
0xac: {  	[dreg:$0x1] =	wrdreg $0xFFFFFFFF  }
0xad: {  	[dreg:$0x0] =	wrdreg $0x60  }
0xae: {  	[dreg:$0x2] =	wrdreg s24  }
0xaf: {  	[dreg:$0x3] =	wrdreg $0xAA000  }
0xb0: {  	[dreg:$0x4] =	wrdreg $0x9  }
0xb1: {  	_ =	task.clear_ibuf [dreg:s6], $0x5FFFF;
	_ =	strace $0x9000004C  }
0xb2: {  	s29 =	simm.s32 $0x9;
	_ =	strace $0x8000004E  }
0xb3: {  	_ =	swait.ge [sflag:s29], $0x1  }
0xb4: {  	[sflag:s29] =	ssyncadd.s32 $0xFFFFFFFF  }
0xb5: {  	_ =	strace $0x9000004E  }
0xb6: {  	_ =	sfence  }
0xb7: {  	s30 =	sld [smem:$0x0];
	_ =	sdelay $0x2  }
0xb8: {  	s31 =	sshll.u32 s1, $0xD;
	s1 =	sshrl.u32 s1, $0x2  }
0xb9: {  	s3 =	sand.u32 $0x4000, s31;
	s1 =	sadd.s32 s1, s30  }
0xba: {  	s0 =	sor.u32 s3, s0;
	s1 =	sshll.u32 s1, $0x11  }
0xbb: {  	s0 =	sor.u32 s1, s0  }
0xbc: {  	s0 =	sadd.s32 $0x8F2B, s0  }
0xbd: {  	[sflag:s0] =	ssyncadd.remote.s32 $0x1  }
0xbe: {  	_ =	sfence.sel $0xFFFF  }
0xbf: {  	[dreg:$0x0] =	wrdreg $0xFFFFFFFF;
	(pc) =	sbr.abs _section_cstart, $3  }
0xc0: {  	[dreg:$0x1] =	wrdreg $0xFFFFFFFF  }
0xc1: {  	_ =	task.clear_ibuf [dreg:s6], $0x2FFFF;
	_ =	strace $0x9FFFFFFF  }
0xc2: {  	(tm) =	ssettm $0x7FFFFFFF  }
0xc3: {  	_ =	shalt  }
tec
execute0_lowered:
.L_overlay_start_1:
0x0: {  	(tag) =	ssettag $0x1  }
0x1: {  	s5 =	rddreg [dreg:$0x0]  }
0x2: {  	s0 =	srdreg.scid;
	s2 =	rddreg [dreg:$0x1]  }
0x3: {  	s1 =	rddreg [dreg:$0x2];
	s3 =	simm.s32 $0x0;
	s13 =	simm.s32 $0x2  }
0x4: {  	s14 =	simm.s32 $0x2A00;
	s15 =	simm.s32 $0x80;
	s6 =	sand.u32 $0x1, s0  }
0x5: {  	s16 =	simm.s32 $0x2800;
	s0 =	stileid.u32;
	s7 =	smul.u32 $0x28000, s6  }
0x6: {  	s17 =	simm.s32 $0x1;
	s20 =	simm.s32 $0x0;
	s8 =	smul.u32 $0x2800, s0  }
0x7: {  	[smem:$0x7FF] =	sst s3;
	s4 =	sadd.s32 $0xD000, s5;
	s9 =	smul.u32 $0x13C000, s6  }
0x8: {  	s10 =	smul.u32 $0x13C00, s0;
	_ =	strace $0x8000004D;
	s6 =	ssub.s32 $0x2, s6  }
0x9: {  	s29 =	smul.u32 $0x4F000, s0;
	s18 =	sshll.u32 s0, $0x6;
	s30 =	sshrl.u32 s6, $0x1  }
0xa: {  	s18 =	sor.u32 $0x1C02, s18;
	s7 =	sadd.s32 s8, s7;
	s28 =	sadd.s32 s10, s9  }
0xb: {  	s31 =	sshrl.u32 s29, $0x2;
	s12 =	ssub.s32 s6, s30;
	s7 =	sshrl.u32 s7, $0x3  }
0xc: {  	s8 =	sshrl.u32 s28, $0x3;
	s6 =	sadd.s32 s31, s2;
	s12 =	smax.u32 s12, $0x1  }
0xd: {  	s7 =	sadd.s32 s7, s5;
	s11 =	sadd.s32 s8, s5;
	s8 =	sadd.s32 $0x8000, s6  }
0xe: {  	s9 =	sadd.s32 $0xC000, s6;
	s10 =	sadd.s32 $0x10000, s6;
	s19 =	sshrl.u32 s6, $0x3  }
0xf: {  	v0 =	vimm.f32 $0.0e+00;
	s5 =	sadd.s32 $0x3000, s7;
	s7 =	sadd.s32 $0x4000, s6;
	s11 =	sadd.s32 $0x34200, s11  }
.LBB2_1:
0x10: {  	[tilespmem:s3], [sflag:$0x2] =	stream.linear.gather [hbm4b:s5+s3], $0x2780, $0x38;
	[tilespmem:$0x1E600] =	vst v63  }
0x11: {  	_ =	swait.ge [sflag:s13], $0x2780  }
0x12: {  	[sflag:s13] =	ssyncset.done $0x0  }
0x13: {  	s21 =	simm.s32 $0x0;
	s22 =	simm.s32 $0x200;
	[sflag:s13] =	ssyncadd.s32 $0xFFFFD880  }
.LBB2_2:
0x14: {  	p0 =	sne.s32 s22, $0xFE00;
	[tilespmem:s21+$0x2A70] =	vst v0  }
0x15: {  	[tilespmem:s21+$0x2A00] =	vst v0  }
0x16: {  	[tilespmem:s21+$0x2A10] =	vst v0  }
.Ltmp0:
0x17: {  	[tilespmem:s21+$0x2A20] =	vst v0;
	(pc) =	sbr.rel @p0 .LBB2_2-.Ltmp0, $4  }
0x18: {  	[tilespmem:s21+$0x2A30] =	vst v0  }
0x19: {  	[tilespmem:s21+$0x2A40] =	vst v0  }
0x1a: {  	[tilespmem:s21+$0x2A50] =	vst v0  }
0x1b: {  	[tilespmem:s21+$0x2A60] =	vst v0;
	s21 =	sshra.s32 s22, $0x2;
	s22 =	sadd.s32 $0x200, s22  }
0x1c: {  	[tilespmem:s21+$0x2A70] =	vst v0  }
0x1d: {  	[tilespmem:s21+$0x2A00] =	vst v0  }
0x1e: {  	[tilespmem:s21+$0x2A10] =	vst v0  }
0x1f: {  	[tilespmem:s21+$0x2A20] =	vst v0  }
0x20: {  	[tilespmem:s21+$0x2A30] =	vst v0  }
0x21: {  	[tilespmem:s21+$0x2A40] =	vst v0  }
0x22: {  	[tilespmem:s21+$0x2A50] =	vst v0  }
0x23: {  	[tilespmem:s21+$0x2A60] =	vst v0  }
0x24: {  	[spmem:s6] =	stream.linear.scatter [tilespmem:s14], [sflag:$0x2], $0x4000, $0x38;
	[tilespmem:$0x1E600] =	vst v63  }
0x25: {  	_ =	swait.ge [sflag:s13], $0x4000  }
0x26: {  	[sflag:s13] =	ssyncset.done $0x0  }
0x27: {  	[sflag:s13] =	ssyncadd.s32 $0xFFFFC000  }
0x28: {  	[spmem:s7] =	stream.linear.scatter [tilespmem:s14], [sflag:$0x2], $0x4000, $0x38;
	[tilespmem:$0x1E600] =	vst v63  }
0x29: {  	_ =	swait.ge [sflag:s13], $0x4000  }
0x2a: {  	[sflag:s13] =	ssyncset.done $0x0  }
0x2b: {  	[sflag:s13] =	ssyncadd.s32 $0xFFFFC000  }
0x2c: {  	[spmem:s8] =	stream.linear.scatter [tilespmem:s14], [sflag:$0x2], $0x4000, $0x38;
	[tilespmem:$0x1E600] =	vst v63  }
0x2d: {  	_ =	swait.ge [sflag:s13], $0x4000  }
0x2e: {  	[sflag:s13] =	ssyncset.done $0x0  }
0x2f: {  	[sflag:s13] =	ssyncadd.s32 $0xFFFFC000  }
0x30: {  	[spmem:s9] =	stream.linear.scatter [tilespmem:s14], [sflag:$0x2], $0x4000, $0x38;
	[tilespmem:$0x1E600] =	vst v63  }
0x31: {  	_ =	swait.ge [sflag:s13], $0x4000  }
0x32: {  	[sflag:s13] =	ssyncset.done $0x0  }
0x33: {  	[sflag:s13] =	ssyncadd.s32 $0xFFFFC000  }
0x34: {  	[spmem:s10] =	stream.linear.scatter [tilespmem:s14], [sflag:$0x2], $0x3C00, $0x38;
	[tilespmem:$0x1E600] =	vst v63  }
0x35: {  	_ =	swait.ge [sflag:s13], $0x3C00  }
0x36: {  	[sflag:s13] =	ssyncset.done $0x0  }
0x37: {  	[sflag:s13] =	ssyncadd.s32 $0xFFFFC400  }
0x38: {  	[bflag:$0x0] =	sbarrier.arrive $0xFFFF  }
0x39: {  	v1 =	vld [tilespmem:$0x0];
	_ =	sdelay $0x1  }
0x3a: {  	v2 =	vld [tilespmem:$0x10];
	_ =	sdelay $0x1  }
0x3b: {  	v3 =	vld [tilespmem:$0x20]  }
0x3c: {  	v4 =	vshra.s32 v1, $0xE  }
0x3d: {  	v62 =	vld [tilespmem:$0x30];
	v1 =	vand.u32 $0x3FFF, v1;
	[tilespmem:$0x2900] =	vst v4  }
0x3e: {  	[tilespmem:$0x2800] =	vst v1;
	v1 =	vshra.s32 v2, $0xE  }
0x3f: {  	[tilespmem:$0x2910] =	vst v1;
	v1 =	vand.u32 $0x3FFF, v2;
	v2 =	vld [tilespmem:$0x40]  }
0x40: {  	[tilespmem:$0x2810] =	vst v1;
	v1 =	vshra.s32 v3, $0xE  }
0x41: {  	[tilespmem:$0x2920] =	vst v1;
	v1 =	vand.u32 $0x3FFF, v3;
	v3 =	vld [tilespmem:$0x50]  }
0x42: {  	[tilespmem:$0x2820] =	vst v1;
	v1 =	vshra.s32 v62, $0xE  }
0x43: {  	v63 =	vld [tilespmem:$0x60];
	[tilespmem:$0x2930] =	vst v1;
	v1 =	vand.u32 $0x3FFF, v62  }
0x44: {  	[tilespmem:$0x2830] =	vst v1;
	v1 =	vshra.s32 v2, $0xE  }
0x45: {  	[tilespmem:$0x2940] =	vst v1;
	v1 =	vand.u32 $0x3FFF, v2;
	v2 =	vld [tilespmem:$0x70]  }
0x46: {  	[tilespmem:$0x2840] =	vst v1;
	v1 =	vshra.s32 v3, $0xE  }
0x47: {  	[tilespmem:$0x2950] =	vst v1;
	v1 =	vand.u32 $0x3FFF, v3  }
0x48: {  	[tilespmem:$0x2850] =	vst v1;
	v1 =	vshra.s32 v63, $0xE  }
0x49: {  	[tilespmem:$0x2960] =	vst v1;
	v1 =	vand.u32 $0x3FFF, v63  }
0x4a: {  	[tilespmem:$0x2860] =	vst v1;
	v1 =	vshra.s32 v2, $0xE  }
0x4b: {  	[tilespmem:$0x2970] =	vst v1;
	v1 =	vand.u32 $0x3FFF, v2  }
0x4c: {  	[tilespmem:$0x2870] =	vst v1  }
0x4d: {  	[tilespmem:s14], [sflag:$0x1] =	stream.indirect.gather [hbm4b:s4+s15], $0x80, s16, s15, $0xb8;
	[tilespmem:$0x1E600] =	vst v63  }
0x4e: {  	_ =	swait.ge [sflag:s17], $0x4000  }
0x4f: {  	[sflag:s17] =	ssyncset.done $0x0  }
0x50: {  	s21 =	simm.s32 $0xF0;
	p0 =	por $0x0, $0x0;
	[sflag:s17] =	ssyncadd.s32 $0xFFFFC000  }
0x51: {  	v1 =	vld @!p0 [tilespmem:s21+$0xFFFFFF90];
	_ =	sdelay $0x1  }
0x52: {  	s22 =	simm.s32 $0x0  }
0x53: {  	s24 =	sand.u32 $0x1, s22  }
0x54: {  	s25 =	sxor.u32 @!p0 $0x1, s24  }
0x55: {  	s22 =	sshll.u32 @!p0 s25, $0x7;
	v2 =	vshra.s32 @!p0 v1, $0xE  }
0x56: {  	v1 =	vand.u32 @!p0 $0x3FFF, v1;
	[tilespmem:s22+$0x2900] =	vst @!p0 v2  }
0x57: {  	[tilespmem:s22+$0x2800] =	vst @!p0 v1  }
0x58: {  	v1 =	vld @!p0 [tilespmem:s21+$0xFFFFFFA0];
	_ =	sdelay $0x4  }
0x59: {  	v2 =	vshra.s32 @!p0 v1, $0xE  }
0x5a: {  	v1 =	vand.u32 @!p0 $0x3FFF, v1;
	[tilespmem:s22+$0x2910] =	vst @!p0 v2  }
0x5b: {  	[tilespmem:s22+$0x2810] =	vst @!p0 v1  }
0x5c: {  	v1 =	vld @!p0 [tilespmem:s21+$0xFFFFFFB0];
	_ =	sdelay $0x4  }
0x5d: {  	v2 =	vshra.s32 @!p0 v1, $0xE  }
0x5e: {  	v1 =	vand.u32 @!p0 $0x3FFF, v1;
	[tilespmem:s22+$0x2920] =	vst @!p0 v2  }
0x5f: {  	[tilespmem:s22+$0x2820] =	vst @!p0 v1  }
0x60: {  	v1 =	vld @!p0 [tilespmem:s21+$0xFFFFFFC0];
	_ =	sdelay $0x4  }
0x61: {  	v2 =	vshra.s32 @!p0 v1, $0xE  }
0x62: {  	v1 =	vand.u32 @!p0 $0x3FFF, v1;
	[tilespmem:s22+$0x2930] =	vst @!p0 v2  }
0x63: {  	[tilespmem:s22+$0x2830] =	vst @!p0 v1  }
0x64: {  	v1 =	vld @!p0 [tilespmem:s21+$0xFFFFFFD0];
	_ =	sdelay $0x4  }
0x65: {  	v2 =	vshra.s32 @!p0 v1, $0xE  }
0x66: {  	v1 =	vand.u32 @!p0 $0x3FFF, v1;
	[tilespmem:s22+$0x2940] =	vst @!p0 v2  }
0x67: {  	[tilespmem:s22+$0x2840] =	vst @!p0 v1  }
0x68: {  	v1 =	vld @!p0 [tilespmem:s21+$0xFFFFFFE0];
	_ =	sdelay $0x4  }
0x69: {  	v2 =	vshra.s32 @!p0 v1, $0xE  }
0x6a: {  	v1 =	vand.u32 @!p0 $0x3FFF, v1;
	[tilespmem:s22+$0x2950] =	vst @!p0 v2  }
0x6b: {  	[tilespmem:s22+$0x2850] =	vst @!p0 v1  }
0x6c: {  	v1 =	vld @!p0 [tilespmem:s21+$0xFFFFFFF0];
	_ =	sdelay $0x4  }
0x6d: {  	v2 =	vshra.s32 @!p0 v1, $0xE  }
0x6e: {  	v1 =	vand.u32 @!p0 $0x3FFF, v1;
	[tilespmem:s22+$0x2960] =	vst @!p0 v2  }
0x6f: {  	s23 =	simm.s32 $0x1;
	s29 =	simm.s32 @!p0 $0x80;
	s26 =	sshll.u32 s24, $0xE;
	[tilespmem:s22+$0x2860] =	vst @!p0 v1  }
0x70: {  	s28 =	sshll.u32 s24, $0x7;
	s25 =	sshll.u32 @!p0 s25, $0xE;
	s26 =	sor.u32 $0x2A00, s26;
	v1 =	vld @!p0 [tilespmem:s21+$0x0]  }
0x71: {  	s28 =	sor.u32 $0x2900, s28;
	s24 =	sor.u32 @!p0 $0x2800, s22;
	s25 =	sor.u32 @!p0 $0x2A00, s25  }
.LBB2_4:
0x72: {  	_ =	sdelay $0x2  }
0x73: {  	s21 =	sadd.s32 $0x80, s21;
	s30 =	smov.u32 s23;
	s23 =	sadd.s32 $0x1, s23;
	v2 =	vshra.s32 @!p0 v1, $0xE;
	v1 =	vand.u32 @!p0 $0x3FFF, v1  }
0x74: {  	p1 =	sne.s32 s23, $0x4F;
	[tilespmem:s22+$0x2970] =	vst @!p0 v2  }
0x75: {  	[tilespmem:s22+$0x2870] =	vst @!p0 v1  }
0x76: {  	[tilespmem:s25], [sflag:$0x1] =	stream.indirect.gather @!p0 [hbm4b:s4+s29], $0x80, s24, s29, $0xb8;
	[tilespmem:$0x1E600] =	vst v63  }
0x77: {  	_ = 	snop  }
0x78: {  	[spmem:s2] =	stream.indirect.scatter.add.f32 [tilespmem:s26], [sflag:$0x2], $0x80, s28, s15, $0xb8;
	[tilespmem:$0x1E600] =	vst v63  }
0x79: {  	_ =	swait.ge [sflag:s13], $0x4000  }
0x7a: {  	[sflag:s13] =	ssyncset.done $0x0  }
0x7b: {  	[sflag:s13] =	ssyncadd.s32 $0xFFFFC000  }
0x7c: {  	_ =	swait.ge [sflag:s17], $0x4000  }
0x7d: {  	[sflag:s17] =	ssyncset.done $0x0  }
0x7e: {  	p0 =	seq.s32 s30, $0x4E;
	[sflag:s17] =	ssyncadd.s32 $0xFFFFC000  }
0x7f: {  	v1 =	vld @!p0 [tilespmem:s21+$0xFFFFFF90];
	_ =	sdelay $0x2  }
0x80: {  	s22 =	sand.u32 $0x1, s30  }
0x81: {  	s24 =	sxor.u32 @!p0 $0x1, s22;
	s26 =	sshll.u32 s22, $0xE;
	s28 =	sshll.u32 s22, $0x7  }
0x82: {  	s22 =	sshll.u32 @!p0 s24, $0x7;
	s25 =	sshll.u32 @!p0 s24, $0xE;
	v2 =	vshra.s32 @!p0 v1, $0xE;
	v1 =	vand.u32 @!p0 $0x3FFF, v1  }
0x83: {  	s24 =	sor.u32 @!p0 $0x2800, s22;
	s25 =	sor.u32 @!p0 $0x2A00, s25;
	[tilespmem:s22+$0x2900] =	vst @!p0 v2  }
0x84: {  	[tilespmem:s22+$0x2800] =	vst @!p0 v1  }
0x85: {  	v1 =	vld @!p0 [tilespmem:s21+$0xFFFFFFA0];
	_ =	sdelay $0x4  }
0x86: {  	v2 =	vshra.s32 @!p0 v1, $0xE;
	v1 =	vand.u32 @!p0 $0x3FFF, v1  }
0x87: {  	[tilespmem:s22+$0x2910] =	vst @!p0 v2  }
0x88: {  	[tilespmem:s22+$0x2810] =	vst @!p0 v1  }
0x89: {  	v1 =	vld @!p0 [tilespmem:s21+$0xFFFFFFB0];
	_ =	sdelay $0x4  }
0x8a: {  	v2 =	vshra.s32 @!p0 v1, $0xE;
	v1 =	vand.u32 @!p0 $0x3FFF, v1  }
0x8b: {  	[tilespmem:s22+$0x2920] =	vst @!p0 v2  }
0x8c: {  	[tilespmem:s22+$0x2820] =	vst @!p0 v1  }
0x8d: {  	v1 =	vld @!p0 [tilespmem:s21+$0xFFFFFFC0];
	_ =	sdelay $0x4  }
0x8e: {  	v2 =	vshra.s32 @!p0 v1, $0xE;
	v1 =	vand.u32 @!p0 $0x3FFF, v1  }
0x8f: {  	[tilespmem:s22+$0x2930] =	vst @!p0 v2  }
0x90: {  	[tilespmem:s22+$0x2830] =	vst @!p0 v1  }
0x91: {  	v1 =	vld @!p0 [tilespmem:s21+$0xFFFFFFD0];
	_ =	sdelay $0x4  }
0x92: {  	v2 =	vshra.s32 @!p0 v1, $0xE;
	v1 =	vand.u32 @!p0 $0x3FFF, v1  }
0x93: {  	[tilespmem:s22+$0x2940] =	vst @!p0 v2  }
0x94: {  	[tilespmem:s22+$0x2840] =	vst @!p0 v1  }
0x95: {  	v1 =	vld @!p0 [tilespmem:s21+$0xFFFFFFE0];
	_ =	sdelay $0x4  }
0x96: {  	v2 =	vshra.s32 @!p0 v1, $0xE;
	v1 =	vand.u32 @!p0 $0x3FFF, v1  }
0x97: {  	[tilespmem:s22+$0x2950] =	vst @!p0 v2  }
0x98: {  	[tilespmem:s22+$0x2850] =	vst @!p0 v1  }
0x99: {  	v1 =	vld @!p0 [tilespmem:s21+$0xFFFFFFF0];
	_ =	sdelay $0x4  }
.Ltmp1:
0x9a: {  	v2 =	vshra.s32 @!p0 v1, $0xE;
	v1 =	vand.u32 @!p0 $0x3FFF, v1;
	(pc) =	sbr.rel @p1 .LBB2_4-.Ltmp1, $4  }
0x9b: {  	[tilespmem:s22+$0x2960] =	vst @!p0 v2  }
0x9c: {  	s29 =	simm.s32 @!p0 $0x80;
	[tilespmem:s22+$0x2860] =	vst @!p0 v1  }
0x9d: {  	v1 =	vld @!p0 [tilespmem:s21+$0x0]  }
0x9e: {  	s26 =	sor.u32 $0x2A00, s26;
	s28 =	sor.u32 $0x2900, s28  }
0x9f: {  	_ =	sdelay $0x2  }
0xa0: {  	v2 =	vshra.s32 @!p0 v1, $0xE  }
0xa1: {  	v1 =	vand.u32 @!p0 $0x3FFF, v1;
	[tilespmem:s22+$0x2970] =	vst @!p0 v2  }
0xa2: {  	[tilespmem:s22+$0x2870] =	vst @!p0 v1  }
0xa3: {  	[tilespmem:s25], [sflag:$0x1] =	stream.indirect.gather @!p0 [hbm4b:s4+s29], $0x80, s24, s29, $0xb8;
	[tilespmem:$0x1E600] =	vst v63  }
0xa4: {  	_ = 	snop  }
0xa5: {  	[spmem:s2] =	stream.indirect.scatter.add.f32 [tilespmem:s26], [sflag:$0x2], $0x80, s28, s15, $0xb8;
	[tilespmem:$0x1E600] =	vst v63  }
0xa6: {  	_ =	swait.ge [sflag:s13], $0x4000  }
0xa7: {  	s20 =	sadd.s32 $0x1, s20;
	[sflag:s13] =	ssyncset.done $0x0  }
0xa8: {  	p0 =	sne.s32 s20, s12;
	[sflag:s13] =	ssyncadd.s32 $0xFFFFC000  }
.Ltmp2:
0xa9: {  	[bflag:$0x0] =	sbarrier.arrive $0xFFFF;
	(pc) =	sbr.rel @p0 .LBB2_1-.Ltmp2, $4  }
0xaa: {  	[hbm:s11], [sflag:s18] =	dma.local [spmem:s19], $0x2780  }
0xab: {  	_ =	swait.ge [sflag:s13], $0x2780  }
0xac: {  	[sflag:s13] =	ssyncset.done $0x0  }
0xad: {  	[sflag:s13] =	ssyncadd.s32 $0xFFFFD880  }
0xae: {  	_ =	sfence.sel $0x180000  }
0xaf: {  	[bflag:$0x0] =	sbarrier.arrive $0xFFFF  }
0xb0: {  	p0 =	sne.s32 s0, $0x0;
	_ =	strace $0x9000004D  }
0xb1: {  	s0 =	sadd.s32 @!p0 $0x100000, s1;
	[bflag:$0x2] =	sbarrier.arrive $0xFFFF  }
0xb2: {  	[sflag:s0] =	ssyncadd.tile.s32 @!p0 $0x1;
	_ =	shalt  }
.Lfunc_end2:
_tile_overlayer_lowered:
.L_overlay_start_2:
0xb3: {  	(tag) =	ssettag $0x2  }
0xb4: {  	s0 =	rddreg [dreg:$0x0];
	s2 =	stileid.u32  }
0xb5: {  	s1 =	rddreg [dreg:$0x1];
	p0 =	sne.s32 s2, $0x0  }
0xb6: {  	s3 =	rddreg [dreg:$0x2];
	[bflag:$0x3] =	sbarrier.arrive $0xFFFF;
	s2 =	simm.s32 @!p0 $0x1C02  }
0xb7: {  	[timem:s3], [sflag:s2] =	dma.local @!p0 [hbm:s0], s1  }
0xb8: {  	s0 =	simm.s32 @!p0 $0x2  }
0xb9: {  	_ =	swait.ge @!p0 [sflag:s0], s1  }
0xba: {  	s1 =	ssub.s32 @!p0 $0x0, s1;
	[sflag:s0] =	ssyncset.done @!p0 $0x0  }
0xbb: {  	[sflag:s0] =	ssyncadd.s32 @!p0 s1  }
0xbc: {  	[bflag:$0x3] =	sbarrier.arrive $0xFFFF  }
0xbd: {  	_ =	shalt  }

</sc_bundles>
